<compile_context>
chip_gen: v7x
topology: tpu7x:2x2x1
jax: 0.10.2.dev20260603
libtpu: 0.0.44.dev20260713+nightly
codegen_flags: <defaults>
</compile_context>

<pallas_src>
import functools

import jax
import jax.numpy as jnp
from jax import lax
from jax.experimental import pallas as pl
from jax.experimental.pallas import tpu as pltpu
from jax.experimental.pallas import tpu_sc as plsc

N = 10000
E = 320000
D_IN = 128
D_HID = 128
D_OUT = 64

NC = 2
NS = 16
NW = NC * NS

CHUNK = 128
CH = 80
E_PAD = NW * CH * CHUNK
N_ACC = 10240
ROWS_PER_TILE = N_ACC // NS

CB = 40
TOT_CHUNKS = E_PAD // CHUNK
B0 = 3
B1 = 1


def _spmm_body(*refs, D, stage_src):
    if stage_src:
        (h_hbm, src_hbm, dst_hbm, out_hbm,
         src_v, dst_v, rows_v, accum, h_sh, gsem, ssem, zsem) = refs
    else:
        (h_hbm, src_hbm, dst_hbm, out_hbm,
         src_v, dst_v, rows_v, accum, gsem, ssem, zsem) = refs
        h_sh = None
    h_src = h_sh if stage_src else h_hbm
    c = lax.axis_index("c")
    s = lax.axis_index("s")

    nblk = lax.select(c == 0, B0, B1)
    base = lax.select(c == 0, s * (B0 * CB), NS * B0 * CB + s * (B1 * CB))

    def gather_start(q, slot):
        pltpu.async_copy(h_src.at[src_v.at[q]], rows_v.at[slot],
                         gsem.at[slot])

    def gather_wait(q, slot):
        pltpu.make_async_copy(h_src.at[src_v.at[q]], rows_v.at[slot],
                              gsem.at[slot]).wait()

    def scatter_start(q, slot):
        pltpu.async_copy(rows_v.at[slot], accum.at[dst_v.at[q]],
                         ssem.at[slot], add=True)

    def scatter_wait(q, slot):
        pltpu.make_async_copy(rows_v.at[slot], accum.at[dst_v.at[q]],
                              ssem.at[slot]).wait()

    zvec = jnp.zeros((16,), jnp.float32)
    for i in range(16):
        for jv in range(D // 16):
            rows_v[0, i, pl.ds(jv * 16, 16)] = zvec

    def zero_start(k, carry):
        pltpu.async_copy(rows_v.at[0, pl.ds(0, 16)],
                         accum.at[pl.ds(s * ROWS_PER_TILE + k * 16, 16)],
                         zsem)
        return carry

    def zero_wait(k, carry):
        pltpu.make_async_copy(rows_v.at[0, pl.ds(0, 16)],
                              accum.at[pl.ds(s * ROWS_PER_TILE + k * 16, 16)],
                              zsem).wait()
        return carry

    lax.fori_loop(0, ROWS_PER_TILE // 16, zero_start, 0)
    if stage_src:
        pltpu.sync_copy(h_hbm.at[pl.ds(s * (N // NS), N // NS)],
                        h_sh.at[pl.ds(s * (N // NS), N // NS)])
    lax.fori_loop(0, ROWS_PER_TILE // 16, zero_wait, 0)
    plsc.subcore_barrier()

    def blk_body(blk, carry):
        pltpu.sync_copy(src_hbm.at[pl.ds(base + blk * CB, CB)], src_v)
        pltpu.sync_copy(dst_hbm.at[pl.ds(base + blk * CB, CB)], dst_v)

        gather_start(0, 0)
        gather_start(1, 1)
        gather_wait(0, 0)
        scatter_start(0, 0)

        def superstep(s2, carry2):
            for b in range(2):
                q = s2 * 2 + b
                scatter_wait(q - 2, b)
                gather_start(q, b)
                gather_wait(q - 1, 1 - b)
                scatter_start(q - 1, 1 - b)
            return carry2

        lax.fori_loop(1, CB // 2, superstep, 0)

        gather_wait(CB - 1, 1)
        scatter_start(CB - 1, 1)
        scatter_wait(CB - 2, 0)
        scatter_wait(CB - 1, 1)
        return carry

    lax.fori_loop(0, nblk, blk_body, 0)
    plsc.subcore_barrier()

    pltpu.sync_copy(
        accum.at[pl.ds(s * ROWS_PER_TILE, ROWS_PER_TILE)],
        out_hbm.at[c, pl.ds(s * ROWS_PER_TILE, ROWS_PER_TILE)])


def _make_spmm(D, stage_src):
    mesh = plsc.VectorSubcoreMesh(core_axis_name="c", subcore_axis_name="s")
    body = functools.partial(_spmm_body, D=D, stage_src=stage_src)
    scratch = [
        pltpu.VMEM((CB, CHUNK), jnp.int32),
        pltpu.VMEM((CB, CHUNK), jnp.int32),
        pltpu.VMEM((2, CHUNK, D), jnp.float32),
        pltpu.VMEM_SHARED((N_ACC, D), jnp.float32),
    ]
    if stage_src:
        scratch.append(pltpu.VMEM_SHARED((N, D), jnp.float32))
    scratch += [
        pltpu.SemaphoreType.DMA((2,)),
        pltpu.SemaphoreType.DMA((2,)),
        pltpu.SemaphoreType.DMA,
    ]
    return pl.kernel(
        body,
        out_type=jax.ShapeDtypeStruct((NC, N_ACC, D), jnp.float32),
        mesh=mesh,
        scratch_types=scratch,
        compiler_params=pltpu.CompilerParams(use_tc_tiling_on_sc=False),
        name=f"spmm_sc_d{D}",
    )


_spmm_l1 = _make_spmm(D_HID, stage_src=False)
_spmm_l2 = _make_spmm(D_OUT, stage_src=True)



_BM = 1000


def _mm1_body(x_ref, w_ref, o_ref):
    o_ref[...] = jnp.dot(x_ref[...], w_ref[...],
                         preferred_element_type=jnp.float32)


def _mid_body(p0_ref, p1_ref, w_ref, o_ref):
    h = jnp.maximum(p0_ref[0] + p1_ref[0], 0.0)
    o_ref[...] = jnp.dot(h, w_ref[...], preferred_element_type=jnp.float32)


def _final_body(p0_ref, p1_ref, o_ref):
    z = p0_ref[0] + p1_ref[0]
    m = jnp.max(z, axis=1, keepdims=True)
    lse = jnp.log(jnp.sum(jnp.exp(z - m), axis=1, keepdims=True)) + m
    o_ref[...] = z - lse


def _mm1(x, w1):
    return pl.pallas_call(
        _mm1_body,
        grid=(N // _BM,),
        in_specs=[
            pl.BlockSpec((_BM, D_IN), lambda i: (i, 0)),
            pl.BlockSpec((D_IN, D_HID), lambda i: (0, 0)),
        ],
        out_specs=pl.BlockSpec((_BM, D_HID), lambda i: (i, 0)),
        out_shape=jax.ShapeDtypeStruct((N, D_HID), jnp.float32),
    )(x, w1)


def _mid(parts, w2):
    return pl.pallas_call(
        _mid_body,
        grid=(N // _BM,),
        in_specs=[
            pl.BlockSpec((1, _BM, D_HID), lambda i: (0, i, 0)),
            pl.BlockSpec((1, _BM, D_HID), lambda i: (1, i, 0)),
            pl.BlockSpec((D_HID, D_OUT), lambda i: (0, 0)),
        ],
        out_specs=pl.BlockSpec((_BM, D_OUT), lambda i: (i, 0)),
        out_shape=jax.ShapeDtypeStruct((N, D_OUT), jnp.float32),
    )(parts, parts, w2)


def _final(parts):
    return pl.pallas_call(
        _final_body,
        grid=(N // _BM,),
        in_specs=[
            pl.BlockSpec((1, _BM, D_OUT), lambda i: (0, i, 0)),
            pl.BlockSpec((1, _BM, D_OUT), lambda i: (1, i, 0)),
        ],
        out_specs=pl.BlockSpec((_BM, D_OUT), lambda i: (i, 0)),
        out_shape=jax.ShapeDtypeStruct((N, D_OUT), jnp.float32),
    )(parts, parts)


@jax.jit
def kernel(x, edge_index, w1, w2):
    ei = edge_index.astype(jnp.int32)
    src = jnp.concatenate([ei[1], jnp.zeros((E_PAD - E,), jnp.int32)])
    dst = jnp.concatenate([ei[0], jnp.full((E_PAD - E,), N, jnp.int32)])
    src = src.reshape(TOT_CHUNKS, CHUNK)
    dst = dst.reshape(TOT_CHUNKS, CHUNK)

    h1 = _mm1(x, w1)
    p1 = _spmm_l1(h1, src, dst)
    h2 = _mid(p1, w2)
    p2 = _spmm_l2(h2, src, dst)
    return _final(p2)

# --- scband reference (transcript-rebuilt; emitter-appended) ---
"""Pipeline reference for scband-gcn-1090921693297 (READ-ONLY COPY).

The authoritative reference and input builder live on the scoring server;
editing this copy changes nothing except your own understanding.
"""

import jax, jax.numpy as jnp
import numpy as np

N = 10000
E = 320000
D_IN = 128
D_HID = 128
D_OUT = 64


def _xavier_uniform(key, fan_in, fan_out):
    limit = float(np.sqrt(6.0 / (fan_in + fan_out)))
    return jax.random.uniform(key, (fan_in, fan_out), minval=-limit, maxval=limit, dtype=jnp.float32)


def setup_inputs(seed: int = 0) -> dict:
    key = jax.random.key(seed)
    k1, k2, k3, k4 = jax.random.split(key, 4)
    x = jax.random.normal(k1, (N, D_IN), dtype=jnp.float32)
    edge_index = jax.random.randint(k2, (2, E), 0, N)
    w1 = _xavier_uniform(k3, D_IN, D_HID)
    w2 = _xavier_uniform(k4, D_HID, D_OUT)
    return {"x": x, "edge_index": edge_index, "w1": w1, "w2": w2}


def _spmm(edge_index, mat):
    # adj is an unweighted sparse matrix given in COO form:
    # row (dst) = edge_index[0], col (src) = edge_index[1], val = 1.0
    # output[row] += mat[col]
    dst = edge_index[0]
    src = edge_index[1]
    return jax.ops.segment_sum(jnp.take(mat, src, axis=0), dst, num_segments=N)


def reference(x, edge_index, w1, w2):
    # GCNLayer 1: support = x @ W1; output = spmm(adj, support)
    h = jnp.dot(x, w1)
    h = _spmm(edge_index, h)
    h = jax.nn.relu(h)
    # F.dropout with training=False is the identity (eval mode)
    # GCNLayer 2
    h = jnp.dot(h, w2)
    h = _spmm(edge_index, h)
    return jax.nn.log_softmax(h, axis=1)

if __name__ == "__main__":
    import jax
    _d = setup_inputs()
    print(jax.jit(kernel)(*tuple(_d.values())))

</pallas_src>

<mosaic_0001>
#map = affine_map<(d0, d1) -> (0, 0)>
#map1 = affine_map<(d0, d1) -> (0, 0, 0)>
module attributes {stable_mosaic.version = 14 : i64} {
  func.func @spmm_sc_d128(%arg0: i32, %arg1: i32, %arg2: memref<10000x128xf32, #tpu.memory_space<hbm>>, %arg3: memref<2560x128xi32, #tpu.memory_space<hbm>>, %arg4: memref<2560x128xi32, #tpu.memory_space<hbm>>, %arg5: memref<2x10240x128xf32, #tpu.memory_space<hbm>>, %arg6: memref<40x128xi32, #tpu.memory_space<vmem>>, %arg7: memref<40x128xi32, #tpu.memory_space<vmem>>, %arg8: memref<2x128x128xf32, #tpu.memory_space<vmem>>, %arg9: memref<10240x128xf32, #tpu.memory_space<vmem_shared>>, %arg10: memref<2x!tpu.dma_semaphore, #tpu.memory_space<semaphore_mem>>, %arg11: memref<2x!tpu.dma_semaphore, #tpu.memory_space<semaphore_mem>>, %arg12: memref<!tpu.dma_semaphore, #tpu.memory_space<semaphore_mem>>) attributes {dimension_semantics = [#tpu.dimension_semantics<core_parallel>, #tpu.dimension_semantics<subcore_parallel>], iteration_bounds = array<i64: 2, 16>, scalar_prefetch = 0 : i64, scratch_operands = 7 : i64, tpu.core_type = #tpu.core_type<sc_vector_subcore>, window_params = [{transform_indices = #map}, {transform_indices = #map}, {transform_indices = #map}, {transform_indices = #map1}]} {
    %eq3A = arith.constant 0 : i32
    %eq3A_0 = arith.cmpi eq, %arg0, %eq3A : i32
    %select_n3A = arith.constant 1 : i32
    %select_n3A_1 = arith.constant 3 : i32
    %select_n3A_2 = arith.select %eq3A_0, %select_n3A_1, %select_n3A : i32
    %eq3A_3 = arith.constant 0 : i32
    %eq3A_4 = arith.cmpi eq, %arg0, %eq3A_3 : i32
    %mul3A = arith.constant 120 : i32
    %mul3A_5 = arith.muli %arg1, %mul3A : i32
    %mul3A_6 = arith.constant 40 : i32
    %mul3A_7 = arith.muli %arg1, %mul3A_6 : i32
    %add3A = arith.constant 1920 : i32
    %add3A_8 = arith.addi %add3A, %mul3A_7 : i32
    %select_n3A_9 = arith.select %eq3A_4, %mul3A_5, %add3A_8 : i32
    %broadcast_in_dim3A = arith.constant 0.000000e+00 : f32
    %broadcast_in_dim3A_10 = vector.broadcast %broadcast_in_dim3A : f32 to vector<16xf32>
    %swap3A = arith.constant 0 : i32
    %swap3A_11 = arith.constant 0 : i32
    %swap3A_12 = arith.index_cast %swap3A : i32 to index
    %swap3A_13 = arith.index_cast %swap3A_11 : i32 to index
    %swap3A_14 = arith.constant 0 : index
    %swap3A_15 = tpu.vector_load %arg8[%swap3A_12, %swap3A_13, %swap3A_14] {strides = array<i32>} : memref<2x128x128xf32, #tpu.memory_space<vmem>>, vector<1x1x16xf32>,
    %swap3A_16 = vector.shape_cast %swap3A_15 : vector<1x1x16xf32> to vector<16xf32>
    %swap3A_17 = vector.shape_cast %broadcast_in_dim3A_10 : vector<16xf32> to vector<1x1x16xf32>
    tpu.vector_store %arg8[%swap3A_12, %swap3A_13, %swap3A_14], %swap3A_17 {strides = array<i32>} : memref<2x128x128xf32, #tpu.memory_space<vmem>>, vector<1x1x16xf32>,
    %swap3A_18 = arith.constant 0 : i32
    %swap3A_19 = arith.constant 0 : i32
    %swap3A_20 = arith.index_cast %swap3A_18 : i32 to index
    %swap3A_21 = arith.index_cast %swap3A_19 : i32 to index
    %swap3A_22 = arith.constant 16 : index
    %swap3A_23 = tpu.vector_load %arg8[%swap3A_20, %swap3A_21, %swap3A_22] {strides = array<i32>} : memref<2x128x128xf32, #tpu.memory_space<vmem>>, vector<1x1x16xf32>,
    %swap3A_24 = vector.shape_cast %swap3A_23 : vector<1x1x16xf32> to vector<16xf32>
    %swap3A_25 = vector.shape_cast %broadcast_in_dim3A_10 : vector<16xf32> to vector<1x1x16xf32>
    tpu.vector_store %arg8[%swap3A_20, %swap3A_21, %swap3A_22], %swap3A_25 {strides = array<i32>} : memref<2x128x128xf32, #tpu.memory_space<vmem>>, vector<1x1x16xf32>,
    %swap3A_26 = arith.constant 0 : i32
    %swap3A_27 = arith.constant 0 : i32
    %swap3A_28 = arith.index_cast %swap3A_26 : i32 to index
    %swap3A_29 = arith.index_cast %swap3A_27 : i32 to index
    %swap3A_30 = arith.constant 32 : index
    %swap3A_31 = tpu.vector_load %arg8[%swap3A_28, %swap3A_29, %swap3A_30] {strides = array<i32>} : memref<2x128x128xf32, #tpu.memory_space<vmem>>, vector<1x1x16xf32>,
    %swap3A_32 = vector.shape_cast %swap3A_31 : vector<1x1x16xf32> to vector<16xf32>
    %swap3A_33 = vector.shape_cast %broadcast_in_dim3A_10 : vector<16xf32> to vector<1x1x16xf32>
    tpu.vector_store %arg8[%swap3A_28, %swap3A_29, %swap3A_30], %swap3A_33 {strides = array<i32>} : memref<2x128x128xf32, #tpu.memory_space<vmem>>, vector<1x1x16xf32>,
    %swap3A_34 = arith.constant 0 : i32
    %swap3A_35 = arith.constant 0 : i32
    %swap3A_36 = arith.index_cast %swap3A_34 : i32 to index
    %swap3A_37 = arith.index_cast %swap3A_35 : i32 to index
    %swap3A_38 = arith.constant 48 : index
    %swap3A_39 = tpu.vector_load %arg8[%swap3A_36, %swap3A_37, %swap3A_38] {strides = array<i32>} : memref<2x128x128xf32, #tpu.memory_space<vmem>>, vector<1x1x16xf32>,
    %swap3A_40 = vector.shape_cast %swap3A_39 : vector<1x1x16xf32> to vector<16xf32>
    %swap3A_41 = vector.shape_cast %broadcast_in_dim3A_10 : vector<16xf32> to vector<1x1x16xf32>
    tpu.vector_store %arg8[%swap3A_36, %swap3A_37, %swap3A_38], %swap3A_41 {strides = array<i32>} : memref<2x128x128xf32, #tpu.memory_space<vmem>>, vector<1x1x16xf32>,
    %swap3A_42 = arith.constant 0 : i32
    %swap3A_43 = arith.constant 0 : i32
    %swap3A_44 = arith.index_cast %swap3A_42 : i32 to index
    %swap3A_45 = arith.index_cast %swap3A_43 : i32 to index
    %swap3A_46 = arith.constant 64 : index
    %swap3A_47 = tpu.vector_load %arg8[%swap3A_44, %swap3A_45, %swap3A_46] {strides = array<i32>} : memref<2x128x128xf32, #tpu.memory_space<vmem>>, vector<1x1x16xf32>,
    %swap3A_48 = vector.shape_cast %swap3A_47 : vector<1x1x16xf32> to vector<16xf32>
    %swap3A_49 = vector.shape_cast %broadcast_in_dim3A_10 : vector<16xf32> to vector<1x1x16xf32>
    tpu.vector_store %arg8[%swap3A_44, %swap3A_45, %swap3A_46], %swap3A_49 {strides = array<i32>} : memref<2x128x128xf32, #tpu.memory_space<vmem>>, vector<1x1x16xf32>,
    %swap3A_50 = arith.constant 0 : i32
    %swap3A_51 = arith.constant 0 : i32
    %swap3A_52 = arith.index_cast %swap3A_50 : i32 to index
    %swap3A_53 = arith.index_cast %swap3A_51 : i32 to index
    %swap3A_54 = arith.constant 80 : index
    %swap3A_55 = tpu.vector_load %arg8[%swap3A_52, %swap3A_53, %swap3A_54] {strides = array<i32>} : memref<2x128x128xf32, #tpu.memory_space<vmem>>, vector<1x1x16xf32>,
    %swap3A_56 = vector.shape_cast %swap3A_55 : vector<1x1x16xf32> to vector<16xf32>
    %swap3A_57 = vector.shape_cast %broadcast_in_dim3A_10 : vector<16xf32> to vector<1x1x16xf32>
    tpu.vector_store %arg8[%swap3A_52, %swap3A_53, %swap3A_54], %swap3A_57 {strides = array<i32>} : memref<2x128x128xf32, #tpu.memory_space<vmem>>, vector<1x1x16xf32>,
    %swap3A_58 = arith.constant 0 : i32
    %swap3A_59 = arith.constant 0 : i32
    %swap3A_60 = arith.index_cast %swap3A_58 : i32 to index
    %swap3A_61 = arith.index_cast %swap3A_59 : i32 to index
    %swap3A_62 = arith.constant 96 : index
    %swap3A_63 = tpu.vector_load %arg8[%swap3A_60, %swap3A_61, %swap3A_62] {strides = array<i32>} : memref<2x128x128xf32, #tpu.memory_space<vmem>>, vector<1x1x16xf32>,
    %swap3A_64 = vector.shape_cast %swap3A_63 : vector<1x1x16xf32> to vector<16xf32>
    %swap3A_65 = vector.shape_cast %broadcast_in_dim3A_10 : vector<16xf32> to vector<1x1x16xf32>
    tpu.vector_store %arg8[%swap3A_60, %swap3A_61, %swap3A_62], %swap3A_65 {strides = array<i32>} : memref<2x128x128xf32, #tpu.memory_space<vmem>>, vector<1x1x16xf32>,
    %swap3A_66 = arith.constant 0 : i32
    %swap3A_67 = arith.constant 0 : i32
    %swap3A_68 = arith.index_cast %swap3A_66 : i32 to index
    %swap3A_69 = arith.index_cast %swap3A_67 : i32 to index
    %swap3A_70 = arith.constant 112 : index
    %swap3A_71 = tpu.vector_load %arg8[%swap3A_68, %swap3A_69, %swap3A_70] {strides = array<i32>} : memref<2x128x128xf32, #tpu.memory_space<vmem>>, vector<1x1x16xf32>,
    %swap3A_72 = vector.shape_cast %swap3A_71 : vector<1x1x16xf32> to vector<16xf32>
    %swap3A_73 = vector.shape_cast %broadcast_in_dim3A_10 : vector<16xf32> to vector<1x1x16xf32>
    tpu.vector_store %arg8[%swap3A_68, %swap3A_69, %swap3A_70], %swap3A_73 {strides = array<i32>} : memref<2x128x128xf32, #tpu.memory_space<vmem>>, vector<1x1x16xf32>,
    %swap3A_74 = arith.constant 0 : i32
    %swap3A_75 = arith.constant 1 : i32
    %swap3A_76 = arith.index_cast %swap3A_74 : i32 to index
    %swap3A_77 = arith.index_cast %swap3A_75 : i32 to index
    %swap3A_78 = arith.constant 0 : index
    %swap3A_79 = tpu.vector_load %arg8[%swap3A_76, %swap3A_77, %swap3A_78] {strides = array<i32>} : memref<2x128x128xf32, #tpu.memory_space<vmem>>, vector<1x1x16xf32>,
    %swap3A_80 = vector.shape_cast %swap3A_79 : vector<1x1x16xf32> to vector<16xf32>
    %swap3A_81 = vector.shape_cast %broadcast_in_dim3A_10 : vector<16xf32> to vector<1x1x16xf32>
    tpu.vector_store %arg8[%swap3A_76, %swap3A_77, %swap3A_78], %swap3A_81 {strides = array<i32>} : memref<2x128x128xf32, #tpu.memory_space<vmem>>, vector<1x1x16xf32>,
    %swap3A_82 = arith.constant 0 : i32
    %swap3A_83 = arith.constant 1 : i32
    %swap3A_84 = arith.index_cast %swap3A_82 : i32 to index
    %swap3A_85 = arith.index_cast %swap3A_83 : i32 to index
    %swap3A_86 = arith.constant 16 : index
    %swap3A_87 = tpu.vector_load %arg8[%swap3A_84, %swap3A_85, %swap3A_86] {strides = array<i32>} : memref<2x128x128xf32, #tpu.memory_space<vmem>>, vector<1x1x16xf32>,
    %swap3A_88 = vector.shape_cast %swap3A_87 : vector<1x1x16xf32> to vector<16xf32>
    %swap3A_89 = vector.shape_cast %broadcast_in_dim3A_10 : vector<16xf32> to vector<1x1x16xf32>
    tpu.vector_store %arg8[%swap3A_84, %swap3A_85, %swap3A_86], %swap3A_89 {strides = array<i32>} : memref<2x128x128xf32, #tpu.memory_space<vmem>>, vector<1x1x16xf32>,
    %swap3A_90 = arith.constant 0 : i32
    %swap3A_91 = arith.constant 1 : i32
    %swap3A_92 = arith.index_cast %swap3A_90 : i32 to index
    %swap3A_93 = arith.index_cast %swap3A_91 : i32 to index
    %swap3A_94 = arith.constant 32 : index
    %swap3A_95 = tpu.vector_load %arg8[%swap3A_92, %swap3A_93, %swap3A_94] {strides = array<i32>} : memref<2x128x128xf32, #tpu.memory_space<vmem>>, vector<1x1x16xf32>,
    %swap3A_96 = vector.shape_cast %swap3A_95 : vector<1x1x16xf32> to vector<16xf32>
    %swap3A_97 = vector.shape_cast %broadcast_in_dim3A_10 : vector<16xf32> to vector<1x1x16xf32>
    tpu.vector_store %arg8[%swap3A_92, %swap3A_93, %swap3A_94], %swap3A_97 {strides = array<i32>} : memref<2x128x128xf32, #tpu.memory_space<vmem>>, vector<1x1x16xf32>,
    %swap3A_98 = arith.constant 0 : i32
    %swap3A_99 = arith.constant 1 : i32
    %swap3A_100 = arith.index_cast %swap3A_98 : i32 to index
    %swap3A_101 = arith.index_cast %swap3A_99 : i32 to index
    %swap3A_102 = arith.constant 48 : index
    %swap3A_103 = tpu.vector_load %arg8[%swap3A_100, %swap3A_101, %swap3A_102] {strides = array<i32>} : memref<2x128x128xf32, #tpu.memory_space<vmem>>, vector<1x1x16xf32>,
    %swap3A_104 = vector.shape_cast %swap3A_103 : vector<1x1x16xf32> to vector<16xf32>
    %swap3A_105 = vector.shape_cast %broadcast_in_dim3A_10 : vector<16xf32> to vector<1x1x16xf32>
    tpu.vector_store %arg8[%swap3A_100, %swap3A_101, %swap3A_102], %swap3A_105 {strides = array<i32>} : memref<2x128x128xf32, #tpu.memory_space<vmem>>, vector<1x1x16xf32>,
    %swap3A_106 = arith.constant 0 : i32
    %swap3A_107 = arith.constant 1 : i32
    %swap3A_108 = arith.index_cast %swap3A_106 : i32 to index
    %swap3A_109 = arith.index_cast %swap3A_107 : i32 to index
    %swap3A_110 = arith.constant 64 : index
    %swap3A_111 = tpu.vector_load %arg8[%swap3A_108, %swap3A_109, %swap3A_110] {strides = array<i32>} : memref<2x128x128xf32, #tpu.memory_space<vmem>>, vector<1x1x16xf32>,
    %swap3A_112 = vector.shape_cast %swap3A_111 : vector<1x1x16xf32> to vector<16xf32>
    %swap3A_113 = vector.shape_cast %broadcast_in_dim3A_10 : vector<16xf32> to vector<1x1x16xf32>
    tpu.vector_store %arg8[%swap3A_108, %swap3A_109, %swap3A_110], %swap3A_113 {strides = array<i32>} : memref<2x128x128xf32, #tpu.memory_space<vmem>>, vector<1x1x16xf32>,
    %swap3A_114 = arith.constant 0 : i32
    %swap3A_115 = arith.constant 1 : i32
    %swap3A_116 = arith.index_cast %swap3A_114 : i32 to index
    %swap3A_117 = arith.index_cast %swap3A_115 : i32 to index
    %swap3A_118 = arith.constant 80 : index
    %swap3A_119 = tpu.vector_load %arg8[%swap3A_116, %swap3A_117, %swap3A_118] {strides = array<i32>} : memref<2x128x128xf32, #tpu.memory_space<vmem>>, vector<1x1x16xf32>,
    %swap3A_120 = vector.shape_cast %swap3A_119 : vector<1x1x16xf32> to vector<16xf32>
    %swap3A_121 = vector.shape_cast %broadcast_in_dim3A_10 : vector<16xf32> to vector<1x1x16xf32>
    tpu.vector_store %arg8[%swap3A_116, %swap3A_117, %swap3A_118], %swap3A_121 {strides = array<i32>} : memref<2x128x128xf32, #tpu.memory_space<vmem>>, vector<1x1x16xf32>,
    %swap3A_122 = arith.constant 0 : i32
    %swap3A_123 = arith.constant 1 : i32
    %swap3A_124 = arith.index_cast %swap3A_122 : i32 to index
    %swap3A_125 = arith.index_cast %swap3A_123 : i32 to index
    %swap3A_126 = arith.constant 96 : index
    %swap3A_127 = tpu.vector_load %arg8[%swap3A_124, %swap3A_125, %swap3A_126] {strides = array<i32>} : memref<2x128x128xf32, #tpu.memory_space<vmem>>, vector<1x1x16xf32>,
    %swap3A_128 = vector.shape_cast %swap3A_127 : vector<1x1x16xf32> to vector<16xf32>
    %swap3A_129 = vector.shape_cast %broadcast_in_dim3A_10 : vector<16xf32> to vector<1x1x16xf32>
    tpu.vector_store %arg8[%swap3A_124, %swap3A_125, %swap3A_126], %swap3A_129 {strides = array<i32>} : memref<2x128x128xf32, #tpu.memory_space<vmem>>, vector<1x1x16xf32>,
    %swap3A_130 = arith.constant 0 : i32
    %swap3A_131 = arith.constant 1 : i32
    %swap3A_132 = arith.index_cast %swap3A_130 : i32 to index
    %swap3A_133 = arith.index_cast %swap3A_131 : i32 to index
    %swap3A_134 = arith.constant 112 : index
    %swap3A_135 = tpu.vector_load %arg8[%swap3A_132, %swap3A_133, %swap3A_134] {strides = array<i32>} : memref<2x128x128xf32, #tpu.memory_space<vmem>>, vector<1x1x16xf32>,
    %swap3A_136 = vector.shape_cast %swap3A_135 : vector<1x1x16xf32> to vector<16xf32>
    %swap3A_137 = vector.shape_cast %broadcast_in_dim3A_10 : vector<16xf32> to vector<1x1x16xf32>
    tpu.vector_store %arg8[%swap3A_132, %swap3A_133, %swap3A_134], %swap3A_137 {strides = array<i32>} : memref<2x128x128xf32, #tpu.memory_space<vmem>>, vector<1x1x16xf32>,
    %swap3A_138 = arith.constant 0 : i32
    %swap3A_139 = arith.constant 2 : i32
    %swap3A_140 = arith.index_cast %swap3A_138 : i32 to index
    %swap3A_141 = arith.index_cast %swap3A_139 : i32 to index
    %swap3A_142 = arith.constant 0 : index
    %swap3A_143 = tpu.vector_load %arg8[%swap3A_140, %swap3A_141, %swap3A_142] {strides = array<i32>} : memref<2x128x128xf32, #tpu.memory_space<vmem>>, vector<1x1x16xf32>,
    %swap3A_144 = vector.shape_cast %swap3A_143 : vector<1x1x16xf32> to vector<16xf32>
    %swap3A_145 = vector.shape_cast %broadcast_in_dim3A_10 : vector<16xf32> to vector<1x1x16xf32>
    tpu.vector_store %arg8[%swap3A_140, %swap3A_141, %swap3A_142], %swap3A_145 {strides = array<i32>} : memref<2x128x128xf32, #tpu.memory_space<vmem>>, vector<1x1x16xf32>,
    %swap3A_146 = arith.constant 0 : i32
    %swap3A_147 = arith.constant 2 : i32
    %swap3A_148 = arith.index_cast %swap3A_146 : i32 to index
    %swap3A_149 = arith.index_cast %swap3A_147 : i32 to index
    %swap3A_150 = arith.constant 16 : index
    %swap3A_151 = tpu.vector_load %arg8[%swap3A_148, %swap3A_149, %swap3A_150] {strides = array<i32>} : memref<2x128x128xf32, #tpu.memory_space<vmem>>, vector<1x1x16xf32>,
    %swap3A_152 = vector.shape_cast %swap3A_151 : vector<1x1x16xf32> to vector<16xf32>
    %swap3A_153 = vector.shape_cast %broadcast_in_dim3A_10 : vector<16xf32> to vector<1x1x16xf32>
    tpu.vector_store %arg8[%swap3A_148, %swap3A_149, %swap3A_150], %swap3A_153 {strides = array<i32>} : memref<2x128x128xf32, #tpu.memory_space<vmem>>, vector<1x1x16xf32>,
    %swap3A_154 = arith.constant 0 : i32
    %swap3A_155 = arith.constant 2 : i32
    %swap3A_156 = arith.index_cast %swap3A_154 : i32 to index
    %swap3A_157 = arith.index_cast %swap3A_155 : i32 to index
    %swap3A_158 = arith.constant 32 : index
    %swap3A_159 = tpu.vector_load %arg8[%swap3A_156, %swap3A_157, %swap3A_158] {strides = array<i32>} : memref<2x128x128xf32, #tpu.memory_space<vmem>>, vector<1x1x16xf32>,
    %swap3A_160 = vector.shape_cast %swap3A_159 : vector<1x1x16xf32> to vector<16xf32>
    %swap3A_161 = vector.shape_cast %broadcast_in_dim3A_10 : vector<16xf32> to vector<1x1x16xf32>
    tpu.vector_store %arg8[%swap3A_156, %swap3A_157, %swap3A_158], %swap3A_161 {strides = array<i32>} : memref<2x128x128xf32, #tpu.memory_space<vmem>>, vector<1x1x16xf32>,
    %swap3A_162 = arith.constant 0 : i32
    %swap3A_163 = arith.constant 2 : i32
    %swap3A_164 = arith.index_cast %swap3A_162 : i32 to index
    %swap3A_165 = arith.index_cast %swap3A_163 : i32 to index
    %swap3A_166 = arith.constant 48 : index
    %swap3A_167 = tpu.vector_load %arg8[%swap3A_164, %swap3A_165, %swap3A_166] {strides = array<i32>} : memref<2x128x128xf32, #tpu.memory_space<vmem>>, vector<1x1x16xf32>,
    %swap3A_168 = vector.shape_cast %swap3A_167 : vector<1x1x16xf32> to vector<16xf32>
    %swap3A_169 = vector.shape_cast %broadcast_in_dim3A_10 : vector<16xf32> to vector<1x1x16xf32>
    tpu.vector_store %arg8[%swap3A_164, %swap3A_165, %swap3A_166], %swap3A_169 {strides = array<i32>} : memref<2x128x128xf32, #tpu.memory_space<vmem>>, vector<1x1x16xf32>,
    %swap3A_170 = arith.constant 0 : i32
    %swap3A_171 = arith.constant 2 : i32
    %swap3A_172 = arith.index_cast %swap3A_170 : i32 to index
    %swap3A_173 = arith.index_cast %swap3A_171 : i32 to index
    %swap3A_174 = arith.constant 64 : index
    %swap3A_175 = tpu.vector_load %arg8[%swap3A_172, %swap3A_173, %swap3A_174] {strides = array<i32>} : memref<2x128x128xf32, #tpu.memory_space<vmem>>, vector<1x1x16xf32>,
    %swap3A_176 = vector.shape_cast %swap3A_175 : vector<1x1x16xf32> to vector<16xf32>
    %swap3A_177 = vector.shape_cast %broadcast_in_dim3A_10 : vector<16xf32> to vector<1x1x16xf32>
    tpu.vector_store %arg8[%swap3A_172, %swap3A_173, %swap3A_174], %swap3A_177 {strides = array<i32>} : memref<2x128x128xf32, #tpu.memory_space<vmem>>, vector<1x1x16xf32>,
    %swap3A_178 = arith.constant 0 : i32
    %swap3A_179 = arith.constant 2 : i32
    %swap3A_180 = arith.index_cast %swap3A_178 : i32 to index
    %swap3A_181 = arith.index_cast %swap3A_179 : i32 to index
    %swap3A_182 = arith.constant 80 : index
    %swap3A_183 = tpu.vector_load %arg8[%swap3A_180, %swap3A_181, %swap3A_182] {strides = array<i32>} : memref<2x128x128xf32, #tpu.memory_space<vmem>>, vector<1x1x16xf32>,
    %swap3A_184 = vector.shape_cast %swap3A_183 : vector<1x1x16xf32> to vector<16xf32>
    %swap3A_185 = vector.shape_cast %broadcast_in_dim3A_10 : vector<16xf32> to vector<1x1x16xf32>
    tpu.vector_store %arg8[%swap3A_180, %swap3A_181, %swap3A_182], %swap3A_185 {strides = array<i32>} : memref<2x128x128xf32, #tpu.memory_space<vmem>>, vector<1x1x16xf32>,
    %swap3A_186 = arith.constant 0 : i32
    %swap3A_187 = arith.constant 2 : i32
    %swap3A_188 = arith.index_cast %swap3A_186 : i32 to index
    %swap3A_189 = arith.index_cast %swap3A_187 : i32 to index
    %swap3A_190 = arith.constant 96 : index
    %swap3A_191 = tpu.vector_load %arg8[%swap3A_188, %swap3A_189, %swap3A_190] {strides = array<i32>} : memref<2x128x128xf32, #tpu.memory_space<vmem>>, vector<1x1x16xf32>,
    %swap3A_192 = vector.shape_cast %swap3A_191 : vector<1x1x16xf32> to vector<16xf32>
    %swap3A_193 = vector.shape_cast %broadcast_in_dim3A_10 : vector<16xf32> to vector<1x1x16xf32>
    tpu.vector_store %arg8[%swap3A_188, %swap3A_189, %swap3A_190], %swap3A_193 {strides = array<i32>} : memref<2x128x128xf32, #tpu.memory_space<vmem>>, vector<1x1x16xf32>,
    %swap3A_194 = arith.constant 0 : i32
    %swap3A_195 = arith.constant 2 : i32
    %swap3A_196 = arith.index_cast %swap3A_194 : i32 to index
    %swap3A_197 = arith.index_cast %swap3A_195 : i32 to index
    %swap3A_198 = arith.constant 112 : index
    %swap3A_199 = tpu.vector_load %arg8[%swap3A_196, %swap3A_197, %swap3A_198] {strides = array<i32>} : memref<2x128x128xf32, #tpu.memory_space<vmem>>, vector<1x1x16xf32>,
    %swap3A_200 = vector.shape_cast %swap3A_199 : vector<1x1x16xf32> to vector<16xf32>
    %swap3A_201 = vector.shape_cast %broadcast_in_dim3A_10 : vector<16xf32> to vector<1x1x16xf32>
    tpu.vector_store %arg8[%swap3A_196, %swap3A_197, %swap3A_198], %swap3A_201 {strides = array<i32>} : memref<2x128x128xf32, #tpu.memory_space<vmem>>, vector<1x1x16xf32>,
    %swap3A_202 = arith.constant 0 : i32
    %swap3A_203 = arith.constant 3 : i32
    %swap3A_204 = arith.index_cast %swap3A_202 : i32 to index
    %swap3A_205 = arith.index_cast %swap3A_203 : i32 to index
    %swap3A_206 = arith.constant 0 : index
    %swap3A_207 = tpu.vector_load %arg8[%swap3A_204, %swap3A_205, %swap3A_206] {strides = array<i32>} : memref<2x128x128xf32, #tpu.memory_space<vmem>>, vector<1x1x16xf32>,
    %swap3A_208 = vector.shape_cast %swap3A_207 : vector<1x1x16xf32> to vector<16xf32>
    %swap3A_209 = vector.shape_cast %broadcast_in_dim3A_10 : vector<16xf32> to vector<1x1x16xf32>
    tpu.vector_store %arg8[%swap3A_204, %swap3A_205, %swap3A_206], %swap3A_209 {strides = array<i32>} : memref<2x128x128xf32, #tpu.memory_space<vmem>>, vector<1x1x16xf32>,
    %swap3A_210 = arith.constant 0 : i32
    %swap3A_211 = arith.constant 3 : i32
    %swap3A_212 = arith.index_cast %swap3A_210 : i32 to index
    %swap3A_213 = arith.index_cast %swap3A_211 : i32 to index
    %swap3A_214 = arith.constant 16 : index
    %swap3A_215 = tpu.vector_load %arg8[%swap3A_212, %swap3A_213, %swap3A_214] {strides = array<i32>} : memref<2x128x128xf32, #tpu.memory_space<vmem>>, vector<1x1x16xf32>,
    %swap3A_216 = vector.shape_cast %swap3A_215 : vector<1x1x16xf32> to vector<16xf32>
    %swap3A_217 = vector.shape_cast %broadcast_in_dim3A_10 : vector<16xf32> to vector<1x1x16xf32>
    tpu.vector_store %arg8[%swap3A_212, %swap3A_213, %swap3A_214], %swap3A_217 {strides = array<i32>} : memref<2x128x128xf32, #tpu.memory_space<vmem>>, vector<1x1x16xf32>,
    %swap3A_218 = arith.constant 0 : i32
    %swap3A_219 = arith.constant 3 : i32
    %swap3A_220 = arith.index_cast %swap3A_218 : i32 to index
    %swap3A_221 = arith.index_cast %swap3A_219 : i32 to index
    %swap3A_222 = arith.constant 32 : index
    %swap3A_223 = tpu.vector_load %arg8[%swap3A_220, %swap3A_221, %swap3A_222] {strides = array<i32>} : memref<2x128x128xf32, #tpu.memory_space<vmem>>, vector<1x1x16xf32>,
    %swap3A_224 = vector.shape_cast %swap3A_223 : vector<1x1x16xf32> to vector<16xf32>
    %swap3A_225 = vector.shape_cast %broadcast_in_dim3A_10 : vector<16xf32> to vector<1x1x16xf32>
    tpu.vector_store %arg8[%swap3A_220, %swap3A_221, %swap3A_222], %swap3A_225 {strides = array<i32>} : memref<2x128x128xf32, #tpu.memory_space<vmem>>, vector<1x1x16xf32>,
    %swap3A_226 = arith.constant 0 : i32
    %swap3A_227 = arith.constant 3 : i32
    %swap3A_228 = arith.index_cast %swap3A_226 : i32 to index
    %swap3A_229 = arith.index_cast %swap3A_227 : i32 to index
    %swap3A_230 = arith.constant 48 : index
    %swap3A_231 = tpu.vector_load %arg8[%swap3A_228, %swap3A_229, %swap3A_230] {strides = array<i32>} : memref<2x128x128xf32, #tpu.memory_space<vmem>>, vector<1x1x16xf32>,
    %swap3A_232 = vector.shape_cast %swap3A_231 : vector<1x1x16xf32> to vector<16xf32>
    %swap3A_233 = vector.shape_cast %broadcast_in_dim3A_10 : vector<16xf32> to vector<1x1x16xf32>
    tpu.vector_store %arg8[%swap3A_228, %swap3A_229, %swap3A_230], %swap3A_233 {strides = array<i32>} : memref<2x128x128xf32, #tpu.memory_space<vmem>>, vector<1x1x16xf32>,
    %swap3A_234 = arith.constant 0 : i32
    %swap3A_235 = arith.constant 3 : i32
    %swap3A_236 = arith.index_cast %swap3A_234 : i32 to index
    %swap3A_237 = arith.index_cast %swap3A_235 : i32 to index
    %swap3A_238 = arith.constant 64 : index
    %swap3A_239 = tpu.vector_load %arg8[%swap3A_236, %swap3A_237, %swap3A_238] {strides = array<i32>} : memref<2x128x128xf32, #tpu.memory_space<vmem>>, vector<1x1x16xf32>,
    %swap3A_240 = vector.shape_cast %swap3A_239 : vector<1x1x16xf32> to vector<16xf32>
    %swap3A_241 = vector.shape_cast %broadcast_in_dim3A_10 : vector<16xf32> to vector<1x1x16xf32>
    tpu.vector_store %arg8[%swap3A_236, %swap3A_237, %swap3A_238], %swap3A_241 {strides = array<i32>} : memref<2x128x128xf32, #tpu.memory_space<vmem>>, vector<1x1x16xf32>,
    %swap3A_242 = arith.constant 0 : i32
    %swap3A_243 = arith.constant 3 : i32
    %swap3A_244 = arith.index_cast %swap3A_242 : i32 to index
    %swap3A_245 = arith.index_cast %swap3A_243 : i32 to index
    %swap3A_246 = arith.constant 80 : index
    %swap3A_247 = tpu.vector_load %arg8[%swap3A_244, %swap3A_245, %swap3A_246] {strides = array<i32>} : memref<2x128x128xf32, #tpu.memory_space<vmem>>, vector<1x1x16xf32>,
    %swap3A_248 = vector.shape_cast %swap3A_247 : vector<1x1x16xf32> to vector<16xf32>
    %swap3A_249 = vector.shape_cast %broadcast_in_dim3A_10 : vector<16xf32> to vector<1x1x16xf32>
    tpu.vector_store %arg8[%swap3A_244, %swap3A_245, %swap3A_246], %swap3A_249 {strides = array<i32>} : memref<2x128x128xf32, #tpu.memory_space<vmem>>, vector<1x1x16xf32>,
    %swap3A_250 = arith.constant 0 : i32
    %swap3A_251 = arith.constant 3 : i32
    %swap3A_252 = arith.index_cast %swap3A_250 : i32 to index
    %swap3A_253 = arith.index_cast %swap3A_251 : i32 to index
    %swap3A_254 = arith.constant 96 : index
    %swap3A_255 = tpu.vector_load %arg8[%swap3A_252, %swap3A_253, %swap3A_254] {strides = array<i32>} : memref<2x128x128xf32, #tpu.memory_space<vmem>>, vector<1x1x16xf32>,
    %swap3A_256 = vector.shape_cast %swap3A_255 : vector<1x1x16xf32> to vector<16xf32>
    %swap3A_257 = vector.shape_cast %broadcast_in_dim3A_10 : vector<16xf32> to vector<1x1x16xf32>
    tpu.vector_store %arg8[%swap3A_252, %swap3A_253, %swap3A_254], %swap3A_257 {strides = array<i32>} : memref<2x128x128xf32, #tpu.memory_space<vmem>>, vector<1x1x16xf32>,
    %swap3A_258 = arith.constant 0 : i32
    %swap3A_259 = arith.constant 3 : i32
    %swap3A_260 = arith.index_cast %swap3A_258 : i32 to index
    %swap3A_261 = arith.index_cast %swap3A_259 : i32 to index
    %swap3A_262 = arith.constant 112 : index
    %swap3A_263 = tpu.vector_load %arg8[%swap3A_260, %swap3A_261, %swap3A_262] {strides = array<i32>} : memref<2x128x128xf32, #tpu.memory_space<vmem>>, vector<1x1x16xf32>,
    %swap3A_264 = vector.shape_cast %swap3A_263 : vector<1x1x16xf32> to vector<16xf32>
    %swap3A_265 = vector.shape_cast %broadcast_in_dim3A_10 : vector<16xf32> to vector<1x1x16xf32>
    tpu.vector_store %arg8[%swap3A_260, %swap3A_261, %swap3A_262], %swap3A_265 {strides = array<i32>} : memref<2x128x128xf32, #tpu.memory_space<vmem>>, vector<1x1x16xf32>,
    %swap3A_266 = arith.constant 0 : i32
    %swap3A_267 = arith.constant 4 : i32
    %swap3A_268 = arith.index_cast %swap3A_266 : i32 to index
    %swap3A_269 = arith.index_cast %swap3A_267 : i32 to index
    %swap3A_270 = arith.constant 0 : index
    %swap3A_271 = tpu.vector_load %arg8[%swap3A_268, %swap3A_269, %swap3A_270] {strides = array<i32>} : memref<2x128x128xf32, #tpu.memory_space<vmem>>, vector<1x1x16xf32>,
    %swap3A_272 = vector.shape_cast %swap3A_271 : vector<1x1x16xf32> to vector<16xf32>
    %swap3A_273 = vector.shape_cast %broadcast_in_dim3A_10 : vector<16xf32> to vector<1x1x16xf32>
    tpu.vector_store %arg8[%swap3A_268, %swap3A_269, %swap3A_270], %swap3A_273 {strides = array<i32>} : memref<2x128x128xf32, #tpu.memory_space<vmem>>, vector<1x1x16xf32>,
    %swap3A_274 = arith.constant 0 : i32
    %swap3A_275 = arith.constant 4 : i32
    %swap3A_276 = arith.index_cast %swap3A_274 : i32 to index
    %swap3A_277 = arith.index_cast %swap3A_275 : i32 to index
    %swap3A_278 = arith.constant 16 : index
    %swap3A_279 = tpu.vector_load %arg8[%swap3A_276, %swap3A_277, %swap3A_278] {strides = array<i32>} : memref<2x128x128xf32, #tpu.memory_space<vmem>>, vector<1x1x16xf32>,
    %swap3A_280 = vector.shape_cast %swap3A_279 : vector<1x1x16xf32> to vector<16xf32>
    %swap3A_281 = vector.shape_cast %broadcast_in_dim3A_10 : vector<16xf32> to vector<1x1x16xf32>
    tpu.vector_store %arg8[%swap3A_276, %swap3A_277, %swap3A_278], %swap3A_281 {strides = array<i32>} : memref<2x128x128xf32, #tpu.memory_space<vmem>>, vector<1x1x16xf32>,
    %swap3A_282 = arith.constant 0 : i32
    %swap3A_283 = arith.constant 4 : i32
    %swap3A_284 = arith.index_cast %swap3A_282 : i32 to index
    %swap3A_285 = arith.index_cast %swap3A_283 : i32 to index
    %swap3A_286 = arith.constant 32 : index
    %swap3A_287 = tpu.vector_load %arg8[%swap3A_284, %swap3A_285, %swap3A_286] {strides = array<i32>} : memref<2x128x128xf32, #tpu.memory_space<vmem>>, vector<1x1x16xf32>,
    %swap3A_288 = vector.shape_cast %swap3A_287 : vector<1x1x16xf32> to vector<16xf32>
    %swap3A_289 = vector.shape_cast %broadcast_in_dim3A_10 : vector<16xf32> to vector<1x1x16xf32>
    tpu.vector_store %arg8[%swap3A_284, %swap3A_285, %swap3A_286], %swap3A_289 {strides = array<i32>} : memref<2x128x128xf32, #tpu.memory_space<vmem>>, vector<1x1x16xf32>,
    %swap3A_290 = arith.constant 0 : i32
    %swap3A_291 = arith.constant 4 : i32
    %swap3A_292 = arith.index_cast %swap3A_290 : i32 to index
    %swap3A_293 = arith.index_cast %swap3A_291 : i32 to index
    %swap3A_294 = arith.constant 48 : index
    %swap3A_295 = tpu.vector_load %arg8[%swap3A_292, %swap3A_293, %swap3A_294] {strides = array<i32>} : memref<2x128x128xf32, #tpu.memory_space<vmem>>, vector<1x1x16xf32>,
    %swap3A_296 = vector.shape_cast %swap3A_295 : vector<1x1x16xf32> to vector<16xf32>
    %swap3A_297 = vector.shape_cast %broadcast_in_dim3A_10 : vector<16xf32> to vector<1x1x16xf32>
    tpu.vector_store %arg8[%swap3A_292, %swap3A_293, %swap3A_294], %swap3A_297 {strides = array<i32>} : memref<2x128x128xf32, #tpu.memory_space<vmem>>, vector<1x1x16xf32>,
    %swap3A_298 = arith.constant 0 : i32
    %swap3A_299 = arith.constant 4 : i32
    %swap3A_300 = arith.index_cast %swap3A_298 : i32 to index
    %swap3A_301 = arith.index_cast %swap3A_299 : i32 to index
    %swap3A_302 = arith.constant 64 : index
    %swap3A_303 = tpu.vector_load %arg8[%swap3A_300, %swap3A_301, %swap3A_302] {strides = array<i32>} : memref<2x128x128xf32, #tpu.memory_space<vmem>>, vector<1x1x16xf32>,
    %swap3A_304 = vector.shape_cast %swap3A_303 : vector<1x1x16xf32> to vector<16xf32>
    %swap3A_305 = vector.shape_cast %broadcast_in_dim3A_10 : vector<16xf32> to vector<1x1x16xf32>
    tpu.vector_store %arg8[%swap3A_300, %swap3A_301, %swap3A_302], %swap3A_305 {strides = array<i32>} : memref<2x128x128xf32, #tpu.memory_space<vmem>>, vector<1x1x16xf32>,
    %swap3A_306 = arith.constant 0 : i32
    %swap3A_307 = arith.constant 4 : i32
    %swap3A_308 = arith.index_cast %swap3A_306 : i32 to index
    %swap3A_309 = arith.index_cast %swap3A_307 : i32 to index
    %swap3A_310 = arith.constant 80 : index
    %swap3A_311 = tpu.vector_load %arg8[%swap3A_308, %swap3A_309, %swap3A_310] {strides = array<i32>} : memref<2x128x128xf32, #tpu.memory_space<vmem>>, vector<1x1x16xf32>,
    %swap3A_312 = vector.shape_cast %swap3A_311 : vector<1x1x16xf32> to vector<16xf32>
    %swap3A_313 = vector.shape_cast %broadcast_in_dim3A_10 : vector<16xf32> to vector<1x1x16xf32>
    tpu.vector_store %arg8[%swap3A_308, %swap3A_309, %swap3A_310], %swap3A_313 {strides = array<i32>} : memref<2x128x128xf32, #tpu.memory_space<vmem>>, vector<1x1x16xf32>,
    %swap3A_314 = arith.constant 0 : i32
    %swap3A_315 = arith.constant 4 : i32
    %swap3A_316 = arith.index_cast %swap3A_314 : i32 to index
    %swap3A_317 = arith.index_cast %swap3A_315 : i32 to index
    %swap3A_318 = arith.constant 96 : index
    %swap3A_319 = tpu.vector_load %arg8[%swap3A_316, %swap3A_317, %swap3A_318] {strides = array<i32>} : memref<2x128x128xf32, #tpu.memory_space<vmem>>, vector<1x1x16xf32>,
    %swap3A_320 = vector.shape_cast %swap3A_319 : vector<1x1x16xf32> to vector<16xf32>
    %swap3A_321 = vector.shape_cast %broadcast_in_dim3A_10 : vector<16xf32> to vector<1x1x16xf32>
    tpu.vector_store %arg8[%swap3A_316, %swap3A_317, %swap3A_318], %swap3A_321 {strides = array<i32>} : memref<2x128x128xf32, #tpu.memory_space<vmem>>, vector<1x1x16xf32>,
    %swap3A_322 = arith.constant 0 : i32
    %swap3A_323 = arith.constant 4 : i32
    %swap3A_324 = arith.index_cast %swap3A_322 : i32 to index
    %swap3A_325 = arith.index_cast %swap3A_323 : i32 to index
    %swap3A_326 = arith.constant 112 : index
    %swap3A_327 = tpu.vector_load %arg8[%swap3A_324, %swap3A_325, %swap3A_326] {strides = array<i32>} : memref<2x128x128xf32, #tpu.memory_space<vmem>>, vector<1x1x16xf32>,
    %swap3A_328 = vector.shape_cast %swap3A_327 : vector<1x1x16xf32> to vector<16xf32>
    %swap3A_329 = vector.shape_cast %broadcast_in_dim3A_10 : vector<16xf32> to vector<1x1x16xf32>
    tpu.vector_store %arg8[%swap3A_324, %swap3A_325, %swap3A_326], %swap3A_329 {strides = array<i32>} : memref<2x128x128xf32, #tpu.memory_space<vmem>>, vector<1x1x16xf32>,
    %swap3A_330 = arith.constant 0 : i32
    %swap3A_331 = arith.constant 5 : i32
    %swap3A_332 = arith.index_cast %swap3A_330 : i32 to index
    %swap3A_333 = arith.index_cast %swap3A_331 : i32 to index
    %swap3A_334 = arith.constant 0 : index
    %swap3A_335 = tpu.vector_load %arg8[%swap3A_332, %swap3A_333, %swap3A_334] {strides = array<i32>} : memref<2x128x128xf32, #tpu.memory_space<vmem>>, vector<1x1x16xf32>,
    %swap3A_336 = vector.shape_cast %swap3A_335 : vector<1x1x16xf32> to vector<16xf32>
    %swap3A_337 = vector.shape_cast %broadcast_in_dim3A_10 : vector<16xf32> to vector<1x1x16xf32>
    tpu.vector_store %arg8[%swap3A_332, %swap3A_333, %swap3A_334], %swap3A_337 {strides = array<i32>} : memref<2x128x128xf32, #tpu.memory_space<vmem>>, vector<1x1x16xf32>,
    %swap3A_338 = arith.constant 0 : i32
    %swap3A_339 = arith.constant 5 : i32
    %swap3A_340 = arith.index_cast %swap3A_338 : i32 to index
    %swap3A_341 = arith.index_cast %swap3A_339 : i32 to index
    %swap3A_342 = arith.constant 16 : index
    %swap3A_343 = tpu.vector_load %arg8[%swap3A_340, %swap3A_341, %swap3A_342] {strides = array<i32>} : memref<2x128x128xf32, #tpu.memory_space<vmem>>, vector<1x1x16xf32>,
    %swap3A_344 = vector.shape_cast %swap3A_343 : vector<1x1x16xf32> to vector<16xf32>
    %swap3A_345 = vector.shape_cast %broadcast_in_dim3A_10 : vector<16xf32> to vector<1x1x16xf32>
    tpu.vector_store %arg8[%swap3A_340, %swap3A_341, %swap3A_342], %swap3A_345 {strides = array<i32>} : memref<2x128x128xf32, #tpu.memory_space<vmem>>, vector<1x1x16xf32>,
    %swap3A_346 = arith.constant 0 : i32
    %swap3A_347 = arith.constant 5 : i32
    %swap3A_348 = arith.index_cast %swap3A_346 : i32 to index
    %swap3A_349 = arith.index_cast %swap3A_347 : i32 to index
    %swap3A_350 = arith.constant 32 : index
    %swap3A_351 = tpu.vector_load %arg8[%swap3A_348, %swap3A_349, %swap3A_350] {strides = array<i32>} : memref<2x128x128xf32, #tpu.memory_space<vmem>>, vector<1x1x16xf32>,
    %swap3A_352 = vector.shape_cast %swap3A_351 : vector<1x1x16xf32> to vector<16xf32>
    %swap3A_353 = vector.shape_cast %broadcast_in_dim3A_10 : vector<16xf32> to vector<1x1x16xf32>
    tpu.vector_store %arg8[%swap3A_348, %swap3A_349, %swap3A_350], %swap3A_353 {strides = array<i32>} : memref<2x128x128xf32, #tpu.memory_space<vmem>>, vector<1x1x16xf32>,
    %swap3A_354 = arith.constant 0 : i32
    %swap3A_355 = arith.constant 5 : i32
    %swap3A_356 = arith.index_cast %swap3A_354 : i32 to index
    %swap3A_357 = arith.index_cast %swap3A_355 : i32 to index
    %swap3A_358 = arith.constant 48 : index
    %swap3A_359 = tpu.vector_load %arg8[%swap3A_356, %swap3A_357, %swap3A_358] {strides = array<i32>} : memref<2x128x128xf32, #tpu.memory_space<vmem>>, vector<1x1x16xf32>,
    %swap3A_360 = vector.shape_cast %swap3A_359 : vector<1x1x16xf32> to vector<16xf32>
    %swap3A_361 = vector.shape_cast %broadcast_in_dim3A_10 : vector<16xf32> to vector<1x1x16xf32>
    tpu.vector_store %arg8[%swap3A_356, %swap3A_357, %swap3A_358], %swap3A_361 {strides = array<i32>} : memref<2x128x128xf32, #tpu.memory_space<vmem>>, vector<1x1x16xf32>,
    %swap3A_362 = arith.constant 0 : i32
    %swap3A_363 = arith.constant 5 : i32
    %swap3A_364 = arith.index_cast %swap3A_362 : i32 to index
    %swap3A_365 = arith.index_cast %swap3A_363 : i32 to index
    %swap3A_366 = arith.constant 64 : index
    %swap3A_367 = tpu.vector_load %arg8[%swap3A_364, %swap3A_365, %swap3A_366] {strides = array<i32>} : memref<2x128x128xf32, #tpu.memory_space<vmem>>, vector<1x1x16xf32>,
    %swap3A_368 = vector.shape_cast %swap3A_367 : vector<1x1x16xf32> to vector<16xf32>
    %swap3A_369 = vector.shape_cast %broadcast_in_dim3A_10 : vector<16xf32> to vector<1x1x16xf32>
    tpu.vector_store %arg8[%swap3A_364, %swap3A_365, %swap3A_366], %swap3A_369 {strides = array<i32>} : memref<2x128x128xf32, #tpu.memory_space<vmem>>, vector<1x1x16xf32>,
    %swap3A_370 = arith.constant 0 : i32
    %swap3A_371 = arith.constant 5 : i32
    %swap3A_372 = arith.index_cast %swap3A_370 : i32 to index
    %swap3A_373 = arith.index_cast %swap3A_371 : i32 to index
    %swap3A_374 = arith.constant 80 : index
    %swap3A_375 = tpu.vector_load %arg8[%swap3A_372, %swap3A_373, %swap3A_374] {strides = array<i32>} : memref<2x128x128xf32, #tpu.memory_space<vmem>>, vector<1x1x16xf32>,
    %swap3A_376 = vector.shape_cast %swap3A_375 : vector<1x1x16xf32> to vector<16xf32>
    %swap3A_377 = vector.shape_cast %broadcast_in_dim3A_10 : vector<16xf32> to vector<1x1x16xf32>
    tpu.vector_store %arg8[%swap3A_372, %swap3A_373, %swap3A_374], %swap3A_377 {strides = array<i32>} : memref<2x128x128xf32, #tpu.memory_space<vmem>>, vector<1x1x16xf32>,
    %swap3A_378 = arith.constant 0 : i32
    %swap3A_379 = arith.constant 5 : i32
    %swap3A_380 = arith.index_cast %swap3A_378 : i32 to index
    %swap3A_381 = arith.index_cast %swap3A_379 : i32 to index
    %swap3A_382 = arith.constant 96 : index
    %swap3A_383 = tpu.vector_load %arg8[%swap3A_380, %swap3A_381, %swap3A_382] {strides = array<i32>} : memref<2x128x128xf32, #tpu.memory_space<vmem>>, vector<1x1x16xf32>,
    %swap3A_384 = vector.shape_cast %swap3A_383 : vector<1x1x16xf32> to vector<16xf32>
    %swap3A_385 = vector.shape_cast %broadcast_in_dim3A_10 : vector<16xf32> to vector<1x1x16xf32>
    tpu.vector_store %arg8[%swap3A_380, %swap3A_381, %swap3A_382], %swap3A_385 {strides = array<i32>} : memref<2x128x128xf32, #tpu.memory_space<vmem>>, vector<1x1x16xf32>,
    %swap3A_386 = arith.constant 0 : i32
    %swap3A_387 = arith.constant 5 : i32
    %swap3A_388 = arith.index_cast %swap3A_386 : i32 to index
    %swap3A_389 = arith.index_cast %swap3A_387 : i32 to index
    %swap3A_390 = arith.constant 112 : index
    %swap3A_391 = tpu.vector_load %arg8[%swap3A_388, %swap3A_389, %swap3A_390] {strides = array<i32>} : memref<2x128x128xf32, #tpu.memory_space<vmem>>, vector<1x1x16xf32>,
    %swap3A_392 = vector.shape_cast %swap3A_391 : vector<1x1x16xf32> to vector<16xf32>
    %swap3A_393 = vector.shape_cast %broadcast_in_dim3A_10 : vector<16xf32> to vector<1x1x16xf32>
    tpu.vector_store %arg8[%swap3A_388, %swap3A_389, %swap3A_390], %swap3A_393 {strides = array<i32>} : memref<2x128x128xf32, #tpu.memory_space<vmem>>, vector<1x1x16xf32>,
    %swap3A_394 = arith.constant 0 : i32
    %swap3A_395 = arith.constant 6 : i32
    %swap3A_396 = arith.index_cast %swap3A_394 : i32 to index
    %swap3A_397 = arith.index_cast %swap3A_395 : i32 to index
    %swap3A_398 = arith.constant 0 : index
    %swap3A_399 = tpu.vector_load %arg8[%swap3A_396, %swap3A_397, %swap3A_398] {strides = array<i32>} : memref<2x128x128xf32, #tpu.memory_space<vmem>>, vector<1x1x16xf32>,
    %swap3A_400 = vector.shape_cast %swap3A_399 : vector<1x1x16xf32> to vector<16xf32>
    %swap3A_401 = vector.shape_cast %broadcast_in_dim3A_10 : vector<16xf32> to vector<1x1x16xf32>
    tpu.vector_store %arg8[%swap3A_396, %swap3A_397, %swap3A_398], %swap3A_401 {strides = array<i32>} : memref<2x128x128xf32, #tpu.memory_space<vmem>>, vector<1x1x16xf32>,
    %swap3A_402 = arith.constant 0 : i32
    %swap3A_403 = arith.constant 6 : i32
    %swap3A_404 = arith.index_cast %swap3A_402 : i32 to index
    %swap3A_405 = arith.index_cast %swap3A_403 : i32 to index
    %swap3A_406 = arith.constant 16 : index
    %swap3A_407 = tpu.vector_load %arg8[%swap3A_404, %swap3A_405, %swap3A_406] {strides = array<i32>} : memref<2x128x128xf32, #tpu.memory_space<vmem>>, vector<1x1x16xf32>,
    %swap3A_408 = vector.shape_cast %swap3A_407 : vector<1x1x16xf32> to vector<16xf32>
    %swap3A_409 = vector.shape_cast %broadcast_in_dim3A_10 : vector<16xf32> to vector<1x1x16xf32>
    tpu.vector_store %arg8[%swap3A_404, %swap3A_405, %swap3A_406], %swap3A_409 {strides = array<i32>} : memref<2x128x128xf32, #tpu.memory_space<vmem>>, vector<1x1x16xf32>,
    %swap3A_410 = arith.constant 0 : i32
    %swap3A_411 = arith.constant 6 : i32
    %swap3A_412 = arith.index_cast %swap3A_410 : i32 to index
    %swap3A_413 = arith.index_cast %swap3A_411 : i32 to index
    %swap3A_414 = arith.constant 32 : index
    %swap3A_415 = tpu.vector_load %arg8[%swap3A_412, %swap3A_413, %swap3A_414] {strides = array<i32>} : memref<2x128x128xf32, #tpu.memory_space<vmem>>, vector<1x1x16xf32>,
    %swap3A_416 = vector.shape_cast %swap3A_415 : vector<1x1x16xf32> to vector<16xf32>
    %swap3A_417 = vector.shape_cast %broadcast_in_dim3A_10 : vector<16xf32> to vector<1x1x16xf32>
    tpu.vector_store %arg8[%swap3A_412, %swap3A_413, %swap3A_414], %swap3A_417 {strides = array<i32>} : memref<2x128x128xf32, #tpu.memory_space<vmem>>, vector<1x1x16xf32>,
    %swap3A_418 = arith.constant 0 : i32
    %swap3A_419 = arith.constant 6 : i32
    %swap3A_420 = arith.index_cast %swap3A_418 : i32 to index
    %swap3A_421 = arith.index_cast %swap3A_419 : i32 to index
    %swap3A_422 = arith.constant 48 : index
    %swap3A_423 = tpu.vector_load %arg8[%swap3A_420, %swap3A_421, %swap3A_422] {strides = array<i32>} : memref<2x128x128xf32, #tpu.memory_space<vmem>>, vector<1x1x16xf32>,
    %swap3A_424 = vector.shape_cast %swap3A_423 : vector<1x1x16xf32> to vector<16xf32>
    %swap3A_425 = vector.shape_cast %broadcast_in_dim3A_10 : vector<16xf32> to vector<1x1x16xf32>
    tpu.vector_store %arg8[%swap3A_420, %swap3A_421, %swap3A_422], %swap3A_425 {strides = array<i32>} : memref<2x128x128xf32, #tpu.memory_space<vmem>>, vector<1x1x16xf32>,
    %swap3A_426 = arith.constant 0 : i32
    %swap3A_427 = arith.constant 6 : i32
    %swap3A_428 = arith.index_cast %swap3A_426 : i32 to index
    %swap3A_429 = arith.index_cast %swap3A_427 : i32 to index
    %swap3A_430 = arith.constant 64 : index
    %swap3A_431 = tpu.vector_load %arg8[%swap3A_428, %swap3A_429, %swap3A_430] {strides = array<i32>} : memref<2x128x128xf32, #tpu.memory_space<vmem>>, vector<1x1x16xf32>,
    %swap3A_432 = vector.shape_cast %swap3A_431 : vector<1x1x16xf32> to vector<16xf32>
    %swap3A_433 = vector.shape_cast %broadcast_in_dim3A_10 : vector<16xf32> to vector<1x1x16xf32>
    tpu.vector_store %arg8[%swap3A_428, %swap3A_429, %swap3A_430], %swap3A_433 {strides = array<i32>} : memref<2x128x128xf32, #tpu.memory_space<vmem>>, vector<1x1x16xf32>,
    %swap3A_434 = arith.constant 0 : i32
    %swap3A_435 = arith.constant 6 : i32
    %swap3A_436 = arith.index_cast %swap3A_434 : i32 to index
    %swap3A_437 = arith.index_cast %swap3A_435 : i32 to index
    %swap3A_438 = arith.constant 80 : index
    %swap3A_439 = tpu.vector_load %arg8[%swap3A_436, %swap3A_437, %swap3A_438] {strides = array<i32>} : memref<2x128x128xf32, #tpu.memory_space<vmem>>, vector<1x1x16xf32>,
    %swap3A_440 = vector.shape_cast %swap3A_439 : vector<1x1x16xf32> to vector<16xf32>
    %swap3A_441 = vector.shape_cast %broadcast_in_dim3A_10 : vector<16xf32> to vector<1x1x16xf32>
    tpu.vector_store %arg8[%swap3A_436, %swap3A_437, %swap3A_438], %swap3A_441 {strides = array<i32>} : memref<2x128x128xf32, #tpu.memory_space<vmem>>, vector<1x1x16xf32>,
    %swap3A_442 = arith.constant 0 : i32
    %swap3A_443 = arith.constant 6 : i32
    %swap3A_444 = arith.index_cast %swap3A_442 : i32 to index
    %swap3A_445 = arith.index_cast %swap3A_443 : i32 to index
    %swap3A_446 = arith.constant 96 : index
    %swap3A_447 = tpu.vector_load %arg8[%swap3A_444, %swap3A_445, %swap3A_446] {strides = array<i32>} : memref<2x128x128xf32, #tpu.memory_space<vmem>>, vector<1x1x16xf32>,
    %swap3A_448 = vector.shape_cast %swap3A_447 : vector<1x1x16xf32> to vector<16xf32>
    %swap3A_449 = vector.shape_cast %broadcast_in_dim3A_10 : vector<16xf32> to vector<1x1x16xf32>
    tpu.vector_store %arg8[%swap3A_444, %swap3A_445, %swap3A_446], %swap3A_449 {strides = array<i32>} : memref<2x128x128xf32, #tpu.memory_space<vmem>>, vector<1x1x16xf32>,
    %swap3A_450 = arith.constant 0 : i32
    %swap3A_451 = arith.constant 6 : i32
    %swap3A_452 = arith.index_cast %swap3A_450 : i32 to index
    %swap3A_453 = arith.index_cast %swap3A_451 : i32 to index
    %swap3A_454 = arith.constant 112 : index
    %swap3A_455 = tpu.vector_load %arg8[%swap3A_452, %swap3A_453, %swap3A_454] {strides = array<i32>} : memref<2x128x128xf32, #tpu.memory_space<vmem>>, vector<1x1x16xf32>,
    %swap3A_456 = vector.shape_cast %swap3A_455 : vector<1x1x16xf32> to vector<16xf32>
    %swap3A_457 = vector.shape_cast %broadcast_in_dim3A_10 : vector<16xf32> to vector<1x1x16xf32>
    tpu.vector_store %arg8[%swap3A_452, %swap3A_453, %swap3A_454], %swap3A_457 {strides = array<i32>} : memref<2x128x128xf32, #tpu.memory_space<vmem>>, vector<1x1x16xf32>,
    %swap3A_458 = arith.constant 0 : i32
    %swap3A_459 = arith.constant 7 : i32
    %swap3A_460 = arith.index_cast %swap3A_458 : i32 to index
    %swap3A_461 = arith.index_cast %swap3A_459 : i32 to index
    %swap3A_462 = arith.constant 0 : index
    %swap3A_463 = tpu.vector_load %arg8[%swap3A_460, %swap3A_461, %swap3A_462] {strides = array<i32>} : memref<2x128x128xf32, #tpu.memory_space<vmem>>, vector<1x1x16xf32>,
    %swap3A_464 = vector.shape_cast %swap3A_463 : vector<1x1x16xf32> to vector<16xf32>
    %swap3A_465 = vector.shape_cast %broadcast_in_dim3A_10 : vector<16xf32> to vector<1x1x16xf32>
    tpu.vector_store %arg8[%swap3A_460, %swap3A_461, %swap3A_462], %swap3A_465 {strides = array<i32>} : memref<2x128x128xf32, #tpu.memory_space<vmem>>, vector<1x1x16xf32>,
    %swap3A_466 = arith.constant 0 : i32
    %swap3A_467 = arith.constant 7 : i32
    %swap3A_468 = arith.index_cast %swap3A_466 : i32 to index
    %swap3A_469 = arith.index_cast %swap3A_467 : i32 to index
    %swap3A_470 = arith.constant 16 : index
    %swap3A_471 = tpu.vector_load %arg8[%swap3A_468, %swap3A_469, %swap3A_470] {strides = array<i32>} : memref<2x128x128xf32, #tpu.memory_space<vmem>>, vector<1x1x16xf32>,
    %swap3A_472 = vector.shape_cast %swap3A_471 : vector<1x1x16xf32> to vector<16xf32>
    %swap3A_473 = vector.shape_cast %broadcast_in_dim3A_10 : vector<16xf32> to vector<1x1x16xf32>
    tpu.vector_store %arg8[%swap3A_468, %swap3A_469, %swap3A_470], %swap3A_473 {strides = array<i32>} : memref<2x128x128xf32, #tpu.memory_space<vmem>>, vector<1x1x16xf32>,
    %swap3A_474 = arith.constant 0 : i32
    %swap3A_475 = arith.constant 7 : i32
    %swap3A_476 = arith.index_cast %swap3A_474 : i32 to index
    %swap3A_477 = arith.index_cast %swap3A_475 : i32 to index
    %swap3A_478 = arith.constant 32 : index
    %swap3A_479 = tpu.vector_load %arg8[%swap3A_476, %swap3A_477, %swap3A_478] {strides = array<i32>} : memref<2x128x128xf32, #tpu.memory_space<vmem>>, vector<1x1x16xf32>,
    %swap3A_480 = vector.shape_cast %swap3A_479 : vector<1x1x16xf32> to vector<16xf32>
    %swap3A_481 = vector.shape_cast %broadcast_in_dim3A_10 : vector<16xf32> to vector<1x1x16xf32>
    tpu.vector_store %arg8[%swap3A_476, %swap3A_477, %swap3A_478], %swap3A_481 {strides = array<i32>} : memref<2x128x128xf32, #tpu.memory_space<vmem>>, vector<1x1x16xf32>,
    %swap3A_482 = arith.constant 0 : i32
    %swap3A_483 = arith.constant 7 : i32
    %swap3A_484 = arith.index_cast %swap3A_482 : i32 to index
    %swap3A_485 = arith.index_cast %swap3A_483 : i32 to index
    %swap3A_486 = arith.constant 48 : index
    %swap3A_487 = tpu.vector_load %arg8[%swap3A_484, %swap3A_485, %swap3A_486] {strides = array<i32>} : memref<2x128x128xf32, #tpu.memory_space<vmem>>, vector<1x1x16xf32>,
    %swap3A_488 = vector.shape_cast %swap3A_487 : vector<1x1x16xf32> to vector<16xf32>
    %swap3A_489 = vector.shape_cast %broadcast_in_dim3A_10 : vector<16xf32> to vector<1x1x16xf32>
    tpu.vector_store %arg8[%swap3A_484, %swap3A_485, %swap3A_486], %swap3A_489 {strides = array<i32>} : memref<2x128x128xf32, #tpu.memory_space<vmem>>, vector<1x1x16xf32>,
    %swap3A_490 = arith.constant 0 : i32
    %swap3A_491 = arith.constant 7 : i32
    %swap3A_492 = arith.index_cast %swap3A_490 : i32 to index
    %swap3A_493 = arith.index_cast %swap3A_491 : i32 to index
    %swap3A_494 = arith.constant 64 : index
    %swap3A_495 = tpu.vector_load %arg8[%swap3A_492, %swap3A_493, %swap3A_494] {strides = array<i32>} : memref<2x128x128xf32, #tpu.memory_space<vmem>>, vector<1x1x16xf32>,
    %swap3A_496 = vector.shape_cast %swap3A_495 : vector<1x1x16xf32> to vector<16xf32>
    %swap3A_497 = vector.shape_cast %broadcast_in_dim3A_10 : vector<16xf32> to vector<1x1x16xf32>
    tpu.vector_store %arg8[%swap3A_492, %swap3A_493, %swap3A_494], %swap3A_497 {strides = array<i32>} : memref<2x128x128xf32, #tpu.memory_space<vmem>>, vector<1x1x16xf32>,
    %swap3A_498 = arith.constant 0 : i32
    %swap3A_499 = arith.constant 7 : i32
    %swap3A_500 = arith.index_cast %swap3A_498 : i32 to index
    %swap3A_501 = arith.index_cast %swap3A_499 : i32 to index
    %swap3A_502 = arith.constant 80 : index
    %swap3A_503 = tpu.vector_load %arg8[%swap3A_500, %swap3A_501, %swap3A_502] {strides = array<i32>} : memref<2x128x128xf32, #tpu.memory_space<vmem>>, vector<1x1x16xf32>,
    %swap3A_504 = vector.shape_cast %swap3A_503 : vector<1x1x16xf32> to vector<16xf32>
    %swap3A_505 = vector.shape_cast %broadcast_in_dim3A_10 : vector<16xf32> to vector<1x1x16xf32>
    tpu.vector_store %arg8[%swap3A_500, %swap3A_501, %swap3A_502], %swap3A_505 {strides = array<i32>} : memref<2x128x128xf32, #tpu.memory_space<vmem>>, vector<1x1x16xf32>,
    %swap3A_506 = arith.constant 0 : i32
    %swap3A_507 = arith.constant 7 : i32
    %swap3A_508 = arith.index_cast %swap3A_506 : i32 to index
    %swap3A_509 = arith.index_cast %swap3A_507 : i32 to index
    %swap3A_510 = arith.constant 96 : index
    %swap3A_511 = tpu.vector_load %arg8[%swap3A_508, %swap3A_509, %swap3A_510] {strides = array<i32>} : memref<2x128x128xf32, #tpu.memory_space<vmem>>, vector<1x1x16xf32>,
    %swap3A_512 = vector.shape_cast %swap3A_511 : vector<1x1x16xf32> to vector<16xf32>
    %swap3A_513 = vector.shape_cast %broadcast_in_dim3A_10 : vector<16xf32> to vector<1x1x16xf32>
    tpu.vector_store %arg8[%swap3A_508, %swap3A_509, %swap3A_510], %swap3A_513 {strides = array<i32>} : memref<2x128x128xf32, #tpu.memory_space<vmem>>, vector<1x1x16xf32>,
    %swap3A_514 = arith.constant 0 : i32
    %swap3A_515 = arith.constant 7 : i32
    %swap3A_516 = arith.index_cast %swap3A_514 : i32 to index
    %swap3A_517 = arith.index_cast %swap3A_515 : i32 to index
    %swap3A_518 = arith.constant 112 : index
    %swap3A_519 = tpu.vector_load %arg8[%swap3A_516, %swap3A_517, %swap3A_518] {strides = array<i32>} : memref<2x128x128xf32, #tpu.memory_space<vmem>>, vector<1x1x16xf32>,
    %swap3A_520 = vector.shape_cast %swap3A_519 : vector<1x1x16xf32> to vector<16xf32>
    %swap3A_521 = vector.shape_cast %broadcast_in_dim3A_10 : vector<16xf32> to vector<1x1x16xf32>
    tpu.vector_store %arg8[%swap3A_516, %swap3A_517, %swap3A_518], %swap3A_521 {strides = array<i32>} : memref<2x128x128xf32, #tpu.memory_space<vmem>>, vector<1x1x16xf32>,
    %swap3A_522 = arith.constant 0 : i32
    %swap3A_523 = arith.constant 8 : i32
    %swap3A_524 = arith.index_cast %swap3A_522 : i32 to index
    %swap3A_525 = arith.index_cast %swap3A_523 : i32 to index
    %swap3A_526 = arith.constant 0 : index
    %swap3A_527 = tpu.vector_load %arg8[%swap3A_524, %swap3A_525, %swap3A_526] {strides = array<i32>} : memref<2x128x128xf32, #tpu.memory_space<vmem>>, vector<1x1x16xf32>,
    %swap3A_528 = vector.shape_cast %swap3A_527 : vector<1x1x16xf32> to vector<16xf32>
    %swap3A_529 = vector.shape_cast %broadcast_in_dim3A_10 : vector<16xf32> to vector<1x1x16xf32>
    tpu.vector_store %arg8[%swap3A_524, %swap3A_525, %swap3A_526], %swap3A_529 {strides = array<i32>} : memref<2x128x128xf32, #tpu.memory_space<vmem>>, vector<1x1x16xf32>,
    %swap3A_530 = arith.constant 0 : i32
    %swap3A_531 = arith.constant 8 : i32
    %swap3A_532 = arith.index_cast %swap3A_530 : i32 to index
    %swap3A_533 = arith.index_cast %swap3A_531 : i32 to index
    %swap3A_534 = arith.constant 16 : index
    %swap3A_535 = tpu.vector_load %arg8[%swap3A_532, %swap3A_533, %swap3A_534] {strides = array<i32>} : memref<2x128x128xf32, #tpu.memory_space<vmem>>, vector<1x1x16xf32>,
    %swap3A_536 = vector.shape_cast %swap3A_535 : vector<1x1x16xf32> to vector<16xf32>
    %swap3A_537 = vector.shape_cast %broadcast_in_dim3A_10 : vector<16xf32> to vector<1x1x16xf32>
    tpu.vector_store %arg8[%swap3A_532, %swap3A_533, %swap3A_534], %swap3A_537 {strides = array<i32>} : memref<2x128x128xf32, #tpu.memory_space<vmem>>, vector<1x1x16xf32>,
    %swap3A_538 = arith.constant 0 : i32
    %swap3A_539 = arith.constant 8 : i32
    %swap3A_540 = arith.index_cast %swap3A_538 : i32 to index
    %swap3A_541 = arith.index_cast %swap3A_539 : i32 to index
    %swap3A_542 = arith.constant 32 : index
    %swap3A_543 = tpu.vector_load %arg8[%swap3A_540, %swap3A_541, %swap3A_542] {strides = array<i32>} : memref<2x128x128xf32, #tpu.memory_space<vmem>>, vector<1x1x16xf32>,
    %swap3A_544 = vector.shape_cast %swap3A_543 : vector<1x1x16xf32> to vector<16xf32>
    %swap3A_545 = vector.shape_cast %broadcast_in_dim3A_10 : vector<16xf32> to vector<1x1x16xf32>
    tpu.vector_store %arg8[%swap3A_540, %swap3A_541, %swap3A_542], %swap3A_545 {strides = array<i32>} : memref<2x128x128xf32, #tpu.memory_space<vmem>>, vector<1x1x16xf32>,
    %swap3A_546 = arith.constant 0 : i32
    %swap3A_547 = arith.constant 8 : i32
    %swap3A_548 = arith.index_cast %swap3A_546 : i32 to index
    %swap3A_549 = arith.index_cast %swap3A_547 : i32 to index
    %swap3A_550 = arith.constant 48 : index
    %swap3A_551 = tpu.vector_load %arg8[%swap3A_548, %swap3A_549, %swap3A_550] {strides = array<i32>} : memref<2x128x128xf32, #tpu.memory_space<vmem>>, vector<1x1x16xf32>,
    %swap3A_552 = vector.shape_cast %swap3A_551 : vector<1x1x16xf32> to vector<16xf32>
    %swap3A_553 = vector.shape_cast %broadcast_in_dim3A_10 : vector<16xf32> to vector<1x1x16xf32>
    tpu.vector_store %arg8[%swap3A_548, %swap3A_549, %swap3A_550], %swap3A_553 {strides = array<i32>} : memref<2x128x128xf32, #tpu.memory_space<vmem>>, vector<1x1x16xf32>,
    %swap3A_554 = arith.constant 0 : i32
    %swap3A_555 = arith.constant 8 : i32
    %swap3A_556 = arith.index_cast %swap3A_554 : i32 to index
    %swap3A_557 = arith.index_cast %swap3A_555 : i32 to index
    %swap3A_558 = arith.constant 64 : index
    %swap3A_559 = tpu.vector_load %arg8[%swap3A_556, %swap3A_557, %swap3A_558] {strides = array<i32>} : memref<2x128x128xf32, #tpu.memory_space<vmem>>, vector<1x1x16xf32>,
    %swap3A_560 = vector.shape_cast %swap3A_559 : vector<1x1x16xf32> to vector<16xf32>
    %swap3A_561 = vector.shape_cast %broadcast_in_dim3A_10 : vector<16xf32> to vector<1x1x16xf32>
    tpu.vector_store %arg8[%swap3A_556, %swap3A_557, %swap3A_558], %swap3A_561 {strides = array<i32>} : memref<2x128x128xf32, #tpu.memory_space<vmem>>, vector<1x1x16xf32>,
    %swap3A_562 = arith.constant 0 : i32
    %swap3A_563 = arith.constant 8 : i32
    %swap3A_564 = arith.index_cast %swap3A_562 : i32 to index
    %swap3A_565 = arith.index_cast %swap3A_563 : i32 to index
    %swap3A_566 = arith.constant 80 : index
    %swap3A_567 = tpu.vector_load %arg8[%swap3A_564, %swap3A_565, %swap3A_566] {strides = array<i32>} : memref<2x128x128xf32, #tpu.memory_space<vmem>>, vector<1x1x16xf32>,
    %swap3A_568 = vector.shape_cast %swap3A_567 : vector<1x1x16xf32> to vector<16xf32>
    %swap3A_569 = vector.shape_cast %broadcast_in_dim3A_10 : vector<16xf32> to vector<1x1x16xf32>
    tpu.vector_store %arg8[%swap3A_564, %swap3A_565, %swap3A_566], %swap3A_569 {strides = array<i32>} : memref<2x128x128xf32, #tpu.memory_space<vmem>>, vector<1x1x16xf32>,
    %swap3A_570 = arith.constant 0 : i32
    %swap3A_571 = arith.constant 8 : i32
    %swap3A_572 = arith.index_cast %swap3A_570 : i32 to index
    %swap3A_573 = arith.index_cast %swap3A_571 : i32 to index
    %swap3A_574 = arith.constant 96 : index
    %swap3A_575 = tpu.vector_load %arg8[%swap3A_572, %swap3A_573, %swap3A_574] {strides = array<i32>} : memref<2x128x128xf32, #tpu.memory_space<vmem>>, vector<1x1x16xf32>,
    %swap3A_576 = vector.shape_cast %swap3A_575 : vector<1x1x16xf32> to vector<16xf32>
    %swap3A_577 = vector.shape_cast %broadcast_in_dim3A_10 : vector<16xf32> to vector<1x1x16xf32>
    tpu.vector_store %arg8[%swap3A_572, %swap3A_573, %swap3A_574], %swap3A_577 {strides = array<i32>} : memref<2x128x128xf32, #tpu.memory_space<vmem>>, vector<1x1x16xf32>,
    %swap3A_578 = arith.constant 0 : i32
    %swap3A_579 = arith.constant 8 : i32
    %swap3A_580 = arith.index_cast %swap3A_578 : i32 to index
    %swap3A_581 = arith.index_cast %swap3A_579 : i32 to index
    %swap3A_582 = arith.constant 112 : index
    %swap3A_583 = tpu.vector_load %arg8[%swap3A_580, %swap3A_581, %swap3A_582] {strides = array<i32>} : memref<2x128x128xf32, #tpu.memory_space<vmem>>, vector<1x1x16xf32>,
    %swap3A_584 = vector.shape_cast %swap3A_583 : vector<1x1x16xf32> to vector<16xf32>
    %swap3A_585 = vector.shape_cast %broadcast_in_dim3A_10 : vector<16xf32> to vector<1x1x16xf32>
    tpu.vector_store %arg8[%swap3A_580, %swap3A_581, %swap3A_582], %swap3A_585 {strides = array<i32>} : memref<2x128x128xf32, #tpu.memory_space<vmem>>, vector<1x1x16xf32>,
    %swap3A_586 = arith.constant 0 : i32
    %swap3A_587 = arith.constant 9 : i32
    %swap3A_588 = arith.index_cast %swap3A_586 : i32 to index
    %swap3A_589 = arith.index_cast %swap3A_587 : i32 to index
    %swap3A_590 = arith.constant 0 : index
    %swap3A_591 = tpu.vector_load %arg8[%swap3A_588, %swap3A_589, %swap3A_590] {strides = array<i32>} : memref<2x128x128xf32, #tpu.memory_space<vmem>>, vector<1x1x16xf32>,
    %swap3A_592 = vector.shape_cast %swap3A_591 : vector<1x1x16xf32> to vector<16xf32>
    %swap3A_593 = vector.shape_cast %broadcast_in_dim3A_10 : vector<16xf32> to vector<1x1x16xf32>
    tpu.vector_store %arg8[%swap3A_588, %swap3A_589, %swap3A_590], %swap3A_593 {strides = array<i32>} : memref<2x128x128xf32, #tpu.memory_space<vmem>>, vector<1x1x16xf32>,
    %swap3A_594 = arith.constant 0 : i32
    %swap3A_595 = arith.constant 9 : i32
    %swap3A_596 = arith.index_cast %swap3A_594 : i32 to index
    %swap3A_597 = arith.index_cast %swap3A_595 : i32 to index
    %swap3A_598 = arith.constant 16 : index
    %swap3A_599 = tpu.vector_load %arg8[%swap3A_596, %swap3A_597, %swap3A_598] {strides = array<i32>} : memref<2x128x128xf32, #tpu.memory_space<vmem>>, vector<1x1x16xf32>,
    %swap3A_600 = vector.shape_cast %swap3A_599 : vector<1x1x16xf32> to vector<16xf32>
    %swap3A_601 = vector.shape_cast %broadcast_in_dim3A_10 : vector<16xf32> to vector<1x1x16xf32>
    tpu.vector_store %arg8[%swap3A_596, %swap3A_597, %swap3A_598], %swap3A_601 {strides = array<i32>} : memref<2x128x128xf32, #tpu.memory_space<vmem>>, vector<1x1x16xf32>,
    %swap3A_602 = arith.constant 0 : i32
    %swap3A_603 = arith.constant 9 : i32
    %swap3A_604 = arith.index_cast %swap3A_602 : i32 to index
    %swap3A_605 = arith.index_cast %swap3A_603 : i32 to index
    %swap3A_606 = arith.constant 32 : index
    %swap3A_607 = tpu.vector_load %arg8[%swap3A_604, %swap3A_605, %swap3A_606] {strides = array<i32>} : memref<2x128x128xf32, #tpu.memory_space<vmem>>, vector<1x1x16xf32>,
    %swap3A_608 = vector.shape_cast %swap3A_607 : vector<1x1x16xf32> to vector<16xf32>
    %swap3A_609 = vector.shape_cast %broadcast_in_dim3A_10 : vector<16xf32> to vector<1x1x16xf32>
    tpu.vector_store %arg8[%swap3A_604, %swap3A_605, %swap3A_606], %swap3A_609 {strides = array<i32>} : memref<2x128x128xf32, #tpu.memory_space<vmem>>, vector<1x1x16xf32>,
    %swap3A_610 = arith.constant 0 : i32
    %swap3A_611 = arith.constant 9 : i32
    %swap3A_612 = arith.index_cast %swap3A_610 : i32 to index
    %swap3A_613 = arith.index_cast %swap3A_611 : i32 to index
    %swap3A_614 = arith.constant 48 : index
    %swap3A_615 = tpu.vector_load %arg8[%swap3A_612, %swap3A_613, %swap3A_614] {strides = array<i32>} : memref<2x128x128xf32, #tpu.memory_space<vmem>>, vector<1x1x16xf32>,
    %swap3A_616 = vector.shape_cast %swap3A_615 : vector<1x1x16xf32> to vector<16xf32>
    %swap3A_617 = vector.shape_cast %broadcast_in_dim3A_10 : vector<16xf32> to vector<1x1x16xf32>
    tpu.vector_store %arg8[%swap3A_612, %swap3A_613, %swap3A_614], %swap3A_617 {strides = array<i32>} : memref<2x128x128xf32, #tpu.memory_space<vmem>>, vector<1x1x16xf32>,
    %swap3A_618 = arith.constant 0 : i32
    %swap3A_619 = arith.constant 9 : i32
    %swap3A_620 = arith.index_cast %swap3A_618 : i32 to index
    %swap3A_621 = arith.index_cast %swap3A_619 : i32 to index
    %swap3A_622 = arith.constant 64 : index
    %swap3A_623 = tpu.vector_load %arg8[%swap3A_620, %swap3A_621, %swap3A_622] {strides = array<i32>} : memref<2x128x128xf32, #tpu.memory_space<vmem>>, vector<1x1x16xf32>,
    %swap3A_624 = vector.shape_cast %swap3A_623 : vector<1x1x16xf32> to vector<16xf32>
    %swap3A_625 = vector.shape_cast %broadcast_in_dim3A_10 : vector<16xf32> to vector<1x1x16xf32>
    tpu.vector_store %arg8[%swap3A_620, %swap3A_621, %swap3A_622], %swap3A_625 {strides = array<i32>} : memref<2x128x128xf32, #tpu.memory_space<vmem>>, vector<1x1x16xf32>,
    %swap3A_626 = arith.constant 0 : i32
    %swap3A_627 = arith.constant 9 : i32
    %swap3A_628 = arith.index_cast %swap3A_626 : i32 to index
    %swap3A_629 = arith.index_cast %swap3A_627 : i32 to index
    %swap3A_630 = arith.constant 80 : index
    %swap3A_631 = tpu.vector_load %arg8[%swap3A_628, %swap3A_629, %swap3A_630] {strides = array<i32>} : memref<2x128x128xf32, #tpu.memory_space<vmem>>, vector<1x1x16xf32>,
    %swap3A_632 = vector.shape_cast %swap3A_631 : vector<1x1x16xf32> to vector<16xf32>
    %swap3A_633 = vector.shape_cast %broadcast_in_dim3A_10 : vector<16xf32> to vector<1x1x16xf32>
    tpu.vector_store %arg8[%swap3A_628, %swap3A_629, %swap3A_630], %swap3A_633 {strides = array<i32>} : memref<2x128x128xf32, #tpu.memory_space<vmem>>, vector<1x1x16xf32>,
    %swap3A_634 = arith.constant 0 : i32
    %swap3A_635 = arith.constant 9 : i32
    %swap3A_636 = arith.index_cast %swap3A_634 : i32 to index
    %swap3A_637 = arith.index_cast %swap3A_635 : i32 to index
    %swap3A_638 = arith.constant 96 : index
    %swap3A_639 = tpu.vector_load %arg8[%swap3A_636, %swap3A_637, %swap3A_638] {strides = array<i32>} : memref<2x128x128xf32, #tpu.memory_space<vmem>>, vector<1x1x16xf32>,
    %swap3A_640 = vector.shape_cast %swap3A_639 : vector<1x1x16xf32> to vector<16xf32>
    %swap3A_641 = vector.shape_cast %broadcast_in_dim3A_10 : vector<16xf32> to vector<1x1x16xf32>
    tpu.vector_store %arg8[%swap3A_636, %swap3A_637, %swap3A_638], %swap3A_641 {strides = array<i32>} : memref<2x128x128xf32, #tpu.memory_space<vmem>>, vector<1x1x16xf32>,
    %swap3A_642 = arith.constant 0 : i32
    %swap3A_643 = arith.constant 9 : i32
    %swap3A_644 = arith.index_cast %swap3A_642 : i32 to index
    %swap3A_645 = arith.index_cast %swap3A_643 : i32 to index
    %swap3A_646 = arith.constant 112 : index
    %swap3A_647 = tpu.vector_load %arg8[%swap3A_644, %swap3A_645, %swap3A_646] {strides = array<i32>} : memref<2x128x128xf32, #tpu.memory_space<vmem>>, vector<1x1x16xf32>,
    %swap3A_648 = vector.shape_cast %swap3A_647 : vector<1x1x16xf32> to vector<16xf32>
    %swap3A_649 = vector.shape_cast %broadcast_in_dim3A_10 : vector<16xf32> to vector<1x1x16xf32>
    tpu.vector_store %arg8[%swap3A_644, %swap3A_645, %swap3A_646], %swap3A_649 {strides = array<i32>} : memref<2x128x128xf32, #tpu.memory_space<vmem>>, vector<1x1x16xf32>,
    %swap3A_650 = arith.constant 0 : i32
    %swap3A_651 = arith.constant 10 : i32
    %swap3A_652 = arith.index_cast %swap3A_650 : i32 to index
    %swap3A_653 = arith.index_cast %swap3A_651 : i32 to index
    %swap3A_654 = arith.constant 0 : index
    %swap3A_655 = tpu.vector_load %arg8[%swap3A_652, %swap3A_653, %swap3A_654] {strides = array<i32>} : memref<2x128x128xf32, #tpu.memory_space<vmem>>, vector<1x1x16xf32>,
    %swap3A_656 = vector.shape_cast %swap3A_655 : vector<1x1x16xf32> to vector<16xf32>
    %swap3A_657 = vector.shape_cast %broadcast_in_dim3A_10 : vector<16xf32> to vector<1x1x16xf32>
    tpu.vector_store %arg8[%swap3A_652, %swap3A_653, %swap3A_654], %swap3A_657 {strides = array<i32>} : memref<2x128x128xf32, #tpu.memory_space<vmem>>, vector<1x1x16xf32>,
    %swap3A_658 = arith.constant 0 : i32
    %swap3A_659 = arith.constant 10 : i32
    %swap3A_660 = arith.index_cast %swap3A_658 : i32 to index
    %swap3A_661 = arith.index_cast %swap3A_659 : i32 to index
    %swap3A_662 = arith.constant 16 : index
    %swap3A_663 = tpu.vector_load %arg8[%swap3A_660, %swap3A_661, %swap3A_662] {strides = array<i32>} : memref<2x128x128xf32, #tpu.memory_space<vmem>>, vector<1x1x16xf32>,
    %swap3A_664 = vector.shape_cast %swap3A_663 : vector<1x1x16xf32> to vector<16xf32>
    %swap3A_665 = vector.shape_cast %broadcast_in_dim3A_10 : vector<16xf32> to vector<1x1x16xf32>
    tpu.vector_store %arg8[%swap3A_660, %swap3A_661, %swap3A_662], %swap3A_665 {strides = array<i32>} : memref<2x128x128xf32, #tpu.memory_space<vmem>>, vector<1x1x16xf32>,
    %swap3A_666 = arith.constant 0 : i32
    %swap3A_667 = arith.constant 10 : i32
    %swap3A_668 = arith.index_cast %swap3A_666 : i32 to index
    %swap3A_669 = arith.index_cast %swap3A_667 : i32 to index
    %swap3A_670 = arith.constant 32 : index
    %swap3A_671 = tpu.vector_load %arg8[%swap3A_668, %swap3A_669, %swap3A_670] {strides = array<i32>} : memref<2x128x128xf32, #tpu.memory_space<vmem>>, vector<1x1x16xf32>,
    %swap3A_672 = vector.shape_cast %swap3A_671 : vector<1x1x16xf32> to vector<16xf32>
    %swap3A_673 = vector.shape_cast %broadcast_in_dim3A_10 : vector<16xf32> to vector<1x1x16xf32>
    tpu.vector_store %arg8[%swap3A_668, %swap3A_669, %swap3A_670], %swap3A_673 {strides = array<i32>} : memref<2x128x128xf32, #tpu.memory_space<vmem>>, vector<1x1x16xf32>,
    %swap3A_674 = arith.constant 0 : i32
    %swap3A_675 = arith.constant 10 : i32
    %swap3A_676 = arith.index_cast %swap3A_674 : i32 to index
    %swap3A_677 = arith.index_cast %swap3A_675 : i32 to index
    %swap3A_678 = arith.constant 48 : index
    %swap3A_679 = tpu.vector_load %arg8[%swap3A_676, %swap3A_677, %swap3A_678] {strides = array<i32>} : memref<2x128x128xf32, #tpu.memory_space<vmem>>, vector<1x1x16xf32>,
    %swap3A_680 = vector.shape_cast %swap3A_679 : vector<1x1x16xf32> to vector<16xf32>
    %swap3A_681 = vector.shape_cast %broadcast_in_dim3A_10 : vector<16xf32> to vector<1x1x16xf32>
    tpu.vector_store %arg8[%swap3A_676, %swap3A_677, %swap3A_678], %swap3A_681 {strides = array<i32>} : memref<2x128x128xf32, #tpu.memory_space<vmem>>, vector<1x1x16xf32>,
    %swap3A_682 = arith.constant 0 : i32
    %swap3A_683 = arith.constant 10 : i32
    %swap3A_684 = arith.index_cast %swap3A_682 : i32 to index
    %swap3A_685 = arith.index_cast %swap3A_683 : i32 to index
    %swap3A_686 = arith.constant 64 : index
    %swap3A_687 = tpu.vector_load %arg8[%swap3A_684, %swap3A_685, %swap3A_686] {strides = array<i32>} : memref<2x128x128xf32, #tpu.memory_space<vmem>>, vector<1x1x16xf32>,
    %swap3A_688 = vector.shape_cast %swap3A_687 : vector<1x1x16xf32> to vector<16xf32>
    %swap3A_689 = vector.shape_cast %broadcast_in_dim3A_10 : vector<16xf32> to vector<1x1x16xf32>
    tpu.vector_store %arg8[%swap3A_684, %swap3A_685, %swap3A_686], %swap3A_689 {strides = array<i32>} : memref<2x128x128xf32, #tpu.memory_space<vmem>>, vector<1x1x16xf32>,
    %swap3A_690 = arith.constant 0 : i32
    %swap3A_691 = arith.constant 10 : i32
    %swap3A_692 = arith.index_cast %swap3A_690 : i32 to index
    %swap3A_693 = arith.index_cast %swap3A_691 : i32 to index
    %swap3A_694 = arith.constant 80 : index
    %swap3A_695 = tpu.vector_load %arg8[%swap3A_692, %swap3A_693, %swap3A_694] {strides = array<i32>} : memref<2x128x128xf32, #tpu.memory_space<vmem>>, vector<1x1x16xf32>,
    %swap3A_696 = vector.shape_cast %swap3A_695 : vector<1x1x16xf32> to vector<16xf32>
    %swap3A_697 = vector.shape_cast %broadcast_in_dim3A_10 : vector<16xf32> to vector<1x1x16xf32>
    tpu.vector_store %arg8[%swap3A_692, %swap3A_693, %swap3A_694], %swap3A_697 {strides = array<i32>} : memref<2x128x128xf32, #tpu.memory_space<vmem>>, vector<1x1x16xf32>,
    %swap3A_698 = arith.constant 0 : i32
    %swap3A_699 = arith.constant 10 : i32
    %swap3A_700 = arith.index_cast %swap3A_698 : i32 to index
    %swap3A_701 = arith.index_cast %swap3A_699 : i32 to index
    %swap3A_702 = arith.constant 96 : index
    %swap3A_703 = tpu.vector_load %arg8[%swap3A_700, %swap3A_701, %swap3A_702] {strides = array<i32>} : memref<2x128x128xf32, #tpu.memory_space<vmem>>, vector<1x1x16xf32>,
    %swap3A_704 = vector.shape_cast %swap3A_703 : vector<1x1x16xf32> to vector<16xf32>
    %swap3A_705 = vector.shape_cast %broadcast_in_dim3A_10 : vector<16xf32> to vector<1x1x16xf32>
    tpu.vector_store %arg8[%swap3A_700, %swap3A_701, %swap3A_702], %swap3A_705 {strides = array<i32>} : memref<2x128x128xf32, #tpu.memory_space<vmem>>, vector<1x1x16xf32>,
    %swap3A_706 = arith.constant 0 : i32
    %swap3A_707 = arith.constant 10 : i32
    %swap3A_708 = arith.index_cast %swap3A_706 : i32 to index
    %swap3A_709 = arith.index_cast %swap3A_707 : i32 to index
    %swap3A_710 = arith.constant 112 : index
    %swap3A_711 = tpu.vector_load %arg8[%swap3A_708, %swap3A_709, %swap3A_710] {strides = array<i32>} : memref<2x128x128xf32, #tpu.memory_space<vmem>>, vector<1x1x16xf32>,
    %swap3A_712 = vector.shape_cast %swap3A_711 : vector<1x1x16xf32> to vector<16xf32>
    %swap3A_713 = vector.shape_cast %broadcast_in_dim3A_10 : vector<16xf32> to vector<1x1x16xf32>
    tpu.vector_store %arg8[%swap3A_708, %swap3A_709, %swap3A_710], %swap3A_713 {strides = array<i32>} : memref<2x128x128xf32, #tpu.memory_space<vmem>>, vector<1x1x16xf32>,
    %swap3A_714 = arith.constant 0 : i32
    %swap3A_715 = arith.constant 11 : i32
    %swap3A_716 = arith.index_cast %swap3A_714 : i32 to index
    %swap3A_717 = arith.index_cast %swap3A_715 : i32 to index
    %swap3A_718 = arith.constant 0 : index
    %swap3A_719 = tpu.vector_load %arg8[%swap3A_716, %swap3A_717, %swap3A_718] {strides = array<i32>} : memref<2x128x128xf32, #tpu.memory_space<vmem>>, vector<1x1x16xf32>,
    %swap3A_720 = vector.shape_cast %swap3A_719 : vector<1x1x16xf32> to vector<16xf32>
    %swap3A_721 = vector.shape_cast %broadcast_in_dim3A_10 : vector<16xf32> to vector<1x1x16xf32>
    tpu.vector_store %arg8[%swap3A_716, %swap3A_717, %swap3A_718], %swap3A_721 {strides = array<i32>} : memref<2x128x128xf32, #tpu.memory_space<vmem>>, vector<1x1x16xf32>,
    %swap3A_722 = arith.constant 0 : i32
    %swap3A_723 = arith.constant 11 : i32
    %swap3A_724 = arith.index_cast %swap3A_722 : i32 to index
    %swap3A_725 = arith.index_cast %swap3A_723 : i32 to index
    %swap3A_726 = arith.constant 16 : index
    %swap3A_727 = tpu.vector_load %arg8[%swap3A_724, %swap3A_725, %swap3A_726] {strides = array<i32>} : memref<2x128x128xf32, #tpu.memory_space<vmem>>, vector<1x1x16xf32>,
    %swap3A_728 = vector.shape_cast %swap3A_727 : vector<1x1x16xf32> to vector<16xf32>
    %swap3A_729 = vector.shape_cast %broadcast_in_dim3A_10 : vector<16xf32> to vector<1x1x16xf32>
    tpu.vector_store %arg8[%swap3A_724, %swap3A_725, %swap3A_726], %swap3A_729 {strides = array<i32>} : memref<2x128x128xf32, #tpu.memory_space<vmem>>, vector<1x1x16xf32>,
    %swap3A_730 = arith.constant 0 : i32
    %swap3A_731 = arith.constant 11 : i32
    %swap3A_732 = arith.index_cast %swap3A_730 : i32 to index
    %swap3A_733 = arith.index_cast %swap3A_731 : i32 to index
    %swap3A_734 = arith.constant 32 : index
    %swap3A_735 = tpu.vector_load %arg8[%swap3A_732, %swap3A_733, %swap3A_734] {strides = array<i32>} : memref<2x128x128xf32, #tpu.memory_space<vmem>>, vector<1x1x16xf32>,
    %swap3A_736 = vector.shape_cast %swap3A_735 : vector<1x1x16xf32> to vector<16xf32>
    %swap3A_737 = vector.shape_cast %broadcast_in_dim3A_10 : vector<16xf32> to vector<1x1x16xf32>
    tpu.vector_store %arg8[%swap3A_732, %swap3A_733, %swap3A_734], %swap3A_737 {strides = array<i32>} : memref<2x128x128xf32, #tpu.memory_space<vmem>>, vector<1x1x16xf32>,
    %swap3A_738 = arith.constant 0 : i32
    %swap3A_739 = arith.constant 11 : i32
    %swap3A_740 = arith.index_cast %swap3A_738 : i32 to index
    %swap3A_741 = arith.index_cast %swap3A_739 : i32 to index
    %swap3A_742 = arith.constant 48 : index
    %swap3A_743 = tpu.vector_load %arg8[%swap3A_740, %swap3A_741, %swap3A_742] {strides = array<i32>} : memref<2x128x128xf32, #tpu.memory_space<vmem>>, vector<1x1x16xf32>,
    %swap3A_744 = vector.shape_cast %swap3A_743 : vector<1x1x16xf32> to vector<16xf32>
    %swap3A_745 = vector.shape_cast %broadcast_in_dim3A_10 : vector<16xf32> to vector<1x1x16xf32>
    tpu.vector_store %arg8[%swap3A_740, %swap3A_741, %swap3A_742], %swap3A_745 {strides = array<i32>} : memref<2x128x128xf32, #tpu.memory_space<vmem>>, vector<1x1x16xf32>,
    %swap3A_746 = arith.constant 0 : i32
    %swap3A_747 = arith.constant 11 : i32
    %swap3A_748 = arith.index_cast %swap3A_746 : i32 to index
    %swap3A_749 = arith.index_cast %swap3A_747 : i32 to index
    %swap3A_750 = arith.constant 64 : index
    %swap3A_751 = tpu.vector_load %arg8[%swap3A_748, %swap3A_749, %swap3A_750] {strides = array<i32>} : memref<2x128x128xf32, #tpu.memory_space<vmem>>, vector<1x1x16xf32>,
    %swap3A_752 = vector.shape_cast %swap3A_751 : vector<1x1x16xf32> to vector<16xf32>
    %swap3A_753 = vector.shape_cast %broadcast_in_dim3A_10 : vector<16xf32> to vector<1x1x16xf32>
    tpu.vector_store %arg8[%swap3A_748, %swap3A_749, %swap3A_750], %swap3A_753 {strides = array<i32>} : memref<2x128x128xf32, #tpu.memory_space<vmem>>, vector<1x1x16xf32>,
    %swap3A_754 = arith.constant 0 : i32
    %swap3A_755 = arith.constant 11 : i32
    %swap3A_756 = arith.index_cast %swap3A_754 : i32 to index
    %swap3A_757 = arith.index_cast %swap3A_755 : i32 to index
    %swap3A_758 = arith.constant 80 : index
    %swap3A_759 = tpu.vector_load %arg8[%swap3A_756, %swap3A_757, %swap3A_758] {strides = array<i32>} : memref<2x128x128xf32, #tpu.memory_space<vmem>>, vector<1x1x16xf32>,
    %swap3A_760 = vector.shape_cast %swap3A_759 : vector<1x1x16xf32> to vector<16xf32>
    %swap3A_761 = vector.shape_cast %broadcast_in_dim3A_10 : vector<16xf32> to vector<1x1x16xf32>
    tpu.vector_store %arg8[%swap3A_756, %swap3A_757, %swap3A_758], %swap3A_761 {strides = array<i32>} : memref<2x128x128xf32, #tpu.memory_space<vmem>>, vector<1x1x16xf32>,
    %swap3A_762 = arith.constant 0 : i32
    %swap3A_763 = arith.constant 11 : i32
    %swap3A_764 = arith.index_cast %swap3A_762 : i32 to index
    %swap3A_765 = arith.index_cast %swap3A_763 : i32 to index
    %swap3A_766 = arith.constant 96 : index
    %swap3A_767 = tpu.vector_load %arg8[%swap3A_764, %swap3A_765, %swap3A_766] {strides = array<i32>} : memref<2x128x128xf32, #tpu.memory_space<vmem>>, vector<1x1x16xf32>,
    %swap3A_768 = vector.shape_cast %swap3A_767 : vector<1x1x16xf32> to vector<16xf32>
    %swap3A_769 = vector.shape_cast %broadcast_in_dim3A_10 : vector<16xf32> to vector<1x1x16xf32>
    tpu.vector_store %arg8[%swap3A_764, %swap3A_765, %swap3A_766], %swap3A_769 {strides = array<i32>} : memref<2x128x128xf32, #tpu.memory_space<vmem>>, vector<1x1x16xf32>,
    %swap3A_770 = arith.constant 0 : i32
    %swap3A_771 = arith.constant 11 : i32
    %swap3A_772 = arith.index_cast %swap3A_770 : i32 to index
    %swap3A_773 = arith.index_cast %swap3A_771 : i32 to index
    %swap3A_774 = arith.constant 112 : index
    %swap3A_775 = tpu.vector_load %arg8[%swap3A_772, %swap3A_773, %swap3A_774] {strides = array<i32>} : memref<2x128x128xf32, #tpu.memory_space<vmem>>, vector<1x1x16xf32>,
    %swap3A_776 = vector.shape_cast %swap3A_775 : vector<1x1x16xf32> to vector<16xf32>
    %swap3A_777 = vector.shape_cast %broadcast_in_dim3A_10 : vector<16xf32> to vector<1x1x16xf32>
    tpu.vector_store %arg8[%swap3A_772, %swap3A_773, %swap3A_774], %swap3A_777 {strides = array<i32>} : memref<2x128x128xf32, #tpu.memory_space<vmem>>, vector<1x1x16xf32>,
    %swap3A_778 = arith.constant 0 : i32
    %swap3A_779 = arith.constant 12 : i32
    %swap3A_780 = arith.index_cast %swap3A_778 : i32 to index
    %swap3A_781 = arith.index_cast %swap3A_779 : i32 to index
    %swap3A_782 = arith.constant 0 : index
    %swap3A_783 = tpu.vector_load %arg8[%swap3A_780, %swap3A_781, %swap3A_782] {strides = array<i32>} : memref<2x128x128xf32, #tpu.memory_space<vmem>>, vector<1x1x16xf32>,
    %swap3A_784 = vector.shape_cast %swap3A_783 : vector<1x1x16xf32> to vector<16xf32>
    %swap3A_785 = vector.shape_cast %broadcast_in_dim3A_10 : vector<16xf32> to vector<1x1x16xf32>
    tpu.vector_store %arg8[%swap3A_780, %swap3A_781, %swap3A_782], %swap3A_785 {strides = array<i32>} : memref<2x128x128xf32, #tpu.memory_space<vmem>>, vector<1x1x16xf32>,
    %swap3A_786 = arith.constant 0 : i32
    %swap3A_787 = arith.constant 12 : i32
    %swap3A_788 = arith.index_cast %swap3A_786 : i32 to index
    %swap3A_789 = arith.index_cast %swap3A_787 : i32 to index
    %swap3A_790 = arith.constant 16 : index
    %swap3A_791 = tpu.vector_load %arg8[%swap3A_788, %swap3A_789, %swap3A_790] {strides = array<i32>} : memref<2x128x128xf32, #tpu.memory_space<vmem>>, vector<1x1x16xf32>,
    %swap3A_792 = vector.shape_cast %swap3A_791 : vector<1x1x16xf32> to vector<16xf32>
    %swap3A_793 = vector.shape_cast %broadcast_in_dim3A_10 : vector<16xf32> to vector<1x1x16xf32>
    tpu.vector_store %arg8[%swap3A_788, %swap3A_789, %swap3A_790], %swap3A_793 {strides = array<i32>} : memref<2x128x128xf32, #tpu.memory_space<vmem>>, vector<1x1x16xf32>,
    %swap3A_794 = arith.constant 0 : i32
    %swap3A_795 = arith.constant 12 : i32
    %swap3A_796 = arith.index_cast %swap3A_794 : i32 to index
    %swap3A_797 = arith.index_cast %swap3A_795 : i32 to index
    %swap3A_798 = arith.constant 32 : index
    %swap3A_799 = tpu.vector_load %arg8[%swap3A_796, %swap3A_797, %swap3A_798] {strides = array<i32>} : memref<2x128x128xf32, #tpu.memory_space<vmem>>, vector<1x1x16xf32>,
    %swap3A_800 = vector.shape_cast %swap3A_799 : vector<1x1x16xf32> to vector<16xf32>
    %swap3A_801 = vector.shape_cast %broadcast_in_dim3A_10 : vector<16xf32> to vector<1x1x16xf32>
    tpu.vector_store %arg8[%swap3A_796, %swap3A_797, %swap3A_798], %swap3A_801 {strides = array<i32>} : memref<2x128x128xf32, #tpu.memory_space<vmem>>, vector<1x1x16xf32>,
    %swap3A_802 = arith.constant 0 : i32
    %swap3A_803 = arith.constant 12 : i32
    %swap3A_804 = arith.index_cast %swap3A_802 : i32 to index
    %swap3A_805 = arith.index_cast %swap3A_803 : i32 to index
    %swap3A_806 = arith.constant 48 : index
    %swap3A_807 = tpu.vector_load %arg8[%swap3A_804, %swap3A_805, %swap3A_806] {strides = array<i32>} : memref<2x128x128xf32, #tpu.memory_space<vmem>>, vector<1x1x16xf32>,
    %swap3A_808 = vector.shape_cast %swap3A_807 : vector<1x1x16xf32> to vector<16xf32>
    %swap3A_809 = vector.shape_cast %broadcast_in_dim3A_10 : vector<16xf32> to vector<1x1x16xf32>
    tpu.vector_store %arg8[%swap3A_804, %swap3A_805, %swap3A_806], %swap3A_809 {strides = array<i32>} : memref<2x128x128xf32, #tpu.memory_space<vmem>>, vector<1x1x16xf32>,
    %swap3A_810 = arith.constant 0 : i32
    %swap3A_811 = arith.constant 12 : i32
    %swap3A_812 = arith.index_cast %swap3A_810 : i32 to index
    %swap3A_813 = arith.index_cast %swap3A_811 : i32 to index
    %swap3A_814 = arith.constant 64 : index
    %swap3A_815 = tpu.vector_load %arg8[%swap3A_812, %swap3A_813, %swap3A_814] {strides = array<i32>} : memref<2x128x128xf32, #tpu.memory_space<vmem>>, vector<1x1x16xf32>,
    %swap3A_816 = vector.shape_cast %swap3A_815 : vector<1x1x16xf32> to vector<16xf32>
    %swap3A_817 = vector.shape_cast %broadcast_in_dim3A_10 : vector<16xf32> to vector<1x1x16xf32>
    tpu.vector_store %arg8[%swap3A_812, %swap3A_813, %swap3A_814], %swap3A_817 {strides = array<i32>} : memref<2x128x128xf32, #tpu.memory_space<vmem>>, vector<1x1x16xf32>,
    %swap3A_818 = arith.constant 0 : i32
    %swap3A_819 = arith.constant 12 : i32
    %swap3A_820 = arith.index_cast %swap3A_818 : i32 to index
    %swap3A_821 = arith.index_cast %swap3A_819 : i32 to index
    %swap3A_822 = arith.constant 80 : index
    %swap3A_823 = tpu.vector_load %arg8[%swap3A_820, %swap3A_821, %swap3A_822] {strides = array<i32>} : memref<2x128x128xf32, #tpu.memory_space<vmem>>, vector<1x1x16xf32>,
    %swap3A_824 = vector.shape_cast %swap3A_823 : vector<1x1x16xf32> to vector<16xf32>
    %swap3A_825 = vector.shape_cast %broadcast_in_dim3A_10 : vector<16xf32> to vector<1x1x16xf32>
    tpu.vector_store %arg8[%swap3A_820, %swap3A_821, %swap3A_822], %swap3A_825 {strides = array<i32>} : memref<2x128x128xf32, #tpu.memory_space<vmem>>, vector<1x1x16xf32>,
    %swap3A_826 = arith.constant 0 : i32
    %swap3A_827 = arith.constant 12 : i32
    %swap3A_828 = arith.index_cast %swap3A_826 : i32 to index
    %swap3A_829 = arith.index_cast %swap3A_827 : i32 to index
    %swap3A_830 = arith.constant 96 : index
    %swap3A_831 = tpu.vector_load %arg8[%swap3A_828, %swap3A_829, %swap3A_830] {strides = array<i32>} : memref<2x128x128xf32, #tpu.memory_space<vmem>>, vector<1x1x16xf32>,
    %swap3A_832 = vector.shape_cast %swap3A_831 : vector<1x1x16xf32> to vector<16xf32>
    %swap3A_833 = vector.shape_cast %broadcast_in_dim3A_10 : vector<16xf32> to vector<1x1x16xf32>
    tpu.vector_store %arg8[%swap3A_828, %swap3A_829, %swap3A_830], %swap3A_833 {strides = array<i32>} : memref<2x128x128xf32, #tpu.memory_space<vmem>>, vector<1x1x16xf32>,
    %swap3A_834 = arith.constant 0 : i32
    %swap3A_835 = arith.constant 12 : i32
    %swap3A_836 = arith.index_cast %swap3A_834 : i32 to index
    %swap3A_837 = arith.index_cast %swap3A_835 : i32 to index
    %swap3A_838 = arith.constant 112 : index
    %swap3A_839 = tpu.vector_load %arg8[%swap3A_836, %swap3A_837, %swap3A_838] {strides = array<i32>} : memref<2x128x128xf32, #tpu.memory_space<vmem>>, vector<1x1x16xf32>,
    %swap3A_840 = vector.shape_cast %swap3A_839 : vector<1x1x16xf32> to vector<16xf32>
    %swap3A_841 = vector.shape_cast %broadcast_in_dim3A_10 : vector<16xf32> to vector<1x1x16xf32>
    tpu.vector_store %arg8[%swap3A_836, %swap3A_837, %swap3A_838], %swap3A_841 {strides = array<i32>} : memref<2x128x128xf32, #tpu.memory_space<vmem>>, vector<1x1x16xf32>,
    %swap3A_842 = arith.constant 0 : i32
    %swap3A_843 = arith.constant 13 : i32
    %swap3A_844 = arith.index_cast %swap3A_842 : i32 to index
    %swap3A_845 = arith.index_cast %swap3A_843 : i32 to index
    %swap3A_846 = arith.constant 0 : index
    %swap3A_847 = tpu.vector_load %arg8[%swap3A_844, %swap3A_845, %swap3A_846] {strides = array<i32>} : memref<2x128x128xf32, #tpu.memory_space<vmem>>, vector<1x1x16xf32>,
    %swap3A_848 = vector.shape_cast %swap3A_847 : vector<1x1x16xf32> to vector<16xf32>
    %swap3A_849 = vector.shape_cast %broadcast_in_dim3A_10 : vector<16xf32> to vector<1x1x16xf32>
    tpu.vector_store %arg8[%swap3A_844, %swap3A_845, %swap3A_846], %swap3A_849 {strides = array<i32>} : memref<2x128x128xf32, #tpu.memory_space<vmem>>, vector<1x1x16xf32>,
    %swap3A_850 = arith.constant 0 : i32
    %swap3A_851 = arith.constant 13 : i32
    %swap3A_852 = arith.index_cast %swap3A_850 : i32 to index
    %swap3A_853 = arith.index_cast %swap3A_851 : i32 to index
    %swap3A_854 = arith.constant 16 : index
    %swap3A_855 = tpu.vector_load %arg8[%swap3A_852, %swap3A_853, %swap3A_854] {strides = array<i32>} : memref<2x128x128xf32, #tpu.memory_space<vmem>>, vector<1x1x16xf32>,
    %swap3A_856 = vector.shape_cast %swap3A_855 : vector<1x1x16xf32> to vector<16xf32>
    %swap3A_857 = vector.shape_cast %broadcast_in_dim3A_10 : vector<16xf32> to vector<1x1x16xf32>
    tpu.vector_store %arg8[%swap3A_852, %swap3A_853, %swap3A_854], %swap3A_857 {strides = array<i32>} : memref<2x128x128xf32, #tpu.memory_space<vmem>>, vector<1x1x16xf32>,
    %swap3A_858 = arith.constant 0 : i32
    %swap3A_859 = arith.constant 13 : i32
    %swap3A_860 = arith.index_cast %swap3A_858 : i32 to index
    %swap3A_861 = arith.index_cast %swap3A_859 : i32 to index
    %swap3A_862 = arith.constant 32 : index
    %swap3A_863 = tpu.vector_load %arg8[%swap3A_860, %swap3A_861, %swap3A_862] {strides = array<i32>} : memref<2x128x128xf32, #tpu.memory_space<vmem>>, vector<1x1x16xf32>,
    %swap3A_864 = vector.shape_cast %swap3A_863 : vector<1x1x16xf32> to vector<16xf32>
    %swap3A_865 = vector.shape_cast %broadcast_in_dim3A_10 : vector<16xf32> to vector<1x1x16xf32>
    tpu.vector_store %arg8[%swap3A_860, %swap3A_861, %swap3A_862], %swap3A_865 {strides = array<i32>} : memref<2x128x128xf32, #tpu.memory_space<vmem>>, vector<1x1x16xf32>,
    %swap3A_866 = arith.constant 0 : i32
    %swap3A_867 = arith.constant 13 : i32
    %swap3A_868 = arith.index_cast %swap3A_866 : i32 to index
    %swap3A_869 = arith.index_cast %swap3A_867 : i32 to index
    %swap3A_870 = arith.constant 48 : index
    %swap3A_871 = tpu.vector_load %arg8[%swap3A_868, %swap3A_869, %swap3A_870] {strides = array<i32>} : memref<2x128x128xf32, #tpu.memory_space<vmem>>, vector<1x1x16xf32>,
    %swap3A_872 = vector.shape_cast %swap3A_871 : vector<1x1x16xf32> to vector<16xf32>
    %swap3A_873 = vector.shape_cast %broadcast_in_dim3A_10 : vector<16xf32> to vector<1x1x16xf32>
    tpu.vector_store %arg8[%swap3A_868, %swap3A_869, %swap3A_870], %swap3A_873 {strides = array<i32>} : memref<2x128x128xf32, #tpu.memory_space<vmem>>, vector<1x1x16xf32>,
    %swap3A_874 = arith.constant 0 : i32
    %swap3A_875 = arith.constant 13 : i32
    %swap3A_876 = arith.index_cast %swap3A_874 : i32 to index
    %swap3A_877 = arith.index_cast %swap3A_875 : i32 to index
    %swap3A_878 = arith.constant 64 : index
    %swap3A_879 = tpu.vector_load %arg8[%swap3A_876, %swap3A_877, %swap3A_878] {strides = array<i32>} : memref<2x128x128xf32, #tpu.memory_space<vmem>>, vector<1x1x16xf32>,
    %swap3A_880 = vector.shape_cast %swap3A_879 : vector<1x1x16xf32> to vector<16xf32>
    %swap3A_881 = vector.shape_cast %broadcast_in_dim3A_10 : vector<16xf32> to vector<1x1x16xf32>
    tpu.vector_store %arg8[%swap3A_876, %swap3A_877, %swap3A_878], %swap3A_881 {strides = array<i32>} : memref<2x128x128xf32, #tpu.memory_space<vmem>>, vector<1x1x16xf32>,
    %swap3A_882 = arith.constant 0 : i32
    %swap3A_883 = arith.constant 13 : i32
    %swap3A_884 = arith.index_cast %swap3A_882 : i32 to index
    %swap3A_885 = arith.index_cast %swap3A_883 : i32 to index
    %swap3A_886 = arith.constant 80 : index
    %swap3A_887 = tpu.vector_load %arg8[%swap3A_884, %swap3A_885, %swap3A_886] {strides = array<i32>} : memref<2x128x128xf32, #tpu.memory_space<vmem>>, vector<1x1x16xf32>,
    %swap3A_888 = vector.shape_cast %swap3A_887 : vector<1x1x16xf32> to vector<16xf32>
    %swap3A_889 = vector.shape_cast %broadcast_in_dim3A_10 : vector<16xf32> to vector<1x1x16xf32>
    tpu.vector_store %arg8[%swap3A_884, %swap3A_885, %swap3A_886], %swap3A_889 {strides = array<i32>} : memref<2x128x128xf32, #tpu.memory_space<vmem>>, vector<1x1x16xf32>,
    %swap3A_890 = arith.constant 0 : i32
    %swap3A_891 = arith.constant 13 : i32
    %swap3A_892 = arith.index_cast %swap3A_890 : i32 to index
    %swap3A_893 = arith.index_cast %swap3A_891 : i32 to index
    %swap3A_894 = arith.constant 96 : index
    %swap3A_895 = tpu.vector_load %arg8[%swap3A_892, %swap3A_893, %swap3A_894] {strides = array<i32>} : memref<2x128x128xf32, #tpu.memory_space<vmem>>, vector<1x1x16xf32>,
    %swap3A_896 = vector.shape_cast %swap3A_895 : vector<1x1x16xf32> to vector<16xf32>
    %swap3A_897 = vector.shape_cast %broadcast_in_dim3A_10 : vector<16xf32> to vector<1x1x16xf32>
    tpu.vector_store %arg8[%swap3A_892, %swap3A_893, %swap3A_894], %swap3A_897 {strides = array<i32>} : memref<2x128x128xf32, #tpu.memory_space<vmem>>, vector<1x1x16xf32>,
    %swap3A_898 = arith.constant 0 : i32
    %swap3A_899 = arith.constant 13 : i32
    %swap3A_900 = arith.index_cast %swap3A_898 : i32 to index
    %swap3A_901 = arith.index_cast %swap3A_899 : i32 to index
    %swap3A_902 = arith.constant 112 : index
    %swap3A_903 = tpu.vector_load %arg8[%swap3A_900, %swap3A_901, %swap3A_902] {strides = array<i32>} : memref<2x128x128xf32, #tpu.memory_space<vmem>>, vector<1x1x16xf32>,
    %swap3A_904 = vector.shape_cast %swap3A_903 : vector<1x1x16xf32> to vector<16xf32>
    %swap3A_905 = vector.shape_cast %broadcast_in_dim3A_10 : vector<16xf32> to vector<1x1x16xf32>
    tpu.vector_store %arg8[%swap3A_900, %swap3A_901, %swap3A_902], %swap3A_905 {strides = array<i32>} : memref<2x128x128xf32, #tpu.memory_space<vmem>>, vector<1x1x16xf32>,
    %swap3A_906 = arith.constant 0 : i32
    %swap3A_907 = arith.constant 14 : i32
    %swap3A_908 = arith.index_cast %swap3A_906 : i32 to index
    %swap3A_909 = arith.index_cast %swap3A_907 : i32 to index
    %swap3A_910 = arith.constant 0 : index
    %swap3A_911 = tpu.vector_load %arg8[%swap3A_908, %swap3A_909, %swap3A_910] {strides = array<i32>} : memref<2x128x128xf32, #tpu.memory_space<vmem>>, vector<1x1x16xf32>,
    %swap3A_912 = vector.shape_cast %swap3A_911 : vector<1x1x16xf32> to vector<16xf32>
    %swap3A_913 = vector.shape_cast %broadcast_in_dim3A_10 : vector<16xf32> to vector<1x1x16xf32>
    tpu.vector_store %arg8[%swap3A_908, %swap3A_909, %swap3A_910], %swap3A_913 {strides = array<i32>} : memref<2x128x128xf32, #tpu.memory_space<vmem>>, vector<1x1x16xf32>,
    %swap3A_914 = arith.constant 0 : i32
    %swap3A_915 = arith.constant 14 : i32
    %swap3A_916 = arith.index_cast %swap3A_914 : i32 to index
    %swap3A_917 = arith.index_cast %swap3A_915 : i32 to index
    %swap3A_918 = arith.constant 16 : index
    %swap3A_919 = tpu.vector_load %arg8[%swap3A_916, %swap3A_917, %swap3A_918] {strides = array<i32>} : memref<2x128x128xf32, #tpu.memory_space<vmem>>, vector<1x1x16xf32>,
    %swap3A_920 = vector.shape_cast %swap3A_919 : vector<1x1x16xf32> to vector<16xf32>
    %swap3A_921 = vector.shape_cast %broadcast_in_dim3A_10 : vector<16xf32> to vector<1x1x16xf32>
    tpu.vector_store %arg8[%swap3A_916, %swap3A_917, %swap3A_918], %swap3A_921 {strides = array<i32>} : memref<2x128x128xf32, #tpu.memory_space<vmem>>, vector<1x1x16xf32>,
    %swap3A_922 = arith.constant 0 : i32
    %swap3A_923 = arith.constant 14 : i32
    %swap3A_924 = arith.index_cast %swap3A_922 : i32 to index
    %swap3A_925 = arith.index_cast %swap3A_923 : i32 to index
    %swap3A_926 = arith.constant 32 : index
    %swap3A_927 = tpu.vector_load %arg8[%swap3A_924, %swap3A_925, %swap3A_926] {strides = array<i32>} : memref<2x128x128xf32, #tpu.memory_space<vmem>>, vector<1x1x16xf32>,
    %swap3A_928 = vector.shape_cast %swap3A_927 : vector<1x1x16xf32> to vector<16xf32>
    %swap3A_929 = vector.shape_cast %broadcast_in_dim3A_10 : vector<16xf32> to vector<1x1x16xf32>
    tpu.vector_store %arg8[%swap3A_924, %swap3A_925, %swap3A_926], %swap3A_929 {strides = array<i32>} : memref<2x128x128xf32, #tpu.memory_space<vmem>>, vector<1x1x16xf32>,
    %swap3A_930 = arith.constant 0 : i32
    %swap3A_931 = arith.constant 14 : i32
    %swap3A_932 = arith.index_cast %swap3A_930 : i32 to index
    %swap3A_933 = arith.index_cast %swap3A_931 : i32 to index
    %swap3A_934 = arith.constant 48 : index
    %swap3A_935 = tpu.vector_load %arg8[%swap3A_932, %swap3A_933, %swap3A_934] {strides = array<i32>} : memref<2x128x128xf32, #tpu.memory_space<vmem>>, vector<1x1x16xf32>,
    %swap3A_936 = vector.shape_cast %swap3A_935 : vector<1x1x16xf32> to vector<16xf32>
    %swap3A_937 = vector.shape_cast %broadcast_in_dim3A_10 : vector<16xf32> to vector<1x1x16xf32>
    tpu.vector_store %arg8[%swap3A_932, %swap3A_933, %swap3A_934], %swap3A_937 {strides = array<i32>} : memref<2x128x128xf32, #tpu.memory_space<vmem>>, vector<1x1x16xf32>,
    %swap3A_938 = arith.constant 0 : i32
    %swap3A_939 = arith.constant 14 : i32
    %swap3A_940 = arith.index_cast %swap3A_938 : i32 to index
    %swap3A_941 = arith.index_cast %swap3A_939 : i32 to index
    %swap3A_942 = arith.constant 64 : index
    %swap3A_943 = tpu.vector_load %arg8[%swap3A_940, %swap3A_941, %swap3A_942] {strides = array<i32>} : memref<2x128x128xf32, #tpu.memory_space<vmem>>, vector<1x1x16xf32>,
    %swap3A_944 = vector.shape_cast %swap3A_943 : vector<1x1x16xf32> to vector<16xf32>
    %swap3A_945 = vector.shape_cast %broadcast_in_dim3A_10 : vector<16xf32> to vector<1x1x16xf32>
    tpu.vector_store %arg8[%swap3A_940, %swap3A_941, %swap3A_942], %swap3A_945 {strides = array<i32>} : memref<2x128x128xf32, #tpu.memory_space<vmem>>, vector<1x1x16xf32>,
    %swap3A_946 = arith.constant 0 : i32
    %swap3A_947 = arith.constant 14 : i32
    %swap3A_948 = arith.index_cast %swap3A_946 : i32 to index
    %swap3A_949 = arith.index_cast %swap3A_947 : i32 to index
    %swap3A_950 = arith.constant 80 : index
    %swap3A_951 = tpu.vector_load %arg8[%swap3A_948, %swap3A_949, %swap3A_950] {strides = array<i32>} : memref<2x128x128xf32, #tpu.memory_space<vmem>>, vector<1x1x16xf32>,
    %swap3A_952 = vector.shape_cast %swap3A_951 : vector<1x1x16xf32> to vector<16xf32>
    %swap3A_953 = vector.shape_cast %broadcast_in_dim3A_10 : vector<16xf32> to vector<1x1x16xf32>
    tpu.vector_store %arg8[%swap3A_948, %swap3A_949, %swap3A_950], %swap3A_953 {strides = array<i32>} : memref<2x128x128xf32, #tpu.memory_space<vmem>>, vector<1x1x16xf32>,
    %swap3A_954 = arith.constant 0 : i32
    %swap3A_955 = arith.constant 14 : i32
    %swap3A_956 = arith.index_cast %swap3A_954 : i32 to index
    %swap3A_957 = arith.index_cast %swap3A_955 : i32 to index
    %swap3A_958 = arith.constant 96 : index
    %swap3A_959 = tpu.vector_load %arg8[%swap3A_956, %swap3A_957, %swap3A_958] {strides = array<i32>} : memref<2x128x128xf32, #tpu.memory_space<vmem>>, vector<1x1x16xf32>,
    %swap3A_960 = vector.shape_cast %swap3A_959 : vector<1x1x16xf32> to vector<16xf32>
    %swap3A_961 = vector.shape_cast %broadcast_in_dim3A_10 : vector<16xf32> to vector<1x1x16xf32>
    tpu.vector_store %arg8[%swap3A_956, %swap3A_957, %swap3A_958], %swap3A_961 {strides = array<i32>} : memref<2x128x128xf32, #tpu.memory_space<vmem>>, vector<1x1x16xf32>,
    %swap3A_962 = arith.constant 0 : i32
    %swap3A_963 = arith.constant 14 : i32
    %swap3A_964 = arith.index_cast %swap3A_962 : i32 to index
    %swap3A_965 = arith.index_cast %swap3A_963 : i32 to index
    %swap3A_966 = arith.constant 112 : index
    %swap3A_967 = tpu.vector_load %arg8[%swap3A_964, %swap3A_965, %swap3A_966] {strides = array<i32>} : memref<2x128x128xf32, #tpu.memory_space<vmem>>, vector<1x1x16xf32>,
    %swap3A_968 = vector.shape_cast %swap3A_967 : vector<1x1x16xf32> to vector<16xf32>
    %swap3A_969 = vector.shape_cast %broadcast_in_dim3A_10 : vector<16xf32> to vector<1x1x16xf32>
    tpu.vector_store %arg8[%swap3A_964, %swap3A_965, %swap3A_966], %swap3A_969 {strides = array<i32>} : memref<2x128x128xf32, #tpu.memory_space<vmem>>, vector<1x1x16xf32>,
    %swap3A_970 = arith.constant 0 : i32
    %swap3A_971 = arith.constant 15 : i32
    %swap3A_972 = arith.index_cast %swap3A_970 : i32 to index
    %swap3A_973 = arith.index_cast %swap3A_971 : i32 to index
    %swap3A_974 = arith.constant 0 : index
    %swap3A_975 = tpu.vector_load %arg8[%swap3A_972, %swap3A_973, %swap3A_974] {strides = array<i32>} : memref<2x128x128xf32, #tpu.memory_space<vmem>>, vector<1x1x16xf32>,
    %swap3A_976 = vector.shape_cast %swap3A_975 : vector<1x1x16xf32> to vector<16xf32>
    %swap3A_977 = vector.shape_cast %broadcast_in_dim3A_10 : vector<16xf32> to vector<1x1x16xf32>
    tpu.vector_store %arg8[%swap3A_972, %swap3A_973, %swap3A_974], %swap3A_977 {strides = array<i32>} : memref<2x128x128xf32, #tpu.memory_space<vmem>>, vector<1x1x16xf32>,
    %swap3A_978 = arith.constant 0 : i32
    %swap3A_979 = arith.constant 15 : i32
    %swap3A_980 = arith.index_cast %swap3A_978 : i32 to index
    %swap3A_981 = arith.index_cast %swap3A_979 : i32 to index
    %swap3A_982 = arith.constant 16 : index
    %swap3A_983 = tpu.vector_load %arg8[%swap3A_980, %swap3A_981, %swap3A_982] {strides = array<i32>} : memref<2x128x128xf32, #tpu.memory_space<vmem>>, vector<1x1x16xf32>,
    %swap3A_984 = vector.shape_cast %swap3A_983 : vector<1x1x16xf32> to vector<16xf32>
    %swap3A_985 = vector.shape_cast %broadcast_in_dim3A_10 : vector<16xf32> to vector<1x1x16xf32>
    tpu.vector_store %arg8[%swap3A_980, %swap3A_981, %swap3A_982], %swap3A_985 {strides = array<i32>} : memref<2x128x128xf32, #tpu.memory_space<vmem>>, vector<1x1x16xf32>,
    %swap3A_986 = arith.constant 0 : i32
    %swap3A_987 = arith.constant 15 : i32
    %swap3A_988 = arith.index_cast %swap3A_986 : i32 to index
    %swap3A_989 = arith.index_cast %swap3A_987 : i32 to index
    %swap3A_990 = arith.constant 32 : index
    %swap3A_991 = tpu.vector_load %arg8[%swap3A_988, %swap3A_989, %swap3A_990] {strides = array<i32>} : memref<2x128x128xf32, #tpu.memory_space<vmem>>, vector<1x1x16xf32>,
    %swap3A_992 = vector.shape_cast %swap3A_991 : vector<1x1x16xf32> to vector<16xf32>
    %swap3A_993 = vector.shape_cast %broadcast_in_dim3A_10 : vector<16xf32> to vector<1x1x16xf32>
    tpu.vector_store %arg8[%swap3A_988, %swap3A_989, %swap3A_990], %swap3A_993 {strides = array<i32>} : memref<2x128x128xf32, #tpu.memory_space<vmem>>, vector<1x1x16xf32>,
    %swap3A_994 = arith.constant 0 : i32
    %swap3A_995 = arith.constant 15 : i32
    %swap3A_996 = arith.index_cast %swap3A_994 : i32 to index
    %swap3A_997 = arith.index_cast %swap3A_995 : i32 to index
    %swap3A_998 = arith.constant 48 : index
    %swap3A_999 = tpu.vector_load %arg8[%swap3A_996, %swap3A_997, %swap3A_998] {strides = array<i32>} : memref<2x128x128xf32, #tpu.memory_space<vmem>>, vector<1x1x16xf32>,
    %swap3A_1000 = vector.shape_cast %swap3A_999 : vector<1x1x16xf32> to vector<16xf32>
    %swap3A_1001 = vector.shape_cast %broadcast_in_dim3A_10 : vector<16xf32> to vector<1x1x16xf32>
    tpu.vector_store %arg8[%swap3A_996, %swap3A_997, %swap3A_998], %swap3A_1001 {strides = array<i32>} : memref<2x128x128xf32, #tpu.memory_space<vmem>>, vector<1x1x16xf32>,
    %swap3A_1002 = arith.constant 0 : i32
    %swap3A_1003 = arith.constant 15 : i32
    %swap3A_1004 = arith.index_cast %swap3A_1002 : i32 to index
    %swap3A_1005 = arith.index_cast %swap3A_1003 : i32 to index
    %swap3A_1006 = arith.constant 64 : index
    %swap3A_1007 = tpu.vector_load %arg8[%swap3A_1004, %swap3A_1005, %swap3A_1006] {strides = array<i32>} : memref<2x128x128xf32, #tpu.memory_space<vmem>>, vector<1x1x16xf32>,
    %swap3A_1008 = vector.shape_cast %swap3A_1007 : vector<1x1x16xf32> to vector<16xf32>
    %swap3A_1009 = vector.shape_cast %broadcast_in_dim3A_10 : vector<16xf32> to vector<1x1x16xf32>
    tpu.vector_store %arg8[%swap3A_1004, %swap3A_1005, %swap3A_1006], %swap3A_1009 {strides = array<i32>} : memref<2x128x128xf32, #tpu.memory_space<vmem>>, vector<1x1x16xf32>,
    %swap3A_1010 = arith.constant 0 : i32
    %swap3A_1011 = arith.constant 15 : i32
    %swap3A_1012 = arith.index_cast %swap3A_1010 : i32 to index
    %swap3A_1013 = arith.index_cast %swap3A_1011 : i32 to index
    %swap3A_1014 = arith.constant 80 : index
    %swap3A_1015 = tpu.vector_load %arg8[%swap3A_1012, %swap3A_1013, %swap3A_1014] {strides = array<i32>} : memref<2x128x128xf32, #tpu.memory_space<vmem>>, vector<1x1x16xf32>,
    %swap3A_1016 = vector.shape_cast %swap3A_1015 : vector<1x1x16xf32> to vector<16xf32>
    %swap3A_1017 = vector.shape_cast %broadcast_in_dim3A_10 : vector<16xf32> to vector<1x1x16xf32>
    tpu.vector_store %arg8[%swap3A_1012, %swap3A_1013, %swap3A_1014], %swap3A_1017 {strides = array<i32>} : memref<2x128x128xf32, #tpu.memory_space<vmem>>, vector<1x1x16xf32>,
    %swap3A_1018 = arith.constant 0 : i32
    %swap3A_1019 = arith.constant 15 : i32
    %swap3A_1020 = arith.index_cast %swap3A_1018 : i32 to index
    %swap3A_1021 = arith.index_cast %swap3A_1019 : i32 to index
    %swap3A_1022 = arith.constant 96 : index
    %swap3A_1023 = tpu.vector_load %arg8[%swap3A_1020, %swap3A_1021, %swap3A_1022] {strides = array<i32>} : memref<2x128x128xf32, #tpu.memory_space<vmem>>, vector<1x1x16xf32>,
    %swap3A_1024 = vector.shape_cast %swap3A_1023 : vector<1x1x16xf32> to vector<16xf32>
    %swap3A_1025 = vector.shape_cast %broadcast_in_dim3A_10 : vector<16xf32> to vector<1x1x16xf32>
    tpu.vector_store %arg8[%swap3A_1020, %swap3A_1021, %swap3A_1022], %swap3A_1025 {strides = array<i32>} : memref<2x128x128xf32, #tpu.memory_space<vmem>>, vector<1x1x16xf32>,
    %swap3A_1026 = arith.constant 0 : i32
    %swap3A_1027 = arith.constant 15 : i32
    %swap3A_1028 = arith.index_cast %swap3A_1026 : i32 to index
    %swap3A_1029 = arith.index_cast %swap3A_1027 : i32 to index
    %swap3A_1030 = arith.constant 112 : index
    %swap3A_1031 = tpu.vector_load %arg8[%swap3A_1028, %swap3A_1029, %swap3A_1030] {strides = array<i32>} : memref<2x128x128xf32, #tpu.memory_space<vmem>>, vector<1x1x16xf32>,
    %swap3A_1032 = vector.shape_cast %swap3A_1031 : vector<1x1x16xf32> to vector<16xf32>
    %swap3A_1033 = vector.shape_cast %broadcast_in_dim3A_10 : vector<16xf32> to vector<1x1x16xf32>
    tpu.vector_store %arg8[%swap3A_1028, %swap3A_1029, %swap3A_1030], %swap3A_1033 {strides = array<i32>} : memref<2x128x128xf32, #tpu.memory_space<vmem>>, vector<1x1x16xf32>,
    %scan3A = arith.constant 0 : i32
    %scan3A_1034 = arith.constant 0 : i32
    %scan3A_1035 = arith.constant 40 : i32
    %scan3A_1036 = arith.addi %scan3A_1034, %scan3A_1035 : i32
    %scan3A_1037 = arith.constant 1 : i32
    scf.for %scan3A_1059 = %scan3A_1034 to %scan3A_1036 step %scan3A_1037  : i32 {
      %mul3A_1060 = arith.constant 640 : i32
      %mul3A_1061 = arith.muli %arg1, %mul3A_1060 : i32
      %mul3A_1062 = arith.constant 16 : i32
      %mul3A_1063 = arith.muli %scan3A_1059, %mul3A_1062 : i32
      %add3A_1064 = arith.addi %mul3A_1061, %mul3A_1063 : i32
      %dma_start3A = arith.constant 0 : i32
      %dma_start3A_1065 = arith.constant 0 : i32
      %dma_start3A_1066 = arith.constant 0 : i32
      %dma_start3A_1067 = tpu.memref_slice %arg8[%dma_start3A, %dma_start3A_1065, %dma_start3A_1066] : memref<2x128x128xf32, #tpu.memory_space<vmem>> -> memref<1x16x128xf32, #tpu.memory_space<vmem>>
      %dma_start3A_1068 = tpu.memref_squeeze %dma_start3A_1067 : memref<1x16x128xf32, #tpu.memory_space<vmem>> -> memref<16x128xf32, #tpu.memory_space<vmem>>
      %dma_start3A_1069 = arith.constant 0 : i32
      %dma_start3A_1070 = tpu.memref_slice %arg9[%add3A_1064, %dma_start3A_1069] : memref<10240x128xf32, #tpu.memory_space<vmem_shared>> -> memref<16x128xf32, #tpu.memory_space<vmem_shared>>
      %dma_start3A_1071 = arith.constant 0 : i32
      %dma_start3A_1072 = tpu.memref_slice %arg9[%add3A_1064, %dma_start3A_1071] : memref<10240x128xf32, #tpu.memory_space<vmem_shared>> -> memref<16x128xf32, #tpu.memory_space<vmem_shared>>
      %dma_start3A_1073 = arith.constant 0 : i32
      %dma_start3A_1074 = arith.constant 0 : i32
      %dma_start3A_1075 = tpu.memref_slice %arg8[%dma_start3A, %dma_start3A_1073, %dma_start3A_1074] : memref<2x128x128xf32, #tpu.memory_space<vmem>> -> memref<1x16x128xf32, #tpu.memory_space<vmem>>
      %dma_start3A_1076 = tpu.memref_squeeze %dma_start3A_1075 : memref<1x16x128xf32, #tpu.memory_space<vmem>> -> memref<16x128xf32, #tpu.memory_space<vmem>>
      tpu.enqueue_dma source(%dma_start3A_1076 : memref<16x128xf32, #tpu.memory_space<vmem>>) target(%dma_start3A_1072 : memref<16x128xf32, #tpu.memory_space<vmem_shared>>) target_semaphore(%arg12 : memref<!tpu.dma_semaphore, #tpu.memory_space<semaphore_mem>>)
    }
    %scan3A_1038 = arith.constant 40 : i32
    %scan3A_1039 = arith.constant 0 : i32
    %scan3A_1040 = arith.constant 0 : i32
    %scan3A_1041 = arith.constant 40 : i32
    %scan3A_1042 = arith.addi %scan3A_1040, %scan3A_1041 : i32
    %scan3A_1043 = arith.constant 1 : i32
    scf.for %scan3A_1059 = %scan3A_1040 to %scan3A_1042 step %scan3A_1043  : i32 {
      %mul3A_1060 = arith.constant 640 : i32
      %mul3A_1061 = arith.muli %arg1, %mul3A_1060 : i32
      %mul3A_1062 = arith.constant 16 : i32
      %mul3A_1063 = arith.muli %scan3A_1059, %mul3A_1062 : i32
      %add3A_1064 = arith.addi %mul3A_1061, %mul3A_1063 : i32
      %dma_wait3A = arith.constant 0 : i32
      %dma_wait3A_1065 = arith.constant 0 : i32
      %dma_wait3A_1066 = arith.constant 0 : i32
      %dma_wait3A_1067 = tpu.memref_slice %arg8[%dma_wait3A, %dma_wait3A_1065, %dma_wait3A_1066] : memref<2x128x128xf32, #tpu.memory_space<vmem>> -> memref<1x16x128xf32, #tpu.memory_space<vmem>>
      %dma_wait3A_1068 = tpu.memref_squeeze %dma_wait3A_1067 : memref<1x16x128xf32, #tpu.memory_space<vmem>> -> memref<16x128xf32, #tpu.memory_space<vmem>>
      %dma_wait3A_1069 = arith.constant 0 : i32
      %dma_wait3A_1070 = tpu.memref_slice %arg9[%add3A_1064, %dma_wait3A_1069] : memref<10240x128xf32, #tpu.memory_space<vmem_shared>> -> memref<16x128xf32, #tpu.memory_space<vmem_shared>>
      %dma_wait3A_1071 = arith.constant 0 : i32
      %dma_wait3A_1072 = tpu.memref_slice %arg9[%add3A_1064, %dma_wait3A_1071] : memref<10240x128xf32, #tpu.memory_space<vmem_shared>> -> memref<16x128xf32, #tpu.memory_space<vmem_shared>>
      %dma_wait3A_1073 = arith.constant 0 : i32
      %dma_wait3A_1074 = arith.constant 0 : i32
      %dma_wait3A_1075 = tpu.memref_slice %arg8[%dma_wait3A, %dma_wait3A_1073, %dma_wait3A_1074] : memref<2x128x128xf32, #tpu.memory_space<vmem>> -> memref<1x16x128xf32, #tpu.memory_space<vmem>>
      %dma_wait3A_1076 = tpu.memref_squeeze %dma_wait3A_1075 : memref<1x16x128xf32, #tpu.memory_space<vmem>> -> memref<16x128xf32, #tpu.memory_space<vmem>>
      tpu.wait_dma2 semaphore(%arg12 : memref<!tpu.dma_semaphore, #tpu.memory_space<semaphore_mem>>) src(%dma_wait3A_1076 : memref<16x128xf32, #tpu.memory_space<vmem>>) dst(%dma_wait3A_1072 : memref<16x128xf32, #tpu.memory_space<vmem_shared>>)
    }
    %scan3A_1044 = arith.constant 40 : i32
    %barrier3A = arith.constant 0 : index
    tpu.barrier barrier_id(%barrier3A)
    %while3A = arith.constant 0 : i32
    %while3A_1045 = arith.constant 0 : i32
    %while3A_1046 = arith.subi %select_n3A_2, %while3A_1045 : i32
    %while3A_1047 = arith.addi %while3A_1045, %while3A_1046 : i32
    %while3A_1048 = arith.constant 1 : i32
    %while3A_1049 = arith.divsi %while3A_1046, %while3A_1048 : i32
    %while3A_1050 = arith.muli %while3A_1049, %while3A_1048 : i32
    %while3A_1051 = arith.addi %while3A_1045, %while3A_1050 : i32
    %while3A_1052 = arith.constant 1 : i32
    scf.for %while3A_1059 = %while3A_1045 to %while3A_1051 step %while3A_1052  : i32 {
      %mul3A_1060 = arith.constant 40 : i32
      %mul3A_1061 = arith.muli %while3A_1059, %mul3A_1060 : i32
      %add3A_1062 = arith.addi %select_n3A_9, %mul3A_1061 : i32
      "tpu.region"() ({
        %run_scoped3A = tpu.sem_alloc : memref<!tpu.dma_semaphore, #tpu.memory_space<semaphore_mem>>
        %dma_start3A_1190 = arith.constant 0 : i32
        %dma_start3A_1191 = tpu.memref_slice %arg3[%add3A_1062, %dma_start3A_1190] : memref<2560x128xi32, #tpu.memory_space<hbm>> -> memref<40x128xi32, #tpu.memory_space<hbm>>
        %dma_start3A_1192 = arith.constant 0 : i32
        %dma_start3A_1193 = tpu.memref_slice %arg3[%add3A_1062, %dma_start3A_1192] : memref<2560x128xi32, #tpu.memory_space<hbm>> -> memref<40x128xi32, #tpu.memory_space<hbm>>
        tpu.enqueue_dma source(%dma_start3A_1193 : memref<40x128xi32, #tpu.memory_space<hbm>>) target(%arg6 : memref<40x128xi32, #tpu.memory_space<vmem>>) target_semaphore(%run_scoped3A : memref<!tpu.dma_semaphore, #tpu.memory_space<semaphore_mem>>)
        %dma_wait3A_1194 = arith.constant 0 : i32
        %dma_wait3A_1195 = tpu.memref_slice %arg3[%add3A_1062, %dma_wait3A_1194] : memref<2560x128xi32, #tpu.memory_space<hbm>> -> memref<40x128xi32, #tpu.memory_space<hbm>>
        %dma_wait3A_1196 = arith.constant 0 : i32
        %dma_wait3A_1197 = tpu.memref_slice %arg3[%add3A_1062, %dma_wait3A_1196] : memref<2560x128xi32, #tpu.memory_space<hbm>> -> memref<40x128xi32, #tpu.memory_space<hbm>>
        tpu.wait_dma2 semaphore(%run_scoped3A : memref<!tpu.dma_semaphore, #tpu.memory_space<semaphore_mem>>) src(%dma_wait3A_1197 : memref<40x128xi32, #tpu.memory_space<hbm>>) dst(%arg6 : memref<40x128xi32, #tpu.memory_space<vmem>>)
        tpu.yield
      }) : () -> ()
      %mul3A_1063 = arith.constant 40 : i32
      %mul3A_1064 = arith.muli %while3A_1059, %mul3A_1063 : i32
      %add3A_1065 = arith.addi %select_n3A_9, %mul3A_1064 : i32
      "tpu.region"() ({
        %run_scoped3A = tpu.sem_alloc : memref<!tpu.dma_semaphore, #tpu.memory_space<semaphore_mem>>
        %dma_start3A_1190 = arith.constant 0 : i32
        %dma_start3A_1191 = tpu.memref_slice %arg4[%add3A_1065, %dma_start3A_1190] : memref<2560x128xi32, #tpu.memory_space<hbm>> -> memref<40x128xi32, #tpu.memory_space<hbm>>
        %dma_start3A_1192 = arith.constant 0 : i32
        %dma_start3A_1193 = tpu.memref_slice %arg4[%add3A_1065, %dma_start3A_1192] : memref<2560x128xi32, #tpu.memory_space<hbm>> -> memref<40x128xi32, #tpu.memory_space<hbm>>
        tpu.enqueue_dma source(%dma_start3A_1193 : memref<40x128xi32, #tpu.memory_space<hbm>>) target(%arg7 : memref<40x128xi32, #tpu.memory_space<vmem>>) target_semaphore(%run_scoped3A : memref<!tpu.dma_semaphore, #tpu.memory_space<semaphore_mem>>)
        %dma_wait3A_1194 = arith.constant 0 : i32
        %dma_wait3A_1195 = tpu.memref_slice %arg4[%add3A_1065, %dma_wait3A_1194] : memref<2560x128xi32, #tpu.memory_space<hbm>> -> memref<40x128xi32, #tpu.memory_space<hbm>>
        %dma_wait3A_1196 = arith.constant 0 : i32
        %dma_wait3A_1197 = tpu.memref_slice %arg4[%add3A_1065, %dma_wait3A_1196] : memref<2560x128xi32, #tpu.memory_space<hbm>> -> memref<40x128xi32, #tpu.memory_space<hbm>>
        tpu.wait_dma2 semaphore(%run_scoped3A : memref<!tpu.dma_semaphore, #tpu.memory_space<semaphore_mem>>) src(%dma_wait3A_1197 : memref<40x128xi32, #tpu.memory_space<hbm>>) dst(%arg7 : memref<40x128xi32, #tpu.memory_space<vmem>>)
        tpu.yield
      }) : () -> ()
      %dma_start3A = arith.constant 0 : i32
      %dma_start3A_1066 = arith.constant 0 : i32
      %dma_start3A_1067 = arith.constant 0 : i32
      %dma_start3A_1068 = arith.constant 0 : i32
      %dma_start3A_1069 = arith.constant 0 : i32
      %dma_start3A_1070 = tpu.memref_slice %arg8[%dma_start3A_1066, %dma_start3A_1068, %dma_start3A_1069] : memref<2x128x128xf32, #tpu.memory_space<vmem>> -> memref<1x128x128xf32, #tpu.memory_space<vmem>>
      %dma_start3A_1071 = tpu.memref_squeeze %dma_start3A_1070 : memref<1x128x128xf32, #tpu.memory_space<vmem>> -> memref<128x128xf32, #tpu.memory_space<vmem>>
      %dma_start3A_1072 = arith.constant 0 : i32
      %dma_start3A_1073 = tpu.memref_slice %arg6[%dma_start3A, %dma_start3A_1072] : memref<40x128xi32, #tpu.memory_space<vmem>> -> memref<1x128xi32, #tpu.memory_space<vmem>>
      %dma_start3A_1074 = tpu.memref_squeeze %dma_start3A_1073 : memref<1x128xi32, #tpu.memory_space<vmem>> -> memref<128xi32, #tpu.memory_space<vmem>>
      %dma_start3A_1075 = arith.constant 0 : i32
      %dma_start3A_1076 = arith.constant 0 : i32
      %dma_start3A_1077 = tpu.memref_slice %arg2[%dma_start3A_1075, %dma_start3A_1076] : memref<10000x128xf32, #tpu.memory_space<hbm>> -> memref<10000x128xf32, #tpu.memory_space<hbm>>
      %dma_start3A_1078 = tpu.memref_slice %arg10[%dma_start3A_1067] : memref<2x!tpu.dma_semaphore, #tpu.memory_space<semaphore_mem>> -> memref<1x!tpu.dma_semaphore, #tpu.memory_space<semaphore_mem>>
      %dma_start3A_1079 = tpu.memref_squeeze %dma_start3A_1078 : memref<1x!tpu.dma_semaphore, #tpu.memory_space<semaphore_mem>> -> memref<!tpu.dma_semaphore, #tpu.memory_space<semaphore_mem>>
      tpu.enqueue_indirect_dma source(%dma_start3A_1077 : memref<10000x128xf32, #tpu.memory_space<hbm>>) target(%dma_start3A_1071 : memref<128x128xf32, #tpu.memory_space<vmem>>) offsets(%dma_start3A_1074 : memref<128xi32, #tpu.memory_space<vmem>>) semaphore(%dma_start3A_1079 : memref<!tpu.dma_semaphore, #tpu.memory_space<semaphore_mem>>)
      %dma_start3A_1080 = arith.constant 1 : i32
      %dma_start3A_1081 = arith.constant 1 : i32
      %dma_start3A_1082 = arith.constant 1 : i32
      %dma_start3A_1083 = arith.constant 0 : i32
      %dma_start3A_1084 = arith.constant 0 : i32
      %dma_start3A_1085 = tpu.memref_slice %arg8[%dma_start3A_1081, %dma_start3A_1083, %dma_start3A_1084] : memref<2x128x128xf32, #tpu.memory_space<vmem>> -> memref<1x128x128xf32, #tpu.memory_space<vmem>>
      %dma_start3A_1086 = tpu.memref_squeeze %dma_start3A_1085 : memref<1x128x128xf32, #tpu.memory_space<vmem>> -> memref<128x128xf32, #tpu.memory_space<vmem>>
      %dma_start3A_1087 = arith.constant 0 : i32
      %dma_start3A_1088 = tpu.memref_slice %arg6[%dma_start3A_1080, %dma_start3A_1087] : memref<40x128xi32, #tpu.memory_space<vmem>> -> memref<1x128xi32, #tpu.memory_space<vmem>>
      %dma_start3A_1089 = tpu.memref_squeeze %dma_start3A_1088 : memref<1x128xi32, #tpu.memory_space<vmem>> -> memref<128xi32, #tpu.memory_space<vmem>>
      %dma_start3A_1090 = arith.constant 0 : i32
      %dma_start3A_1091 = arith.constant 0 : i32
      %dma_start3A_1092 = tpu.memref_slice %arg2[%dma_start3A_1090, %dma_start3A_1091] : memref<10000x128xf32, #tpu.memory_space<hbm>> -> memref<10000x128xf32, #tpu.memory_space<hbm>>
      %dma_start3A_1093 = tpu.memref_slice %arg10[%dma_start3A_1082] : memref<2x!tpu.dma_semaphore, #tpu.memory_space<semaphore_mem>> -> memref<1x!tpu.dma_semaphore, #tpu.memory_space<semaphore_mem>>
      %dma_start3A_1094 = tpu.memref_squeeze %dma_start3A_1093 : memref<1x!tpu.dma_semaphore, #tpu.memory_space<semaphore_mem>> -> memref<!tpu.dma_semaphore, #tpu.memory_space<semaphore_mem>>
      tpu.enqueue_indirect_dma source(%dma_start3A_1092 : memref<10000x128xf32, #tpu.memory_space<hbm>>) target(%dma_start3A_1086 : memref<128x128xf32, #tpu.memory_space<vmem>>) offsets(%dma_start3A_1089 : memref<128xi32, #tpu.memory_space<vmem>>) semaphore(%dma_start3A_1094 : memref<!tpu.dma_semaphore, #tpu.memory_space<semaphore_mem>>)
      %dma_wait3A = arith.constant 0 : i32
      %dma_wait3A_1095 = arith.constant 0 : i32
      %dma_wait3A_1096 = arith.constant 0 : i32
      %dma_wait3A_1097 = arith.constant 0 : i32
      %dma_wait3A_1098 = arith.constant 0 : i32
      %dma_wait3A_1099 = tpu.memref_slice %arg8[%dma_wait3A_1095, %dma_wait3A_1097, %dma_wait3A_1098] : memref<2x128x128xf32, #tpu.memory_space<vmem>> -> memref<1x128x128xf32, #tpu.memory_space<vmem>>
      %dma_wait3A_1100 = tpu.memref_squeeze %dma_wait3A_1099 : memref<1x128x128xf32, #tpu.memory_space<vmem>> -> memref<128x128xf32, #tpu.memory_space<vmem>>
      %dma_wait3A_1101 = arith.constant 0 : i32
      %dma_wait3A_1102 = tpu.memref_slice %arg6[%dma_wait3A, %dma_wait3A_1101] : memref<40x128xi32, #tpu.memory_space<vmem>> -> memref<1x128xi32, #tpu.memory_space<vmem>>
      %dma_wait3A_1103 = tpu.memref_squeeze %dma_wait3A_1102 : memref<1x128xi32, #tpu.memory_space<vmem>> -> memref<128xi32, #tpu.memory_space<vmem>>
      %dma_wait3A_1104 = arith.constant 0 : i32
      %dma_wait3A_1105 = arith.constant 0 : i32
      %dma_wait3A_1106 = tpu.memref_slice %arg2[%dma_wait3A_1104, %dma_wait3A_1105] : memref<10000x128xf32, #tpu.memory_space<hbm>> -> memref<10000x128xf32, #tpu.memory_space<hbm>>
      %dma_wait3A_1107 = tpu.memref_slice %arg10[%dma_wait3A_1096] : memref<2x!tpu.dma_semaphore, #tpu.memory_space<semaphore_mem>> -> memref<1x!tpu.dma_semaphore, #tpu.memory_space<semaphore_mem>>
      %dma_wait3A_1108 = tpu.memref_squeeze %dma_wait3A_1107 : memref<1x!tpu.dma_semaphore, #tpu.memory_space<semaphore_mem>> -> memref<!tpu.dma_semaphore, #tpu.memory_space<semaphore_mem>>
      tpu.wait_indirect_dma semaphore(%dma_wait3A_1108 : memref<!tpu.dma_semaphore, #tpu.memory_space<semaphore_mem>>) src(%dma_wait3A_1106 : memref<10000x128xf32, #tpu.memory_space<hbm>>) dst(%dma_wait3A_1100 : memref<128x128xf32, #tpu.memory_space<vmem>>)
      %dma_start3A_1109 = arith.constant 0 : i32
      %dma_start3A_1110 = arith.constant 0 : i32
      %dma_start3A_1111 = arith.constant 0 : i32
      %dma_start3A_1112 = arith.constant 0 : i32
      %dma_start3A_1113 = arith.constant 0 : i32
      %dma_start3A_1114 = tpu.memref_slice %arg8[%dma_start3A_1109, %dma_start3A_1112, %dma_start3A_1113] : memref<2x128x128xf32, #tpu.memory_space<vmem>> -> memref<1x128x128xf32, #tpu.memory_space<vmem>>
      %dma_start3A_1115 = tpu.memref_squeeze %dma_start3A_1114 : memref<1x128x128xf32, #tpu.memory_space<vmem>> -> memref<128x128xf32, #tpu.memory_space<vmem>>
      %dma_start3A_1116 = arith.constant 0 : i32
      %dma_start3A_1117 = tpu.memref_slice %arg7[%dma_start3A_1110, %dma_start3A_1116] : memref<40x128xi32, #tpu.memory_space<vmem>> -> memref<1x128xi32, #tpu.memory_space<vmem>>
      %dma_start3A_1118 = tpu.memref_squeeze %dma_start3A_1117 : memref<1x128xi32, #tpu.memory_space<vmem>> -> memref<128xi32, #tpu.memory_space<vmem>>
      %dma_start3A_1119 = arith.constant 0 : i32
      %dma_start3A_1120 = arith.constant 0 : i32
      %dma_start3A_1121 = tpu.memref_slice %arg9[%dma_start3A_1119, %dma_start3A_1120] : memref<10240x128xf32, #tpu.memory_space<vmem_shared>> -> memref<10240x128xf32, #tpu.memory_space<vmem_shared>>
      %dma_start3A_1122 = tpu.memref_slice %arg11[%dma_start3A_1111] : memref<2x!tpu.dma_semaphore, #tpu.memory_space<semaphore_mem>> -> memref<1x!tpu.dma_semaphore, #tpu.memory_space<semaphore_mem>>
      %dma_start3A_1123 = tpu.memref_squeeze %dma_start3A_1122 : memref<1x!tpu.dma_semaphore, #tpu.memory_space<semaphore_mem>> -> memref<!tpu.dma_semaphore, #tpu.memory_space<semaphore_mem>>
      tpu.enqueue_indirect_dma source(%dma_start3A_1115 : memref<128x128xf32, #tpu.memory_space<vmem>>) target(%dma_start3A_1121 : memref<10240x128xf32, #tpu.memory_space<vmem_shared>>) offsets(%dma_start3A_1118 : memref<128xi32, #tpu.memory_space<vmem>>) semaphore(%dma_start3A_1123 : memref<!tpu.dma_semaphore, #tpu.memory_space<semaphore_mem>>) {add = true}
      %scan3A_1124 = arith.constant 0 : i32
      %scan3A_1125 = arith.constant 1 : i32
      %scan3A_1126 = arith.constant 19 : i32
      %scan3A_1127 = arith.addi %scan3A_1125, %scan3A_1126 : i32
      %scan3A_1128 = arith.constant 1 : i32
      scf.for %scan3A_1190 = %scan3A_1125 to %scan3A_1127 step %scan3A_1128  : i32 {
        %mul3A_1191 = arith.constant 2 : i32
        %mul3A_1192 = arith.muli %scan3A_1190, %mul3A_1191 : i32
        %add3A_1193 = arith.constant 0 : i32
        %add3A_1194 = arith.addi %mul3A_1192, %add3A_1193 : i32
        %sub3A = arith.constant 2 : i32
        %sub3A_1195 = arith.subi %add3A_1194, %sub3A : i32
        %dma_wait3A_1196 = arith.constant 0 : i32
        %dma_wait3A_1197 = arith.constant 0 : i32
        %dma_wait3A_1198 = arith.constant 0 : i32
        %dma_wait3A_1199 = arith.constant 0 : i32
        %dma_wait3A_1200 = tpu.memref_slice %arg8[%dma_wait3A_1196, %dma_wait3A_1198, %dma_wait3A_1199] : memref<2x128x128xf32, #tpu.memory_space<vmem>> -> memref<1x128x128xf32, #tpu.memory_space<vmem>>
        %dma_wait3A_1201 = tpu.memref_squeeze %dma_wait3A_1200 : memref<1x128x128xf32, #tpu.memory_space<vmem>> -> memref<128x128xf32, #tpu.memory_space<vmem>>
        %dma_wait3A_1202 = arith.constant 0 : i32
        %dma_wait3A_1203 = tpu.memref_slice %arg7[%sub3A_1195, %dma_wait3A_1202] : memref<40x128xi32, #tpu.memory_space<vmem>> -> memref<1x128xi32, #tpu.memory_space<vmem>>
        %dma_wait3A_1204 = tpu.memref_squeeze %dma_wait3A_1203 : memref<1x128xi32, #tpu.memory_space<vmem>> -> memref<128xi32, #tpu.memory_space<vmem>>
        %dma_wait3A_1205 = arith.constant 0 : i32
        %dma_wait3A_1206 = arith.constant 0 : i32
        %dma_wait3A_1207 = tpu.memref_slice %arg9[%dma_wait3A_1205, %dma_wait3A_1206] : memref<10240x128xf32, #tpu.memory_space<vmem_shared>> -> memref<10240x128xf32, #tpu.memory_space<vmem_shared>>
        %dma_wait3A_1208 = tpu.memref_slice %arg11[%dma_wait3A_1197] : memref<2x!tpu.dma_semaphore, #tpu.memory_space<semaphore_mem>> -> memref<1x!tpu.dma_semaphore, #tpu.memory_space<semaphore_mem>>
        %dma_wait3A_1209 = tpu.memref_squeeze %dma_wait3A_1208 : memref<1x!tpu.dma_semaphore, #tpu.memory_space<semaphore_mem>> -> memref<!tpu.dma_semaphore, #tpu.memory_space<semaphore_mem>>
        tpu.wait_indirect_dma semaphore(%dma_wait3A_1209 : memref<!tpu.dma_semaphore, #tpu.memory_space<semaphore_mem>>) src(%dma_wait3A_1201 : memref<128x128xf32, #tpu.memory_space<vmem>>) dst(%dma_wait3A_1207 : memref<10240x128xf32, #tpu.memory_space<vmem_shared>>)
        %dma_start3A_1210 = arith.constant 0 : i32
        %dma_start3A_1211 = arith.constant 0 : i32
        %dma_start3A_1212 = arith.constant 0 : i32
        %dma_start3A_1213 = arith.constant 0 : i32
        %dma_start3A_1214 = tpu.memref_slice %arg8[%dma_start3A_1210, %dma_start3A_1212, %dma_start3A_1213] : memref<2x128x128xf32, #tpu.memory_space<vmem>> -> memref<1x128x128xf32, #tpu.memory_space<vmem>>
        %dma_start3A_1215 = tpu.memref_squeeze %dma_start3A_1214 : memref<1x128x128xf32, #tpu.memory_space<vmem>> -> memref<128x128xf32, #tpu.memory_space<vmem>>
        %dma_start3A_1216 = arith.constant 0 : i32
        %dma_start3A_1217 = tpu.memref_slice %arg6[%add3A_1194, %dma_start3A_1216] : memref<40x128xi32, #tpu.memory_space<vmem>> -> memref<1x128xi32, #tpu.memory_space<vmem>>
        %dma_start3A_1218 = tpu.memref_squeeze %dma_start3A_1217 : memref<1x128xi32, #tpu.memory_space<vmem>> -> memref<128xi32, #tpu.memory_space<vmem>>
        %dma_start3A_1219 = arith.constant 0 : i32
        %dma_start3A_1220 = arith.constant 0 : i32
        %dma_start3A_1221 = tpu.memref_slice %arg2[%dma_start3A_1219, %dma_start3A_1220] : memref<10000x128xf32, #tpu.memory_space<hbm>> -> memref<10000x128xf32, #tpu.memory_space<hbm>>
        %dma_start3A_1222 = tpu.memref_slice %arg10[%dma_start3A_1211] : memref<2x!tpu.dma_semaphore, #tpu.memory_space<semaphore_mem>> -> memref<1x!tpu.dma_semaphore, #tpu.memory_space<semaphore_mem>>
        %dma_start3A_1223 = tpu.memref_squeeze %dma_start3A_1222 : memref<1x!tpu.dma_semaphore, #tpu.memory_space<semaphore_mem>> -> memref<!tpu.dma_semaphore, #tpu.memory_space<semaphore_mem>>
        tpu.enqueue_indirect_dma source(%dma_start3A_1221 : memref<10000x128xf32, #tpu.memory_space<hbm>>) target(%dma_start3A_1215 : memref<128x128xf32, #tpu.memory_space<vmem>>) offsets(%dma_start3A_1218 : memref<128xi32, #tpu.memory_space<vmem>>) semaphore(%dma_start3A_1223 : memref<!tpu.dma_semaphore, #tpu.memory_space<semaphore_mem>>)
        %sub3A_1224 = arith.constant 1 : i32
        %sub3A_1225 = arith.subi %add3A_1194, %sub3A_1224 : i32
        %dma_wait3A_1226 = arith.constant 1 : i32
        %dma_wait3A_1227 = arith.constant 1 : i32
        %dma_wait3A_1228 = arith.constant 0 : i32
        %dma_wait3A_1229 = arith.constant 0 : i32
        %dma_wait3A_1230 = tpu.memref_slice %arg8[%dma_wait3A_1226, %dma_wait3A_1228, %dma_wait3A_1229] : memref<2x128x128xf32, #tpu.memory_space<vmem>> -> memref<1x128x128xf32, #tpu.memory_space<vmem>>
        %dma_wait3A_1231 = tpu.memref_squeeze %dma_wait3A_1230 : memref<1x128x128xf32, #tpu.memory_space<vmem>> -> memref<128x128xf32, #tpu.memory_space<vmem>>
        %dma_wait3A_1232 = arith.constant 0 : i32
        %dma_wait3A_1233 = tpu.memref_slice %arg6[%sub3A_1225, %dma_wait3A_1232] : memref<40x128xi32, #tpu.memory_space<vmem>> -> memref<1x128xi32, #tpu.memory_space<vmem>>
        %dma_wait3A_1234 = tpu.memref_squeeze %dma_wait3A_1233 : memref<1x128xi32, #tpu.memory_space<vmem>> -> memref<128xi32, #tpu.memory_space<vmem>>
        %dma_wait3A_1235 = arith.constant 0 : i32
        %dma_wait3A_1236 = arith.constant 0 : i32
        %dma_wait3A_1237 = tpu.memref_slice %arg2[%dma_wait3A_1235, %dma_wait3A_1236] : memref<10000x128xf32, #tpu.memory_space<hbm>> -> memref<10000x128xf32, #tpu.memory_space<hbm>>
        %dma_wait3A_1238 = tpu.memref_slice %arg10[%dma_wait3A_1227] : memref<2x!tpu.dma_semaphore, #tpu.memory_space<semaphore_mem>> -> memref<1x!tpu.dma_semaphore, #tpu.memory_space<semaphore_mem>>
        %dma_wait3A_1239 = tpu.memref_squeeze %dma_wait3A_1238 : memref<1x!tpu.dma_semaphore, #tpu.memory_space<semaphore_mem>> -> memref<!tpu.dma_semaphore, #tpu.memory_space<semaphore_mem>>
        tpu.wait_indirect_dma semaphore(%dma_wait3A_1239 : memref<!tpu.dma_semaphore, #tpu.memory_space<semaphore_mem>>) src(%dma_wait3A_1237 : memref<10000x128xf32, #tpu.memory_space<hbm>>) dst(%dma_wait3A_1231 : memref<128x128xf32, #tpu.memory_space<vmem>>)
        %sub3A_1240 = arith.constant 1 : i32
        %sub3A_1241 = arith.subi %add3A_1194, %sub3A_1240 : i32
        %dma_start3A_1242 = arith.constant 1 : i32
        %dma_start3A_1243 = arith.constant 1 : i32
        %dma_start3A_1244 = arith.constant 0 : i32
        %dma_start3A_1245 = arith.constant 0 : i32
        %dma_start3A_1246 = tpu.memref_slice %arg8[%dma_start3A_1242, %dma_start3A_1244, %dma_start3A_1245] : memref<2x128x128xf32, #tpu.memory_space<vmem>> -> memref<1x128x128xf32, #tpu.memory_space<vmem>>
        %dma_start3A_1247 = tpu.memref_squeeze %dma_start3A_1246 : memref<1x128x128xf32, #tpu.memory_space<vmem>> -> memref<128x128xf32, #tpu.memory_space<vmem>>
        %dma_start3A_1248 = arith.constant 0 : i32
        %dma_start3A_1249 = tpu.memref_slice %arg7[%sub3A_1241, %dma_start3A_1248] : memref<40x128xi32, #tpu.memory_space<vmem>> -> memref<1x128xi32, #tpu.memory_space<vmem>>
        %dma_start3A_1250 = tpu.memref_squeeze %dma_start3A_1249 : memref<1x128xi32, #tpu.memory_space<vmem>> -> memref<128xi32, #tpu.memory_space<vmem>>
        %dma_start3A_1251 = arith.constant 0 : i32
        %dma_start3A_1252 = arith.constant 0 : i32
        %dma_start3A_1253 = tpu.memref_slice %arg9[%dma_start3A_1251, %dma_start3A_1252] : memref<10240x128xf32, #tpu.memory_space<vmem_shared>> -> memref<10240x128xf32, #tpu.memory_space<vmem_shared>>
        %dma_start3A_1254 = tpu.memref_slice %arg11[%dma_start3A_1243] : memref<2x!tpu.dma_semaphore, #tpu.memory_space<semaphore_mem>> -> memref<1x!tpu.dma_semaphore, #tpu.memory_space<semaphore_mem>>
        %dma_start3A_1255 = tpu.memref_squeeze %dma_start3A_1254 : memref<1x!tpu.dma_semaphore, #tpu.memory_space<semaphore_mem>> -> memref<!tpu.dma_semaphore, #tpu.memory_space<semaphore_mem>>
        tpu.enqueue_indirect_dma source(%dma_start3A_1247 : memref<128x128xf32, #tpu.memory_space<vmem>>) target(%dma_start3A_1253 : memref<10240x128xf32, #tpu.memory_space<vmem_shared>>) offsets(%dma_start3A_1250 : memref<128xi32, #tpu.memory_space<vmem>>) semaphore(%dma_start3A_1255 : memref<!tpu.dma_semaphore, #tpu.memory_space<semaphore_mem>>) {add = true}
        %mul3A_1256 = arith.constant 2 : i32
        %mul3A_1257 = arith.muli %scan3A_1190, %mul3A_1256 : i32
        %add3A_1258 = arith.constant 1 : i32
        %add3A_1259 = arith.addi %mul3A_1257, %add3A_1258 : i32
        %sub3A_1260 = arith.constant 2 : i32
        %sub3A_1261 = arith.subi %add3A_1259, %sub3A_1260 : i32
        %dma_wait3A_1262 = arith.constant 1 : i32
        %dma_wait3A_1263 = arith.constant 1 : i32
        %dma_wait3A_1264 = arith.constant 0 : i32
        %dma_wait3A_1265 = arith.constant 0 : i32
        %dma_wait3A_1266 = tpu.memref_slice %arg8[%dma_wait3A_1262, %dma_wait3A_1264, %dma_wait3A_1265] : memref<2x128x128xf32, #tpu.memory_space<vmem>> -> memref<1x128x128xf32, #tpu.memory_space<vmem>>
        %dma_wait3A_1267 = tpu.memref_squeeze %dma_wait3A_1266 : memref<1x128x128xf32, #tpu.memory_space<vmem>> -> memref<128x128xf32, #tpu.memory_space<vmem>>
        %dma_wait3A_1268 = arith.constant 0 : i32
        %dma_wait3A_1269 = tpu.memref_slice %arg7[%sub3A_1261, %dma_wait3A_1268] : memref<40x128xi32, #tpu.memory_space<vmem>> -> memref<1x128xi32, #tpu.memory_space<vmem>>
        %dma_wait3A_1270 = tpu.memref_squeeze %dma_wait3A_1269 : memref<1x128xi32, #tpu.memory_space<vmem>> -> memref<128xi32, #tpu.memory_space<vmem>>
        %dma_wait3A_1271 = arith.constant 0 : i32
        %dma_wait3A_1272 = arith.constant 0 : i32
        %dma_wait3A_1273 = tpu.memref_slice %arg9[%dma_wait3A_1271, %dma_wait3A_1272] : memref<10240x128xf32, #tpu.memory_space<vmem_shared>> -> memref<10240x128xf32, #tpu.memory_space<vmem_shared>>
        %dma_wait3A_1274 = tpu.memref_slice %arg11[%dma_wait3A_1263] : memref<2x!tpu.dma_semaphore, #tpu.memory_space<semaphore_mem>> -> memref<1x!tpu.dma_semaphore, #tpu.memory_space<semaphore_mem>>
        %dma_wait3A_1275 = tpu.memref_squeeze %dma_wait3A_1274 : memref<1x!tpu.dma_semaphore, #tpu.memory_space<semaphore_mem>> -> memref<!tpu.dma_semaphore, #tpu.memory_space<semaphore_mem>>
        tpu.wait_indirect_dma semaphore(%dma_wait3A_1275 : memref<!tpu.dma_semaphore, #tpu.memory_space<semaphore_mem>>) src(%dma_wait3A_1267 : memref<128x128xf32, #tpu.memory_space<vmem>>) dst(%dma_wait3A_1273 : memref<10240x128xf32, #tpu.memory_space<vmem_shared>>)
        %dma_start3A_1276 = arith.constant 1 : i32
        %dma_start3A_1277 = arith.constant 1 : i32
        %dma_start3A_1278 = arith.constant 0 : i32
        %dma_start3A_1279 = arith.constant 0 : i32
        %dma_start3A_1280 = tpu.memref_slice %arg8[%dma_start3A_1276, %dma_start3A_1278, %dma_start3A_1279] : memref<2x128x128xf32, #tpu.memory_space<vmem>> -> memref<1x128x128xf32, #tpu.memory_space<vmem>>
        %dma_start3A_1281 = tpu.memref_squeeze %dma_start3A_1280 : memref<1x128x128xf32, #tpu.memory_space<vmem>> -> memref<128x128xf32, #tpu.memory_space<vmem>>
        %dma_start3A_1282 = arith.constant 0 : i32
        %dma_start3A_1283 = tpu.memref_slice %arg6[%add3A_1259, %dma_start3A_1282] : memref<40x128xi32, #tpu.memory_space<vmem>> -> memref<1x128xi32, #tpu.memory_space<vmem>>
        %dma_start3A_1284 = tpu.memref_squeeze %dma_start3A_1283 : memref<1x128xi32, #tpu.memory_space<vmem>> -> memref<128xi32, #tpu.memory_space<vmem>>
        %dma_start3A_1285 = arith.constant 0 : i32
        %dma_start3A_1286 = arith.constant 0 : i32
        %dma_start3A_1287 = tpu.memref_slice %arg2[%dma_start3A_1285, %dma_start3A_1286] : memref<10000x128xf32, #tpu.memory_space<hbm>> -> memref<10000x128xf32, #tpu.memory_space<hbm>>
        %dma_start3A_1288 = tpu.memref_slice %arg10[%dma_start3A_1277] : memref<2x!tpu.dma_semaphore, #tpu.memory_space<semaphore_mem>> -> memref<1x!tpu.dma_semaphore, #tpu.memory_space<semaphore_mem>>
        %dma_start3A_1289 = tpu.memref_squeeze %dma_start3A_1288 : memref<1x!tpu.dma_semaphore, #tpu.memory_space<semaphore_mem>> -> memref<!tpu.dma_semaphore, #tpu.memory_space<semaphore_mem>>
        tpu.enqueue_indirect_dma source(%dma_start3A_1287 : memref<10000x128xf32, #tpu.memory_space<hbm>>) target(%dma_start3A_1281 : memref<128x128xf32, #tpu.memory_space<vmem>>) offsets(%dma_start3A_1284 : memref<128xi32, #tpu.memory_space<vmem>>) semaphore(%dma_start3A_1289 : memref<!tpu.dma_semaphore, #tpu.memory_space<semaphore_mem>>)
        %sub3A_1290 = arith.constant 1 : i32
        %sub3A_1291 = arith.subi %add3A_1259, %sub3A_1290 : i32
        %dma_wait3A_1292 = arith.constant 0 : i32
        %dma_wait3A_1293 = arith.constant 0 : i32
        %dma_wait3A_1294 = arith.constant 0 : i32
        %dma_wait3A_1295 = arith.constant 0 : i32
        %dma_wait3A_1296 = tpu.memref_slice %arg8[%dma_wait3A_1292, %dma_wait3A_1294, %dma_wait3A_1295] : memref<2x128x128xf32, #tpu.memory_space<vmem>> -> memref<1x128x128xf32, #tpu.memory_space<vmem>>
        %dma_wait3A_1297 = tpu.memref_squeeze %dma_wait3A_1296 : memref<1x128x128xf32, #tpu.memory_space<vmem>> -> memref<128x128xf32, #tpu.memory_space<vmem>>
        %dma_wait3A_1298 = arith.constant 0 : i32
        %dma_wait3A_1299 = tpu.memref_slice %arg6[%sub3A_1291, %dma_wait3A_1298] : memref<40x128xi32, #tpu.memory_space<vmem>> -> memref<1x128xi32, #tpu.memory_space<vmem>>
        %dma_wait3A_1300 = tpu.memref_squeeze %dma_wait3A_1299 : memref<1x128xi32, #tpu.memory_space<vmem>> -> memref<128xi32, #tpu.memory_space<vmem>>
        %dma_wait3A_1301 = arith.constant 0 : i32
        %dma_wait3A_1302 = arith.constant 0 : i32
        %dma_wait3A_1303 = tpu.memref_slice %arg2[%dma_wait3A_1301, %dma_wait3A_1302] : memref<10000x128xf32, #tpu.memory_space<hbm>> -> memref<10000x128xf32, #tpu.memory_space<hbm>>
        %dma_wait3A_1304 = tpu.memref_slice %arg10[%dma_wait3A_1293] : memref<2x!tpu.dma_semaphore, #tpu.memory_space<semaphore_mem>> -> memref<1x!tpu.dma_semaphore, #tpu.memory_space<semaphore_mem>>
        %dma_wait3A_1305 = tpu.memref_squeeze %dma_wait3A_1304 : memref<1x!tpu.dma_semaphore, #tpu.memory_space<semaphore_mem>> -> memref<!tpu.dma_semaphore, #tpu.memory_space<semaphore_mem>>
        tpu.wait_indirect_dma semaphore(%dma_wait3A_1305 : memref<!tpu.dma_semaphore, #tpu.memory_space<semaphore_mem>>) src(%dma_wait3A_1303 : memref<10000x128xf32, #tpu.memory_space<hbm>>) dst(%dma_wait3A_1297 : memref<128x128xf32, #tpu.memory_space<vmem>>)
        %sub3A_1306 = arith.constant 1 : i32
        %sub3A_1307 = arith.subi %add3A_1259, %sub3A_1306 : i32
        %dma_start3A_1308 = arith.constant 0 : i32
        %dma_start3A_1309 = arith.constant 0 : i32
        %dma_start3A_1310 = arith.constant 0 : i32
        %dma_start3A_1311 = arith.constant 0 : i32
        %dma_start3A_1312 = tpu.memref_slice %arg8[%dma_start3A_1308, %dma_start3A_1310, %dma_start3A_1311] : memref<2x128x128xf32, #tpu.memory_space<vmem>> -> memref<1x128x128xf32, #tpu.memory_space<vmem>>
        %dma_start3A_1313 = tpu.memref_squeeze %dma_start3A_1312 : memref<1x128x128xf32, #tpu.memory_space<vmem>> -> memref<128x128xf32, #tpu.memory_space<vmem>>
        %dma_start3A_1314 = arith.constant 0 : i32
        %dma_start3A_1315 = tpu.memref_slice %arg7[%sub3A_1307, %dma_start3A_1314] : memref<40x128xi32, #tpu.memory_space<vmem>> -> memref<1x128xi32, #tpu.memory_space<vmem>>
        %dma_start3A_1316 = tpu.memref_squeeze %dma_start3A_1315 : memref<1x128xi32, #tpu.memory_space<vmem>> -> memref<128xi32, #tpu.memory_space<vmem>>
        %dma_start3A_1317 = arith.constant 0 : i32
        %dma_start3A_1318 = arith.constant 0 : i32
        %dma_start3A_1319 = tpu.memref_slice %arg9[%dma_start3A_1317, %dma_start3A_1318] : memref<10240x128xf32, #tpu.memory_space<vmem_shared>> -> memref<10240x128xf32, #tpu.memory_space<vmem_shared>>
        %dma_start3A_1320 = tpu.memref_slice %arg11[%dma_start3A_1309] : memref<2x!tpu.dma_semaphore, #tpu.memory_space<semaphore_mem>> -> memref<1x!tpu.dma_semaphore, #tpu.memory_space<semaphore_mem>>
        %dma_start3A_1321 = tpu.memref_squeeze %dma_start3A_1320 : memref<1x!tpu.dma_semaphore, #tpu.memory_space<semaphore_mem>> -> memref<!tpu.dma_semaphore, #tpu.memory_space<semaphore_mem>>
        tpu.enqueue_indirect_dma source(%dma_start3A_1313 : memref<128x128xf32, #tpu.memory_space<vmem>>) target(%dma_start3A_1319 : memref<10240x128xf32, #tpu.memory_space<vmem_shared>>) offsets(%dma_start3A_1316 : memref<128xi32, #tpu.memory_space<vmem>>) semaphore(%dma_start3A_1321 : memref<!tpu.dma_semaphore, #tpu.memory_space<semaphore_mem>>) {add = true}
      }
      %scan3A_1129 = arith.constant 19 : i32
      %dma_wait3A_1130 = arith.constant 39 : i32
      %dma_wait3A_1131 = arith.constant 1 : i32
      %dma_wait3A_1132 = arith.constant 1 : i32
      %dma_wait3A_1133 = arith.constant 0 : i32
      %dma_wait3A_1134 = arith.constant 0 : i32
      %dma_wait3A_1135 = tpu.memref_slice %arg8[%dma_wait3A_1131, %dma_wait3A_1133, %dma_wait3A_1134] : memref<2x128x128xf32, #tpu.memory_space<vmem>> -> memref<1x128x128xf32, #tpu.memory_space<vmem>>
      %dma_wait3A_1136 = tpu.memref_squeeze %dma_wait3A_1135 : memref<1x128x128xf32, #tpu.memory_space<vmem>> -> memref<128x128xf32, #tpu.memory_space<vmem>>
      %dma_wait3A_1137 = arith.constant 0 : i32
      %dma_wait3A_1138 = tpu.memref_slice %arg6[%dma_wait3A_1130, %dma_wait3A_1137] : memref<40x128xi32, #tpu.memory_space<vmem>> -> memref<1x128xi32, #tpu.memory_space<vmem>>
      %dma_wait3A_1139 = tpu.memref_squeeze %dma_wait3A_1138 : memref<1x128xi32, #tpu.memory_space<vmem>> -> memref<128xi32, #tpu.memory_space<vmem>>
      %dma_wait3A_1140 = arith.constant 0 : i32
      %dma_wait3A_1141 = arith.constant 0 : i32
      %dma_wait3A_1142 = tpu.memref_slice %arg2[%dma_wait3A_1140, %dma_wait3A_1141] : memref<10000x128xf32, #tpu.memory_space<hbm>> -> memref<10000x128xf32, #tpu.memory_space<hbm>>
      %dma_wait3A_1143 = tpu.memref_slice %arg10[%dma_wait3A_1132] : memref<2x!tpu.dma_semaphore, #tpu.memory_space<semaphore_mem>> -> memref<1x!tpu.dma_semaphore, #tpu.memory_space<semaphore_mem>>
      %dma_wait3A_1144 = tpu.memref_squeeze %dma_wait3A_1143 : memref<1x!tpu.dma_semaphore, #tpu.memory_space<semaphore_mem>> -> memref<!tpu.dma_semaphore, #tpu.memory_space<semaphore_mem>>
      tpu.wait_indirect_dma semaphore(%dma_wait3A_1144 : memref<!tpu.dma_semaphore, #tpu.memory_space<semaphore_mem>>) src(%dma_wait3A_1142 : memref<10000x128xf32, #tpu.memory_space<hbm>>) dst(%dma_wait3A_1136 : memref<128x128xf32, #tpu.memory_space<vmem>>)
      %dma_start3A_1145 = arith.constant 1 : i32
      %dma_start3A_1146 = arith.constant 39 : i32
      %dma_start3A_1147 = arith.constant 1 : i32
      %dma_start3A_1148 = arith.constant 0 : i32
      %dma_start3A_1149 = arith.constant 0 : i32
      %dma_start3A_1150 = tpu.memref_slice %arg8[%dma_start3A_1145, %dma_start3A_1148, %dma_start3A_1149] : memref<2x128x128xf32, #tpu.memory_space<vmem>> -> memref<1x128x128xf32, #tpu.memory_space<vmem>>
      %dma_start3A_1151 = tpu.memref_squeeze %dma_start3A_1150 : memref<1x128x128xf32, #tpu.memory_space<vmem>> -> memref<128x128xf32, #tpu.memory_space<vmem>>
      %dma_start3A_1152 = arith.constant 0 : i32
      %dma_start3A_1153 = tpu.memref_slice %arg7[%dma_start3A_1146, %dma_start3A_1152] : memref<40x128xi32, #tpu.memory_space<vmem>> -> memref<1x128xi32, #tpu.memory_space<vmem>>
      %dma_start3A_1154 = tpu.memref_squeeze %dma_start3A_1153 : memref<1x128xi32, #tpu.memory_space<vmem>> -> memref<128xi32, #tpu.memory_space<vmem>>
      %dma_start3A_1155 = arith.constant 0 : i32
      %dma_start3A_1156 = arith.constant 0 : i32
      %dma_start3A_1157 = tpu.memref_slice %arg9[%dma_start3A_1155, %dma_start3A_1156] : memref<10240x128xf32, #tpu.memory_space<vmem_shared>> -> memref<10240x128xf32, #tpu.memory_space<vmem_shared>>
      %dma_start3A_1158 = tpu.memref_slice %arg11[%dma_start3A_1147] : memref<2x!tpu.dma_semaphore, #tpu.memory_space<semaphore_mem>> -> memref<1x!tpu.dma_semaphore, #tpu.memory_space<semaphore_mem>>
      %dma_start3A_1159 = tpu.memref_squeeze %dma_start3A_1158 : memref<1x!tpu.dma_semaphore, #tpu.memory_space<semaphore_mem>> -> memref<!tpu.dma_semaphore, #tpu.memory_space<semaphore_mem>>
      tpu.enqueue_indirect_dma source(%dma_start3A_1151 : memref<128x128xf32, #tpu.memory_space<vmem>>) target(%dma_start3A_1157 : memref<10240x128xf32, #tpu.memory_space<vmem_shared>>) offsets(%dma_start3A_1154 : memref<128xi32, #tpu.memory_space<vmem>>) semaphore(%dma_start3A_1159 : memref<!tpu.dma_semaphore, #tpu.memory_space<semaphore_mem>>) {add = true}
      %dma_wait3A_1160 = arith.constant 0 : i32
      %dma_wait3A_1161 = arith.constant 38 : i32
      %dma_wait3A_1162 = arith.constant 0 : i32
      %dma_wait3A_1163 = arith.constant 0 : i32
      %dma_wait3A_1164 = arith.constant 0 : i32
      %dma_wait3A_1165 = tpu.memref_slice %arg8[%dma_wait3A_1160, %dma_wait3A_1163, %dma_wait3A_1164] : memref<2x128x128xf32, #tpu.memory_space<vmem>> -> memref<1x128x128xf32, #tpu.memory_space<vmem>>
      %dma_wait3A_1166 = tpu.memref_squeeze %dma_wait3A_1165 : memref<1x128x128xf32, #tpu.memory_space<vmem>> -> memref<128x128xf32, #tpu.memory_space<vmem>>
      %dma_wait3A_1167 = arith.constant 0 : i32
      %dma_wait3A_1168 = tpu.memref_slice %arg7[%dma_wait3A_1161, %dma_wait3A_1167] : memref<40x128xi32, #tpu.memory_space<vmem>> -> memref<1x128xi32, #tpu.memory_space<vmem>>
      %dma_wait3A_1169 = tpu.memref_squeeze %dma_wait3A_1168 : memref<1x128xi32, #tpu.memory_space<vmem>> -> memref<128xi32, #tpu.memory_space<vmem>>
      %dma_wait3A_1170 = arith.constant 0 : i32
      %dma_wait3A_1171 = arith.constant 0 : i32
      %dma_wait3A_1172 = tpu.memref_slice %arg9[%dma_wait3A_1170, %dma_wait3A_1171] : memref<10240x128xf32, #tpu.memory_space<vmem_shared>> -> memref<10240x128xf32, #tpu.memory_space<vmem_shared>>
      %dma_wait3A_1173 = tpu.memref_slice %arg11[%dma_wait3A_1162] : memref<2x!tpu.dma_semaphore, #tpu.memory_space<semaphore_mem>> -> memref<1x!tpu.dma_semaphore, #tpu.memory_space<semaphore_mem>>
      %dma_wait3A_1174 = tpu.memref_squeeze %dma_wait3A_1173 : memref<1x!tpu.dma_semaphore, #tpu.memory_space<semaphore_mem>> -> memref<!tpu.dma_semaphore, #tpu.memory_space<semaphore_mem>>
      tpu.wait_indirect_dma semaphore(%dma_wait3A_1174 : memref<!tpu.dma_semaphore, #tpu.memory_space<semaphore_mem>>) src(%dma_wait3A_1166 : memref<128x128xf32, #tpu.memory_space<vmem>>) dst(%dma_wait3A_1172 : memref<10240x128xf32, #tpu.memory_space<vmem_shared>>)
      %dma_wait3A_1175 = arith.constant 1 : i32
      %dma_wait3A_1176 = arith.constant 39 : i32
      %dma_wait3A_1177 = arith.constant 1 : i32
      %dma_wait3A_1178 = arith.constant 0 : i32
      %dma_wait3A_1179 = arith.constant 0 : i32
      %dma_wait3A_1180 = tpu.memref_slice %arg8[%dma_wait3A_1175, %dma_wait3A_1178, %dma_wait3A_1179] : memref<2x128x128xf32, #tpu.memory_space<vmem>> -> memref<1x128x128xf32, #tpu.memory_space<vmem>>
      %dma_wait3A_1181 = tpu.memref_squeeze %dma_wait3A_1180 : memref<1x128x128xf32, #tpu.memory_space<vmem>> -> memref<128x128xf32, #tpu.memory_space<vmem>>
      %dma_wait3A_1182 = arith.constant 0 : i32
      %dma_wait3A_1183 = tpu.memref_slice %arg7[%dma_wait3A_1176, %dma_wait3A_1182] : memref<40x128xi32, #tpu.memory_space<vmem>> -> memref<1x128xi32, #tpu.memory_space<vmem>>
      %dma_wait3A_1184 = tpu.memref_squeeze %dma_wait3A_1183 : memref<1x128xi32, #tpu.memory_space<vmem>> -> memref<128xi32, #tpu.memory_space<vmem>>
      %dma_wait3A_1185 = arith.constant 0 : i32
      %dma_wait3A_1186 = arith.constant 0 : i32
      %dma_wait3A_1187 = tpu.memref_slice %arg9[%dma_wait3A_1185, %dma_wait3A_1186] : memref<10240x128xf32, #tpu.memory_space<vmem_shared>> -> memref<10240x128xf32, #tpu.memory_space<vmem_shared>>
      %dma_wait3A_1188 = tpu.memref_slice %arg11[%dma_wait3A_1177] : memref<2x!tpu.dma_semaphore, #tpu.memory_space<semaphore_mem>> -> memref<1x!tpu.dma_semaphore, #tpu.memory_space<semaphore_mem>>
      %dma_wait3A_1189 = tpu.memref_squeeze %dma_wait3A_1188 : memref<1x!tpu.dma_semaphore, #tpu.memory_space<semaphore_mem>> -> memref<!tpu.dma_semaphore, #tpu.memory_space<semaphore_mem>>
      tpu.wait_indirect_dma semaphore(%dma_wait3A_1189 : memref<!tpu.dma_semaphore, #tpu.memory_space<semaphore_mem>>) src(%dma_wait3A_1181 : memref<128x128xf32, #tpu.memory_space<vmem>>) dst(%dma_wait3A_1187 : memref<10240x128xf32, #tpu.memory_space<vmem_shared>>)
    }
    %while3A_1053 = arith.constant 1 : i32
    scf.for %while3A_1059 = %while3A_1051 to %while3A_1047 step %while3A_1053  : i32 {
      %mul3A_1060 = arith.constant 40 : i32
      %mul3A_1061 = arith.muli %while3A_1059, %mul3A_1060 : i32
      %add3A_1062 = arith.addi %select_n3A_9, %mul3A_1061 : i32
      "tpu.region"() ({
        %run_scoped3A = tpu.sem_alloc : memref<!tpu.dma_semaphore, #tpu.memory_space<semaphore_mem>>
        %dma_start3A_1190 = arith.constant 0 : i32
        %dma_start3A_1191 = tpu.memref_slice %arg3[%add3A_1062, %dma_start3A_1190] : memref<2560x128xi32, #tpu.memory_space<hbm>> -> memref<40x128xi32, #tpu.memory_space<hbm>>
        %dma_start3A_1192 = arith.constant 0 : i32
        %dma_start3A_1193 = tpu.memref_slice %arg3[%add3A_1062, %dma_start3A_1192] : memref<2560x128xi32, #tpu.memory_space<hbm>> -> memref<40x128xi32, #tpu.memory_space<hbm>>
        tpu.enqueue_dma source(%dma_start3A_1193 : memref<40x128xi32, #tpu.memory_space<hbm>>) target(%arg6 : memref<40x128xi32, #tpu.memory_space<vmem>>) target_semaphore(%run_scoped3A : memref<!tpu.dma_semaphore, #tpu.memory_space<semaphore_mem>>)
        %dma_wait3A_1194 = arith.constant 0 : i32
        %dma_wait3A_1195 = tpu.memref_slice %arg3[%add3A_1062, %dma_wait3A_1194] : memref<2560x128xi32, #tpu.memory_space<hbm>> -> memref<40x128xi32, #tpu.memory_space<hbm>>
        %dma_wait3A_1196 = arith.constant 0 : i32
        %dma_wait3A_1197 = tpu.memref_slice %arg3[%add3A_1062, %dma_wait3A_1196] : memref<2560x128xi32, #tpu.memory_space<hbm>> -> memref<40x128xi32, #tpu.memory_space<hbm>>
        tpu.wait_dma2 semaphore(%run_scoped3A : memref<!tpu.dma_semaphore, #tpu.memory_space<semaphore_mem>>) src(%dma_wait3A_1197 : memref<40x128xi32, #tpu.memory_space<hbm>>) dst(%arg6 : memref<40x128xi32, #tpu.memory_space<vmem>>)
        tpu.yield
      }) : () -> ()
      %mul3A_1063 = arith.constant 40 : i32
      %mul3A_1064 = arith.muli %while3A_1059, %mul3A_1063 : i32
      %add3A_1065 = arith.addi %select_n3A_9, %mul3A_1064 : i32
      "tpu.region"() ({
        %run_scoped3A = tpu.sem_alloc : memref<!tpu.dma_semaphore, #tpu.memory_space<semaphore_mem>>
        %dma_start3A_1190 = arith.constant 0 : i32
        %dma_start3A_1191 = tpu.memref_slice %arg4[%add3A_1065, %dma_start3A_1190] : memref<2560x128xi32, #tpu.memory_space<hbm>> -> memref<40x128xi32, #tpu.memory_space<hbm>>
        %dma_start3A_1192 = arith.constant 0 : i32
        %dma_start3A_1193 = tpu.memref_slice %arg4[%add3A_1065, %dma_start3A_1192] : memref<2560x128xi32, #tpu.memory_space<hbm>> -> memref<40x128xi32, #tpu.memory_space<hbm>>
        tpu.enqueue_dma source(%dma_start3A_1193 : memref<40x128xi32, #tpu.memory_space<hbm>>) target(%arg7 : memref<40x128xi32, #tpu.memory_space<vmem>>) target_semaphore(%run_scoped3A : memref<!tpu.dma_semaphore, #tpu.memory_space<semaphore_mem>>)
        %dma_wait3A_1194 = arith.constant 0 : i32
        %dma_wait3A_1195 = tpu.memref_slice %arg4[%add3A_1065, %dma_wait3A_1194] : memref<2560x128xi32, #tpu.memory_space<hbm>> -> memref<40x128xi32, #tpu.memory_space<hbm>>
        %dma_wait3A_1196 = arith.constant 0 : i32
        %dma_wait3A_1197 = tpu.memref_slice %arg4[%add3A_1065, %dma_wait3A_1196] : memref<2560x128xi32, #tpu.memory_space<hbm>> -> memref<40x128xi32, #tpu.memory_space<hbm>>
        tpu.wait_dma2 semaphore(%run_scoped3A : memref<!tpu.dma_semaphore, #tpu.memory_space<semaphore_mem>>) src(%dma_wait3A_1197 : memref<40x128xi32, #tpu.memory_space<hbm>>) dst(%arg7 : memref<40x128xi32, #tpu.memory_space<vmem>>)
        tpu.yield
      }) : () -> ()
      %dma_start3A = arith.constant 0 : i32
      %dma_start3A_1066 = arith.constant 0 : i32
      %dma_start3A_1067 = arith.constant 0 : i32
      %dma_start3A_1068 = arith.constant 0 : i32
      %dma_start3A_1069 = arith.constant 0 : i32
      %dma_start3A_1070 = tpu.memref_slice %arg8[%dma_start3A_1066, %dma_start3A_1068, %dma_start3A_1069] : memref<2x128x128xf32, #tpu.memory_space<vmem>> -> memref<1x128x128xf32, #tpu.memory_space<vmem>>
      %dma_start3A_1071 = tpu.memref_squeeze %dma_start3A_1070 : memref<1x128x128xf32, #tpu.memory_space<vmem>> -> memref<128x128xf32, #tpu.memory_space<vmem>>
      %dma_start3A_1072 = arith.constant 0 : i32
      %dma_start3A_1073 = tpu.memref_slice %arg6[%dma_start3A, %dma_start3A_1072] : memref<40x128xi32, #tpu.memory_space<vmem>> -> memref<1x128xi32, #tpu.memory_space<vmem>>
      %dma_start3A_1074 = tpu.memref_squeeze %dma_start3A_1073 : memref<1x128xi32, #tpu.memory_space<vmem>> -> memref<128xi32, #tpu.memory_space<vmem>>
      %dma_start3A_1075 = arith.constant 0 : i32
      %dma_start3A_1076 = arith.constant 0 : i32
      %dma_start3A_1077 = tpu.memref_slice %arg2[%dma_start3A_1075, %dma_start3A_1076] : memref<10000x128xf32, #tpu.memory_space<hbm>> -> memref<10000x128xf32, #tpu.memory_space<hbm>>
      %dma_start3A_1078 = tpu.memref_slice %arg10[%dma_start3A_1067] : memref<2x!tpu.dma_semaphore, #tpu.memory_space<semaphore_mem>> -> memref<1x!tpu.dma_semaphore, #tpu.memory_space<semaphore_mem>>
      %dma_start3A_1079 = tpu.memref_squeeze %dma_start3A_1078 : memref<1x!tpu.dma_semaphore, #tpu.memory_space<semaphore_mem>> -> memref<!tpu.dma_semaphore, #tpu.memory_space<semaphore_mem>>
      tpu.enqueue_indirect_dma source(%dma_start3A_1077 : memref<10000x128xf32, #tpu.memory_space<hbm>>) target(%dma_start3A_1071 : memref<128x128xf32, #tpu.memory_space<vmem>>) offsets(%dma_start3A_1074 : memref<128xi32, #tpu.memory_space<vmem>>) semaphore(%dma_start3A_1079 : memref<!tpu.dma_semaphore, #tpu.memory_space<semaphore_mem>>)
      %dma_start3A_1080 = arith.constant 1 : i32
      %dma_start3A_1081 = arith.constant 1 : i32
      %dma_start3A_1082 = arith.constant 1 : i32
      %dma_start3A_1083 = arith.constant 0 : i32
      %dma_start3A_1084 = arith.constant 0 : i32
      %dma_start3A_1085 = tpu.memref_slice %arg8[%dma_start3A_1081, %dma_start3A_1083, %dma_start3A_1084] : memref<2x128x128xf32, #tpu.memory_space<vmem>> -> memref<1x128x128xf32, #tpu.memory_space<vmem>>
      %dma_start3A_1086 = tpu.memref_squeeze %dma_start3A_1085 : memref<1x128x128xf32, #tpu.memory_space<vmem>> -> memref<128x128xf32, #tpu.memory_space<vmem>>
      %dma_start3A_1087 = arith.constant 0 : i32
      %dma_start3A_1088 = tpu.memref_slice %arg6[%dma_start3A_1080, %dma_start3A_1087] : memref<40x128xi32, #tpu.memory_space<vmem>> -> memref<1x128xi32, #tpu.memory_space<vmem>>
      %dma_start3A_1089 = tpu.memref_squeeze %dma_start3A_1088 : memref<1x128xi32, #tpu.memory_space<vmem>> -> memref<128xi32, #tpu.memory_space<vmem>>
      %dma_start3A_1090 = arith.constant 0 : i32
      %dma_start3A_1091 = arith.constant 0 : i32
      %dma_start3A_1092 = tpu.memref_slice %arg2[%dma_start3A_1090, %dma_start3A_1091] : memref<10000x128xf32, #tpu.memory_space<hbm>> -> memref<10000x128xf32, #tpu.memory_space<hbm>>
      %dma_start3A_1093 = tpu.memref_slice %arg10[%dma_start3A_1082] : memref<2x!tpu.dma_semaphore, #tpu.memory_space<semaphore_mem>> -> memref<1x!tpu.dma_semaphore, #tpu.memory_space<semaphore_mem>>
      %dma_start3A_1094 = tpu.memref_squeeze %dma_start3A_1093 : memref<1x!tpu.dma_semaphore, #tpu.memory_space<semaphore_mem>> -> memref<!tpu.dma_semaphore, #tpu.memory_space<semaphore_mem>>
      tpu.enqueue_indirect_dma source(%dma_start3A_1092 : memref<10000x128xf32, #tpu.memory_space<hbm>>) target(%dma_start3A_1086 : memref<128x128xf32, #tpu.memory_space<vmem>>) offsets(%dma_start3A_1089 : memref<128xi32, #tpu.memory_space<vmem>>) semaphore(%dma_start3A_1094 : memref<!tpu.dma_semaphore, #tpu.memory_space<semaphore_mem>>)
      %dma_wait3A = arith.constant 0 : i32
      %dma_wait3A_1095 = arith.constant 0 : i32
      %dma_wait3A_1096 = arith.constant 0 : i32
      %dma_wait3A_1097 = arith.constant 0 : i32
      %dma_wait3A_1098 = arith.constant 0 : i32
      %dma_wait3A_1099 = tpu.memref_slice %arg8[%dma_wait3A_1095, %dma_wait3A_1097, %dma_wait3A_1098] : memref<2x128x128xf32, #tpu.memory_space<vmem>> -> memref<1x128x128xf32, #tpu.memory_space<vmem>>
      %dma_wait3A_1100 = tpu.memref_squeeze %dma_wait3A_1099 : memref<1x128x128xf32, #tpu.memory_space<vmem>> -> memref<128x128xf32, #tpu.memory_space<vmem>>
      %dma_wait3A_1101 = arith.constant 0 : i32
      %dma_wait3A_1102 = tpu.memref_slice %arg6[%dma_wait3A, %dma_wait3A_1101] : memref<40x128xi32, #tpu.memory_space<vmem>> -> memref<1x128xi32, #tpu.memory_space<vmem>>
      %dma_wait3A_1103 = tpu.memref_squeeze %dma_wait3A_1102 : memref<1x128xi32, #tpu.memory_space<vmem>> -> memref<128xi32, #tpu.memory_space<vmem>>
      %dma_wait3A_1104 = arith.constant 0 : i32
      %dma_wait3A_1105 = arith.constant 0 : i32
      %dma_wait3A_1106 = tpu.memref_slice %arg2[%dma_wait3A_1104, %dma_wait3A_1105] : memref<10000x128xf32, #tpu.memory_space<hbm>> -> memref<10000x128xf32, #tpu.memory_space<hbm>>
      %dma_wait3A_1107 = tpu.memref_slice %arg10[%dma_wait3A_1096] : memref<2x!tpu.dma_semaphore, #tpu.memory_space<semaphore_mem>> -> memref<1x!tpu.dma_semaphore, #tpu.memory_space<semaphore_mem>>
      %dma_wait3A_1108 = tpu.memref_squeeze %dma_wait3A_1107 : memref<1x!tpu.dma_semaphore, #tpu.memory_space<semaphore_mem>> -> memref<!tpu.dma_semaphore, #tpu.memory_space<semaphore_mem>>
      tpu.wait_indirect_dma semaphore(%dma_wait3A_1108 : memref<!tpu.dma_semaphore, #tpu.memory_space<semaphore_mem>>) src(%dma_wait3A_1106 : memref<10000x128xf32, #tpu.memory_space<hbm>>) dst(%dma_wait3A_1100 : memref<128x128xf32, #tpu.memory_space<vmem>>)
      %dma_start3A_1109 = arith.constant 0 : i32
      %dma_start3A_1110 = arith.constant 0 : i32
      %dma_start3A_1111 = arith.constant 0 : i32
      %dma_start3A_1112 = arith.constant 0 : i32
      %dma_start3A_1113 = arith.constant 0 : i32
      %dma_start3A_1114 = tpu.memref_slice %arg8[%dma_start3A_1109, %dma_start3A_1112, %dma_start3A_1113] : memref<2x128x128xf32, #tpu.memory_space<vmem>> -> memref<1x128x128xf32, #tpu.memory_space<vmem>>
      %dma_start3A_1115 = tpu.memref_squeeze %dma_start3A_1114 : memref<1x128x128xf32, #tpu.memory_space<vmem>> -> memref<128x128xf32, #tpu.memory_space<vmem>>
      %dma_start3A_1116 = arith.constant 0 : i32
      %dma_start3A_1117 = tpu.memref_slice %arg7[%dma_start3A_1110, %dma_start3A_1116] : memref<40x128xi32, #tpu.memory_space<vmem>> -> memref<1x128xi32, #tpu.memory_space<vmem>>
      %dma_start3A_1118 = tpu.memref_squeeze %dma_start3A_1117 : memref<1x128xi32, #tpu.memory_space<vmem>> -> memref<128xi32, #tpu.memory_space<vmem>>
      %dma_start3A_1119 = arith.constant 0 : i32
      %dma_start3A_1120 = arith.constant 0 : i32
      %dma_start3A_1121 = tpu.memref_slice %arg9[%dma_start3A_1119, %dma_start3A_1120] : memref<10240x128xf32, #tpu.memory_space<vmem_shared>> -> memref<10240x128xf32, #tpu.memory_space<vmem_shared>>
      %dma_start3A_1122 = tpu.memref_slice %arg11[%dma_start3A_1111] : memref<2x!tpu.dma_semaphore, #tpu.memory_space<semaphore_mem>> -> memref<1x!tpu.dma_semaphore, #tpu.memory_space<semaphore_mem>>
      %dma_start3A_1123 = tpu.memref_squeeze %dma_start3A_1122 : memref<1x!tpu.dma_semaphore, #tpu.memory_space<semaphore_mem>> -> memref<!tpu.dma_semaphore, #tpu.memory_space<semaphore_mem>>
      tpu.enqueue_indirect_dma source(%dma_start3A_1115 : memref<128x128xf32, #tpu.memory_space<vmem>>) target(%dma_start3A_1121 : memref<10240x128xf32, #tpu.memory_space<vmem_shared>>) offsets(%dma_start3A_1118 : memref<128xi32, #tpu.memory_space<vmem>>) semaphore(%dma_start3A_1123 : memref<!tpu.dma_semaphore, #tpu.memory_space<semaphore_mem>>) {add = true}
      %scan3A_1124 = arith.constant 0 : i32
      %scan3A_1125 = arith.constant 1 : i32
      %scan3A_1126 = arith.constant 19 : i32
      %scan3A_1127 = arith.addi %scan3A_1125, %scan3A_1126 : i32
      %scan3A_1128 = arith.constant 1 : i32
      scf.for %scan3A_1190 = %scan3A_1125 to %scan3A_1127 step %scan3A_1128  : i32 {
        %mul3A_1191 = arith.constant 2 : i32
        %mul3A_1192 = arith.muli %scan3A_1190, %mul3A_1191 : i32
        %add3A_1193 = arith.constant 0 : i32
        %add3A_1194 = arith.addi %mul3A_1192, %add3A_1193 : i32
        %sub3A = arith.constant 2 : i32
        %sub3A_1195 = arith.subi %add3A_1194, %sub3A : i32
        %dma_wait3A_1196 = arith.constant 0 : i32
        %dma_wait3A_1197 = arith.constant 0 : i32
        %dma_wait3A_1198 = arith.constant 0 : i32
        %dma_wait3A_1199 = arith.constant 0 : i32
        %dma_wait3A_1200 = tpu.memref_slice %arg8[%dma_wait3A_1196, %dma_wait3A_1198, %dma_wait3A_1199] : memref<2x128x128xf32, #tpu.memory_space<vmem>> -> memref<1x128x128xf32, #tpu.memory_space<vmem>>
        %dma_wait3A_1201 = tpu.memref_squeeze %dma_wait3A_1200 : memref<1x128x128xf32, #tpu.memory_space<vmem>> -> memref<128x128xf32, #tpu.memory_space<vmem>>
        %dma_wait3A_1202 = arith.constant 0 : i32
        %dma_wait3A_1203 = tpu.memref_slice %arg7[%sub3A_1195, %dma_wait3A_1202] : memref<40x128xi32, #tpu.memory_space<vmem>> -> memref<1x128xi32, #tpu.memory_space<vmem>>
        %dma_wait3A_1204 = tpu.memref_squeeze %dma_wait3A_1203 : memref<1x128xi32, #tpu.memory_space<vmem>> -> memref<128xi32, #tpu.memory_space<vmem>>
        %dma_wait3A_1205 = arith.constant 0 : i32
        %dma_wait3A_1206 = arith.constant 0 : i32
        %dma_wait3A_1207 = tpu.memref_slice %arg9[%dma_wait3A_1205, %dma_wait3A_1206] : memref<10240x128xf32, #tpu.memory_space<vmem_shared>> -> memref<10240x128xf32, #tpu.memory_space<vmem_shared>>
        %dma_wait3A_1208 = tpu.memref_slice %arg11[%dma_wait3A_1197] : memref<2x!tpu.dma_semaphore, #tpu.memory_space<semaphore_mem>> -> memref<1x!tpu.dma_semaphore, #tpu.memory_space<semaphore_mem>>
        %dma_wait3A_1209 = tpu.memref_squeeze %dma_wait3A_1208 : memref<1x!tpu.dma_semaphore, #tpu.memory_space<semaphore_mem>> -> memref<!tpu.dma_semaphore, #tpu.memory_space<semaphore_mem>>
        tpu.wait_indirect_dma semaphore(%dma_wait3A_1209 : memref<!tpu.dma_semaphore, #tpu.memory_space<semaphore_mem>>) src(%dma_wait3A_1201 : memref<128x128xf32, #tpu.memory_space<vmem>>) dst(%dma_wait3A_1207 : memref<10240x128xf32, #tpu.memory_space<vmem_shared>>)
        %dma_start3A_1210 = arith.constant 0 : i32
        %dma_start3A_1211 = arith.constant 0 : i32
        %dma_start3A_1212 = arith.constant 0 : i32
        %dma_start3A_1213 = arith.constant 0 : i32
        %dma_start3A_1214 = tpu.memref_slice %arg8[%dma_start3A_1210, %dma_start3A_1212, %dma_start3A_1213] : memref<2x128x128xf32, #tpu.memory_space<vmem>> -> memref<1x128x128xf32, #tpu.memory_space<vmem>>
        %dma_start3A_1215 = tpu.memref_squeeze %dma_start3A_1214 : memref<1x128x128xf32, #tpu.memory_space<vmem>> -> memref<128x128xf32, #tpu.memory_space<vmem>>
        %dma_start3A_1216 = arith.constant 0 : i32
        %dma_start3A_1217 = tpu.memref_slice %arg6[%add3A_1194, %dma_start3A_1216] : memref<40x128xi32, #tpu.memory_space<vmem>> -> memref<1x128xi32, #tpu.memory_space<vmem>>
        %dma_start3A_1218 = tpu.memref_squeeze %dma_start3A_1217 : memref<1x128xi32, #tpu.memory_space<vmem>> -> memref<128xi32, #tpu.memory_space<vmem>>
        %dma_start3A_1219 = arith.constant 0 : i32
        %dma_start3A_1220 = arith.constant 0 : i32
        %dma_start3A_1221 = tpu.memref_slice %arg2[%dma_start3A_1219, %dma_start3A_1220] : memref<10000x128xf32, #tpu.memory_space<hbm>> -> memref<10000x128xf32, #tpu.memory_space<hbm>>
        %dma_start3A_1222 = tpu.memref_slice %arg10[%dma_start3A_1211] : memref<2x!tpu.dma_semaphore, #tpu.memory_space<semaphore_mem>> -> memref<1x!tpu.dma_semaphore, #tpu.memory_space<semaphore_mem>>
        %dma_start3A_1223 = tpu.memref_squeeze %dma_start3A_1222 : memref<1x!tpu.dma_semaphore, #tpu.memory_space<semaphore_mem>> -> memref<!tpu.dma_semaphore, #tpu.memory_space<semaphore_mem>>
        tpu.enqueue_indirect_dma source(%dma_start3A_1221 : memref<10000x128xf32, #tpu.memory_space<hbm>>) target(%dma_start3A_1215 : memref<128x128xf32, #tpu.memory_space<vmem>>) offsets(%dma_start3A_1218 : memref<128xi32, #tpu.memory_space<vmem>>) semaphore(%dma_start3A_1223 : memref<!tpu.dma_semaphore, #tpu.memory_space<semaphore_mem>>)
        %sub3A_1224 = arith.constant 1 : i32
        %sub3A_1225 = arith.subi %add3A_1194, %sub3A_1224 : i32
        %dma_wait3A_1226 = arith.constant 1 : i32
        %dma_wait3A_1227 = arith.constant 1 : i32
        %dma_wait3A_1228 = arith.constant 0 : i32
        %dma_wait3A_1229 = arith.constant 0 : i32
        %dma_wait3A_1230 = tpu.memref_slice %arg8[%dma_wait3A_1226, %dma_wait3A_1228, %dma_wait3A_1229] : memref<2x128x128xf32, #tpu.memory_space<vmem>> -> memref<1x128x128xf32, #tpu.memory_space<vmem>>
        %dma_wait3A_1231 = tpu.memref_squeeze %dma_wait3A_1230 : memref<1x128x128xf32, #tpu.memory_space<vmem>> -> memref<128x128xf32, #tpu.memory_space<vmem>>
        %dma_wait3A_1232 = arith.constant 0 : i32
        %dma_wait3A_1233 = tpu.memref_slice %arg6[%sub3A_1225, %dma_wait3A_1232] : memref<40x128xi32, #tpu.memory_space<vmem>> -> memref<1x128xi32, #tpu.memory_space<vmem>>
        %dma_wait3A_1234 = tpu.memref_squeeze %dma_wait3A_1233 : memref<1x128xi32, #tpu.memory_space<vmem>> -> memref<128xi32, #tpu.memory_space<vmem>>
        %dma_wait3A_1235 = arith.constant 0 : i32
        %dma_wait3A_1236 = arith.constant 0 : i32
        %dma_wait3A_1237 = tpu.memref_slice %arg2[%dma_wait3A_1235, %dma_wait3A_1236] : memref<10000x128xf32, #tpu.memory_space<hbm>> -> memref<10000x128xf32, #tpu.memory_space<hbm>>
        %dma_wait3A_1238 = tpu.memref_slice %arg10[%dma_wait3A_1227] : memref<2x!tpu.dma_semaphore, #tpu.memory_space<semaphore_mem>> -> memref<1x!tpu.dma_semaphore, #tpu.memory_space<semaphore_mem>>
        %dma_wait3A_1239 = tpu.memref_squeeze %dma_wait3A_1238 : memref<1x!tpu.dma_semaphore, #tpu.memory_space<semaphore_mem>> -> memref<!tpu.dma_semaphore, #tpu.memory_space<semaphore_mem>>
        tpu.wait_indirect_dma semaphore(%dma_wait3A_1239 : memref<!tpu.dma_semaphore, #tpu.memory_space<semaphore_mem>>) src(%dma_wait3A_1237 : memref<10000x128xf32, #tpu.memory_space<hbm>>) dst(%dma_wait3A_1231 : memref<128x128xf32, #tpu.memory_space<vmem>>)
        %sub3A_1240 = arith.constant 1 : i32
        %sub3A_1241 = arith.subi %add3A_1194, %sub3A_1240 : i32
        %dma_start3A_1242 = arith.constant 1 : i32
        %dma_start3A_1243 = arith.constant 1 : i32
        %dma_start3A_1244 = arith.constant 0 : i32
        %dma_start3A_1245 = arith.constant 0 : i32
        %dma_start3A_1246 = tpu.memref_slice %arg8[%dma_start3A_1242, %dma_start3A_1244, %dma_start3A_1245] : memref<2x128x128xf32, #tpu.memory_space<vmem>> -> memref<1x128x128xf32, #tpu.memory_space<vmem>>
        %dma_start3A_1247 = tpu.memref_squeeze %dma_start3A_1246 : memref<1x128x128xf32, #tpu.memory_space<vmem>> -> memref<128x128xf32, #tpu.memory_space<vmem>>
        %dma_start3A_1248 = arith.constant 0 : i32
        %dma_start3A_1249 = tpu.memref_slice %arg7[%sub3A_1241, %dma_start3A_1248] : memref<40x128xi32, #tpu.memory_space<vmem>> -> memref<1x128xi32, #tpu.memory_space<vmem>>
        %dma_start3A_1250 = tpu.memref_squeeze %dma_start3A_1249 : memref<1x128xi32, #tpu.memory_space<vmem>> -> memref<128xi32, #tpu.memory_space<vmem>>
        %dma_start3A_1251 = arith.constant 0 : i32
        %dma_start3A_1252 = arith.constant 0 : i32
        %dma_start3A_1253 = tpu.memref_slice %arg9[%dma_start3A_1251, %dma_start3A_1252] : memref<10240x128xf32, #tpu.memory_space<vmem_shared>> -> memref<10240x128xf32, #tpu.memory_space<vmem_shared>>
        %dma_start3A_1254 = tpu.memref_slice %arg11[%dma_start3A_1243] : memref<2x!tpu.dma_semaphore, #tpu.memory_space<semaphore_mem>> -> memref<1x!tpu.dma_semaphore, #tpu.memory_space<semaphore_mem>>
        %dma_start3A_1255 = tpu.memref_squeeze %dma_start3A_1254 : memref<1x!tpu.dma_semaphore, #tpu.memory_space<semaphore_mem>> -> memref<!tpu.dma_semaphore, #tpu.memory_space<semaphore_mem>>
        tpu.enqueue_indirect_dma source(%dma_start3A_1247 : memref<128x128xf32, #tpu.memory_space<vmem>>) target(%dma_start3A_1253 : memref<10240x128xf32, #tpu.memory_space<vmem_shared>>) offsets(%dma_start3A_1250 : memref<128xi32, #tpu.memory_space<vmem>>) semaphore(%dma_start3A_1255 : memref<!tpu.dma_semaphore, #tpu.memory_space<semaphore_mem>>) {add = true}
        %mul3A_1256 = arith.constant 2 : i32
        %mul3A_1257 = arith.muli %scan3A_1190, %mul3A_1256 : i32
        %add3A_1258 = arith.constant 1 : i32
        %add3A_1259 = arith.addi %mul3A_1257, %add3A_1258 : i32
        %sub3A_1260 = arith.constant 2 : i32
        %sub3A_1261 = arith.subi %add3A_1259, %sub3A_1260 : i32
        %dma_wait3A_1262 = arith.constant 1 : i32
        %dma_wait3A_1263 = arith.constant 1 : i32
        %dma_wait3A_1264 = arith.constant 0 : i32
        %dma_wait3A_1265 = arith.constant 0 : i32
        %dma_wait3A_1266 = tpu.memref_slice %arg8[%dma_wait3A_1262, %dma_wait3A_1264, %dma_wait3A_1265] : memref<2x128x128xf32, #tpu.memory_space<vmem>> -> memref<1x128x128xf32, #tpu.memory_space<vmem>>
        %dma_wait3A_1267 = tpu.memref_squeeze %dma_wait3A_1266 : memref<1x128x128xf32, #tpu.memory_space<vmem>> -> memref<128x128xf32, #tpu.memory_space<vmem>>
        %dma_wait3A_1268 = arith.constant 0 : i32
        %dma_wait3A_1269 = tpu.memref_slice %arg7[%sub3A_1261, %dma_wait3A_1268] : memref<40x128xi32, #tpu.memory_space<vmem>> -> memref<1x128xi32, #tpu.memory_space<vmem>>
        %dma_wait3A_1270 = tpu.memref_squeeze %dma_wait3A_1269 : memref<1x128xi32, #tpu.memory_space<vmem>> -> memref<128xi32, #tpu.memory_space<vmem>>
        %dma_wait3A_1271 = arith.constant 0 : i32
        %dma_wait3A_1272 = arith.constant 0 : i32
        %dma_wait3A_1273 = tpu.memref_slice %arg9[%dma_wait3A_1271, %dma_wait3A_1272] : memref<10240x128xf32, #tpu.memory_space<vmem_shared>> -> memref<10240x128xf32, #tpu.memory_space<vmem_shared>>
        %dma_wait3A_1274 = tpu.memref_slice %arg11[%dma_wait3A_1263] : memref<2x!tpu.dma_semaphore, #tpu.memory_space<semaphore_mem>> -> memref<1x!tpu.dma_semaphore, #tpu.memory_space<semaphore_mem>>
        %dma_wait3A_1275 = tpu.memref_squeeze %dma_wait3A_1274 : memref<1x!tpu.dma_semaphore, #tpu.memory_space<semaphore_mem>> -> memref<!tpu.dma_semaphore, #tpu.memory_space<semaphore_mem>>
        tpu.wait_indirect_dma semaphore(%dma_wait3A_1275 : memref<!tpu.dma_semaphore, #tpu.memory_space<semaphore_mem>>) src(%dma_wait3A_1267 : memref<128x128xf32, #tpu.memory_space<vmem>>) dst(%dma_wait3A_1273 : memref<10240x128xf32, #tpu.memory_space<vmem_shared>>)
        %dma_start3A_1276 = arith.constant 1 : i32
        %dma_start3A_1277 = arith.constant 1 : i32
        %dma_start3A_1278 = arith.constant 0 : i32
        %dma_start3A_1279 = arith.constant 0 : i32
        %dma_start3A_1280 = tpu.memref_slice %arg8[%dma_start3A_1276, %dma_start3A_1278, %dma_start3A_1279] : memref<2x128x128xf32, #tpu.memory_space<vmem>> -> memref<1x128x128xf32, #tpu.memory_space<vmem>>
        %dma_start3A_1281 = tpu.memref_squeeze %dma_start3A_1280 : memref<1x128x128xf32, #tpu.memory_space<vmem>> -> memref<128x128xf32, #tpu.memory_space<vmem>>
        %dma_start3A_1282 = arith.constant 0 : i32
        %dma_start3A_1283 = tpu.memref_slice %arg6[%add3A_1259, %dma_start3A_1282] : memref<40x128xi32, #tpu.memory_space<vmem>> -> memref<1x128xi32, #tpu.memory_space<vmem>>
        %dma_start3A_1284 = tpu.memref_squeeze %dma_start3A_1283 : memref<1x128xi32, #tpu.memory_space<vmem>> -> memref<128xi32, #tpu.memory_space<vmem>>
        %dma_start3A_1285 = arith.constant 0 : i32
        %dma_start3A_1286 = arith.constant 0 : i32
        %dma_start3A_1287 = tpu.memref_slice %arg2[%dma_start3A_1285, %dma_start3A_1286] : memref<10000x128xf32, #tpu.memory_space<hbm>> -> memref<10000x128xf32, #tpu.memory_space<hbm>>
        %dma_start3A_1288 = tpu.memref_slice %arg10[%dma_start3A_1277] : memref<2x!tpu.dma_semaphore, #tpu.memory_space<semaphore_mem>> -> memref<1x!tpu.dma_semaphore, #tpu.memory_space<semaphore_mem>>
        %dma_start3A_1289 = tpu.memref_squeeze %dma_start3A_1288 : memref<1x!tpu.dma_semaphore, #tpu.memory_space<semaphore_mem>> -> memref<!tpu.dma_semaphore, #tpu.memory_space<semaphore_mem>>
        tpu.enqueue_indirect_dma source(%dma_start3A_1287 : memref<10000x128xf32, #tpu.memory_space<hbm>>) target(%dma_start3A_1281 : memref<128x128xf32, #tpu.memory_space<vmem>>) offsets(%dma_start3A_1284 : memref<128xi32, #tpu.memory_space<vmem>>) semaphore(%dma_start3A_1289 : memref<!tpu.dma_semaphore, #tpu.memory_space<semaphore_mem>>)
        %sub3A_1290 = arith.constant 1 : i32
        %sub3A_1291 = arith.subi %add3A_1259, %sub3A_1290 : i32
        %dma_wait3A_1292 = arith.constant 0 : i32
        %dma_wait3A_1293 = arith.constant 0 : i32
        %dma_wait3A_1294 = arith.constant 0 : i32
        %dma_wait3A_1295 = arith.constant 0 : i32
        %dma_wait3A_1296 = tpu.memref_slice %arg8[%dma_wait3A_1292, %dma_wait3A_1294, %dma_wait3A_1295] : memref<2x128x128xf32, #tpu.memory_space<vmem>> -> memref<1x128x128xf32, #tpu.memory_space<vmem>>
        %dma_wait3A_1297 = tpu.memref_squeeze %dma_wait3A_1296 : memref<1x128x128xf32, #tpu.memory_space<vmem>> -> memref<128x128xf32, #tpu.memory_space<vmem>>
        %dma_wait3A_1298 = arith.constant 0 : i32
        %dma_wait3A_1299 = tpu.memref_slice %arg6[%sub3A_1291, %dma_wait3A_1298] : memref<40x128xi32, #tpu.memory_space<vmem>> -> memref<1x128xi32, #tpu.memory_space<vmem>>
        %dma_wait3A_1300 = tpu.memref_squeeze %dma_wait3A_1299 : memref<1x128xi32, #tpu.memory_space<vmem>> -> memref<128xi32, #tpu.memory_space<vmem>>
        %dma_wait3A_1301 = arith.constant 0 : i32
        %dma_wait3A_1302 = arith.constant 0 : i32
        %dma_wait3A_1303 = tpu.memref_slice %arg2[%dma_wait3A_1301, %dma_wait3A_1302] : memref<10000x128xf32, #tpu.memory_space<hbm>> -> memref<10000x128xf32, #tpu.memory_space<hbm>>
        %dma_wait3A_1304 = tpu.memref_slice %arg10[%dma_wait3A_1293] : memref<2x!tpu.dma_semaphore, #tpu.memory_space<semaphore_mem>> -> memref<1x!tpu.dma_semaphore, #tpu.memory_space<semaphore_mem>>
        %dma_wait3A_1305 = tpu.memref_squeeze %dma_wait3A_1304 : memref<1x!tpu.dma_semaphore, #tpu.memory_space<semaphore_mem>> -> memref<!tpu.dma_semaphore, #tpu.memory_space<semaphore_mem>>
        tpu.wait_indirect_dma semaphore(%dma_wait3A_1305 : memref<!tpu.dma_semaphore, #tpu.memory_space<semaphore_mem>>) src(%dma_wait3A_1303 : memref<10000x128xf32, #tpu.memory_space<hbm>>) dst(%dma_wait3A_1297 : memref<128x128xf32, #tpu.memory_space<vmem>>)
        %sub3A_1306 = arith.constant 1 : i32
        %sub3A_1307 = arith.subi %add3A_1259, %sub3A_1306 : i32
        %dma_start3A_1308 = arith.constant 0 : i32
        %dma_start3A_1309 = arith.constant 0 : i32
        %dma_start3A_1310 = arith.constant 0 : i32
        %dma_start3A_1311 = arith.constant 0 : i32
        %dma_start3A_1312 = tpu.memref_slice %arg8[%dma_start3A_1308, %dma_start3A_1310, %dma_start3A_1311] : memref<2x128x128xf32, #tpu.memory_space<vmem>> -> memref<1x128x128xf32, #tpu.memory_space<vmem>>
        %dma_start3A_1313 = tpu.memref_squeeze %dma_start3A_1312 : memref<1x128x128xf32, #tpu.memory_space<vmem>> -> memref<128x128xf32, #tpu.memory_space<vmem>>
        %dma_start3A_1314 = arith.constant 0 : i32
        %dma_start3A_1315 = tpu.memref_slice %arg7[%sub3A_1307, %dma_start3A_1314] : memref<40x128xi32, #tpu.memory_space<vmem>> -> memref<1x128xi32, #tpu.memory_space<vmem>>
        %dma_start3A_1316 = tpu.memref_squeeze %dma_start3A_1315 : memref<1x128xi32, #tpu.memory_space<vmem>> -> memref<128xi32, #tpu.memory_space<vmem>>
        %dma_start3A_1317 = arith.constant 0 : i32
        %dma_start3A_1318 = arith.constant 0 : i32
        %dma_start3A_1319 = tpu.memref_slice %arg9[%dma_start3A_1317, %dma_start3A_1318] : memref<10240x128xf32, #tpu.memory_space<vmem_shared>> -> memref<10240x128xf32, #tpu.memory_space<vmem_shared>>
        %dma_start3A_1320 = tpu.memref_slice %arg11[%dma_start3A_1309] : memref<2x!tpu.dma_semaphore, #tpu.memory_space<semaphore_mem>> -> memref<1x!tpu.dma_semaphore, #tpu.memory_space<semaphore_mem>>
        %dma_start3A_1321 = tpu.memref_squeeze %dma_start3A_1320 : memref<1x!tpu.dma_semaphore, #tpu.memory_space<semaphore_mem>> -> memref<!tpu.dma_semaphore, #tpu.memory_space<semaphore_mem>>
        tpu.enqueue_indirect_dma source(%dma_start3A_1313 : memref<128x128xf32, #tpu.memory_space<vmem>>) target(%dma_start3A_1319 : memref<10240x128xf32, #tpu.memory_space<vmem_shared>>) offsets(%dma_start3A_1316 : memref<128xi32, #tpu.memory_space<vmem>>) semaphore(%dma_start3A_1321 : memref<!tpu.dma_semaphore, #tpu.memory_space<semaphore_mem>>) {add = true}
      }
      %scan3A_1129 = arith.constant 19 : i32
      %dma_wait3A_1130 = arith.constant 39 : i32
      %dma_wait3A_1131 = arith.constant 1 : i32
      %dma_wait3A_1132 = arith.constant 1 : i32
      %dma_wait3A_1133 = arith.constant 0 : i32
      %dma_wait3A_1134 = arith.constant 0 : i32
      %dma_wait3A_1135 = tpu.memref_slice %arg8[%dma_wait3A_1131, %dma_wait3A_1133, %dma_wait3A_1134] : memref<2x128x128xf32, #tpu.memory_space<vmem>> -> memref<1x128x128xf32, #tpu.memory_space<vmem>>
      %dma_wait3A_1136 = tpu.memref_squeeze %dma_wait3A_1135 : memref<1x128x128xf32, #tpu.memory_space<vmem>> -> memref<128x128xf32, #tpu.memory_space<vmem>>
      %dma_wait3A_1137 = arith.constant 0 : i32
      %dma_wait3A_1138 = tpu.memref_slice %arg6[%dma_wait3A_1130, %dma_wait3A_1137] : memref<40x128xi32, #tpu.memory_space<vmem>> -> memref<1x128xi32, #tpu.memory_space<vmem>>
      %dma_wait3A_1139 = tpu.memref_squeeze %dma_wait3A_1138 : memref<1x128xi32, #tpu.memory_space<vmem>> -> memref<128xi32, #tpu.memory_space<vmem>>
      %dma_wait3A_1140 = arith.constant 0 : i32
      %dma_wait3A_1141 = arith.constant 0 : i32
      %dma_wait3A_1142 = tpu.memref_slice %arg2[%dma_wait3A_1140, %dma_wait3A_1141] : memref<10000x128xf32, #tpu.memory_space<hbm>> -> memref<10000x128xf32, #tpu.memory_space<hbm>>
      %dma_wait3A_1143 = tpu.memref_slice %arg10[%dma_wait3A_1132] : memref<2x!tpu.dma_semaphore, #tpu.memory_space<semaphore_mem>> -> memref<1x!tpu.dma_semaphore, #tpu.memory_space<semaphore_mem>>
      %dma_wait3A_1144 = tpu.memref_squeeze %dma_wait3A_1143 : memref<1x!tpu.dma_semaphore, #tpu.memory_space<semaphore_mem>> -> memref<!tpu.dma_semaphore, #tpu.memory_space<semaphore_mem>>
      tpu.wait_indirect_dma semaphore(%dma_wait3A_1144 : memref<!tpu.dma_semaphore, #tpu.memory_space<semaphore_mem>>) src(%dma_wait3A_1142 : memref<10000x128xf32, #tpu.memory_space<hbm>>) dst(%dma_wait3A_1136 : memref<128x128xf32, #tpu.memory_space<vmem>>)
      %dma_start3A_1145 = arith.constant 1 : i32
      %dma_start3A_1146 = arith.constant 39 : i32
      %dma_start3A_1147 = arith.constant 1 : i32
      %dma_start3A_1148 = arith.constant 0 : i32
      %dma_start3A_1149 = arith.constant 0 : i32
      %dma_start3A_1150 = tpu.memref_slice %arg8[%dma_start3A_1145, %dma_start3A_1148, %dma_start3A_1149] : memref<2x128x128xf32, #tpu.memory_space<vmem>> -> memref<1x128x128xf32, #tpu.memory_space<vmem>>
      %dma_start3A_1151 = tpu.memref_squeeze %dma_start3A_1150 : memref<1x128x128xf32, #tpu.memory_space<vmem>> -> memref<128x128xf32, #tpu.memory_space<vmem>>
      %dma_start3A_1152 = arith.constant 0 : i32
      %dma_start3A_1153 = tpu.memref_slice %arg7[%dma_start3A_1146, %dma_start3A_1152] : memref<40x128xi32, #tpu.memory_space<vmem>> -> memref<1x128xi32, #tpu.memory_space<vmem>>
      %dma_start3A_1154 = tpu.memref_squeeze %dma_start3A_1153 : memref<1x128xi32, #tpu.memory_space<vmem>> -> memref<128xi32, #tpu.memory_space<vmem>>
      %dma_start3A_1155 = arith.constant 0 : i32
      %dma_start3A_1156 = arith.constant 0 : i32
      %dma_start3A_1157 = tpu.memref_slice %arg9[%dma_start3A_1155, %dma_start3A_1156] : memref<10240x128xf32, #tpu.memory_space<vmem_shared>> -> memref<10240x128xf32, #tpu.memory_space<vmem_shared>>
      %dma_start3A_1158 = tpu.memref_slice %arg11[%dma_start3A_1147] : memref<2x!tpu.dma_semaphore, #tpu.memory_space<semaphore_mem>> -> memref<1x!tpu.dma_semaphore, #tpu.memory_space<semaphore_mem>>
      %dma_start3A_1159 = tpu.memref_squeeze %dma_start3A_1158 : memref<1x!tpu.dma_semaphore, #tpu.memory_space<semaphore_mem>> -> memref<!tpu.dma_semaphore, #tpu.memory_space<semaphore_mem>>
      tpu.enqueue_indirect_dma source(%dma_start3A_1151 : memref<128x128xf32, #tpu.memory_space<vmem>>) target(%dma_start3A_1157 : memref<10240x128xf32, #tpu.memory_space<vmem_shared>>) offsets(%dma_start3A_1154 : memref<128xi32, #tpu.memory_space<vmem>>) semaphore(%dma_start3A_1159 : memref<!tpu.dma_semaphore, #tpu.memory_space<semaphore_mem>>) {add = true}
      %dma_wait3A_1160 = arith.constant 0 : i32
      %dma_wait3A_1161 = arith.constant 38 : i32
      %dma_wait3A_1162 = arith.constant 0 : i32
      %dma_wait3A_1163 = arith.constant 0 : i32
      %dma_wait3A_1164 = arith.constant 0 : i32
      %dma_wait3A_1165 = tpu.memref_slice %arg8[%dma_wait3A_1160, %dma_wait3A_1163, %dma_wait3A_1164] : memref<2x128x128xf32, #tpu.memory_space<vmem>> -> memref<1x128x128xf32, #tpu.memory_space<vmem>>
      %dma_wait3A_1166 = tpu.memref_squeeze %dma_wait3A_1165 : memref<1x128x128xf32, #tpu.memory_space<vmem>> -> memref<128x128xf32, #tpu.memory_space<vmem>>
      %dma_wait3A_1167 = arith.constant 0 : i32
      %dma_wait3A_1168 = tpu.memref_slice %arg7[%dma_wait3A_1161, %dma_wait3A_1167] : memref<40x128xi32, #tpu.memory_space<vmem>> -> memref<1x128xi32, #tpu.memory_space<vmem>>
      %dma_wait3A_1169 = tpu.memref_squeeze %dma_wait3A_1168 : memref<1x128xi32, #tpu.memory_space<vmem>> -> memref<128xi32, #tpu.memory_space<vmem>>
      %dma_wait3A_1170 = arith.constant 0 : i32
      %dma_wait3A_1171 = arith.constant 0 : i32
      %dma_wait3A_1172 = tpu.memref_slice %arg9[%dma_wait3A_1170, %dma_wait3A_1171] : memref<10240x128xf32, #tpu.memory_space<vmem_shared>> -> memref<10240x128xf32, #tpu.memory_space<vmem_shared>>
      %dma_wait3A_1173 = tpu.memref_slice %arg11[%dma_wait3A_1162] : memref<2x!tpu.dma_semaphore, #tpu.memory_space<semaphore_mem>> -> memref<1x!tpu.dma_semaphore, #tpu.memory_space<semaphore_mem>>
      %dma_wait3A_1174 = tpu.memref_squeeze %dma_wait3A_1173 : memref<1x!tpu.dma_semaphore, #tpu.memory_space<semaphore_mem>> -> memref<!tpu.dma_semaphore, #tpu.memory_space<semaphore_mem>>
      tpu.wait_indirect_dma semaphore(%dma_wait3A_1174 : memref<!tpu.dma_semaphore, #tpu.memory_space<semaphore_mem>>) src(%dma_wait3A_1166 : memref<128x128xf32, #tpu.memory_space<vmem>>) dst(%dma_wait3A_1172 : memref<10240x128xf32, #tpu.memory_space<vmem_shared>>)
      %dma_wait3A_1175 = arith.constant 1 : i32
      %dma_wait3A_1176 = arith.constant 39 : i32
      %dma_wait3A_1177 = arith.constant 1 : i32
      %dma_wait3A_1178 = arith.constant 0 : i32
      %dma_wait3A_1179 = arith.constant 0 : i32
      %dma_wait3A_1180 = tpu.memref_slice %arg8[%dma_wait3A_1175, %dma_wait3A_1178, %dma_wait3A_1179] : memref<2x128x128xf32, #tpu.memory_space<vmem>> -> memref<1x128x128xf32, #tpu.memory_space<vmem>>
      %dma_wait3A_1181 = tpu.memref_squeeze %dma_wait3A_1180 : memref<1x128x128xf32, #tpu.memory_space<vmem>> -> memref<128x128xf32, #tpu.memory_space<vmem>>
      %dma_wait3A_1182 = arith.constant 0 : i32
      %dma_wait3A_1183 = tpu.memref_slice %arg7[%dma_wait3A_1176, %dma_wait3A_1182] : memref<40x128xi32, #tpu.memory_space<vmem>> -> memref<1x128xi32, #tpu.memory_space<vmem>>
      %dma_wait3A_1184 = tpu.memref_squeeze %dma_wait3A_1183 : memref<1x128xi32, #tpu.memory_space<vmem>> -> memref<128xi32, #tpu.memory_space<vmem>>
      %dma_wait3A_1185 = arith.constant 0 : i32
      %dma_wait3A_1186 = arith.constant 0 : i32
      %dma_wait3A_1187 = tpu.memref_slice %arg9[%dma_wait3A_1185, %dma_wait3A_1186] : memref<10240x128xf32, #tpu.memory_space<vmem_shared>> -> memref<10240x128xf32, #tpu.memory_space<vmem_shared>>
      %dma_wait3A_1188 = tpu.memref_slice %arg11[%dma_wait3A_1177] : memref<2x!tpu.dma_semaphore, #tpu.memory_space<semaphore_mem>> -> memref<1x!tpu.dma_semaphore, #tpu.memory_space<semaphore_mem>>
      %dma_wait3A_1189 = tpu.memref_squeeze %dma_wait3A_1188 : memref<1x!tpu.dma_semaphore, #tpu.memory_space<semaphore_mem>> -> memref<!tpu.dma_semaphore, #tpu.memory_space<semaphore_mem>>
      tpu.wait_indirect_dma semaphore(%dma_wait3A_1189 : memref<!tpu.dma_semaphore, #tpu.memory_space<semaphore_mem>>) src(%dma_wait3A_1181 : memref<128x128xf32, #tpu.memory_space<vmem>>) dst(%dma_wait3A_1187 : memref<10240x128xf32, #tpu.memory_space<vmem_shared>>)
    }
    %barrier3A_1054 = arith.constant 0 : index
    tpu.barrier barrier_id(%barrier3A_1054)
    %mul3A_1055 = arith.constant 640 : i32
    %mul3A_1056 = arith.muli %arg1, %mul3A_1055 : i32
    %mul3A_1057 = arith.constant 640 : i32
    %mul3A_1058 = arith.muli %arg1, %mul3A_1057 : i32
    "tpu.region"() ({
      %run_scoped3A = tpu.sem_alloc : memref<!tpu.dma_semaphore, #tpu.memory_space<semaphore_mem>>
      %dma_start3A = arith.constant 0 : i32
      %dma_start3A_1059 = tpu.memref_slice %arg5[%arg0, %mul3A_1058, %dma_start3A] : memref<2x10240x128xf32, #tpu.memory_space<hbm>> -> memref<1x640x128xf32, #tpu.memory_space<hbm>>
      %dma_start3A_1060 = tpu.memref_squeeze %dma_start3A_1059 : memref<1x640x128xf32, #tpu.memory_space<hbm>> -> memref<640x128xf32, #tpu.memory_space<hbm>>
      %dma_start3A_1061 = arith.constant 0 : i32
      %dma_start3A_1062 = tpu.memref_slice %arg9[%mul3A_1056, %dma_start3A_1061] : memref<10240x128xf32, #tpu.memory_space<vmem_shared>> -> memref<640x128xf32, #tpu.memory_space<vmem_shared>>
      tpu.enqueue_dma source(%dma_start3A_1062 : memref<640x128xf32, #tpu.memory_space<vmem_shared>>) target(%dma_start3A_1060 : memref<640x128xf32, #tpu.memory_space<hbm>>) target_semaphore(%run_scoped3A : memref<!tpu.dma_semaphore, #tpu.memory_space<semaphore_mem>>)
      %dma_wait3A = arith.constant 0 : i32
      %dma_wait3A_1063 = tpu.memref_slice %arg5[%arg0, %mul3A_1058, %dma_wait3A] : memref<2x10240x128xf32, #tpu.memory_space<hbm>> -> memref<1x640x128xf32, #tpu.memory_space<hbm>>
      %dma_wait3A_1064 = tpu.memref_squeeze %dma_wait3A_1063 : memref<1x640x128xf32, #tpu.memory_space<hbm>> -> memref<640x128xf32, #tpu.memory_space<hbm>>
      %dma_wait3A_1065 = arith.constant 0 : i32
      %dma_wait3A_1066 = tpu.memref_slice %arg9[%mul3A_1056, %dma_wait3A_1065] : memref<10240x128xf32, #tpu.memory_space<vmem_shared>> -> memref<640x128xf32, #tpu.memory_space<vmem_shared>>
      tpu.wait_dma2 semaphore(%run_scoped3A : memref<!tpu.dma_semaphore, #tpu.memory_space<semaphore_mem>>) src(%dma_wait3A_1066 : memref<640x128xf32, #tpu.memory_space<vmem_shared>>) dst(%dma_wait3A_1064 : memref<640x128xf32, #tpu.memory_space<hbm>>)
      tpu.yield
    }) : () -> ()
    return
  }
}

#map = affine_map<(d0, d1) -> (0, 0)>
#map1 = affine_map<(d0, d1) -> (0, 0, 0)>
module attributes {stable_mosaic.version = 14 : i64} {
  func.func @spmm_sc_d64(%arg0: i32, %arg1: i32, %arg2: memref<10000x64xf32, #tpu.memory_space<hbm>>, %arg3: memref<2560x128xi32, #tpu.memory_space<hbm>>, %arg4: memref<2560x128xi32, #tpu.memory_space<hbm>>, %arg5: memref<2x10240x64xf32, #tpu.memory_space<hbm>>, %arg6: memref<40x128xi32, #tpu.memory_space<vmem>>, %arg7: memref<40x128xi32, #tpu.memory_space<vmem>>, %arg8: memref<2x128x64xf32, #tpu.memory_space<vmem>>, %arg9: memref<10240x64xf32, #tpu.memory_space<vmem_shared>>, %arg10: memref<10000x64xf32, #tpu.memory_space<vmem_shared>>, %arg11: memref<2x!tpu.dma_semaphore, #tpu.memory_space<semaphore_mem>>, %arg12: memref<2x!tpu.dma_semaphore, #tpu.memory_space<semaphore_mem>>, %arg13: memref<!tpu.dma_semaphore, #tpu.memory_space<semaphore_mem>>) attributes {dimension_semantics = [#tpu.dimension_semantics<core_parallel>, #tpu.dimension_semantics<subcore_parallel>], iteration_bounds = array<i64: 2, 16>, scalar_prefetch = 0 : i64, scratch_operands = 8 : i64, tpu.core_type = #tpu.core_type<sc_vector_subcore>, window_params = [{transform_indices = #map}, {transform_indices = #map}, {transform_indices = #map}, {transform_indices = #map1}]} {
    %eq3A = arith.constant 0 : i32
    %eq3A_0 = arith.cmpi eq, %arg0, %eq3A : i32
    %select_n3A = arith.constant 1 : i32
    %select_n3A_1 = arith.constant 3 : i32
    %select_n3A_2 = arith.select %eq3A_0, %select_n3A_1, %select_n3A : i32
    %eq3A_3 = arith.constant 0 : i32
    %eq3A_4 = arith.cmpi eq, %arg0, %eq3A_3 : i32
    %mul3A = arith.constant 120 : i32
    %mul3A_5 = arith.muli %arg1, %mul3A : i32
    %mul3A_6 = arith.constant 40 : i32
    %mul3A_7 = arith.muli %arg1, %mul3A_6 : i32
    %add3A = arith.constant 1920 : i32
    %add3A_8 = arith.addi %add3A, %mul3A_7 : i32
    %select_n3A_9 = arith.select %eq3A_4, %mul3A_5, %add3A_8 : i32
    %broadcast_in_dim3A = arith.constant 0.000000e+00 : f32
    %broadcast_in_dim3A_10 = vector.broadcast %broadcast_in_dim3A : f32 to vector<16xf32>
    %swap3A = arith.constant 0 : i32
    %swap3A_11 = arith.constant 0 : i32
    %swap3A_12 = arith.index_cast %swap3A : i32 to index
    %swap3A_13 = arith.index_cast %swap3A_11 : i32 to index
    %swap3A_14 = arith.constant 0 : index
    %swap3A_15 = tpu.vector_load %arg8[%swap3A_12, %swap3A_13, %swap3A_14] {strides = array<i32>} : memref<2x128x64xf32, #tpu.memory_space<vmem>>, vector<1x1x16xf32>,
    %swap3A_16 = vector.shape_cast %swap3A_15 : vector<1x1x16xf32> to vector<16xf32>
    %swap3A_17 = vector.shape_cast %broadcast_in_dim3A_10 : vector<16xf32> to vector<1x1x16xf32>
    tpu.vector_store %arg8[%swap3A_12, %swap3A_13, %swap3A_14], %swap3A_17 {strides = array<i32>} : memref<2x128x64xf32, #tpu.memory_space<vmem>>, vector<1x1x16xf32>,
    %swap3A_18 = arith.constant 0 : i32
    %swap3A_19 = arith.constant 0 : i32
    %swap3A_20 = arith.index_cast %swap3A_18 : i32 to index
    %swap3A_21 = arith.index_cast %swap3A_19 : i32 to index
    %swap3A_22 = arith.constant 16 : index
    %swap3A_23 = tpu.vector_load %arg8[%swap3A_20, %swap3A_21, %swap3A_22] {strides = array<i32>} : memref<2x128x64xf32, #tpu.memory_space<vmem>>, vector<1x1x16xf32>,
    %swap3A_24 = vector.shape_cast %swap3A_23 : vector<1x1x16xf32> to vector<16xf32>
    %swap3A_25 = vector.shape_cast %broadcast_in_dim3A_10 : vector<16xf32> to vector<1x1x16xf32>
    tpu.vector_store %arg8[%swap3A_20, %swap3A_21, %swap3A_22], %swap3A_25 {strides = array<i32>} : memref<2x128x64xf32, #tpu.memory_space<vmem>>, vector<1x1x16xf32>,
    %swap3A_26 = arith.constant 0 : i32
    %swap3A_27 = arith.constant 0 : i32
    %swap3A_28 = arith.index_cast %swap3A_26 : i32 to index
    %swap3A_29 = arith.index_cast %swap3A_27 : i32 to index
    %swap3A_30 = arith.constant 32 : index
    %swap3A_31 = tpu.vector_load %arg8[%swap3A_28, %swap3A_29, %swap3A_30] {strides = array<i32>} : memref<2x128x64xf32, #tpu.memory_space<vmem>>, vector<1x1x16xf32>,
    %swap3A_32 = vector.shape_cast %swap3A_31 : vector<1x1x16xf32> to vector<16xf32>
    %swap3A_33 = vector.shape_cast %broadcast_in_dim3A_10 : vector<16xf32> to vector<1x1x16xf32>
    tpu.vector_store %arg8[%swap3A_28, %swap3A_29, %swap3A_30], %swap3A_33 {strides = array<i32>} : memref<2x128x64xf32, #tpu.memory_space<vmem>>, vector<1x1x16xf32>,
    %swap3A_34 = arith.constant 0 : i32
    %swap3A_35 = arith.constant 0 : i32
    %swap3A_36 = arith.index_cast %swap3A_34 : i32 to index
    %swap3A_37 = arith.index_cast %swap3A_35 : i32 to index
    %swap3A_38 = arith.constant 48 : index
    %swap3A_39 = tpu.vector_load %arg8[%swap3A_36, %swap3A_37, %swap3A_38] {strides = array<i32>} : memref<2x128x64xf32, #tpu.memory_space<vmem>>, vector<1x1x16xf32>,
    %swap3A_40 = vector.shape_cast %swap3A_39 : vector<1x1x16xf32> to vector<16xf32>
    %swap3A_41 = vector.shape_cast %broadcast_in_dim3A_10 : vector<16xf32> to vector<1x1x16xf32>
    tpu.vector_store %arg8[%swap3A_36, %swap3A_37, %swap3A_38], %swap3A_41 {strides = array<i32>} : memref<2x128x64xf32, #tpu.memory_space<vmem>>, vector<1x1x16xf32>,
    %swap3A_42 = arith.constant 0 : i32
    %swap3A_43 = arith.constant 1 : i32
    %swap3A_44 = arith.index_cast %swap3A_42 : i32 to index
    %swap3A_45 = arith.index_cast %swap3A_43 : i32 to index
    %swap3A_46 = arith.constant 0 : index
    %swap3A_47 = tpu.vector_load %arg8[%swap3A_44, %swap3A_45, %swap3A_46] {strides = array<i32>} : memref<2x128x64xf32, #tpu.memory_space<vmem>>, vector<1x1x16xf32>,
    %swap3A_48 = vector.shape_cast %swap3A_47 : vector<1x1x16xf32> to vector<16xf32>
    %swap3A_49 = vector.shape_cast %broadcast_in_dim3A_10 : vector<16xf32> to vector<1x1x16xf32>
    tpu.vector_store %arg8[%swap3A_44, %swap3A_45, %swap3A_46], %swap3A_49 {strides = array<i32>} : memref<2x128x64xf32, #tpu.memory_space<vmem>>, vector<1x1x16xf32>,
    %swap3A_50 = arith.constant 0 : i32
    %swap3A_51 = arith.constant 1 : i32
    %swap3A_52 = arith.index_cast %swap3A_50 : i32 to index
    %swap3A_53 = arith.index_cast %swap3A_51 : i32 to index
    %swap3A_54 = arith.constant 16 : index
    %swap3A_55 = tpu.vector_load %arg8[%swap3A_52, %swap3A_53, %swap3A_54] {strides = array<i32>} : memref<2x128x64xf32, #tpu.memory_space<vmem>>, vector<1x1x16xf32>,
    %swap3A_56 = vector.shape_cast %swap3A_55 : vector<1x1x16xf32> to vector<16xf32>
    %swap3A_57 = vector.shape_cast %broadcast_in_dim3A_10 : vector<16xf32> to vector<1x1x16xf32>
    tpu.vector_store %arg8[%swap3A_52, %swap3A_53, %swap3A_54], %swap3A_57 {strides = array<i32>} : memref<2x128x64xf32, #tpu.memory_space<vmem>>, vector<1x1x16xf32>,
    %swap3A_58 = arith.constant 0 : i32
    %swap3A_59 = arith.constant 1 : i32
    %swap3A_60 = arith.index_cast %swap3A_58 : i32 to index
    %swap3A_61 = arith.index_cast %swap3A_59 : i32 to index
    %swap3A_62 = arith.constant 32 : index
    %swap3A_63 = tpu.vector_load %arg8[%swap3A_60, %swap3A_61, %swap3A_62] {strides = array<i32>} : memref<2x128x64xf32, #tpu.memory_space<vmem>>, vector<1x1x16xf32>,
    %swap3A_64 = vector.shape_cast %swap3A_63 : vector<1x1x16xf32> to vector<16xf32>
    %swap3A_65 = vector.shape_cast %broadcast_in_dim3A_10 : vector<16xf32> to vector<1x1x16xf32>
    tpu.vector_store %arg8[%swap3A_60, %swap3A_61, %swap3A_62], %swap3A_65 {strides = array<i32>} : memref<2x128x64xf32, #tpu.memory_space<vmem>>, vector<1x1x16xf32>,
    %swap3A_66 = arith.constant 0 : i32
    %swap3A_67 = arith.constant 1 : i32
    %swap3A_68 = arith.index_cast %swap3A_66 : i32 to index
    %swap3A_69 = arith.index_cast %swap3A_67 : i32 to index
    %swap3A_70 = arith.constant 48 : index
    %swap3A_71 = tpu.vector_load %arg8[%swap3A_68, %swap3A_69, %swap3A_70] {strides = array<i32>} : memref<2x128x64xf32, #tpu.memory_space<vmem>>, vector<1x1x16xf32>,
    %swap3A_72 = vector.shape_cast %swap3A_71 : vector<1x1x16xf32> to vector<16xf32>
    %swap3A_73 = vector.shape_cast %broadcast_in_dim3A_10 : vector<16xf32> to vector<1x1x16xf32>
    tpu.vector_store %arg8[%swap3A_68, %swap3A_69, %swap3A_70], %swap3A_73 {strides = array<i32>} : memref<2x128x64xf32, #tpu.memory_space<vmem>>, vector<1x1x16xf32>,
    %swap3A_74 = arith.constant 0 : i32
    %swap3A_75 = arith.constant 2 : i32
    %swap3A_76 = arith.index_cast %swap3A_74 : i32 to index
    %swap3A_77 = arith.index_cast %swap3A_75 : i32 to index
    %swap3A_78 = arith.constant 0 : index
    %swap3A_79 = tpu.vector_load %arg8[%swap3A_76, %swap3A_77, %swap3A_78] {strides = array<i32>} : memref<2x128x64xf32, #tpu.memory_space<vmem>>, vector<1x1x16xf32>,
    %swap3A_80 = vector.shape_cast %swap3A_79 : vector<1x1x16xf32> to vector<16xf32>
    %swap3A_81 = vector.shape_cast %broadcast_in_dim3A_10 : vector<16xf32> to vector<1x1x16xf32>
    tpu.vector_store %arg8[%swap3A_76, %swap3A_77, %swap3A_78], %swap3A_81 {strides = array<i32>} : memref<2x128x64xf32, #tpu.memory_space<vmem>>, vector<1x1x16xf32>,
    %swap3A_82 = arith.constant 0 : i32
    %swap3A_83 = arith.constant 2 : i32
    %swap3A_84 = arith.index_cast %swap3A_82 : i32 to index
    %swap3A_85 = arith.index_cast %swap3A_83 : i32 to index
    %swap3A_86 = arith.constant 16 : index
    %swap3A_87 = tpu.vector_load %arg8[%swap3A_84, %swap3A_85, %swap3A_86] {strides = array<i32>} : memref<2x128x64xf32, #tpu.memory_space<vmem>>, vector<1x1x16xf32>,
    %swap3A_88 = vector.shape_cast %swap3A_87 : vector<1x1x16xf32> to vector<16xf32>
    %swap3A_89 = vector.shape_cast %broadcast_in_dim3A_10 : vector<16xf32> to vector<1x1x16xf32>
    tpu.vector_store %arg8[%swap3A_84, %swap3A_85, %swap3A_86], %swap3A_89 {strides = array<i32>} : memref<2x128x64xf32, #tpu.memory_space<vmem>>, vector<1x1x16xf32>,
    %swap3A_90 = arith.constant 0 : i32
    %swap3A_91 = arith.constant 2 : i32
    %swap3A_92 = arith.index_cast %swap3A_90 : i32 to index
    %swap3A_93 = arith.index_cast %swap3A_91 : i32 to index
    %swap3A_94 = arith.constant 32 : index
    %swap3A_95 = tpu.vector_load %arg8[%swap3A_92, %swap3A_93, %swap3A_94] {strides = array<i32>} : memref<2x128x64xf32, #tpu.memory_space<vmem>>, vector<1x1x16xf32>,
    %swap3A_96 = vector.shape_cast %swap3A_95 : vector<1x1x16xf32> to vector<16xf32>
    %swap3A_97 = vector.shape_cast %broadcast_in_dim3A_10 : vector<16xf32> to vector<1x1x16xf32>
    tpu.vector_store %arg8[%swap3A_92, %swap3A_93, %swap3A_94], %swap3A_97 {strides = array<i32>} : memref<2x128x64xf32, #tpu.memory_space<vmem>>, vector<1x1x16xf32>,
    %swap3A_98 = arith.constant 0 : i32
    %swap3A_99 = arith.constant 2 : i32
    %swap3A_100 = arith.index_cast %swap3A_98 : i32 to index
    %swap3A_101 = arith.index_cast %swap3A_99 : i32 to index
    %swap3A_102 = arith.constant 48 : index
    %swap3A_103 = tpu.vector_load %arg8[%swap3A_100, %swap3A_101, %swap3A_102] {strides = array<i32>} : memref<2x128x64xf32, #tpu.memory_space<vmem>>, vector<1x1x16xf32>,
    %swap3A_104 = vector.shape_cast %swap3A_103 : vector<1x1x16xf32> to vector<16xf32>
    %swap3A_105 = vector.shape_cast %broadcast_in_dim3A_10 : vector<16xf32> to vector<1x1x16xf32>
    tpu.vector_store %arg8[%swap3A_100, %swap3A_101, %swap3A_102], %swap3A_105 {strides = array<i32>} : memref<2x128x64xf32, #tpu.memory_space<vmem>>, vector<1x1x16xf32>,
    %swap3A_106 = arith.constant 0 : i32
    %swap3A_107 = arith.constant 3 : i32
    %swap3A_108 = arith.index_cast %swap3A_106 : i32 to index
    %swap3A_109 = arith.index_cast %swap3A_107 : i32 to index
    %swap3A_110 = arith.constant 0 : index
    %swap3A_111 = tpu.vector_load %arg8[%swap3A_108, %swap3A_109, %swap3A_110] {strides = array<i32>} : memref<2x128x64xf32, #tpu.memory_space<vmem>>, vector<1x1x16xf32>,
    %swap3A_112 = vector.shape_cast %swap3A_111 : vector<1x1x16xf32> to vector<16xf32>
    %swap3A_113 = vector.shape_cast %broadcast_in_dim3A_10 : vector<16xf32> to vector<1x1x16xf32>
    tpu.vector_store %arg8[%swap3A_108, %swap3A_109, %swap3A_110], %swap3A_113 {strides = array<i32>} : memref<2x128x64xf32, #tpu.memory_space<vmem>>, vector<1x1x16xf32>,
    %swap3A_114 = arith.constant 0 : i32
    %swap3A_115 = arith.constant 3 : i32
    %swap3A_116 = arith.index_cast %swap3A_114 : i32 to index
    %swap3A_117 = arith.index_cast %swap3A_115 : i32 to index
    %swap3A_118 = arith.constant 16 : index
    %swap3A_119 = tpu.vector_load %arg8[%swap3A_116, %swap3A_117, %swap3A_118] {strides = array<i32>} : memref<2x128x64xf32, #tpu.memory_space<vmem>>, vector<1x1x16xf32>,
    %swap3A_120 = vector.shape_cast %swap3A_119 : vector<1x1x16xf32> to vector<16xf32>
    %swap3A_121 = vector.shape_cast %broadcast_in_dim3A_10 : vector<16xf32> to vector<1x1x16xf32>
    tpu.vector_store %arg8[%swap3A_116, %swap3A_117, %swap3A_118], %swap3A_121 {strides = array<i32>} : memref<2x128x64xf32, #tpu.memory_space<vmem>>, vector<1x1x16xf32>,
    %swap3A_122 = arith.constant 0 : i32
    %swap3A_123 = arith.constant 3 : i32
    %swap3A_124 = arith.index_cast %swap3A_122 : i32 to index
    %swap3A_125 = arith.index_cast %swap3A_123 : i32 to index
    %swap3A_126 = arith.constant 32 : index
    %swap3A_127 = tpu.vector_load %arg8[%swap3A_124, %swap3A_125, %swap3A_126] {strides = array<i32>} : memref<2x128x64xf32, #tpu.memory_space<vmem>>, vector<1x1x16xf32>,
    %swap3A_128 = vector.shape_cast %swap3A_127 : vector<1x1x16xf32> to vector<16xf32>
    %swap3A_129 = vector.shape_cast %broadcast_in_dim3A_10 : vector<16xf32> to vector<1x1x16xf32>
    tpu.vector_store %arg8[%swap3A_124, %swap3A_125, %swap3A_126], %swap3A_129 {strides = array<i32>} : memref<2x128x64xf32, #tpu.memory_space<vmem>>, vector<1x1x16xf32>,
    %swap3A_130 = arith.constant 0 : i32
    %swap3A_131 = arith.constant 3 : i32
    %swap3A_132 = arith.index_cast %swap3A_130 : i32 to index
    %swap3A_133 = arith.index_cast %swap3A_131 : i32 to index
    %swap3A_134 = arith.constant 48 : index
    %swap3A_135 = tpu.vector_load %arg8[%swap3A_132, %swap3A_133, %swap3A_134] {strides = array<i32>} : memref<2x128x64xf32, #tpu.memory_space<vmem>>, vector<1x1x16xf32>,
    %swap3A_136 = vector.shape_cast %swap3A_135 : vector<1x1x16xf32> to vector<16xf32>
    %swap3A_137 = vector.shape_cast %broadcast_in_dim3A_10 : vector<16xf32> to vector<1x1x16xf32>
    tpu.vector_store %arg8[%swap3A_132, %swap3A_133, %swap3A_134], %swap3A_137 {strides = array<i32>} : memref<2x128x64xf32, #tpu.memory_space<vmem>>, vector<1x1x16xf32>,
    %swap3A_138 = arith.constant 0 : i32
    %swap3A_139 = arith.constant 4 : i32
    %swap3A_140 = arith.index_cast %swap3A_138 : i32 to index
    %swap3A_141 = arith.index_cast %swap3A_139 : i32 to index
    %swap3A_142 = arith.constant 0 : index
    %swap3A_143 = tpu.vector_load %arg8[%swap3A_140, %swap3A_141, %swap3A_142] {strides = array<i32>} : memref<2x128x64xf32, #tpu.memory_space<vmem>>, vector<1x1x16xf32>,
    %swap3A_144 = vector.shape_cast %swap3A_143 : vector<1x1x16xf32> to vector<16xf32>
    %swap3A_145 = vector.shape_cast %broadcast_in_dim3A_10 : vector<16xf32> to vector<1x1x16xf32>
    tpu.vector_store %arg8[%swap3A_140, %swap3A_141, %swap3A_142], %swap3A_145 {strides = array<i32>} : memref<2x128x64xf32, #tpu.memory_space<vmem>>, vector<1x1x16xf32>,
    %swap3A_146 = arith.constant 0 : i32
    %swap3A_147 = arith.constant 4 : i32
    %swap3A_148 = arith.index_cast %swap3A_146 : i32 to index
    %swap3A_149 = arith.index_cast %swap3A_147 : i32 to index
    %swap3A_150 = arith.constant 16 : index
    %swap3A_151 = tpu.vector_load %arg8[%swap3A_148, %swap3A_149, %swap3A_150] {strides = array<i32>} : memref<2x128x64xf32, #tpu.memory_space<vmem>>, vector<1x1x16xf32>,
    %swap3A_152 = vector.shape_cast %swap3A_151 : vector<1x1x16xf32> to vector<16xf32>
    %swap3A_153 = vector.shape_cast %broadcast_in_dim3A_10 : vector<16xf32> to vector<1x1x16xf32>
    tpu.vector_store %arg8[%swap3A_148, %swap3A_149, %swap3A_150], %swap3A_153 {strides = array<i32>} : memref<2x128x64xf32, #tpu.memory_space<vmem>>, vector<1x1x16xf32>,
    %swap3A_154 = arith.constant 0 : i32
    %swap3A_155 = arith.constant 4 : i32
    %swap3A_156 = arith.index_cast %swap3A_154 : i32 to index
    %swap3A_157 = arith.index_cast %swap3A_155 : i32 to index
    %swap3A_158 = arith.constant 32 : index
    %swap3A_159 = tpu.vector_load %arg8[%swap3A_156, %swap3A_157, %swap3A_158] {strides = array<i32>} : memref<2x128x64xf32, #tpu.memory_space<vmem>>, vector<1x1x16xf32>,
    %swap3A_160 = vector.shape_cast %swap3A_159 : vector<1x1x16xf32> to vector<16xf32>
    %swap3A_161 = vector.shape_cast %broadcast_in_dim3A_10 : vector<16xf32> to vector<1x1x16xf32>
    tpu.vector_store %arg8[%swap3A_156, %swap3A_157, %swap3A_158], %swap3A_161 {strides = array<i32>} : memref<2x128x64xf32, #tpu.memory_space<vmem>>, vector<1x1x16xf32>,
    %swap3A_162 = arith.constant 0 : i32
    %swap3A_163 = arith.constant 4 : i32
    %swap3A_164 = arith.index_cast %swap3A_162 : i32 to index
    %swap3A_165 = arith.index_cast %swap3A_163 : i32 to index
    %swap3A_166 = arith.constant 48 : index
    %swap3A_167 = tpu.vector_load %arg8[%swap3A_164, %swap3A_165, %swap3A_166] {strides = array<i32>} : memref<2x128x64xf32, #tpu.memory_space<vmem>>, vector<1x1x16xf32>,
    %swap3A_168 = vector.shape_cast %swap3A_167 : vector<1x1x16xf32> to vector<16xf32>
    %swap3A_169 = vector.shape_cast %broadcast_in_dim3A_10 : vector<16xf32> to vector<1x1x16xf32>
    tpu.vector_store %arg8[%swap3A_164, %swap3A_165, %swap3A_166], %swap3A_169 {strides = array<i32>} : memref<2x128x64xf32, #tpu.memory_space<vmem>>, vector<1x1x16xf32>,
    %swap3A_170 = arith.constant 0 : i32
    %swap3A_171 = arith.constant 5 : i32
    %swap3A_172 = arith.index_cast %swap3A_170 : i32 to index
    %swap3A_173 = arith.index_cast %swap3A_171 : i32 to index
    %swap3A_174 = arith.constant 0 : index
    %swap3A_175 = tpu.vector_load %arg8[%swap3A_172, %swap3A_173, %swap3A_174] {strides = array<i32>} : memref<2x128x64xf32, #tpu.memory_space<vmem>>, vector<1x1x16xf32>,
    %swap3A_176 = vector.shape_cast %swap3A_175 : vector<1x1x16xf32> to vector<16xf32>
    %swap3A_177 = vector.shape_cast %broadcast_in_dim3A_10 : vector<16xf32> to vector<1x1x16xf32>
    tpu.vector_store %arg8[%swap3A_172, %swap3A_173, %swap3A_174], %swap3A_177 {strides = array<i32>} : memref<2x128x64xf32, #tpu.memory_space<vmem>>, vector<1x1x16xf32>,
    %swap3A_178 = arith.constant 0 : i32
    %swap3A_179 = arith.constant 5 : i32
    %swap3A_180 = arith.index_cast %swap3A_178 : i32 to index
    %swap3A_181 = arith.index_cast %swap3A_179 : i32 to index
    %swap3A_182 = arith.constant 16 : index
    %swap3A_183 = tpu.vector_load %arg8[%swap3A_180, %swap3A_181, %swap3A_182] {strides = array<i32>} : memref<2x128x64xf32, #tpu.memory_space<vmem>>, vector<1x1x16xf32>,
    %swap3A_184 = vector.shape_cast %swap3A_183 : vector<1x1x16xf32> to vector<16xf32>
    %swap3A_185 = vector.shape_cast %broadcast_in_dim3A_10 : vector<16xf32> to vector<1x1x16xf32>
    tpu.vector_store %arg8[%swap3A_180, %swap3A_181, %swap3A_182], %swap3A_185 {strides = array<i32>} : memref<2x128x64xf32, #tpu.memory_space<vmem>>, vector<1x1x16xf32>,
    %swap3A_186 = arith.constant 0 : i32
    %swap3A_187 = arith.constant 5 : i32
    %swap3A_188 = arith.index_cast %swap3A_186 : i32 to index
    %swap3A_189 = arith.index_cast %swap3A_187 : i32 to index
    %swap3A_190 = arith.constant 32 : index
    %swap3A_191 = tpu.vector_load %arg8[%swap3A_188, %swap3A_189, %swap3A_190] {strides = array<i32>} : memref<2x128x64xf32, #tpu.memory_space<vmem>>, vector<1x1x16xf32>,
    %swap3A_192 = vector.shape_cast %swap3A_191 : vector<1x1x16xf32> to vector<16xf32>
    %swap3A_193 = vector.shape_cast %broadcast_in_dim3A_10 : vector<16xf32> to vector<1x1x16xf32>
    tpu.vector_store %arg8[%swap3A_188, %swap3A_189, %swap3A_190], %swap3A_193 {strides = array<i32>} : memref<2x128x64xf32, #tpu.memory_space<vmem>>, vector<1x1x16xf32>,
    %swap3A_194 = arith.constant 0 : i32
    %swap3A_195 = arith.constant 5 : i32
    %swap3A_196 = arith.index_cast %swap3A_194 : i32 to index
    %swap3A_197 = arith.index_cast %swap3A_195 : i32 to index
    %swap3A_198 = arith.constant 48 : index
    %swap3A_199 = tpu.vector_load %arg8[%swap3A_196, %swap3A_197, %swap3A_198] {strides = array<i32>} : memref<2x128x64xf32, #tpu.memory_space<vmem>>, vector<1x1x16xf32>,
    %swap3A_200 = vector.shape_cast %swap3A_199 : vector<1x1x16xf32> to vector<16xf32>
    %swap3A_201 = vector.shape_cast %broadcast_in_dim3A_10 : vector<16xf32> to vector<1x1x16xf32>
    tpu.vector_store %arg8[%swap3A_196, %swap3A_197, %swap3A_198], %swap3A_201 {strides = array<i32>} : memref<2x128x64xf32, #tpu.memory_space<vmem>>, vector<1x1x16xf32>,
    %swap3A_202 = arith.constant 0 : i32
    %swap3A_203 = arith.constant 6 : i32
    %swap3A_204 = arith.index_cast %swap3A_202 : i32 to index
    %swap3A_205 = arith.index_cast %swap3A_203 : i32 to index
    %swap3A_206 = arith.constant 0 : index
    %swap3A_207 = tpu.vector_load %arg8[%swap3A_204, %swap3A_205, %swap3A_206] {strides = array<i32>} : memref<2x128x64xf32, #tpu.memory_space<vmem>>, vector<1x1x16xf32>,
    %swap3A_208 = vector.shape_cast %swap3A_207 : vector<1x1x16xf32> to vector<16xf32>
    %swap3A_209 = vector.shape_cast %broadcast_in_dim3A_10 : vector<16xf32> to vector<1x1x16xf32>
    tpu.vector_store %arg8[%swap3A_204, %swap3A_205, %swap3A_206], %swap3A_209 {strides = array<i32>} : memref<2x128x64xf32, #tpu.memory_space<vmem>>, vector<1x1x16xf32>,
    %swap3A_210 = arith.constant 0 : i32
    %swap3A_211 = arith.constant 6 : i32
    %swap3A_212 = arith.index_cast %swap3A_210 : i32 to index
    %swap3A_213 = arith.index_cast %swap3A_211 : i32 to index
    %swap3A_214 = arith.constant 16 : index
    %swap3A_215 = tpu.vector_load %arg8[%swap3A_212, %swap3A_213, %swap3A_214] {strides = array<i32>} : memref<2x128x64xf32, #tpu.memory_space<vmem>>, vector<1x1x16xf32>,
    %swap3A_216 = vector.shape_cast %swap3A_215 : vector<1x1x16xf32> to vector<16xf32>
    %swap3A_217 = vector.shape_cast %broadcast_in_dim3A_10 : vector<16xf32> to vector<1x1x16xf32>
    tpu.vector_store %arg8[%swap3A_212, %swap3A_213, %swap3A_214], %swap3A_217 {strides = array<i32>} : memref<2x128x64xf32, #tpu.memory_space<vmem>>, vector<1x1x16xf32>,
    %swap3A_218 = arith.constant 0 : i32
    %swap3A_219 = arith.constant 6 : i32
    %swap3A_220 = arith.index_cast %swap3A_218 : i32 to index
    %swap3A_221 = arith.index_cast %swap3A_219 : i32 to index
    %swap3A_222 = arith.constant 32 : index
    %swap3A_223 = tpu.vector_load %arg8[%swap3A_220, %swap3A_221, %swap3A_222] {strides = array<i32>} : memref<2x128x64xf32, #tpu.memory_space<vmem>>, vector<1x1x16xf32>,
    %swap3A_224 = vector.shape_cast %swap3A_223 : vector<1x1x16xf32> to vector<16xf32>
    %swap3A_225 = vector.shape_cast %broadcast_in_dim3A_10 : vector<16xf32> to vector<1x1x16xf32>
    tpu.vector_store %arg8[%swap3A_220, %swap3A_221, %swap3A_222], %swap3A_225 {strides = array<i32>} : memref<2x128x64xf32, #tpu.memory_space<vmem>>, vector<1x1x16xf32>,
    %swap3A_226 = arith.constant 0 : i32
    %swap3A_227 = arith.constant 6 : i32
    %swap3A_228 = arith.index_cast %swap3A_226 : i32 to index
    %swap3A_229 = arith.index_cast %swap3A_227 : i32 to index
    %swap3A_230 = arith.constant 48 : index
    %swap3A_231 = tpu.vector_load %arg8[%swap3A_228, %swap3A_229, %swap3A_230] {strides = array<i32>} : memref<2x128x64xf32, #tpu.memory_space<vmem>>, vector<1x1x16xf32>,
    %swap3A_232 = vector.shape_cast %swap3A_231 : vector<1x1x16xf32> to vector<16xf32>
    %swap3A_233 = vector.shape_cast %broadcast_in_dim3A_10 : vector<16xf32> to vector<1x1x16xf32>
    tpu.vector_store %arg8[%swap3A_228, %swap3A_229, %swap3A_230], %swap3A_233 {strides = array<i32>} : memref<2x128x64xf32, #tpu.memory_space<vmem>>, vector<1x1x16xf32>,
    %swap3A_234 = arith.constant 0 : i32
    %swap3A_235 = arith.constant 7 : i32
    %swap3A_236 = arith.index_cast %swap3A_234 : i32 to index
    %swap3A_237 = arith.index_cast %swap3A_235 : i32 to index
    %swap3A_238 = arith.constant 0 : index
    %swap3A_239 = tpu.vector_load %arg8[%swap3A_236, %swap3A_237, %swap3A_238] {strides = array<i32>} : memref<2x128x64xf32, #tpu.memory_space<vmem>>, vector<1x1x16xf32>,
    %swap3A_240 = vector.shape_cast %swap3A_239 : vector<1x1x16xf32> to vector<16xf32>
    %swap3A_241 = vector.shape_cast %broadcast_in_dim3A_10 : vector<16xf32> to vector<1x1x16xf32>
    tpu.vector_store %arg8[%swap3A_236, %swap3A_237, %swap3A_238], %swap3A_241 {strides = array<i32>} : memref<2x128x64xf32, #tpu.memory_space<vmem>>, vector<1x1x16xf32>,
    %swap3A_242 = arith.constant 0 : i32
    %swap3A_243 = arith.constant 7 : i32
    %swap3A_244 = arith.index_cast %swap3A_242 : i32 to index
    %swap3A_245 = arith.index_cast %swap3A_243 : i32 to index
    %swap3A_246 = arith.constant 16 : index
    %swap3A_247 = tpu.vector_load %arg8[%swap3A_244, %swap3A_245, %swap3A_246] {strides = array<i32>} : memref<2x128x64xf32, #tpu.memory_space<vmem>>, vector<1x1x16xf32>,
    %swap3A_248 = vector.shape_cast %swap3A_247 : vector<1x1x16xf32> to vector<16xf32>
    %swap3A_249 = vector.shape_cast %broadcast_in_dim3A_10 : vector<16xf32> to vector<1x1x16xf32>
    tpu.vector_store %arg8[%swap3A_244, %swap3A_245, %swap3A_246], %swap3A_249 {strides = array<i32>} : memref<2x128x64xf32, #tpu.memory_space<vmem>>, vector<1x1x16xf32>,
    %swap3A_250 = arith.constant 0 : i32
    %swap3A_251 = arith.constant 7 : i32
    %swap3A_252 = arith.index_cast %swap3A_250 : i32 to index
    %swap3A_253 = arith.index_cast %swap3A_251 : i32 to index
    %swap3A_254 = arith.constant 32 : index
    %swap3A_255 = tpu.vector_load %arg8[%swap3A_252, %swap3A_253, %swap3A_254] {strides = array<i32>} : memref<2x128x64xf32, #tpu.memory_space<vmem>>, vector<1x1x16xf32>,
    %swap3A_256 = vector.shape_cast %swap3A_255 : vector<1x1x16xf32> to vector<16xf32>
    %swap3A_257 = vector.shape_cast %broadcast_in_dim3A_10 : vector<16xf32> to vector<1x1x16xf32>
    tpu.vector_store %arg8[%swap3A_252, %swap3A_253, %swap3A_254], %swap3A_257 {strides = array<i32>} : memref<2x128x64xf32, #tpu.memory_space<vmem>>, vector<1x1x16xf32>,
    %swap3A_258 = arith.constant 0 : i32
    %swap3A_259 = arith.constant 7 : i32
    %swap3A_260 = arith.index_cast %swap3A_258 : i32 to index
    %swap3A_261 = arith.index_cast %swap3A_259 : i32 to index
    %swap3A_262 = arith.constant 48 : index
    %swap3A_263 = tpu.vector_load %arg8[%swap3A_260, %swap3A_261, %swap3A_262] {strides = array<i32>} : memref<2x128x64xf32, #tpu.memory_space<vmem>>, vector<1x1x16xf32>,
    %swap3A_264 = vector.shape_cast %swap3A_263 : vector<1x1x16xf32> to vector<16xf32>
    %swap3A_265 = vector.shape_cast %broadcast_in_dim3A_10 : vector<16xf32> to vector<1x1x16xf32>
    tpu.vector_store %arg8[%swap3A_260, %swap3A_261, %swap3A_262], %swap3A_265 {strides = array<i32>} : memref<2x128x64xf32, #tpu.memory_space<vmem>>, vector<1x1x16xf32>,
    %swap3A_266 = arith.constant 0 : i32
    %swap3A_267 = arith.constant 8 : i32
    %swap3A_268 = arith.index_cast %swap3A_266 : i32 to index
    %swap3A_269 = arith.index_cast %swap3A_267 : i32 to index
    %swap3A_270 = arith.constant 0 : index
    %swap3A_271 = tpu.vector_load %arg8[%swap3A_268, %swap3A_269, %swap3A_270] {strides = array<i32>} : memref<2x128x64xf32, #tpu.memory_space<vmem>>, vector<1x1x16xf32>,
    %swap3A_272 = vector.shape_cast %swap3A_271 : vector<1x1x16xf32> to vector<16xf32>
    %swap3A_273 = vector.shape_cast %broadcast_in_dim3A_10 : vector<16xf32> to vector<1x1x16xf32>
    tpu.vector_store %arg8[%swap3A_268, %swap3A_269, %swap3A_270], %swap3A_273 {strides = array<i32>} : memref<2x128x64xf32, #tpu.memory_space<vmem>>, vector<1x1x16xf32>,
    %swap3A_274 = arith.constant 0 : i32
    %swap3A_275 = arith.constant 8 : i32
    %swap3A_276 = arith.index_cast %swap3A_274 : i32 to index
    %swap3A_277 = arith.index_cast %swap3A_275 : i32 to index
    %swap3A_278 = arith.constant 16 : index
    %swap3A_279 = tpu.vector_load %arg8[%swap3A_276, %swap3A_277, %swap3A_278] {strides = array<i32>} : memref<2x128x64xf32, #tpu.memory_space<vmem>>, vector<1x1x16xf32>,
    %swap3A_280 = vector.shape_cast %swap3A_279 : vector<1x1x16xf32> to vector<16xf32>
    %swap3A_281 = vector.shape_cast %broadcast_in_dim3A_10 : vector<16xf32> to vector<1x1x16xf32>
    tpu.vector_store %arg8[%swap3A_276, %swap3A_277, %swap3A_278], %swap3A_281 {strides = array<i32>} : memref<2x128x64xf32, #tpu.memory_space<vmem>>, vector<1x1x16xf32>,
    %swap3A_282 = arith.constant 0 : i32
    %swap3A_283 = arith.constant 8 : i32
    %swap3A_284 = arith.index_cast %swap3A_282 : i32 to index
    %swap3A_285 = arith.index_cast %swap3A_283 : i32 to index
    %swap3A_286 = arith.constant 32 : index
    %swap3A_287 = tpu.vector_load %arg8[%swap3A_284, %swap3A_285, %swap3A_286] {strides = array<i32>} : memref<2x128x64xf32, #tpu.memory_space<vmem>>, vector<1x1x16xf32>,
    %swap3A_288 = vector.shape_cast %swap3A_287 : vector<1x1x16xf32> to vector<16xf32>
    %swap3A_289 = vector.shape_cast %broadcast_in_dim3A_10 : vector<16xf32> to vector<1x1x16xf32>
    tpu.vector_store %arg8[%swap3A_284, %swap3A_285, %swap3A_286], %swap3A_289 {strides = array<i32>} : memref<2x128x64xf32, #tpu.memory_space<vmem>>, vector<1x1x16xf32>,
    %swap3A_290 = arith.constant 0 : i32
    %swap3A_291 = arith.constant 8 : i32
    %swap3A_292 = arith.index_cast %swap3A_290 : i32 to index
    %swap3A_293 = arith.index_cast %swap3A_291 : i32 to index
    %swap3A_294 = arith.constant 48 : index
    %swap3A_295 = tpu.vector_load %arg8[%swap3A_292, %swap3A_293, %swap3A_294] {strides = array<i32>} : memref<2x128x64xf32, #tpu.memory_space<vmem>>, vector<1x1x16xf32>,
    %swap3A_296 = vector.shape_cast %swap3A_295 : vector<1x1x16xf32> to vector<16xf32>
    %swap3A_297 = vector.shape_cast %broadcast_in_dim3A_10 : vector<16xf32> to vector<1x1x16xf32>
    tpu.vector_store %arg8[%swap3A_292, %swap3A_293, %swap3A_294], %swap3A_297 {strides = array<i32>} : memref<2x128x64xf32, #tpu.memory_space<vmem>>, vector<1x1x16xf32>,
    %swap3A_298 = arith.constant 0 : i32
    %swap3A_299 = arith.constant 9 : i32
    %swap3A_300 = arith.index_cast %swap3A_298 : i32 to index
    %swap3A_301 = arith.index_cast %swap3A_299 : i32 to index
    %swap3A_302 = arith.constant 0 : index
    %swap3A_303 = tpu.vector_load %arg8[%swap3A_300, %swap3A_301, %swap3A_302] {strides = array<i32>} : memref<2x128x64xf32, #tpu.memory_space<vmem>>, vector<1x1x16xf32>,
    %swap3A_304 = vector.shape_cast %swap3A_303 : vector<1x1x16xf32> to vector<16xf32>
    %swap3A_305 = vector.shape_cast %broadcast_in_dim3A_10 : vector<16xf32> to vector<1x1x16xf32>
    tpu.vector_store %arg8[%swap3A_300, %swap3A_301, %swap3A_302], %swap3A_305 {strides = array<i32>} : memref<2x128x64xf32, #tpu.memory_space<vmem>>, vector<1x1x16xf32>,
    %swap3A_306 = arith.constant 0 : i32
    %swap3A_307 = arith.constant 9 : i32
    %swap3A_308 = arith.index_cast %swap3A_306 : i32 to index
    %swap3A_309 = arith.index_cast %swap3A_307 : i32 to index
    %swap3A_310 = arith.constant 16 : index
    %swap3A_311 = tpu.vector_load %arg8[%swap3A_308, %swap3A_309, %swap3A_310] {strides = array<i32>} : memref<2x128x64xf32, #tpu.memory_space<vmem>>, vector<1x1x16xf32>,
    %swap3A_312 = vector.shape_cast %swap3A_311 : vector<1x1x16xf32> to vector<16xf32>
    %swap3A_313 = vector.shape_cast %broadcast_in_dim3A_10 : vector<16xf32> to vector<1x1x16xf32>
    tpu.vector_store %arg8[%swap3A_308, %swap3A_309, %swap3A_310], %swap3A_313 {strides = array<i32>} : memref<2x128x64xf32, #tpu.memory_space<vmem>>, vector<1x1x16xf32>,
    %swap3A_314 = arith.constant 0 : i32
    %swap3A_315 = arith.constant 9 : i32
    %swap3A_316 = arith.index_cast %swap3A_314 : i32 to index
    %swap3A_317 = arith.index_cast %swap3A_315 : i32 to index
    %swap3A_318 = arith.constant 32 : index
    %swap3A_319 = tpu.vector_load %arg8[%swap3A_316, %swap3A_317, %swap3A_318] {strides = array<i32>} : memref<2x128x64xf32, #tpu.memory_space<vmem>>, vector<1x1x16xf32>,
    %swap3A_320 = vector.shape_cast %swap3A_319 : vector<1x1x16xf32> to vector<16xf32>
    %swap3A_321 = vector.shape_cast %broadcast_in_dim3A_10 : vector<16xf32> to vector<1x1x16xf32>
    tpu.vector_store %arg8[%swap3A_316, %swap3A_317, %swap3A_318], %swap3A_321 {strides = array<i32>} : memref<2x128x64xf32, #tpu.memory_space<vmem>>, vector<1x1x16xf32>,
    %swap3A_322 = arith.constant 0 : i32
    %swap3A_323 = arith.constant 9 : i32
    %swap3A_324 = arith.index_cast %swap3A_322 : i32 to index
    %swap3A_325 = arith.index_cast %swap3A_323 : i32 to index
    %swap3A_326 = arith.constant 48 : index
    %swap3A_327 = tpu.vector_load %arg8[%swap3A_324, %swap3A_325, %swap3A_326] {strides = array<i32>} : memref<2x128x64xf32, #tpu.memory_space<vmem>>, vector<1x1x16xf32>,
    %swap3A_328 = vector.shape_cast %swap3A_327 : vector<1x1x16xf32> to vector<16xf32>
    %swap3A_329 = vector.shape_cast %broadcast_in_dim3A_10 : vector<16xf32> to vector<1x1x16xf32>
    tpu.vector_store %arg8[%swap3A_324, %swap3A_325, %swap3A_326], %swap3A_329 {strides = array<i32>} : memref<2x128x64xf32, #tpu.memory_space<vmem>>, vector<1x1x16xf32>,
    %swap3A_330 = arith.constant 0 : i32
    %swap3A_331 = arith.constant 10 : i32
    %swap3A_332 = arith.index_cast %swap3A_330 : i32 to index
    %swap3A_333 = arith.index_cast %swap3A_331 : i32 to index
    %swap3A_334 = arith.constant 0 : index
    %swap3A_335 = tpu.vector_load %arg8[%swap3A_332, %swap3A_333, %swap3A_334] {strides = array<i32>} : memref<2x128x64xf32, #tpu.memory_space<vmem>>, vector<1x1x16xf32>,
    %swap3A_336 = vector.shape_cast %swap3A_335 : vector<1x1x16xf32> to vector<16xf32>
    %swap3A_337 = vector.shape_cast %broadcast_in_dim3A_10 : vector<16xf32> to vector<1x1x16xf32>
    tpu.vector_store %arg8[%swap3A_332, %swap3A_333, %swap3A_334], %swap3A_337 {strides = array<i32>} : memref<2x128x64xf32, #tpu.memory_space<vmem>>, vector<1x1x16xf32>,
    %swap3A_338 = arith.constant 0 : i32
    %swap3A_339 = arith.constant 10 : i32
    %swap3A_340 = arith.index_cast %swap3A_338 : i32 to index
    %swap3A_341 = arith.index_cast %swap3A_339 : i32 to index
    %swap3A_342 = arith.constant 16 : index
    %swap3A_343 = tpu.vector_load %arg8[%swap3A_340, %swap3A_341, %swap3A_342] {strides = array<i32>} : memref<2x128x64xf32, #tpu.memory_space<vmem>>, vector<1x1x16xf32>,
    %swap3A_344 = vector.shape_cast %swap3A_343 : vector<1x1x16xf32> to vector<16xf32>
    %swap3A_345 = vector.shape_cast %broadcast_in_dim3A_10 : vector<16xf32> to vector<1x1x16xf32>
    tpu.vector_store %arg8[%swap3A_340, %swap3A_341, %swap3A_342], %swap3A_345 {strides = array<i32>} : memref<2x128x64xf32, #tpu.memory_space<vmem>>, vector<1x1x16xf32>,
    %swap3A_346 = arith.constant 0 : i32
    %swap3A_347 = arith.constant 10 : i32
    %swap3A_348 = arith.index_cast %swap3A_346 : i32 to index
    %swap3A_349 = arith.index_cast %swap3A_347 : i32 to index
    %swap3A_350 = arith.constant 32 : index
    %swap3A_351 = tpu.vector_load %arg8[%swap3A_348, %swap3A_349, %swap3A_350] {strides = array<i32>} : memref<2x128x64xf32, #tpu.memory_space<vmem>>, vector<1x1x16xf32>,
    %swap3A_352 = vector.shape_cast %swap3A_351 : vector<1x1x16xf32> to vector<16xf32>
    %swap3A_353 = vector.shape_cast %broadcast_in_dim3A_10 : vector<16xf32> to vector<1x1x16xf32>
    tpu.vector_store %arg8[%swap3A_348, %swap3A_349, %swap3A_350], %swap3A_353 {strides = array<i32>} : memref<2x128x64xf32, #tpu.memory_space<vmem>>, vector<1x1x16xf32>,
    %swap3A_354 = arith.constant 0 : i32
    %swap3A_355 = arith.constant 10 : i32
    %swap3A_356 = arith.index_cast %swap3A_354 : i32 to index
    %swap3A_357 = arith.index_cast %swap3A_355 : i32 to index
    %swap3A_358 = arith.constant 48 : index
    %swap3A_359 = tpu.vector_load %arg8[%swap3A_356, %swap3A_357, %swap3A_358] {strides = array<i32>} : memref<2x128x64xf32, #tpu.memory_space<vmem>>, vector<1x1x16xf32>,
    %swap3A_360 = vector.shape_cast %swap3A_359 : vector<1x1x16xf32> to vector<16xf32>
    %swap3A_361 = vector.shape_cast %broadcast_in_dim3A_10 : vector<16xf32> to vector<1x1x16xf32>
    tpu.vector_store %arg8[%swap3A_356, %swap3A_357, %swap3A_358], %swap3A_361 {strides = array<i32>} : memref<2x128x64xf32, #tpu.memory_space<vmem>>, vector<1x1x16xf32>,
    %swap3A_362 = arith.constant 0 : i32
    %swap3A_363 = arith.constant 11 : i32
    %swap3A_364 = arith.index_cast %swap3A_362 : i32 to index
    %swap3A_365 = arith.index_cast %swap3A_363 : i32 to index
    %swap3A_366 = arith.constant 0 : index
    %swap3A_367 = tpu.vector_load %arg8[%swap3A_364, %swap3A_365, %swap3A_366] {strides = array<i32>} : memref<2x128x64xf32, #tpu.memory_space<vmem>>, vector<1x1x16xf32>,
    %swap3A_368 = vector.shape_cast %swap3A_367 : vector<1x1x16xf32> to vector<16xf32>
    %swap3A_369 = vector.shape_cast %broadcast_in_dim3A_10 : vector<16xf32> to vector<1x1x16xf32>
    tpu.vector_store %arg8[%swap3A_364, %swap3A_365, %swap3A_366], %swap3A_369 {strides = array<i32>} : memref<2x128x64xf32, #tpu.memory_space<vmem>>, vector<1x1x16xf32>,
    %swap3A_370 = arith.constant 0 : i32
    %swap3A_371 = arith.constant 11 : i32
    %swap3A_372 = arith.index_cast %swap3A_370 : i32 to index
    %swap3A_373 = arith.index_cast %swap3A_371 : i32 to index
    %swap3A_374 = arith.constant 16 : index
    %swap3A_375 = tpu.vector_load %arg8[%swap3A_372, %swap3A_373, %swap3A_374] {strides = array<i32>} : memref<2x128x64xf32, #tpu.memory_space<vmem>>, vector<1x1x16xf32>,
    %swap3A_376 = vector.shape_cast %swap3A_375 : vector<1x1x16xf32> to vector<16xf32>
    %swap3A_377 = vector.shape_cast %broadcast_in_dim3A_10 : vector<16xf32> to vector<1x1x16xf32>
    tpu.vector_store %arg8[%swap3A_372, %swap3A_373, %swap3A_374], %swap3A_377 {strides = array<i32>} : memref<2x128x64xf32, #tpu.memory_space<vmem>>, vector<1x1x16xf32>,
    %swap3A_378 = arith.constant 0 : i32
    %swap3A_379 = arith.constant 11 : i32
    %swap3A_380 = arith.index_cast %swap3A_378 : i32 to index
    %swap3A_381 = arith.index_cast %swap3A_379 : i32 to index
    %swap3A_382 = arith.constant 32 : index
    %swap3A_383 = tpu.vector_load %arg8[%swap3A_380, %swap3A_381, %swap3A_382] {strides = array<i32>} : memref<2x128x64xf32, #tpu.memory_space<vmem>>, vector<1x1x16xf32>,
    %swap3A_384 = vector.shape_cast %swap3A_383 : vector<1x1x16xf32> to vector<16xf32>
    %swap3A_385 = vector.shape_cast %broadcast_in_dim3A_10 : vector<16xf32> to vector<1x1x16xf32>
    tpu.vector_store %arg8[%swap3A_380, %swap3A_381, %swap3A_382], %swap3A_385 {strides = array<i32>} : memref<2x128x64xf32, #tpu.memory_space<vmem>>, vector<1x1x16xf32>,
    %swap3A_386 = arith.constant 0 : i32
    %swap3A_387 = arith.constant 11 : i32
    %swap3A_388 = arith.index_cast %swap3A_386 : i32 to index
    %swap3A_389 = arith.index_cast %swap3A_387 : i32 to index
    %swap3A_390 = arith.constant 48 : index
    %swap3A_391 = tpu.vector_load %arg8[%swap3A_388, %swap3A_389, %swap3A_390] {strides = array<i32>} : memref<2x128x64xf32, #tpu.memory_space<vmem>>, vector<1x1x16xf32>,
    %swap3A_392 = vector.shape_cast %swap3A_391 : vector<1x1x16xf32> to vector<16xf32>
    %swap3A_393 = vector.shape_cast %broadcast_in_dim3A_10 : vector<16xf32> to vector<1x1x16xf32>
    tpu.vector_store %arg8[%swap3A_388, %swap3A_389, %swap3A_390], %swap3A_393 {strides = array<i32>} : memref<2x128x64xf32, #tpu.memory_space<vmem>>, vector<1x1x16xf32>,
    %swap3A_394 = arith.constant 0 : i32
    %swap3A_395 = arith.constant 12 : i32
    %swap3A_396 = arith.index_cast %swap3A_394 : i32 to index
    %swap3A_397 = arith.index_cast %swap3A_395 : i32 to index
    %swap3A_398 = arith.constant 0 : index
    %swap3A_399 = tpu.vector_load %arg8[%swap3A_396, %swap3A_397, %swap3A_398] {strides = array<i32>} : memref<2x128x64xf32, #tpu.memory_space<vmem>>, vector<1x1x16xf32>,
    %swap3A_400 = vector.shape_cast %swap3A_399 : vector<1x1x16xf32> to vector<16xf32>
    %swap3A_401 = vector.shape_cast %broadcast_in_dim3A_10 : vector<16xf32> to vector<1x1x16xf32>
    tpu.vector_store %arg8[%swap3A_396, %swap3A_397, %swap3A_398], %swap3A_401 {strides = array<i32>} : memref<2x128x64xf32, #tpu.memory_space<vmem>>, vector<1x1x16xf32>,
    %swap3A_402 = arith.constant 0 : i32
    %swap3A_403 = arith.constant 12 : i32
    %swap3A_404 = arith.index_cast %swap3A_402 : i32 to index
    %swap3A_405 = arith.index_cast %swap3A_403 : i32 to index
    %swap3A_406 = arith.constant 16 : index
    %swap3A_407 = tpu.vector_load %arg8[%swap3A_404, %swap3A_405, %swap3A_406] {strides = array<i32>} : memref<2x128x64xf32, #tpu.memory_space<vmem>>, vector<1x1x16xf32>,
    %swap3A_408 = vector.shape_cast %swap3A_407 : vector<1x1x16xf32> to vector<16xf32>
    %swap3A_409 = vector.shape_cast %broadcast_in_dim3A_10 : vector<16xf32> to vector<1x1x16xf32>
    tpu.vector_store %arg8[%swap3A_404, %swap3A_405, %swap3A_406], %swap3A_409 {strides = array<i32>} : memref<2x128x64xf32, #tpu.memory_space<vmem>>, vector<1x1x16xf32>,
    %swap3A_410 = arith.constant 0 : i32
    %swap3A_411 = arith.constant 12 : i32
    %swap3A_412 = arith.index_cast %swap3A_410 : i32 to index
    %swap3A_413 = arith.index_cast %swap3A_411 : i32 to index
    %swap3A_414 = arith.constant 32 : index
    %swap3A_415 = tpu.vector_load %arg8[%swap3A_412, %swap3A_413, %swap3A_414] {strides = array<i32>} : memref<2x128x64xf32, #tpu.memory_space<vmem>>, vector<1x1x16xf32>,
    %swap3A_416 = vector.shape_cast %swap3A_415 : vector<1x1x16xf32> to vector<16xf32>
    %swap3A_417 = vector.shape_cast %broadcast_in_dim3A_10 : vector<16xf32> to vector<1x1x16xf32>
    tpu.vector_store %arg8[%swap3A_412, %swap3A_413, %swap3A_414], %swap3A_417 {strides = array<i32>} : memref<2x128x64xf32, #tpu.memory_space<vmem>>, vector<1x1x16xf32>,
    %swap3A_418 = arith.constant 0 : i32
    %swap3A_419 = arith.constant 12 : i32
    %swap3A_420 = arith.index_cast %swap3A_418 : i32 to index
    %swap3A_421 = arith.index_cast %swap3A_419 : i32 to index
    %swap3A_422 = arith.constant 48 : index
    %swap3A_423 = tpu.vector_load %arg8[%swap3A_420, %swap3A_421, %swap3A_422] {strides = array<i32>} : memref<2x128x64xf32, #tpu.memory_space<vmem>>, vector<1x1x16xf32>,
    %swap3A_424 = vector.shape_cast %swap3A_423 : vector<1x1x16xf32> to vector<16xf32>
    %swap3A_425 = vector.shape_cast %broadcast_in_dim3A_10 : vector<16xf32> to vector<1x1x16xf32>
    tpu.vector_store %arg8[%swap3A_420, %swap3A_421, %swap3A_422], %swap3A_425 {strides = array<i32>} : memref<2x128x64xf32, #tpu.memory_space<vmem>>, vector<1x1x16xf32>,
    %swap3A_426 = arith.constant 0 : i32
    %swap3A_427 = arith.constant 13 : i32
    %swap3A_428 = arith.index_cast %swap3A_426 : i32 to index
    %swap3A_429 = arith.index_cast %swap3A_427 : i32 to index
    %swap3A_430 = arith.constant 0 : index
    %swap3A_431 = tpu.vector_load %arg8[%swap3A_428, %swap3A_429, %swap3A_430] {strides = array<i32>} : memref<2x128x64xf32, #tpu.memory_space<vmem>>, vector<1x1x16xf32>,
    %swap3A_432 = vector.shape_cast %swap3A_431 : vector<1x1x16xf32> to vector<16xf32>
    %swap3A_433 = vector.shape_cast %broadcast_in_dim3A_10 : vector<16xf32> to vector<1x1x16xf32>
    tpu.vector_store %arg8[%swap3A_428, %swap3A_429, %swap3A_430], %swap3A_433 {strides = array<i32>} : memref<2x128x64xf32, #tpu.memory_space<vmem>>, vector<1x1x16xf32>,
    %swap3A_434 = arith.constant 0 : i32
    %swap3A_435 = arith.constant 13 : i32
    %swap3A_436 = arith.index_cast %swap3A_434 : i32 to index
    %swap3A_437 = arith.index_cast %swap3A_435 : i32 to index
    %swap3A_438 = arith.constant 16 : index
    %swap3A_439 = tpu.vector_load %arg8[%swap3A_436, %swap3A_437, %swap3A_438] {strides = array<i32>} : memref<2x128x64xf32, #tpu.memory_space<vmem>>, vector<1x1x16xf32>,
    %swap3A_440 = vector.shape_cast %swap3A_439 : vector<1x1x16xf32> to vector<16xf32>
    %swap3A_441 = vector.shape_cast %broadcast_in_dim3A_10 : vector<16xf32> to vector<1x1x16xf32>
    tpu.vector_store %arg8[%swap3A_436, %swap3A_437, %swap3A_438], %swap3A_441 {strides = array<i32>} : memref<2x128x64xf32, #tpu.memory_space<vmem>>, vector<1x1x16xf32>,
    %swap3A_442 = arith.constant 0 : i32
    %swap3A_443 = arith.constant 13 : i32
    %swap3A_444 = arith.index_cast %swap3A_442 : i32 to index
    %swap3A_445 = arith.index_cast %swap3A_443 : i32 to index
    %swap3A_446 = arith.constant 32 : index
    %swap3A_447 = tpu.vector_load %arg8[%swap3A_444, %swap3A_445, %swap3A_446] {strides = array<i32>} : memref<2x128x64xf32, #tpu.memory_space<vmem>>, vector<1x1x16xf32>,
    %swap3A_448 = vector.shape_cast %swap3A_447 : vector<1x1x16xf32> to vector<16xf32>
    %swap3A_449 = vector.shape_cast %broadcast_in_dim3A_10 : vector<16xf32> to vector<1x1x16xf32>
    tpu.vector_store %arg8[%swap3A_444, %swap3A_445, %swap3A_446], %swap3A_449 {strides = array<i32>} : memref<2x128x64xf32, #tpu.memory_space<vmem>>, vector<1x1x16xf32>,
    %swap3A_450 = arith.constant 0 : i32
    %swap3A_451 = arith.constant 13 : i32
    %swap3A_452 = arith.index_cast %swap3A_450 : i32 to index
    %swap3A_453 = arith.index_cast %swap3A_451 : i32 to index
    %swap3A_454 = arith.constant 48 : index
    %swap3A_455 = tpu.vector_load %arg8[%swap3A_452, %swap3A_453, %swap3A_454] {strides = array<i32>} : memref<2x128x64xf32, #tpu.memory_space<vmem>>, vector<1x1x16xf32>,
    %swap3A_456 = vector.shape_cast %swap3A_455 : vector<1x1x16xf32> to vector<16xf32>
    %swap3A_457 = vector.shape_cast %broadcast_in_dim3A_10 : vector<16xf32> to vector<1x1x16xf32>
    tpu.vector_store %arg8[%swap3A_452, %swap3A_453, %swap3A_454], %swap3A_457 {strides = array<i32>} : memref<2x128x64xf32, #tpu.memory_space<vmem>>, vector<1x1x16xf32>,
    %swap3A_458 = arith.constant 0 : i32
    %swap3A_459 = arith.constant 14 : i32
    %swap3A_460 = arith.index_cast %swap3A_458 : i32 to index
    %swap3A_461 = arith.index_cast %swap3A_459 : i32 to index
    %swap3A_462 = arith.constant 0 : index
    %swap3A_463 = tpu.vector_load %arg8[%swap3A_460, %swap3A_461, %swap3A_462] {strides = array<i32>} : memref<2x128x64xf32, #tpu.memory_space<vmem>>, vector<1x1x16xf32>,
    %swap3A_464 = vector.shape_cast %swap3A_463 : vector<1x1x16xf32> to vector<16xf32>
    %swap3A_465 = vector.shape_cast %broadcast_in_dim3A_10 : vector<16xf32> to vector<1x1x16xf32>
    tpu.vector_store %arg8[%swap3A_460, %swap3A_461, %swap3A_462], %swap3A_465 {strides = array<i32>} : memref<2x128x64xf32, #tpu.memory_space<vmem>>, vector<1x1x16xf32>,
    %swap3A_466 = arith.constant 0 : i32
    %swap3A_467 = arith.constant 14 : i32
    %swap3A_468 = arith.index_cast %swap3A_466 : i32 to index
    %swap3A_469 = arith.index_cast %swap3A_467 : i32 to index
    %swap3A_470 = arith.constant 16 : index
    %swap3A_471 = tpu.vector_load %arg8[%swap3A_468, %swap3A_469, %swap3A_470] {strides = array<i32>} : memref<2x128x64xf32, #tpu.memory_space<vmem>>, vector<1x1x16xf32>,
    %swap3A_472 = vector.shape_cast %swap3A_471 : vector<1x1x16xf32> to vector<16xf32>
    %swap3A_473 = vector.shape_cast %broadcast_in_dim3A_10 : vector<16xf32> to vector<1x1x16xf32>
    tpu.vector_store %arg8[%swap3A_468, %swap3A_469, %swap3A_470], %swap3A_473 {strides = array<i32>} : memref<2x128x64xf32, #tpu.memory_space<vmem>>, vector<1x1x16xf32>,
    %swap3A_474 = arith.constant 0 : i32
    %swap3A_475 = arith.constant 14 : i32
    %swap3A_476 = arith.index_cast %swap3A_474 : i32 to index
    %swap3A_477 = arith.index_cast %swap3A_475 : i32 to index
    %swap3A_478 = arith.constant 32 : index
    %swap3A_479 = tpu.vector_load %arg8[%swap3A_476, %swap3A_477, %swap3A_478] {strides = array<i32>} : memref<2x128x64xf32, #tpu.memory_space<vmem>>, vector<1x1x16xf32>,
    %swap3A_480 = vector.shape_cast %swap3A_479 : vector<1x1x16xf32> to vector<16xf32>
    %swap3A_481 = vector.shape_cast %broadcast_in_dim3A_10 : vector<16xf32> to vector<1x1x16xf32>
    tpu.vector_store %arg8[%swap3A_476, %swap3A_477, %swap3A_478], %swap3A_481 {strides = array<i32>} : memref<2x128x64xf32, #tpu.memory_space<vmem>>, vector<1x1x16xf32>,
    %swap3A_482 = arith.constant 0 : i32
    %swap3A_483 = arith.constant 14 : i32
    %swap3A_484 = arith.index_cast %swap3A_482 : i32 to index
    %swap3A_485 = arith.index_cast %swap3A_483 : i32 to index
    %swap3A_486 = arith.constant 48 : index
    %swap3A_487 = tpu.vector_load %arg8[%swap3A_484, %swap3A_485, %swap3A_486] {strides = array<i32>} : memref<2x128x64xf32, #tpu.memory_space<vmem>>, vector<1x1x16xf32>,
    %swap3A_488 = vector.shape_cast %swap3A_487 : vector<1x1x16xf32> to vector<16xf32>
    %swap3A_489 = vector.shape_cast %broadcast_in_dim3A_10 : vector<16xf32> to vector<1x1x16xf32>
    tpu.vector_store %arg8[%swap3A_484, %swap3A_485, %swap3A_486], %swap3A_489 {strides = array<i32>} : memref<2x128x64xf32, #tpu.memory_space<vmem>>, vector<1x1x16xf32>,
    %swap3A_490 = arith.constant 0 : i32
    %swap3A_491 = arith.constant 15 : i32
    %swap3A_492 = arith.index_cast %swap3A_490 : i32 to index
    %swap3A_493 = arith.index_cast %swap3A_491 : i32 to index
    %swap3A_494 = arith.constant 0 : index
    %swap3A_495 = tpu.vector_load %arg8[%swap3A_492, %swap3A_493, %swap3A_494] {strides = array<i32>} : memref<2x128x64xf32, #tpu.memory_space<vmem>>, vector<1x1x16xf32>,
    %swap3A_496 = vector.shape_cast %swap3A_495 : vector<1x1x16xf32> to vector<16xf32>
    %swap3A_497 = vector.shape_cast %broadcast_in_dim3A_10 : vector<16xf32> to vector<1x1x16xf32>
    tpu.vector_store %arg8[%swap3A_492, %swap3A_493, %swap3A_494], %swap3A_497 {strides = array<i32>} : memref<2x128x64xf32, #tpu.memory_space<vmem>>, vector<1x1x16xf32>,
    %swap3A_498 = arith.constant 0 : i32
    %swap3A_499 = arith.constant 15 : i32
    %swap3A_500 = arith.index_cast %swap3A_498 : i32 to index
    %swap3A_501 = arith.index_cast %swap3A_499 : i32 to index
    %swap3A_502 = arith.constant 16 : index
    %swap3A_503 = tpu.vector_load %arg8[%swap3A_500, %swap3A_501, %swap3A_502] {strides = array<i32>} : memref<2x128x64xf32, #tpu.memory_space<vmem>>, vector<1x1x16xf32>,
    %swap3A_504 = vector.shape_cast %swap3A_503 : vector<1x1x16xf32> to vector<16xf32>
    %swap3A_505 = vector.shape_cast %broadcast_in_dim3A_10 : vector<16xf32> to vector<1x1x16xf32>
    tpu.vector_store %arg8[%swap3A_500, %swap3A_501, %swap3A_502], %swap3A_505 {strides = array<i32>} : memref<2x128x64xf32, #tpu.memory_space<vmem>>, vector<1x1x16xf32>,
    %swap3A_506 = arith.constant 0 : i32
    %swap3A_507 = arith.constant 15 : i32
    %swap3A_508 = arith.index_cast %swap3A_506 : i32 to index
    %swap3A_509 = arith.index_cast %swap3A_507 : i32 to index
    %swap3A_510 = arith.constant 32 : index
    %swap3A_511 = tpu.vector_load %arg8[%swap3A_508, %swap3A_509, %swap3A_510] {strides = array<i32>} : memref<2x128x64xf32, #tpu.memory_space<vmem>>, vector<1x1x16xf32>,
    %swap3A_512 = vector.shape_cast %swap3A_511 : vector<1x1x16xf32> to vector<16xf32>
    %swap3A_513 = vector.shape_cast %broadcast_in_dim3A_10 : vector<16xf32> to vector<1x1x16xf32>
    tpu.vector_store %arg8[%swap3A_508, %swap3A_509, %swap3A_510], %swap3A_513 {strides = array<i32>} : memref<2x128x64xf32, #tpu.memory_space<vmem>>, vector<1x1x16xf32>,
    %swap3A_514 = arith.constant 0 : i32
    %swap3A_515 = arith.constant 15 : i32
    %swap3A_516 = arith.index_cast %swap3A_514 : i32 to index
    %swap3A_517 = arith.index_cast %swap3A_515 : i32 to index
    %swap3A_518 = arith.constant 48 : index
    %swap3A_519 = tpu.vector_load %arg8[%swap3A_516, %swap3A_517, %swap3A_518] {strides = array<i32>} : memref<2x128x64xf32, #tpu.memory_space<vmem>>, vector<1x1x16xf32>,
    %swap3A_520 = vector.shape_cast %swap3A_519 : vector<1x1x16xf32> to vector<16xf32>
    %swap3A_521 = vector.shape_cast %broadcast_in_dim3A_10 : vector<16xf32> to vector<1x1x16xf32>
    tpu.vector_store %arg8[%swap3A_516, %swap3A_517, %swap3A_518], %swap3A_521 {strides = array<i32>} : memref<2x128x64xf32, #tpu.memory_space<vmem>>, vector<1x1x16xf32>,
    %scan3A = arith.constant 0 : i32
    %scan3A_522 = arith.constant 0 : i32
    %scan3A_523 = arith.constant 40 : i32
    %scan3A_524 = arith.addi %scan3A_522, %scan3A_523 : i32
    %scan3A_525 = arith.constant 1 : i32
    scf.for %scan3A_551 = %scan3A_522 to %scan3A_524 step %scan3A_525  : i32 {
      %mul3A_552 = arith.constant 640 : i32
      %mul3A_553 = arith.muli %arg1, %mul3A_552 : i32
      %mul3A_554 = arith.constant 16 : i32
      %mul3A_555 = arith.muli %scan3A_551, %mul3A_554 : i32
      %add3A_556 = arith.addi %mul3A_553, %mul3A_555 : i32
      %dma_start3A = arith.constant 0 : i32
      %dma_start3A_557 = arith.constant 0 : i32
      %dma_start3A_558 = arith.constant 0 : i32
      %dma_start3A_559 = tpu.memref_slice %arg8[%dma_start3A, %dma_start3A_557, %dma_start3A_558] : memref<2x128x64xf32, #tpu.memory_space<vmem>> -> memref<1x16x64xf32, #tpu.memory_space<vmem>>
      %dma_start3A_560 = tpu.memref_squeeze %dma_start3A_559 : memref<1x16x64xf32, #tpu.memory_space<vmem>> -> memref<16x64xf32, #tpu.memory_space<vmem>>
      %dma_start3A_561 = arith.constant 0 : i32
      %dma_start3A_562 = tpu.memref_slice %arg9[%add3A_556, %dma_start3A_561] : memref<10240x64xf32, #tpu.memory_space<vmem_shared>> -> memref<16x64xf32, #tpu.memory_space<vmem_shared>>
      %dma_start3A_563 = arith.constant 0 : i32
      %dma_start3A_564 = tpu.memref_slice %arg9[%add3A_556, %dma_start3A_563] : memref<10240x64xf32, #tpu.memory_space<vmem_shared>> -> memref<16x64xf32, #tpu.memory_space<vmem_shared>>
      %dma_start3A_565 = arith.constant 0 : i32
      %dma_start3A_566 = arith.constant 0 : i32
      %dma_start3A_567 = tpu.memref_slice %arg8[%dma_start3A, %dma_start3A_565, %dma_start3A_566] : memref<2x128x64xf32, #tpu.memory_space<vmem>> -> memref<1x16x64xf32, #tpu.memory_space<vmem>>
      %dma_start3A_568 = tpu.memref_squeeze %dma_start3A_567 : memref<1x16x64xf32, #tpu.memory_space<vmem>> -> memref<16x64xf32, #tpu.memory_space<vmem>>
      tpu.enqueue_dma source(%dma_start3A_568 : memref<16x64xf32, #tpu.memory_space<vmem>>) target(%dma_start3A_564 : memref<16x64xf32, #tpu.memory_space<vmem_shared>>) target_semaphore(%arg13 : memref<!tpu.dma_semaphore, #tpu.memory_space<semaphore_mem>>)
    }
    %scan3A_526 = arith.constant 40 : i32
    %mul3A_527 = arith.constant 625 : i32
    %mul3A_528 = arith.muli %arg1, %mul3A_527 : i32
    %mul3A_529 = arith.constant 625 : i32
    %mul3A_530 = arith.muli %arg1, %mul3A_529 : i32
    "tpu.region"() ({
      %run_scoped3A = tpu.sem_alloc : memref<!tpu.dma_semaphore, #tpu.memory_space<semaphore_mem>>
      %dma_start3A = arith.constant 0 : i32
      %dma_start3A_551 = tpu.memref_slice %arg10[%mul3A_530, %dma_start3A] : memref<10000x64xf32, #tpu.memory_space<vmem_shared>> -> memref<625x64xf32, #tpu.memory_space<vmem_shared>>
      %dma_start3A_552 = arith.constant 0 : i32
      %dma_start3A_553 = tpu.memref_slice %arg2[%mul3A_528, %dma_start3A_552] : memref<10000x64xf32, #tpu.memory_space<hbm>> -> memref<625x64xf32, #tpu.memory_space<hbm>>
      tpu.enqueue_dma source(%dma_start3A_553 : memref<625x64xf32, #tpu.memory_space<hbm>>) target(%dma_start3A_551 : memref<625x64xf32, #tpu.memory_space<vmem_shared>>) target_semaphore(%run_scoped3A : memref<!tpu.dma_semaphore, #tpu.memory_space<semaphore_mem>>)
      %dma_wait3A = arith.constant 0 : i32
      %dma_wait3A_554 = tpu.memref_slice %arg10[%mul3A_530, %dma_wait3A] : memref<10000x64xf32, #tpu.memory_space<vmem_shared>> -> memref<625x64xf32, #tpu.memory_space<vmem_shared>>
      %dma_wait3A_555 = arith.constant 0 : i32
      %dma_wait3A_556 = tpu.memref_slice %arg2[%mul3A_528, %dma_wait3A_555] : memref<10000x64xf32, #tpu.memory_space<hbm>> -> memref<625x64xf32, #tpu.memory_space<hbm>>
      tpu.wait_dma2 semaphore(%run_scoped3A : memref<!tpu.dma_semaphore, #tpu.memory_space<semaphore_mem>>) src(%dma_wait3A_556 : memref<625x64xf32, #tpu.memory_space<hbm>>) dst(%dma_wait3A_554 : memref<625x64xf32, #tpu.memory_space<vmem_shared>>)
      tpu.yield
    }) : () -> ()
    %scan3A_531 = arith.constant 0 : i32
    %scan3A_532 = arith.constant 0 : i32
    %scan3A_533 = arith.constant 40 : i32
    %scan3A_534 = arith.addi %scan3A_532, %scan3A_533 : i32
    %scan3A_535 = arith.constant 1 : i32
    scf.for %scan3A_551 = %scan3A_532 to %scan3A_534 step %scan3A_535  : i32 {
      %mul3A_552 = arith.constant 640 : i32
      %mul3A_553 = arith.muli %arg1, %mul3A_552 : i32
      %mul3A_554 = arith.constant 16 : i32
      %mul3A_555 = arith.muli %scan3A_551, %mul3A_554 : i32
      %add3A_556 = arith.addi %mul3A_553, %mul3A_555 : i32
      %dma_wait3A = arith.constant 0 : i32
      %dma_wait3A_557 = arith.constant 0 : i32
      %dma_wait3A_558 = arith.constant 0 : i32
      %dma_wait3A_559 = tpu.memref_slice %arg8[%dma_wait3A, %dma_wait3A_557, %dma_wait3A_558] : memref<2x128x64xf32, #tpu.memory_space<vmem>> -> memref<1x16x64xf32, #tpu.memory_space<vmem>>
      %dma_wait3A_560 = tpu.memref_squeeze %dma_wait3A_559 : memref<1x16x64xf32, #tpu.memory_space<vmem>> -> memref<16x64xf32, #tpu.memory_space<vmem>>
      %dma_wait3A_561 = arith.constant 0 : i32
      %dma_wait3A_562 = tpu.memref_slice %arg9[%add3A_556, %dma_wait3A_561] : memref<10240x64xf32, #tpu.memory_space<vmem_shared>> -> memref<16x64xf32, #tpu.memory_space<vmem_shared>>
      %dma_wait3A_563 = arith.constant 0 : i32
      %dma_wait3A_564 = tpu.memref_slice %arg9[%add3A_556, %dma_wait3A_563] : memref<10240x64xf32, #tpu.memory_space<vmem_shared>> -> memref<16x64xf32, #tpu.memory_space<vmem_shared>>
      %dma_wait3A_565 = arith.constant 0 : i32
      %dma_wait3A_566 = arith.constant 0 : i32
      %dma_wait3A_567 = tpu.memref_slice %arg8[%dma_wait3A, %dma_wait3A_565, %dma_wait3A_566] : memref<2x128x64xf32, #tpu.memory_space<vmem>> -> memref<1x16x64xf32, #tpu.memory_space<vmem>>
      %dma_wait3A_568 = tpu.memref_squeeze %dma_wait3A_567 : memref<1x16x64xf32, #tpu.memory_space<vmem>> -> memref<16x64xf32, #tpu.memory_space<vmem>>
      tpu.wait_dma2 semaphore(%arg13 : memref<!tpu.dma_semaphore, #tpu.memory_space<semaphore_mem>>) src(%dma_wait3A_568 : memref<16x64xf32, #tpu.memory_space<vmem>>) dst(%dma_wait3A_564 : memref<16x64xf32, #tpu.memory_space<vmem_shared>>)
    }
    %scan3A_536 = arith.constant 40 : i32
    %barrier3A = arith.constant 0 : index
    tpu.barrier barrier_id(%barrier3A)
    %while3A = arith.constant 0 : i32
    %while3A_537 = arith.constant 0 : i32
    %while3A_538 = arith.subi %select_n3A_2, %while3A_537 : i32
    %while3A_539 = arith.addi %while3A_537, %while3A_538 : i32
    %while3A_540 = arith.constant 1 : i32
    %while3A_541 = arith.divsi %while3A_538, %while3A_540 : i32
    %while3A_542 = arith.muli %while3A_541, %while3A_540 : i32
    %while3A_543 = arith.addi %while3A_537, %while3A_542 : i32
    %while3A_544 = arith.constant 1 : i32
    scf.for %while3A_551 = %while3A_537 to %while3A_543 step %while3A_544  : i32 {
      %mul3A_552 = arith.constant 40 : i32
      %mul3A_553 = arith.muli %while3A_551, %mul3A_552 : i32
      %add3A_554 = arith.addi %select_n3A_9, %mul3A_553 : i32
      "tpu.region"() ({
        %run_scoped3A = tpu.sem_alloc : memref<!tpu.dma_semaphore, #tpu.memory_space<semaphore_mem>>
        %dma_start3A_682 = arith.constant 0 : i32
        %dma_start3A_683 = tpu.memref_slice %arg3[%add3A_554, %dma_start3A_682] : memref<2560x128xi32, #tpu.memory_space<hbm>> -> memref<40x128xi32, #tpu.memory_space<hbm>>
        %dma_start3A_684 = arith.constant 0 : i32
        %dma_start3A_685 = tpu.memref_slice %arg3[%add3A_554, %dma_start3A_684] : memref<2560x128xi32, #tpu.memory_space<hbm>> -> memref<40x128xi32, #tpu.memory_space<hbm>>
        tpu.enqueue_dma source(%dma_start3A_685 : memref<40x128xi32, #tpu.memory_space<hbm>>) target(%arg6 : memref<40x128xi32, #tpu.memory_space<vmem>>) target_semaphore(%run_scoped3A : memref<!tpu.dma_semaphore, #tpu.memory_space<semaphore_mem>>)
        %dma_wait3A_686 = arith.constant 0 : i32
        %dma_wait3A_687 = tpu.memref_slice %arg3[%add3A_554, %dma_wait3A_686] : memref<2560x128xi32, #tpu.memory_space<hbm>> -> memref<40x128xi32, #tpu.memory_space<hbm>>
        %dma_wait3A_688 = arith.constant 0 : i32
        %dma_wait3A_689 = tpu.memref_slice %arg3[%add3A_554, %dma_wait3A_688] : memref<2560x128xi32, #tpu.memory_space<hbm>> -> memref<40x128xi32, #tpu.memory_space<hbm>>
        tpu.wait_dma2 semaphore(%run_scoped3A : memref<!tpu.dma_semaphore, #tpu.memory_space<semaphore_mem>>) src(%dma_wait3A_689 : memref<40x128xi32, #tpu.memory_space<hbm>>) dst(%arg6 : memref<40x128xi32, #tpu.memory_space<vmem>>)
        tpu.yield
      }) : () -> ()
      %mul3A_555 = arith.constant 40 : i32
      %mul3A_556 = arith.muli %while3A_551, %mul3A_555 : i32
      %add3A_557 = arith.addi %select_n3A_9, %mul3A_556 : i32
      "tpu.region"() ({
        %run_scoped3A = tpu.sem_alloc : memref<!tpu.dma_semaphore, #tpu.memory_space<semaphore_mem>>
        %dma_start3A_682 = arith.constant 0 : i32
        %dma_start3A_683 = tpu.memref_slice %arg4[%add3A_557, %dma_start3A_682] : memref<2560x128xi32, #tpu.memory_space<hbm>> -> memref<40x128xi32, #tpu.memory_space<hbm>>
        %dma_start3A_684 = arith.constant 0 : i32
        %dma_start3A_685 = tpu.memref_slice %arg4[%add3A_557, %dma_start3A_684] : memref<2560x128xi32, #tpu.memory_space<hbm>> -> memref<40x128xi32, #tpu.memory_space<hbm>>
        tpu.enqueue_dma source(%dma_start3A_685 : memref<40x128xi32, #tpu.memory_space<hbm>>) target(%arg7 : memref<40x128xi32, #tpu.memory_space<vmem>>) target_semaphore(%run_scoped3A : memref<!tpu.dma_semaphore, #tpu.memory_space<semaphore_mem>>)
        %dma_wait3A_686 = arith.constant 0 : i32
        %dma_wait3A_687 = tpu.memref_slice %arg4[%add3A_557, %dma_wait3A_686] : memref<2560x128xi32, #tpu.memory_space<hbm>> -> memref<40x128xi32, #tpu.memory_space<hbm>>
        %dma_wait3A_688 = arith.constant 0 : i32
        %dma_wait3A_689 = tpu.memref_slice %arg4[%add3A_557, %dma_wait3A_688] : memref<2560x128xi32, #tpu.memory_space<hbm>> -> memref<40x128xi32, #tpu.memory_space<hbm>>
        tpu.wait_dma2 semaphore(%run_scoped3A : memref<!tpu.dma_semaphore, #tpu.memory_space<semaphore_mem>>) src(%dma_wait3A_689 : memref<40x128xi32, #tpu.memory_space<hbm>>) dst(%arg7 : memref<40x128xi32, #tpu.memory_space<vmem>>)
        tpu.yield
      }) : () -> ()
      %dma_start3A = arith.constant 0 : i32
      %dma_start3A_558 = arith.constant 0 : i32
      %dma_start3A_559 = arith.constant 0 : i32
      %dma_start3A_560 = arith.constant 0 : i32
      %dma_start3A_561 = arith.constant 0 : i32
      %dma_start3A_562 = tpu.memref_slice %arg8[%dma_start3A_558, %dma_start3A_560, %dma_start3A_561] : memref<2x128x64xf32, #tpu.memory_space<vmem>> -> memref<1x128x64xf32, #tpu.memory_space<vmem>>
      %dma_start3A_563 = tpu.memref_squeeze %dma_start3A_562 : memref<1x128x64xf32, #tpu.memory_space<vmem>> -> memref<128x64xf32, #tpu.memory_space<vmem>>
      %dma_start3A_564 = arith.constant 0 : i32
      %dma_start3A_565 = tpu.memref_slice %arg6[%dma_start3A, %dma_start3A_564] : memref<40x128xi32, #tpu.memory_space<vmem>> -> memref<1x128xi32, #tpu.memory_space<vmem>>
      %dma_start3A_566 = tpu.memref_squeeze %dma_start3A_565 : memref<1x128xi32, #tpu.memory_space<vmem>> -> memref<128xi32, #tpu.memory_space<vmem>>
      %dma_start3A_567 = arith.constant 0 : i32
      %dma_start3A_568 = arith.constant 0 : i32
      %dma_start3A_569 = tpu.memref_slice %arg10[%dma_start3A_567, %dma_start3A_568] : memref<10000x64xf32, #tpu.memory_space<vmem_shared>> -> memref<10000x64xf32, #tpu.memory_space<vmem_shared>>
      %dma_start3A_570 = tpu.memref_slice %arg11[%dma_start3A_559] : memref<2x!tpu.dma_semaphore, #tpu.memory_space<semaphore_mem>> -> memref<1x!tpu.dma_semaphore, #tpu.memory_space<semaphore_mem>>
      %dma_start3A_571 = tpu.memref_squeeze %dma_start3A_570 : memref<1x!tpu.dma_semaphore, #tpu.memory_space<semaphore_mem>> -> memref<!tpu.dma_semaphore, #tpu.memory_space<semaphore_mem>>
      tpu.enqueue_indirect_dma source(%dma_start3A_569 : memref<10000x64xf32, #tpu.memory_space<vmem_shared>>) target(%dma_start3A_563 : memref<128x64xf32, #tpu.memory_space<vmem>>) offsets(%dma_start3A_566 : memref<128xi32, #tpu.memory_space<vmem>>) semaphore(%dma_start3A_571 : memref<!tpu.dma_semaphore, #tpu.memory_space<semaphore_mem>>)
      %dma_start3A_572 = arith.constant 1 : i32
      %dma_start3A_573 = arith.constant 1 : i32
      %dma_start3A_574 = arith.constant 1 : i32
      %dma_start3A_575 = arith.constant 0 : i32
      %dma_start3A_576 = arith.constant 0 : i32
      %dma_start3A_577 = tpu.memref_slice %arg8[%dma_start3A_573, %dma_start3A_575, %dma_start3A_576] : memref<2x128x64xf32, #tpu.memory_space<vmem>> -> memref<1x128x64xf32, #tpu.memory_space<vmem>>
      %dma_start3A_578 = tpu.memref_squeeze %dma_start3A_577 : memref<1x128x64xf32, #tpu.memory_space<vmem>> -> memref<128x64xf32, #tpu.memory_space<vmem>>
      %dma_start3A_579 = arith.constant 0 : i32
      %dma_start3A_580 = tpu.memref_slice %arg6[%dma_start3A_572, %dma_start3A_579] : memref<40x128xi32, #tpu.memory_space<vmem>> -> memref<1x128xi32, #tpu.memory_space<vmem>>
      %dma_start3A_581 = tpu.memref_squeeze %dma_start3A_580 : memref<1x128xi32, #tpu.memory_space<vmem>> -> memref<128xi32, #tpu.memory_space<vmem>>
      %dma_start3A_582 = arith.constant 0 : i32
      %dma_start3A_583 = arith.constant 0 : i32
      %dma_start3A_584 = tpu.memref_slice %arg10[%dma_start3A_582, %dma_start3A_583] : memref<10000x64xf32, #tpu.memory_space<vmem_shared>> -> memref<10000x64xf32, #tpu.memory_space<vmem_shared>>
      %dma_start3A_585 = tpu.memref_slice %arg11[%dma_start3A_574] : memref<2x!tpu.dma_semaphore, #tpu.memory_space<semaphore_mem>> -> memref<1x!tpu.dma_semaphore, #tpu.memory_space<semaphore_mem>>
      %dma_start3A_586 = tpu.memref_squeeze %dma_start3A_585 : memref<1x!tpu.dma_semaphore, #tpu.memory_space<semaphore_mem>> -> memref<!tpu.dma_semaphore, #tpu.memory_space<semaphore_mem>>
      tpu.enqueue_indirect_dma source(%dma_start3A_584 : memref<10000x64xf32, #tpu.memory_space<vmem_shared>>) target(%dma_start3A_578 : memref<128x64xf32, #tpu.memory_space<vmem>>) offsets(%dma_start3A_581 : memref<128xi32, #tpu.memory_space<vmem>>) semaphore(%dma_start3A_586 : memref<!tpu.dma_semaphore, #tpu.memory_space<semaphore_mem>>)
      %dma_wait3A = arith.constant 0 : i32
      %dma_wait3A_587 = arith.constant 0 : i32
      %dma_wait3A_588 = arith.constant 0 : i32
      %dma_wait3A_589 = arith.constant 0 : i32
      %dma_wait3A_590 = arith.constant 0 : i32
      %dma_wait3A_591 = tpu.memref_slice %arg8[%dma_wait3A_587, %dma_wait3A_589, %dma_wait3A_590] : memref<2x128x64xf32, #tpu.memory_space<vmem>> -> memref<1x128x64xf32, #tpu.memory_space<vmem>>
      %dma_wait3A_592 = tpu.memref_squeeze %dma_wait3A_591 : memref<1x128x64xf32, #tpu.memory_space<vmem>> -> memref<128x64xf32, #tpu.memory_space<vmem>>
      %dma_wait3A_593 = arith.constant 0 : i32
      %dma_wait3A_594 = tpu.memref_slice %arg6[%dma_wait3A, %dma_wait3A_593] : memref<40x128xi32, #tpu.memory_space<vmem>> -> memref<1x128xi32, #tpu.memory_space<vmem>>
      %dma_wait3A_595 = tpu.memref_squeeze %dma_wait3A_594 : memref<1x128xi32, #tpu.memory_space<vmem>> -> memref<128xi32, #tpu.memory_space<vmem>>
      %dma_wait3A_596 = arith.constant 0 : i32
      %dma_wait3A_597 = arith.constant 0 : i32
      %dma_wait3A_598 = tpu.memref_slice %arg10[%dma_wait3A_596, %dma_wait3A_597] : memref<10000x64xf32, #tpu.memory_space<vmem_shared>> -> memref<10000x64xf32, #tpu.memory_space<vmem_shared>>
      %dma_wait3A_599 = tpu.memref_slice %arg11[%dma_wait3A_588] : memref<2x!tpu.dma_semaphore, #tpu.memory_space<semaphore_mem>> -> memref<1x!tpu.dma_semaphore, #tpu.memory_space<semaphore_mem>>
      %dma_wait3A_600 = tpu.memref_squeeze %dma_wait3A_599 : memref<1x!tpu.dma_semaphore, #tpu.memory_space<semaphore_mem>> -> memref<!tpu.dma_semaphore, #tpu.memory_space<semaphore_mem>>
      tpu.wait_indirect_dma semaphore(%dma_wait3A_600 : memref<!tpu.dma_semaphore, #tpu.memory_space<semaphore_mem>>) src(%dma_wait3A_598 : memref<10000x64xf32, #tpu.memory_space<vmem_shared>>) dst(%dma_wait3A_592 : memref<128x64xf32, #tpu.memory_space<vmem>>)
      %dma_start3A_601 = arith.constant 0 : i32
      %dma_start3A_602 = arith.constant 0 : i32
      %dma_start3A_603 = arith.constant 0 : i32
      %dma_start3A_604 = arith.constant 0 : i32
      %dma_start3A_605 = arith.constant 0 : i32
      %dma_start3A_606 = tpu.memref_slice %arg8[%dma_start3A_601, %dma_start3A_604, %dma_start3A_605] : memref<2x128x64xf32, #tpu.memory_space<vmem>> -> memref<1x128x64xf32, #tpu.memory_space<vmem>>
      %dma_start3A_607 = tpu.memref_squeeze %dma_start3A_606 : memref<1x128x64xf32, #tpu.memory_space<vmem>> -> memref<128x64xf32, #tpu.memory_space<vmem>>
      %dma_start3A_608 = arith.constant 0 : i32
      %dma_start3A_609 = tpu.memref_slice %arg7[%dma_start3A_602, %dma_start3A_608] : memref<40x128xi32, #tpu.memory_space<vmem>> -> memref<1x128xi32, #tpu.memory_space<vmem>>
      %dma_start3A_610 = tpu.memref_squeeze %dma_start3A_609 : memref<1x128xi32, #tpu.memory_space<vmem>> -> memref<128xi32, #tpu.memory_space<vmem>>
      %dma_start3A_611 = arith.constant 0 : i32
      %dma_start3A_612 = arith.constant 0 : i32
      %dma_start3A_613 = tpu.memref_slice %arg9[%dma_start3A_611, %dma_start3A_612] : memref<10240x64xf32, #tpu.memory_space<vmem_shared>> -> memref<10240x64xf32, #tpu.memory_space<vmem_shared>>
      %dma_start3A_614 = tpu.memref_slice %arg12[%dma_start3A_603] : memref<2x!tpu.dma_semaphore, #tpu.memory_space<semaphore_mem>> -> memref<1x!tpu.dma_semaphore, #tpu.memory_space<semaphore_mem>>
      %dma_start3A_615 = tpu.memref_squeeze %dma_start3A_614 : memref<1x!tpu.dma_semaphore, #tpu.memory_space<semaphore_mem>> -> memref<!tpu.dma_semaphore, #tpu.memory_space<semaphore_mem>>
      tpu.enqueue_indirect_dma source(%dma_start3A_607 : memref<128x64xf32, #tpu.memory_space<vmem>>) target(%dma_start3A_613 : memref<10240x64xf32, #tpu.memory_space<vmem_shared>>) offsets(%dma_start3A_610 : memref<128xi32, #tpu.memory_space<vmem>>) semaphore(%dma_start3A_615 : memref<!tpu.dma_semaphore, #tpu.memory_space<semaphore_mem>>) {add = true}
      %scan3A_616 = arith.constant 0 : i32
      %scan3A_617 = arith.constant 1 : i32
      %scan3A_618 = arith.constant 19 : i32
      %scan3A_619 = arith.addi %scan3A_617, %scan3A_618 : i32
      %scan3A_620 = arith.constant 1 : i32
      scf.for %scan3A_682 = %scan3A_617 to %scan3A_619 step %scan3A_620  : i32 {
        %mul3A_683 = arith.constant 2 : i32
        %mul3A_684 = arith.muli %scan3A_682, %mul3A_683 : i32
        %add3A_685 = arith.constant 0 : i32
        %add3A_686 = arith.addi %mul3A_684, %add3A_685 : i32
        %sub3A = arith.constant 2 : i32
        %sub3A_687 = arith.subi %add3A_686, %sub3A : i32
        %dma_wait3A_688 = arith.constant 0 : i32
        %dma_wait3A_689 = arith.constant 0 : i32
        %dma_wait3A_690 = arith.constant 0 : i32
        %dma_wait3A_691 = arith.constant 0 : i32
        %dma_wait3A_692 = tpu.memref_slice %arg8[%dma_wait3A_688, %dma_wait3A_690, %dma_wait3A_691] : memref<2x128x64xf32, #tpu.memory_space<vmem>> -> memref<1x128x64xf32, #tpu.memory_space<vmem>>
        %dma_wait3A_693 = tpu.memref_squeeze %dma_wait3A_692 : memref<1x128x64xf32, #tpu.memory_space<vmem>> -> memref<128x64xf32, #tpu.memory_space<vmem>>
        %dma_wait3A_694 = arith.constant 0 : i32
        %dma_wait3A_695 = tpu.memref_slice %arg7[%sub3A_687, %dma_wait3A_694] : memref<40x128xi32, #tpu.memory_space<vmem>> -> memref<1x128xi32, #tpu.memory_space<vmem>>
        %dma_wait3A_696 = tpu.memref_squeeze %dma_wait3A_695 : memref<1x128xi32, #tpu.memory_space<vmem>> -> memref<128xi32, #tpu.memory_space<vmem>>
        %dma_wait3A_697 = arith.constant 0 : i32
        %dma_wait3A_698 = arith.constant 0 : i32
        %dma_wait3A_699 = tpu.memref_slice %arg9[%dma_wait3A_697, %dma_wait3A_698] : memref<10240x64xf32, #tpu.memory_space<vmem_shared>> -> memref<10240x64xf32, #tpu.memory_space<vmem_shared>>
        %dma_wait3A_700 = tpu.memref_slice %arg12[%dma_wait3A_689] : memref<2x!tpu.dma_semaphore, #tpu.memory_space<semaphore_mem>> -> memref<1x!tpu.dma_semaphore, #tpu.memory_space<semaphore_mem>>
        %dma_wait3A_701 = tpu.memref_squeeze %dma_wait3A_700 : memref<1x!tpu.dma_semaphore, #tpu.memory_space<semaphore_mem>> -> memref<!tpu.dma_semaphore, #tpu.memory_space<semaphore_mem>>
        tpu.wait_indirect_dma semaphore(%dma_wait3A_701 : memref<!tpu.dma_semaphore, #tpu.memory_space<semaphore_mem>>) src(%dma_wait3A_693 : memref<128x64xf32, #tpu.memory_space<vmem>>) dst(%dma_wait3A_699 : memref<10240x64xf32, #tpu.memory_space<vmem_shared>>)
        %dma_start3A_702 = arith.constant 0 : i32
        %dma_start3A_703 = arith.constant 0 : i32
        %dma_start3A_704 = arith.constant 0 : i32
        %dma_start3A_705 = arith.constant 0 : i32
        %dma_start3A_706 = tpu.memref_slice %arg8[%dma_start3A_702, %dma_start3A_704, %dma_start3A_705] : memref<2x128x64xf32, #tpu.memory_space<vmem>> -> memref<1x128x64xf32, #tpu.memory_space<vmem>>
        %dma_start3A_707 = tpu.memref_squeeze %dma_start3A_706 : memref<1x128x64xf32, #tpu.memory_space<vmem>> -> memref<128x64xf32, #tpu.memory_space<vmem>>
        %dma_start3A_708 = arith.constant 0 : i32
        %dma_start3A_709 = tpu.memref_slice %arg6[%add3A_686, %dma_start3A_708] : memref<40x128xi32, #tpu.memory_space<vmem>> -> memref<1x128xi32, #tpu.memory_space<vmem>>
        %dma_start3A_710 = tpu.memref_squeeze %dma_start3A_709 : memref<1x128xi32, #tpu.memory_space<vmem>> -> memref<128xi32, #tpu.memory_space<vmem>>
        %dma_start3A_711 = arith.constant 0 : i32
        %dma_start3A_712 = arith.constant 0 : i32
        %dma_start3A_713 = tpu.memref_slice %arg10[%dma_start3A_711, %dma_start3A_712] : memref<10000x64xf32, #tpu.memory_space<vmem_shared>> -> memref<10000x64xf32, #tpu.memory_space<vmem_shared>>
        %dma_start3A_714 = tpu.memref_slice %arg11[%dma_start3A_703] : memref<2x!tpu.dma_semaphore, #tpu.memory_space<semaphore_mem>> -> memref<1x!tpu.dma_semaphore, #tpu.memory_space<semaphore_mem>>
        %dma_start3A_715 = tpu.memref_squeeze %dma_start3A_714 : memref<1x!tpu.dma_semaphore, #tpu.memory_space<semaphore_mem>> -> memref<!tpu.dma_semaphore, #tpu.memory_space<semaphore_mem>>
        tpu.enqueue_indirect_dma source(%dma_start3A_713 : memref<10000x64xf32, #tpu.memory_space<vmem_shared>>) target(%dma_start3A_707 : memref<128x64xf32, #tpu.memory_space<vmem>>) offsets(%dma_start3A_710 : memref<128xi32, #tpu.memory_space<vmem>>) semaphore(%dma_start3A_715 : memref<!tpu.dma_semaphore, #tpu.memory_space<semaphore_mem>>)
        %sub3A_716 = arith.constant 1 : i32
        %sub3A_717 = arith.subi %add3A_686, %sub3A_716 : i32
        %dma_wait3A_718 = arith.constant 1 : i32
        %dma_wait3A_719 = arith.constant 1 : i32
        %dma_wait3A_720 = arith.constant 0 : i32
        %dma_wait3A_721 = arith.constant 0 : i32
        %dma_wait3A_722 = tpu.memref_slice %arg8[%dma_wait3A_718, %dma_wait3A_720, %dma_wait3A_721] : memref<2x128x64xf32, #tpu.memory_space<vmem>> -> memref<1x128x64xf32, #tpu.memory_space<vmem>>
        %dma_wait3A_723 = tpu.memref_squeeze %dma_wait3A_722 : memref<1x128x64xf32, #tpu.memory_space<vmem>> -> memref<128x64xf32, #tpu.memory_space<vmem>>
        %dma_wait3A_724 = arith.constant 0 : i32
        %dma_wait3A_725 = tpu.memref_slice %arg6[%sub3A_717, %dma_wait3A_724] : memref<40x128xi32, #tpu.memory_space<vmem>> -> memref<1x128xi32, #tpu.memory_space<vmem>>
        %dma_wait3A_726 = tpu.memref_squeeze %dma_wait3A_725 : memref<1x128xi32, #tpu.memory_space<vmem>> -> memref<128xi32, #tpu.memory_space<vmem>>
        %dma_wait3A_727 = arith.constant 0 : i32
        %dma_wait3A_728 = arith.constant 0 : i32
        %dma_wait3A_729 = tpu.memref_slice %arg10[%dma_wait3A_727, %dma_wait3A_728] : memref<10000x64xf32, #tpu.memory_space<vmem_shared>> -> memref<10000x64xf32, #tpu.memory_space<vmem_shared>>
        %dma_wait3A_730 = tpu.memref_slice %arg11[%dma_wait3A_719] : memref<2x!tpu.dma_semaphore, #tpu.memory_space<semaphore_mem>> -> memref<1x!tpu.dma_semaphore, #tpu.memory_space<semaphore_mem>>
        %dma_wait3A_731 = tpu.memref_squeeze %dma_wait3A_730 : memref<1x!tpu.dma_semaphore, #tpu.memory_space<semaphore_mem>> -> memref<!tpu.dma_semaphore, #tpu.memory_space<semaphore_mem>>
        tpu.wait_indirect_dma semaphore(%dma_wait3A_731 : memref<!tpu.dma_semaphore, #tpu.memory_space<semaphore_mem>>) src(%dma_wait3A_729 : memref<10000x64xf32, #tpu.memory_space<vmem_shared>>) dst(%dma_wait3A_723 : memref<128x64xf32, #tpu.memory_space<vmem>>)
        %sub3A_732 = arith.constant 1 : i32
        %sub3A_733 = arith.subi %add3A_686, %sub3A_732 : i32
        %dma_start3A_734 = arith.constant 1 : i32
        %dma_start3A_735 = arith.constant 1 : i32
        %dma_start3A_736 = arith.constant 0 : i32
        %dma_start3A_737 = arith.constant 0 : i32
        %dma_start3A_738 = tpu.memref_slice %arg8[%dma_start3A_734, %dma_start3A_736, %dma_start3A_737] : memref<2x128x64xf32, #tpu.memory_space<vmem>> -> memref<1x128x64xf32, #tpu.memory_space<vmem>>
        %dma_start3A_739 = tpu.memref_squeeze %dma_start3A_738 : memref<1x128x64xf32, #tpu.memory_space<vmem>> -> memref<128x64xf32, #tpu.memory_space<vmem>>
        %dma_start3A_740 = arith.constant 0 : i32
        %dma_start3A_741 = tpu.memref_slice %arg7[%sub3A_733, %dma_start3A_740] : memref<40x128xi32, #tpu.memory_space<vmem>> -> memref<1x128xi32, #tpu.memory_space<vmem>>
        %dma_start3A_742 = tpu.memref_squeeze %dma_start3A_741 : memref<1x128xi32, #tpu.memory_space<vmem>> -> memref<128xi32, #tpu.memory_space<vmem>>
        %dma_start3A_743 = arith.constant 0 : i32
        %dma_start3A_744 = arith.constant 0 : i32
        %dma_start3A_745 = tpu.memref_slice %arg9[%dma_start3A_743, %dma_start3A_744] : memref<10240x64xf32, #tpu.memory_space<vmem_shared>> -> memref<10240x64xf32, #tpu.memory_space<vmem_shared>>
        %dma_start3A_746 = tpu.memref_slice %arg12[%dma_start3A_735] : memref<2x!tpu.dma_semaphore, #tpu.memory_space<semaphore_mem>> -> memref<1x!tpu.dma_semaphore, #tpu.memory_space<semaphore_mem>>
        %dma_start3A_747 = tpu.memref_squeeze %dma_start3A_746 : memref<1x!tpu.dma_semaphore, #tpu.memory_space<semaphore_mem>> -> memref<!tpu.dma_semaphore, #tpu.memory_space<semaphore_mem>>
        tpu.enqueue_indirect_dma source(%dma_start3A_739 : memref<128x64xf32, #tpu.memory_space<vmem>>) target(%dma_start3A_745 : memref<10240x64xf32, #tpu.memory_space<vmem_shared>>) offsets(%dma_start3A_742 : memref<128xi32, #tpu.memory_space<vmem>>) semaphore(%dma_start3A_747 : memref<!tpu.dma_semaphore, #tpu.memory_space<semaphore_mem>>) {add = true}
        %mul3A_748 = arith.constant 2 : i32
        %mul3A_749 = arith.muli %scan3A_682, %mul3A_748 : i32
        %add3A_750 = arith.constant 1 : i32
        %add3A_751 = arith.addi %mul3A_749, %add3A_750 : i32
        %sub3A_752 = arith.constant 2 : i32
        %sub3A_753 = arith.subi %add3A_751, %sub3A_752 : i32
        %dma_wait3A_754 = arith.constant 1 : i32
        %dma_wait3A_755 = arith.constant 1 : i32
        %dma_wait3A_756 = arith.constant 0 : i32
        %dma_wait3A_757 = arith.constant 0 : i32
        %dma_wait3A_758 = tpu.memref_slice %arg8[%dma_wait3A_754, %dma_wait3A_756, %dma_wait3A_757] : memref<2x128x64xf32, #tpu.memory_space<vmem>> -> memref<1x128x64xf32, #tpu.memory_space<vmem>>
        %dma_wait3A_759 = tpu.memref_squeeze %dma_wait3A_758 : memref<1x128x64xf32, #tpu.memory_space<vmem>> -> memref<128x64xf32, #tpu.memory_space<vmem>>
        %dma_wait3A_760 = arith.constant 0 : i32
        %dma_wait3A_761 = tpu.memref_slice %arg7[%sub3A_753, %dma_wait3A_760] : memref<40x128xi32, #tpu.memory_space<vmem>> -> memref<1x128xi32, #tpu.memory_space<vmem>>
        %dma_wait3A_762 = tpu.memref_squeeze %dma_wait3A_761 : memref<1x128xi32, #tpu.memory_space<vmem>> -> memref<128xi32, #tpu.memory_space<vmem>>
        %dma_wait3A_763 = arith.constant 0 : i32
        %dma_wait3A_764 = arith.constant 0 : i32
        %dma_wait3A_765 = tpu.memref_slice %arg9[%dma_wait3A_763, %dma_wait3A_764] : memref<10240x64xf32, #tpu.memory_space<vmem_shared>> -> memref<10240x64xf32, #tpu.memory_space<vmem_shared>>
        %dma_wait3A_766 = tpu.memref_slice %arg12[%dma_wait3A_755] : memref<2x!tpu.dma_semaphore, #tpu.memory_space<semaphore_mem>> -> memref<1x!tpu.dma_semaphore, #tpu.memory_space<semaphore_mem>>
        %dma_wait3A_767 = tpu.memref_squeeze %dma_wait3A_766 : memref<1x!tpu.dma_semaphore, #tpu.memory_space<semaphore_mem>> -> memref<!tpu.dma_semaphore, #tpu.memory_space<semaphore_mem>>
        tpu.wait_indirect_dma semaphore(%dma_wait3A_767 : memref<!tpu.dma_semaphore, #tpu.memory_space<semaphore_mem>>) src(%dma_wait3A_759 : memref<128x64xf32, #tpu.memory_space<vmem>>) dst(%dma_wait3A_765 : memref<10240x64xf32, #tpu.memory_space<vmem_shared>>)
        %dma_start3A_768 = arith.constant 1 : i32
        %dma_start3A_769 = arith.constant 1 : i32
        %dma_start3A_770 = arith.constant 0 : i32
        %dma_start3A_771 = arith.constant 0 : i32
        %dma_start3A_772 = tpu.memref_slice %arg8[%dma_start3A_768, %dma_start3A_770, %dma_start3A_771] : memref<2x128x64xf32, #tpu.memory_space<vmem>> -> memref<1x128x64xf32, #tpu.memory_space<vmem>>
        %dma_start3A_773 = tpu.memref_squeeze %dma_start3A_772 : memref<1x128x64xf32, #tpu.memory_space<vmem>> -> memref<128x64xf32, #tpu.memory_space<vmem>>
        %dma_start3A_774 = arith.constant 0 : i32
        %dma_start3A_775 = tpu.memref_slice %arg6[%add3A_751, %dma_start3A_774] : memref<40x128xi32, #tpu.memory_space<vmem>> -> memref<1x128xi32, #tpu.memory_space<vmem>>
        %dma_start3A_776 = tpu.memref_squeeze %dma_start3A_775 : memref<1x128xi32, #tpu.memory_space<vmem>> -> memref<128xi32, #tpu.memory_space<vmem>>
        %dma_start3A_777 = arith.constant 0 : i32
        %dma_start3A_778 = arith.constant 0 : i32
        %dma_start3A_779 = tpu.memref_slice %arg10[%dma_start3A_777, %dma_start3A_778] : memref<10000x64xf32, #tpu.memory_space<vmem_shared>> -> memref<10000x64xf32, #tpu.memory_space<vmem_shared>>
        %dma_start3A_780 = tpu.memref_slice %arg11[%dma_start3A_769] : memref<2x!tpu.dma_semaphore, #tpu.memory_space<semaphore_mem>> -> memref<1x!tpu.dma_semaphore, #tpu.memory_space<semaphore_mem>>
        %dma_start3A_781 = tpu.memref_squeeze %dma_start3A_780 : memref<1x!tpu.dma_semaphore, #tpu.memory_space<semaphore_mem>> -> memref<!tpu.dma_semaphore, #tpu.memory_space<semaphore_mem>>
        tpu.enqueue_indirect_dma source(%dma_start3A_779 : memref<10000x64xf32, #tpu.memory_space<vmem_shared>>) target(%dma_start3A_773 : memref<128x64xf32, #tpu.memory_space<vmem>>) offsets(%dma_start3A_776 : memref<128xi32, #tpu.memory_space<vmem>>) semaphore(%dma_start3A_781 : memref<!tpu.dma_semaphore, #tpu.memory_space<semaphore_mem>>)
        %sub3A_782 = arith.constant 1 : i32
        %sub3A_783 = arith.subi %add3A_751, %sub3A_782 : i32
        %dma_wait3A_784 = arith.constant 0 : i32
        %dma_wait3A_785 = arith.constant 0 : i32
        %dma_wait3A_786 = arith.constant 0 : i32
        %dma_wait3A_787 = arith.constant 0 : i32
        %dma_wait3A_788 = tpu.memref_slice %arg8[%dma_wait3A_784, %dma_wait3A_786, %dma_wait3A_787] : memref<2x128x64xf32, #tpu.memory_space<vmem>> -> memref<1x128x64xf32, #tpu.memory_space<vmem>>
        %dma_wait3A_789 = tpu.memref_squeeze %dma_wait3A_788 : memref<1x128x64xf32, #tpu.memory_space<vmem>> -> memref<128x64xf32, #tpu.memory_space<vmem>>
        %dma_wait3A_790 = arith.constant 0 : i32
        %dma_wait3A_791 = tpu.memref_slice %arg6[%sub3A_783, %dma_wait3A_790] : memref<40x128xi32, #tpu.memory_space<vmem>> -> memref<1x128xi32, #tpu.memory_space<vmem>>
        %dma_wait3A_792 = tpu.memref_squeeze %dma_wait3A_791 : memref<1x128xi32, #tpu.memory_space<vmem>> -> memref<128xi32, #tpu.memory_space<vmem>>
        %dma_wait3A_793 = arith.constant 0 : i32
        %dma_wait3A_794 = arith.constant 0 : i32
        %dma_wait3A_795 = tpu.memref_slice %arg10[%dma_wait3A_793, %dma_wait3A_794] : memref<10000x64xf32, #tpu.memory_space<vmem_shared>> -> memref<10000x64xf32, #tpu.memory_space<vmem_shared>>
        %dma_wait3A_796 = tpu.memref_slice %arg11[%dma_wait3A_785] : memref<2x!tpu.dma_semaphore, #tpu.memory_space<semaphore_mem>> -> memref<1x!tpu.dma_semaphore, #tpu.memory_space<semaphore_mem>>
        %dma_wait3A_797 = tpu.memref_squeeze %dma_wait3A_796 : memref<1x!tpu.dma_semaphore, #tpu.memory_space<semaphore_mem>> -> memref<!tpu.dma_semaphore, #tpu.memory_space<semaphore_mem>>
        tpu.wait_indirect_dma semaphore(%dma_wait3A_797 : memref<!tpu.dma_semaphore, #tpu.memory_space<semaphore_mem>>) src(%dma_wait3A_795 : memref<10000x64xf32, #tpu.memory_space<vmem_shared>>) dst(%dma_wait3A_789 : memref<128x64xf32, #tpu.memory_space<vmem>>)
        %sub3A_798 = arith.constant 1 : i32
        %sub3A_799 = arith.subi %add3A_751, %sub3A_798 : i32
        %dma_start3A_800 = arith.constant 0 : i32
        %dma_start3A_801 = arith.constant 0 : i32
        %dma_start3A_802 = arith.constant 0 : i32
        %dma_start3A_803 = arith.constant 0 : i32
        %dma_start3A_804 = tpu.memref_slice %arg8[%dma_start3A_800, %dma_start3A_802, %dma_start3A_803] : memref<2x128x64xf32, #tpu.memory_space<vmem>> -> memref<1x128x64xf32, #tpu.memory_space<vmem>>
        %dma_start3A_805 = tpu.memref_squeeze %dma_start3A_804 : memref<1x128x64xf32, #tpu.memory_space<vmem>> -> memref<128x64xf32, #tpu.memory_space<vmem>>
        %dma_start3A_806 = arith.constant 0 : i32
        %dma_start3A_807 = tpu.memref_slice %arg7[%sub3A_799, %dma_start3A_806] : memref<40x128xi32, #tpu.memory_space<vmem>> -> memref<1x128xi32, #tpu.memory_space<vmem>>
        %dma_start3A_808 = tpu.memref_squeeze %dma_start3A_807 : memref<1x128xi32, #tpu.memory_space<vmem>> -> memref<128xi32, #tpu.memory_space<vmem>>
        %dma_start3A_809 = arith.constant 0 : i32
        %dma_start3A_810 = arith.constant 0 : i32
        %dma_start3A_811 = tpu.memref_slice %arg9[%dma_start3A_809, %dma_start3A_810] : memref<10240x64xf32, #tpu.memory_space<vmem_shared>> -> memref<10240x64xf32, #tpu.memory_space<vmem_shared>>
        %dma_start3A_812 = tpu.memref_slice %arg12[%dma_start3A_801] : memref<2x!tpu.dma_semaphore, #tpu.memory_space<semaphore_mem>> -> memref<1x!tpu.dma_semaphore, #tpu.memory_space<semaphore_mem>>
        %dma_start3A_813 = tpu.memref_squeeze %dma_start3A_812 : memref<1x!tpu.dma_semaphore, #tpu.memory_space<semaphore_mem>> -> memref<!tpu.dma_semaphore, #tpu.memory_space<semaphore_mem>>
        tpu.enqueue_indirect_dma source(%dma_start3A_805 : memref<128x64xf32, #tpu.memory_space<vmem>>) target(%dma_start3A_811 : memref<10240x64xf32, #tpu.memory_space<vmem_shared>>) offsets(%dma_start3A_808 : memref<128xi32, #tpu.memory_space<vmem>>) semaphore(%dma_start3A_813 : memref<!tpu.dma_semaphore, #tpu.memory_space<semaphore_mem>>) {add = true}
      }
      %scan3A_621 = arith.constant 19 : i32
      %dma_wait3A_622 = arith.constant 39 : i32
      %dma_wait3A_623 = arith.constant 1 : i32
      %dma_wait3A_624 = arith.constant 1 : i32
      %dma_wait3A_625 = arith.constant 0 : i32
      %dma_wait3A_626 = arith.constant 0 : i32
      %dma_wait3A_627 = tpu.memref_slice %arg8[%dma_wait3A_623, %dma_wait3A_625, %dma_wait3A_626] : memref<2x128x64xf32, #tpu.memory_space<vmem>> -> memref<1x128x64xf32, #tpu.memory_space<vmem>>
      %dma_wait3A_628 = tpu.memref_squeeze %dma_wait3A_627 : memref<1x128x64xf32, #tpu.memory_space<vmem>> -> memref<128x64xf32, #tpu.memory_space<vmem>>
      %dma_wait3A_629 = arith.constant 0 : i32
      %dma_wait3A_630 = tpu.memref_slice %arg6[%dma_wait3A_622, %dma_wait3A_629] : memref<40x128xi32, #tpu.memory_space<vmem>> -> memref<1x128xi32, #tpu.memory_space<vmem>>
      %dma_wait3A_631 = tpu.memref_squeeze %dma_wait3A_630 : memref<1x128xi32, #tpu.memory_space<vmem>> -> memref<128xi32, #tpu.memory_space<vmem>>
      %dma_wait3A_632 = arith.constant 0 : i32
      %dma_wait3A_633 = arith.constant 0 : i32
      %dma_wait3A_634 = tpu.memref_slice %arg10[%dma_wait3A_632, %dma_wait3A_633] : memref<10000x64xf32, #tpu.memory_space<vmem_shared>> -> memref<10000x64xf32, #tpu.memory_space<vmem_shared>>
      %dma_wait3A_635 = tpu.memref_slice %arg11[%dma_wait3A_624] : memref<2x!tpu.dma_semaphore, #tpu.memory_space<semaphore_mem>> -> memref<1x!tpu.dma_semaphore, #tpu.memory_space<semaphore_mem>>
      %dma_wait3A_636 = tpu.memref_squeeze %dma_wait3A_635 : memref<1x!tpu.dma_semaphore, #tpu.memory_space<semaphore_mem>> -> memref<!tpu.dma_semaphore, #tpu.memory_space<semaphore_mem>>
      tpu.wait_indirect_dma semaphore(%dma_wait3A_636 : memref<!tpu.dma_semaphore, #tpu.memory_space<semaphore_mem>>) src(%dma_wait3A_634 : memref<10000x64xf32, #tpu.memory_space<vmem_shared>>) dst(%dma_wait3A_628 : memref<128x64xf32, #tpu.memory_space<vmem>>)
      %dma_start3A_637 = arith.constant 1 : i32
      %dma_start3A_638 = arith.constant 39 : i32
      %dma_start3A_639 = arith.constant 1 : i32
      %dma_start3A_640 = arith.constant 0 : i32
      %dma_start3A_641 = arith.constant 0 : i32
      %dma_start3A_642 = tpu.memref_slice %arg8[%dma_start3A_637, %dma_start3A_640, %dma_start3A_641] : memref<2x128x64xf32, #tpu.memory_space<vmem>> -> memref<1x128x64xf32, #tpu.memory_space<vmem>>
      %dma_start3A_643 = tpu.memref_squeeze %dma_start3A_642 : memref<1x128x64xf32, #tpu.memory_space<vmem>> -> memref<128x64xf32, #tpu.memory_space<vmem>>
      %dma_start3A_644 = arith.constant 0 : i32
      %dma_start3A_645 = tpu.memref_slice %arg7[%dma_start3A_638, %dma_start3A_644] : memref<40x128xi32, #tpu.memory_space<vmem>> -> memref<1x128xi32, #tpu.memory_space<vmem>>
      %dma_start3A_646 = tpu.memref_squeeze %dma_start3A_645 : memref<1x128xi32, #tpu.memory_space<vmem>> -> memref<128xi32, #tpu.memory_space<vmem>>
      %dma_start3A_647 = arith.constant 0 : i32
      %dma_start3A_648 = arith.constant 0 : i32
      %dma_start3A_649 = tpu.memref_slice %arg9[%dma_start3A_647, %dma_start3A_648] : memref<10240x64xf32, #tpu.memory_space<vmem_shared>> -> memref<10240x64xf32, #tpu.memory_space<vmem_shared>>
      %dma_start3A_650 = tpu.memref_slice %arg12[%dma_start3A_639] : memref<2x!tpu.dma_semaphore, #tpu.memory_space<semaphore_mem>> -> memref<1x!tpu.dma_semaphore, #tpu.memory_space<semaphore_mem>>
      %dma_start3A_651 = tpu.memref_squeeze %dma_start3A_650 : memref<1x!tpu.dma_semaphore, #tpu.memory_space<semaphore_mem>> -> memref<!tpu.dma_semaphore, #tpu.memory_space<semaphore_mem>>
      tpu.enqueue_indirect_dma source(%dma_start3A_643 : memref<128x64xf32, #tpu.memory_space<vmem>>) target(%dma_start3A_649 : memref<10240x64xf32, #tpu.memory_space<vmem_shared>>) offsets(%dma_start3A_646 : memref<128xi32, #tpu.memory_space<vmem>>) semaphore(%dma_start3A_651 : memref<!tpu.dma_semaphore, #tpu.memory_space<semaphore_mem>>) {add = true}
      %dma_wait3A_652 = arith.constant 0 : i32
      %dma_wait3A_653 = arith.constant 38 : i32
      %dma_wait3A_654 = arith.constant 0 : i32
      %dma_wait3A_655 = arith.constant 0 : i32
      %dma_wait3A_656 = arith.constant 0 : i32
      %dma_wait3A_657 = tpu.memref_slice %arg8[%dma_wait3A_652, %dma_wait3A_655, %dma_wait3A_656] : memref<2x128x64xf32, #tpu.memory_space<vmem>> -> memref<1x128x64xf32, #tpu.memory_space<vmem>>
      %dma_wait3A_658 = tpu.memref_squeeze %dma_wait3A_657 : memref<1x128x64xf32, #tpu.memory_space<vmem>> -> memref<128x64xf32, #tpu.memory_space<vmem>>
      %dma_wait3A_659 = arith.constant 0 : i32
      %dma_wait3A_660 = tpu.memref_slice %arg7[%dma_wait3A_653, %dma_wait3A_659] : memref<40x128xi32, #tpu.memory_space<vmem>> -> memref<1x128xi32, #tpu.memory_space<vmem>>
      %dma_wait3A_661 = tpu.memref_squeeze %dma_wait3A_660 : memref<1x128xi32, #tpu.memory_space<vmem>> -> memref<128xi32, #tpu.memory_space<vmem>>
      %dma_wait3A_662 = arith.constant 0 : i32
      %dma_wait3A_663 = arith.constant 0 : i32
      %dma_wait3A_664 = tpu.memref_slice %arg9[%dma_wait3A_662, %dma_wait3A_663] : memref<10240x64xf32, #tpu.memory_space<vmem_shared>> -> memref<10240x64xf32, #tpu.memory_space<vmem_shared>>
      %dma_wait3A_665 = tpu.memref_slice %arg12[%dma_wait3A_654] : memref<2x!tpu.dma_semaphore, #tpu.memory_space<semaphore_mem>> -> memref<1x!tpu.dma_semaphore, #tpu.memory_space<semaphore_mem>>
      %dma_wait3A_666 = tpu.memref_squeeze %dma_wait3A_665 : memref<1x!tpu.dma_semaphore, #tpu.memory_space<semaphore_mem>> -> memref<!tpu.dma_semaphore, #tpu.memory_space<semaphore_mem>>
      tpu.wait_indirect_dma semaphore(%dma_wait3A_666 : memref<!tpu.dma_semaphore, #tpu.memory_space<semaphore_mem>>) src(%dma_wait3A_658 : memref<128x64xf32, #tpu.memory_space<vmem>>) dst(%dma_wait3A_664 : memref<10240x64xf32, #tpu.memory_space<vmem_shared>>)
      %dma_wait3A_667 = arith.constant 1 : i32
      %dma_wait3A_668 = arith.constant 39 : i32
      %dma_wait3A_669 = arith.constant 1 : i32
      %dma_wait3A_670 = arith.constant 0 : i32
      %dma_wait3A_671 = arith.constant 0 : i32
      %dma_wait3A_672 = tpu.memref_slice %arg8[%dma_wait3A_667, %dma_wait3A_670, %dma_wait3A_671] : memref<2x128x64xf32, #tpu.memory_space<vmem>> -> memref<1x128x64xf32, #tpu.memory_space<vmem>>
      %dma_wait3A_673 = tpu.memref_squeeze %dma_wait3A_672 : memref<1x128x64xf32, #tpu.memory_space<vmem>> -> memref<128x64xf32, #tpu.memory_space<vmem>>
      %dma_wait3A_674 = arith.constant 0 : i32
      %dma_wait3A_675 = tpu.memref_slice %arg7[%dma_wait3A_668, %dma_wait3A_674] : memref<40x128xi32, #tpu.memory_space<vmem>> -> memref<1x128xi32, #tpu.memory_space<vmem>>
      %dma_wait3A_676 = tpu.memref_squeeze %dma_wait3A_675 : memref<1x128xi32, #tpu.memory_space<vmem>> -> memref<128xi32, #tpu.memory_space<vmem>>
      %dma_wait3A_677 = arith.constant 0 : i32
      %dma_wait3A_678 = arith.constant 0 : i32
      %dma_wait3A_679 = tpu.memref_slice %arg9[%dma_wait3A_677, %dma_wait3A_678] : memref<10240x64xf32, #tpu.memory_space<vmem_shared>> -> memref<10240x64xf32, #tpu.memory_space<vmem_shared>>
      %dma_wait3A_680 = tpu.memref_slice %arg12[%dma_wait3A_669] : memref<2x!tpu.dma_semaphore, #tpu.memory_space<semaphore_mem>> -> memref<1x!tpu.dma_semaphore, #tpu.memory_space<semaphore_mem>>
      %dma_wait3A_681 = tpu.memref_squeeze %dma_wait3A_680 : memref<1x!tpu.dma_semaphore, #tpu.memory_space<semaphore_mem>> -> memref<!tpu.dma_semaphore, #tpu.memory_space<semaphore_mem>>
      tpu.wait_indirect_dma semaphore(%dma_wait3A_681 : memref<!tpu.dma_semaphore, #tpu.memory_space<semaphore_mem>>) src(%dma_wait3A_673 : memref<128x64xf32, #tpu.memory_space<vmem>>) dst(%dma_wait3A_679 : memref<10240x64xf32, #tpu.memory_space<vmem_shared>>)
    }
    %while3A_545 = arith.constant 1 : i32
    scf.for %while3A_551 = %while3A_543 to %while3A_539 step %while3A_545  : i32 {
      %mul3A_552 = arith.constant 40 : i32
      %mul3A_553 = arith.muli %while3A_551, %mul3A_552 : i32
      %add3A_554 = arith.addi %select_n3A_9, %mul3A_553 : i32
      "tpu.region"() ({
        %run_scoped3A = tpu.sem_alloc : memref<!tpu.dma_semaphore, #tpu.memory_space<semaphore_mem>>
        %dma_start3A_682 = arith.constant 0 : i32
        %dma_start3A_683 = tpu.memref_slice %arg3[%add3A_554, %dma_start3A_682] : memref<2560x128xi32, #tpu.memory_space<hbm>> -> memref<40x128xi32, #tpu.memory_space<hbm>>
        %dma_start3A_684 = arith.constant 0 : i32
        %dma_start3A_685 = tpu.memref_slice %arg3[%add3A_554, %dma_start3A_684] : memref<2560x128xi32, #tpu.memory_space<hbm>> -> memref<40x128xi32, #tpu.memory_space<hbm>>
        tpu.enqueue_dma source(%dma_start3A_685 : memref<40x128xi32, #tpu.memory_space<hbm>>) target(%arg6 : memref<40x128xi32, #tpu.memory_space<vmem>>) target_semaphore(%run_scoped3A : memref<!tpu.dma_semaphore, #tpu.memory_space<semaphore_mem>>)
        %dma_wait3A_686 = arith.constant 0 : i32
        %dma_wait3A_687 = tpu.memref_slice %arg3[%add3A_554, %dma_wait3A_686] : memref<2560x128xi32, #tpu.memory_space<hbm>> -> memref<40x128xi32, #tpu.memory_space<hbm>>
        %dma_wait3A_688 = arith.constant 0 : i32
        %dma_wait3A_689 = tpu.memref_slice %arg3[%add3A_554, %dma_wait3A_688] : memref<2560x128xi32, #tpu.memory_space<hbm>> -> memref<40x128xi32, #tpu.memory_space<hbm>>
        tpu.wait_dma2 semaphore(%run_scoped3A : memref<!tpu.dma_semaphore, #tpu.memory_space<semaphore_mem>>) src(%dma_wait3A_689 : memref<40x128xi32, #tpu.memory_space<hbm>>) dst(%arg6 : memref<40x128xi32, #tpu.memory_space<vmem>>)
        tpu.yield
      }) : () -> ()
      %mul3A_555 = arith.constant 40 : i32
      %mul3A_556 = arith.muli %while3A_551, %mul3A_555 : i32
      %add3A_557 = arith.addi %select_n3A_9, %mul3A_556 : i32
      "tpu.region"() ({
        %run_scoped3A = tpu.sem_alloc : memref<!tpu.dma_semaphore, #tpu.memory_space<semaphore_mem>>
        %dma_start3A_682 = arith.constant 0 : i32
        %dma_start3A_683 = tpu.memref_slice %arg4[%add3A_557, %dma_start3A_682] : memref<2560x128xi32, #tpu.memory_space<hbm>> -> memref<40x128xi32, #tpu.memory_space<hbm>>
        %dma_start3A_684 = arith.constant 0 : i32
        %dma_start3A_685 = tpu.memref_slice %arg4[%add3A_557, %dma_start3A_684] : memref<2560x128xi32, #tpu.memory_space<hbm>> -> memref<40x128xi32, #tpu.memory_space<hbm>>
        tpu.enqueue_dma source(%dma_start3A_685 : memref<40x128xi32, #tpu.memory_space<hbm>>) target(%arg7 : memref<40x128xi32, #tpu.memory_space<vmem>>) target_semaphore(%run_scoped3A : memref<!tpu.dma_semaphore, #tpu.memory_space<semaphore_mem>>)
        %dma_wait3A_686 = arith.constant 0 : i32
        %dma_wait3A_687 = tpu.memref_slice %arg4[%add3A_557, %dma_wait3A_686] : memref<2560x128xi32, #tpu.memory_space<hbm>> -> memref<40x128xi32, #tpu.memory_space<hbm>>
        %dma_wait3A_688 = arith.constant 0 : i32
        %dma_wait3A_689 = tpu.memref_slice %arg4[%add3A_557, %dma_wait3A_688] : memref<2560x128xi32, #tpu.memory_space<hbm>> -> memref<40x128xi32, #tpu.memory_space<hbm>>
        tpu.wait_dma2 semaphore(%run_scoped3A : memref<!tpu.dma_semaphore, #tpu.memory_space<semaphore_mem>>) src(%dma_wait3A_689 : memref<40x128xi32, #tpu.memory_space<hbm>>) dst(%arg7 : memref<40x128xi32, #tpu.memory_space<vmem>>)
        tpu.yield
      }) : () -> ()
      %dma_start3A = arith.constant 0 : i32
      %dma_start3A_558 = arith.constant 0 : i32
      %dma_start3A_559 = arith.constant 0 : i32
      %dma_start3A_560 = arith.constant 0 : i32
      %dma_start3A_561 = arith.constant 0 : i32
      %dma_start3A_562 = tpu.memref_slice %arg8[%dma_start3A_558, %dma_start3A_560, %dma_start3A_561] : memref<2x128x64xf32, #tpu.memory_space<vmem>> -> memref<1x128x64xf32, #tpu.memory_space<vmem>>
      %dma_start3A_563 = tpu.memref_squeeze %dma_start3A_562 : memref<1x128x64xf32, #tpu.memory_space<vmem>> -> memref<128x64xf32, #tpu.memory_space<vmem>>
      %dma_start3A_564 = arith.constant 0 : i32
      %dma_start3A_565 = tpu.memref_slice %arg6[%dma_start3A, %dma_start3A_564] : memref<40x128xi32, #tpu.memory_space<vmem>> -> memref<1x128xi32, #tpu.memory_space<vmem>>
      %dma_start3A_566 = tpu.memref_squeeze %dma_start3A_565 : memref<1x128xi32, #tpu.memory_space<vmem>> -> memref<128xi32, #tpu.memory_space<vmem>>
      %dma_start3A_567 = arith.constant 0 : i32
      %dma_start3A_568 = arith.constant 0 : i32
      %dma_start3A_569 = tpu.memref_slice %arg10[%dma_start3A_567, %dma_start3A_568] : memref<10000x64xf32, #tpu.memory_space<vmem_shared>> -> memref<10000x64xf32, #tpu.memory_space<vmem_shared>>
      %dma_start3A_570 = tpu.memref_slice %arg11[%dma_start3A_559] : memref<2x!tpu.dma_semaphore, #tpu.memory_space<semaphore_mem>> -> memref<1x!tpu.dma_semaphore, #tpu.memory_space<semaphore_mem>>
      %dma_start3A_571 = tpu.memref_squeeze %dma_start3A_570 : memref<1x!tpu.dma_semaphore, #tpu.memory_space<semaphore_mem>> -> memref<!tpu.dma_semaphore, #tpu.memory_space<semaphore_mem>>
      tpu.enqueue_indirect_dma source(%dma_start3A_569 : memref<10000x64xf32, #tpu.memory_space<vmem_shared>>) target(%dma_start3A_563 : memref<128x64xf32, #tpu.memory_space<vmem>>) offsets(%dma_start3A_566 : memref<128xi32, #tpu.memory_space<vmem>>) semaphore(%dma_start3A_571 : memref<!tpu.dma_semaphore, #tpu.memory_space<semaphore_mem>>)
      %dma_start3A_572 = arith.constant 1 : i32
      %dma_start3A_573 = arith.constant 1 : i32
      %dma_start3A_574 = arith.constant 1 : i32
      %dma_start3A_575 = arith.constant 0 : i32
      %dma_start3A_576 = arith.constant 0 : i32
      %dma_start3A_577 = tpu.memref_slice %arg8[%dma_start3A_573, %dma_start3A_575, %dma_start3A_576] : memref<2x128x64xf32, #tpu.memory_space<vmem>> -> memref<1x128x64xf32, #tpu.memory_space<vmem>>
      %dma_start3A_578 = tpu.memref_squeeze %dma_start3A_577 : memref<1x128x64xf32, #tpu.memory_space<vmem>> -> memref<128x64xf32, #tpu.memory_space<vmem>>
      %dma_start3A_579 = arith.constant 0 : i32
      %dma_start3A_580 = tpu.memref_slice %arg6[%dma_start3A_572, %dma_start3A_579] : memref<40x128xi32, #tpu.memory_space<vmem>> -> memref<1x128xi32, #tpu.memory_space<vmem>>
      %dma_start3A_581 = tpu.memref_squeeze %dma_start3A_580 : memref<1x128xi32, #tpu.memory_space<vmem>> -> memref<128xi32, #tpu.memory_space<vmem>>
      %dma_start3A_582 = arith.constant 0 : i32
      %dma_start3A_583 = arith.constant 0 : i32
      %dma_start3A_584 = tpu.memref_slice %arg10[%dma_start3A_582, %dma_start3A_583] : memref<10000x64xf32, #tpu.memory_space<vmem_shared>> -> memref<10000x64xf32, #tpu.memory_space<vmem_shared>>
      %dma_start3A_585 = tpu.memref_slice %arg11[%dma_start3A_574] : memref<2x!tpu.dma_semaphore, #tpu.memory_space<semaphore_mem>> -> memref<1x!tpu.dma_semaphore, #tpu.memory_space<semaphore_mem>>
      %dma_start3A_586 = tpu.memref_squeeze %dma_start3A_585 : memref<1x!tpu.dma_semaphore, #tpu.memory_space<semaphore_mem>> -> memref<!tpu.dma_semaphore, #tpu.memory_space<semaphore_mem>>
      tpu.enqueue_indirect_dma source(%dma_start3A_584 : memref<10000x64xf32, #tpu.memory_space<vmem_shared>>) target(%dma_start3A_578 : memref<128x64xf32, #tpu.memory_space<vmem>>) offsets(%dma_start3A_581 : memref<128xi32, #tpu.memory_space<vmem>>) semaphore(%dma_start3A_586 : memref<!tpu.dma_semaphore, #tpu.memory_space<semaphore_mem>>)
      %dma_wait3A = arith.constant 0 : i32
      %dma_wait3A_587 = arith.constant 0 : i32
      %dma_wait3A_588 = arith.constant 0 : i32
      %dma_wait3A_589 = arith.constant 0 : i32
      %dma_wait3A_590 = arith.constant 0 : i32
      %dma_wait3A_591 = tpu.memref_slice %arg8[%dma_wait3A_587, %dma_wait3A_589, %dma_wait3A_590] : memref<2x128x64xf32, #tpu.memory_space<vmem>> -> memref<1x128x64xf32, #tpu.memory_space<vmem>>
      %dma_wait3A_592 = tpu.memref_squeeze %dma_wait3A_591 : memref<1x128x64xf32, #tpu.memory_space<vmem>> -> memref<128x64xf32, #tpu.memory_space<vmem>>
      %dma_wait3A_593 = arith.constant 0 : i32
      %dma_wait3A_594 = tpu.memref_slice %arg6[%dma_wait3A, %dma_wait3A_593] : memref<40x128xi32, #tpu.memory_space<vmem>> -> memref<1x128xi32, #tpu.memory_space<vmem>>
      %dma_wait3A_595 = tpu.memref_squeeze %dma_wait3A_594 : memref<1x128xi32, #tpu.memory_space<vmem>> -> memref<128xi32, #tpu.memory_space<vmem>>
      %dma_wait3A_596 = arith.constant 0 : i32
      %dma_wait3A_597 = arith.constant 0 : i32
      %dma_wait3A_598 = tpu.memref_slice %arg10[%dma_wait3A_596, %dma_wait3A_597] : memref<10000x64xf32, #tpu.memory_space<vmem_shared>> -> memref<10000x64xf32, #tpu.memory_space<vmem_shared>>
      %dma_wait3A_599 = tpu.memref_slice %arg11[%dma_wait3A_588] : memref<2x!tpu.dma_semaphore, #tpu.memory_space<semaphore_mem>> -> memref<1x!tpu.dma_semaphore, #tpu.memory_space<semaphore_mem>>
      %dma_wait3A_600 = tpu.memref_squeeze %dma_wait3A_599 : memref<1x!tpu.dma_semaphore, #tpu.memory_space<semaphore_mem>> -> memref<!tpu.dma_semaphore, #tpu.memory_space<semaphore_mem>>
      tpu.wait_indirect_dma semaphore(%dma_wait3A_600 : memref<!tpu.dma_semaphore, #tpu.memory_space<semaphore_mem>>) src(%dma_wait3A_598 : memref<10000x64xf32, #tpu.memory_space<vmem_shared>>) dst(%dma_wait3A_592 : memref<128x64xf32, #tpu.memory_space<vmem>>)
      %dma_start3A_601 = arith.constant 0 : i32
      %dma_start3A_602 = arith.constant 0 : i32
      %dma_start3A_603 = arith.constant 0 : i32
      %dma_start3A_604 = arith.constant 0 : i32
      %dma_start3A_605 = arith.constant 0 : i32
      %dma_start3A_606 = tpu.memref_slice %arg8[%dma_start3A_601, %dma_start3A_604, %dma_start3A_605] : memref<2x128x64xf32, #tpu.memory_space<vmem>> -> memref<1x128x64xf32, #tpu.memory_space<vmem>>
      %dma_start3A_607 = tpu.memref_squeeze %dma_start3A_606 : memref<1x128x64xf32, #tpu.memory_space<vmem>> -> memref<128x64xf32, #tpu.memory_space<vmem>>
      %dma_start3A_608 = arith.constant 0 : i32
      %dma_start3A_609 = tpu.memref_slice %arg7[%dma_start3A_602, %dma_start3A_608] : memref<40x128xi32, #tpu.memory_space<vmem>> -> memref<1x128xi32, #tpu.memory_space<vmem>>
      %dma_start3A_610 = tpu.memref_squeeze %dma_start3A_609 : memref<1x128xi32, #tpu.memory_space<vmem>> -> memref<128xi32, #tpu.memory_space<vmem>>
      %dma_start3A_611 = arith.constant 0 : i32
      %dma_start3A_612 = arith.constant 0 : i32
      %dma_start3A_613 = tpu.memref_slice %arg9[%dma_start3A_611, %dma_start3A_612] : memref<10240x64xf32, #tpu.memory_space<vmem_shared>> -> memref<10240x64xf32, #tpu.memory_space<vmem_shared>>
      %dma_start3A_614 = tpu.memref_slice %arg12[%dma_start3A_603] : memref<2x!tpu.dma_semaphore, #tpu.memory_space<semaphore_mem>> -> memref<1x!tpu.dma_semaphore, #tpu.memory_space<semaphore_mem>>
      %dma_start3A_615 = tpu.memref_squeeze %dma_start3A_614 : memref<1x!tpu.dma_semaphore, #tpu.memory_space<semaphore_mem>> -> memref<!tpu.dma_semaphore, #tpu.memory_space<semaphore_mem>>
      tpu.enqueue_indirect_dma source(%dma_start3A_607 : memref<128x64xf32, #tpu.memory_space<vmem>>) target(%dma_start3A_613 : memref<10240x64xf32, #tpu.memory_space<vmem_shared>>) offsets(%dma_start3A_610 : memref<128xi32, #tpu.memory_space<vmem>>) semaphore(%dma_start3A_615 : memref<!tpu.dma_semaphore, #tpu.memory_space<semaphore_mem>>) {add = true}
      %scan3A_616 = arith.constant 0 : i32
      %scan3A_617 = arith.constant 1 : i32
      %scan3A_618 = arith.constant 19 : i32
      %scan3A_619 = arith.addi %scan3A_617, %scan3A_618 : i32
      %scan3A_620 = arith.constant 1 : i32
      scf.for %scan3A_682 = %scan3A_617 to %scan3A_619 step %scan3A_620  : i32 {
        %mul3A_683 = arith.constant 2 : i32
        %mul3A_684 = arith.muli %scan3A_682, %mul3A_683 : i32
        %add3A_685 = arith.constant 0 : i32
        %add3A_686 = arith.addi %mul3A_684, %add3A_685 : i32
        %sub3A = arith.constant 2 : i32
        %sub3A_687 = arith.subi %add3A_686, %sub3A : i32
        %dma_wait3A_688 = arith.constant 0 : i32
        %dma_wait3A_689 = arith.constant 0 : i32
        %dma_wait3A_690 = arith.constant 0 : i32
        %dma_wait3A_691 = arith.constant 0 : i32
        %dma_wait3A_692 = tpu.memref_slice %arg8[%dma_wait3A_688, %dma_wait3A_690, %dma_wait3A_691] : memref<2x128x64xf32, #tpu.memory_space<vmem>> -> memref<1x128x64xf32, #tpu.memory_space<vmem>>
        %dma_wait3A_693 = tpu.memref_squeeze %dma_wait3A_692 : memref<1x128x64xf32, #tpu.memory_space<vmem>> -> memref<128x64xf32, #tpu.memory_space<vmem>>
        %dma_wait3A_694 = arith.constant 0 : i32
        %dma_wait3A_695 = tpu.memref_slice %arg7[%sub3A_687, %dma_wait3A_694] : memref<40x128xi32, #tpu.memory_space<vmem>> -> memref<1x128xi32, #tpu.memory_space<vmem>>
        %dma_wait3A_696 = tpu.memref_squeeze %dma_wait3A_695 : memref<1x128xi32, #tpu.memory_space<vmem>> -> memref<128xi32, #tpu.memory_space<vmem>>
        %dma_wait3A_697 = arith.constant 0 : i32
        %dma_wait3A_698 = arith.constant 0 : i32
        %dma_wait3A_699 = tpu.memref_slice %arg9[%dma_wait3A_697, %dma_wait3A_698] : memref<10240x64xf32, #tpu.memory_space<vmem_shared>> -> memref<10240x64xf32, #tpu.memory_space<vmem_shared>>
        %dma_wait3A_700 = tpu.memref_slice %arg12[%dma_wait3A_689] : memref<2x!tpu.dma_semaphore, #tpu.memory_space<semaphore_mem>> -> memref<1x!tpu.dma_semaphore, #tpu.memory_space<semaphore_mem>>
        %dma_wait3A_701 = tpu.memref_squeeze %dma_wait3A_700 : memref<1x!tpu.dma_semaphore, #tpu.memory_space<semaphore_mem>> -> memref<!tpu.dma_semaphore, #tpu.memory_space<semaphore_mem>>
        tpu.wait_indirect_dma semaphore(%dma_wait3A_701 : memref<!tpu.dma_semaphore, #tpu.memory_space<semaphore_mem>>) src(%dma_wait3A_693 : memref<128x64xf32, #tpu.memory_space<vmem>>) dst(%dma_wait3A_699 : memref<10240x64xf32, #tpu.memory_space<vmem_shared>>)
        %dma_start3A_702 = arith.constant 0 : i32
        %dma_start3A_703 = arith.constant 0 : i32
        %dma_start3A_704 = arith.constant 0 : i32
        %dma_start3A_705 = arith.constant 0 : i32
        %dma_start3A_706 = tpu.memref_slice %arg8[%dma_start3A_702, %dma_start3A_704, %dma_start3A_705] : memref<2x128x64xf32, #tpu.memory_space<vmem>> -> memref<1x128x64xf32, #tpu.memory_space<vmem>>
        %dma_start3A_707 = tpu.memref_squeeze %dma_start3A_706 : memref<1x128x64xf32, #tpu.memory_space<vmem>> -> memref<128x64xf32, #tpu.memory_space<vmem>>
        %dma_start3A_708 = arith.constant 0 : i32
        %dma_start3A_709 = tpu.memref_slice %arg6[%add3A_686, %dma_start3A_708] : memref<40x128xi32, #tpu.memory_space<vmem>> -> memref<1x128xi32, #tpu.memory_space<vmem>>
        %dma_start3A_710 = tpu.memref_squeeze %dma_start3A_709 : memref<1x128xi32, #tpu.memory_space<vmem>> -> memref<128xi32, #tpu.memory_space<vmem>>
        %dma_start3A_711 = arith.constant 0 : i32
        %dma_start3A_712 = arith.constant 0 : i32
        %dma_start3A_713 = tpu.memref_slice %arg10[%dma_start3A_711, %dma_start3A_712] : memref<10000x64xf32, #tpu.memory_space<vmem_shared>> -> memref<10000x64xf32, #tpu.memory_space<vmem_shared>>
        %dma_start3A_714 = tpu.memref_slice %arg11[%dma_start3A_703] : memref<2x!tpu.dma_semaphore, #tpu.memory_space<semaphore_mem>> -> memref<1x!tpu.dma_semaphore, #tpu.memory_space<semaphore_mem>>
        %dma_start3A_715 = tpu.memref_squeeze %dma_start3A_714 : memref<1x!tpu.dma_semaphore, #tpu.memory_space<semaphore_mem>> -> memref<!tpu.dma_semaphore, #tpu.memory_space<semaphore_mem>>
        tpu.enqueue_indirect_dma source(%dma_start3A_713 : memref<10000x64xf32, #tpu.memory_space<vmem_shared>>) target(%dma_start3A_707 : memref<128x64xf32, #tpu.memory_space<vmem>>) offsets(%dma_start3A_710 : memref<128xi32, #tpu.memory_space<vmem>>) semaphore(%dma_start3A_715 : memref<!tpu.dma_semaphore, #tpu.memory_space<semaphore_mem>>)
        %sub3A_716 = arith.constant 1 : i32
        %sub3A_717 = arith.subi %add3A_686, %sub3A_716 : i32
        %dma_wait3A_718 = arith.constant 1 : i32
        %dma_wait3A_719 = arith.constant 1 : i32
        %dma_wait3A_720 = arith.constant 0 : i32
        %dma_wait3A_721 = arith.constant 0 : i32
        %dma_wait3A_722 = tpu.memref_slice %arg8[%dma_wait3A_718, %dma_wait3A_720, %dma_wait3A_721] : memref<2x128x64xf32, #tpu.memory_space<vmem>> -> memref<1x128x64xf32, #tpu.memory_space<vmem>>
        %dma_wait3A_723 = tpu.memref_squeeze %dma_wait3A_722 : memref<1x128x64xf32, #tpu.memory_space<vmem>> -> memref<128x64xf32, #tpu.memory_space<vmem>>
        %dma_wait3A_724 = arith.constant 0 : i32
        %dma_wait3A_725 = tpu.memref_slice %arg6[%sub3A_717, %dma_wait3A_724] : memref<40x128xi32, #tpu.memory_space<vmem>> -> memref<1x128xi32, #tpu.memory_space<vmem>>
        %dma_wait3A_726 = tpu.memref_squeeze %dma_wait3A_725 : memref<1x128xi32, #tpu.memory_space<vmem>> -> memref<128xi32, #tpu.memory_space<vmem>>
        %dma_wait3A_727 = arith.constant 0 : i32
        %dma_wait3A_728 = arith.constant 0 : i32
        %dma_wait3A_729 = tpu.memref_slice %arg10[%dma_wait3A_727, %dma_wait3A_728] : memref<10000x64xf32, #tpu.memory_space<vmem_shared>> -> memref<10000x64xf32, #tpu.memory_space<vmem_shared>>
        %dma_wait3A_730 = tpu.memref_slice %arg11[%dma_wait3A_719] : memref<2x!tpu.dma_semaphore, #tpu.memory_space<semaphore_mem>> -> memref<1x!tpu.dma_semaphore, #tpu.memory_space<semaphore_mem>>
        %dma_wait3A_731 = tpu.memref_squeeze %dma_wait3A_730 : memref<1x!tpu.dma_semaphore, #tpu.memory_space<semaphore_mem>> -> memref<!tpu.dma_semaphore, #tpu.memory_space<semaphore_mem>>
        tpu.wait_indirect_dma semaphore(%dma_wait3A_731 : memref<!tpu.dma_semaphore, #tpu.memory_space<semaphore_mem>>) src(%dma_wait3A_729 : memref<10000x64xf32, #tpu.memory_space<vmem_shared>>) dst(%dma_wait3A_723 : memref<128x64xf32, #tpu.memory_space<vmem>>)
        %sub3A_732 = arith.constant 1 : i32
        %sub3A_733 = arith.subi %add3A_686, %sub3A_732 : i32
        %dma_start3A_734 = arith.constant 1 : i32
        %dma_start3A_735 = arith.constant 1 : i32
        %dma_start3A_736 = arith.constant 0 : i32
        %dma_start3A_737 = arith.constant 0 : i32
        %dma_start3A_738 = tpu.memref_slice %arg8[%dma_start3A_734, %dma_start3A_736, %dma_start3A_737] : memref<2x128x64xf32, #tpu.memory_space<vmem>> -> memref<1x128x64xf32, #tpu.memory_space<vmem>>
        %dma_start3A_739 = tpu.memref_squeeze %dma_start3A_738 : memref<1x128x64xf32, #tpu.memory_space<vmem>> -> memref<128x64xf32, #tpu.memory_space<vmem>>
        %dma_start3A_740 = arith.constant 0 : i32
        %dma_start3A_741 = tpu.memref_slice %arg7[%sub3A_733, %dma_start3A_740] : memref<40x128xi32, #tpu.memory_space<vmem>> -> memref<1x128xi32, #tpu.memory_space<vmem>>
        %dma_start3A_742 = tpu.memref_squeeze %dma_start3A_741 : memref<1x128xi32, #tpu.memory_space<vmem>> -> memref<128xi32, #tpu.memory_space<vmem>>
        %dma_start3A_743 = arith.constant 0 : i32
        %dma_start3A_744 = arith.constant 0 : i32
        %dma_start3A_745 = tpu.memref_slice %arg9[%dma_start3A_743, %dma_start3A_744] : memref<10240x64xf32, #tpu.memory_space<vmem_shared>> -> memref<10240x64xf32, #tpu.memory_space<vmem_shared>>
        %dma_start3A_746 = tpu.memref_slice %arg12[%dma_start3A_735] : memref<2x!tpu.dma_semaphore, #tpu.memory_space<semaphore_mem>> -> memref<1x!tpu.dma_semaphore, #tpu.memory_space<semaphore_mem>>
        %dma_start3A_747 = tpu.memref_squeeze %dma_start3A_746 : memref<1x!tpu.dma_semaphore, #tpu.memory_space<semaphore_mem>> -> memref<!tpu.dma_semaphore, #tpu.memory_space<semaphore_mem>>
        tpu.enqueue_indirect_dma source(%dma_start3A_739 : memref<128x64xf32, #tpu.memory_space<vmem>>) target(%dma_start3A_745 : memref<10240x64xf32, #tpu.memory_space<vmem_shared>>) offsets(%dma_start3A_742 : memref<128xi32, #tpu.memory_space<vmem>>) semaphore(%dma_start3A_747 : memref<!tpu.dma_semaphore, #tpu.memory_space<semaphore_mem>>) {add = true}
        %mul3A_748 = arith.constant 2 : i32
        %mul3A_749 = arith.muli %scan3A_682, %mul3A_748 : i32
        %add3A_750 = arith.constant 1 : i32
        %add3A_751 = arith.addi %mul3A_749, %add3A_750 : i32
        %sub3A_752 = arith.constant 2 : i32
        %sub3A_753 = arith.subi %add3A_751, %sub3A_752 : i32
        %dma_wait3A_754 = arith.constant 1 : i32
        %dma_wait3A_755 = arith.constant 1 : i32
        %dma_wait3A_756 = arith.constant 0 : i32
        %dma_wait3A_757 = arith.constant 0 : i32
        %dma_wait3A_758 = tpu.memref_slice %arg8[%dma_wait3A_754, %dma_wait3A_756, %dma_wait3A_757] : memref<2x128x64xf32, #tpu.memory_space<vmem>> -> memref<1x128x64xf32, #tpu.memory_space<vmem>>
        %dma_wait3A_759 = tpu.memref_squeeze %dma_wait3A_758 : memref<1x128x64xf32, #tpu.memory_space<vmem>> -> memref<128x64xf32, #tpu.memory_space<vmem>>
        %dma_wait3A_760 = arith.constant 0 : i32
        %dma_wait3A_761 = tpu.memref_slice %arg7[%sub3A_753, %dma_wait3A_760] : memref<40x128xi32, #tpu.memory_space<vmem>> -> memref<1x128xi32, #tpu.memory_space<vmem>>
        %dma_wait3A_762 = tpu.memref_squeeze %dma_wait3A_761 : memref<1x128xi32, #tpu.memory_space<vmem>> -> memref<128xi32, #tpu.memory_space<vmem>>
        %dma_wait3A_763 = arith.constant 0 : i32
        %dma_wait3A_764 = arith.constant 0 : i32
        %dma_wait3A_765 = tpu.memref_slice %arg9[%dma_wait3A_763, %dma_wait3A_764] : memref<10240x64xf32, #tpu.memory_space<vmem_shared>> -> memref<10240x64xf32, #tpu.memory_space<vmem_shared>>
        %dma_wait3A_766 = tpu.memref_slice %arg12[%dma_wait3A_755] : memref<2x!tpu.dma_semaphore, #tpu.memory_space<semaphore_mem>> -> memref<1x!tpu.dma_semaphore, #tpu.memory_space<semaphore_mem>>
        %dma_wait3A_767 = tpu.memref_squeeze %dma_wait3A_766 : memref<1x!tpu.dma_semaphore, #tpu.memory_space<semaphore_mem>> -> memref<!tpu.dma_semaphore, #tpu.memory_space<semaphore_mem>>
        tpu.wait_indirect_dma semaphore(%dma_wait3A_767 : memref<!tpu.dma_semaphore, #tpu.memory_space<semaphore_mem>>) src(%dma_wait3A_759 : memref<128x64xf32, #tpu.memory_space<vmem>>) dst(%dma_wait3A_765 : memref<10240x64xf32, #tpu.memory_space<vmem_shared>>)
        %dma_start3A_768 = arith.constant 1 : i32
        %dma_start3A_769 = arith.constant 1 : i32
        %dma_start3A_770 = arith.constant 0 : i32
        %dma_start3A_771 = arith.constant 0 : i32
        %dma_start3A_772 = tpu.memref_slice %arg8[%dma_start3A_768, %dma_start3A_770, %dma_start3A_771] : memref<2x128x64xf32, #tpu.memory_space<vmem>> -> memref<1x128x64xf32, #tpu.memory_space<vmem>>
        %dma_start3A_773 = tpu.memref_squeeze %dma_start3A_772 : memref<1x128x64xf32, #tpu.memory_space<vmem>> -> memref<128x64xf32, #tpu.memory_space<vmem>>
        %dma_start3A_774 = arith.constant 0 : i32
        %dma_start3A_775 = tpu.memref_slice %arg6[%add3A_751, %dma_start3A_774] : memref<40x128xi32, #tpu.memory_space<vmem>> -> memref<1x128xi32, #tpu.memory_space<vmem>>
        %dma_start3A_776 = tpu.memref_squeeze %dma_start3A_775 : memref<1x128xi32, #tpu.memory_space<vmem>> -> memref<128xi32, #tpu.memory_space<vmem>>
        %dma_start3A_777 = arith.constant 0 : i32
        %dma_start3A_778 = arith.constant 0 : i32
        %dma_start3A_779 = tpu.memref_slice %arg10[%dma_start3A_777, %dma_start3A_778] : memref<10000x64xf32, #tpu.memory_space<vmem_shared>> -> memref<10000x64xf32, #tpu.memory_space<vmem_shared>>
        %dma_start3A_780 = tpu.memref_slice %arg11[%dma_start3A_769] : memref<2x!tpu.dma_semaphore, #tpu.memory_space<semaphore_mem>> -> memref<1x!tpu.dma_semaphore, #tpu.memory_space<semaphore_mem>>
        %dma_start3A_781 = tpu.memref_squeeze %dma_start3A_780 : memref<1x!tpu.dma_semaphore, #tpu.memory_space<semaphore_mem>> -> memref<!tpu.dma_semaphore, #tpu.memory_space<semaphore_mem>>
        tpu.enqueue_indirect_dma source(%dma_start3A_779 : memref<10000x64xf32, #tpu.memory_space<vmem_shared>>) target(%dma_start3A_773 : memref<128x64xf32, #tpu.memory_space<vmem>>) offsets(%dma_start3A_776 : memref<128xi32, #tpu.memory_space<vmem>>) semaphore(%dma_start3A_781 : memref<!tpu.dma_semaphore, #tpu.memory_space<semaphore_mem>>)
        %sub3A_782 = arith.constant 1 : i32
        %sub3A_783 = arith.subi %add3A_751, %sub3A_782 : i32
        %dma_wait3A_784 = arith.constant 0 : i32
        %dma_wait3A_785 = arith.constant 0 : i32
        %dma_wait3A_786 = arith.constant 0 : i32
        %dma_wait3A_787 = arith.constant 0 : i32
        %dma_wait3A_788 = tpu.memref_slice %arg8[%dma_wait3A_784, %dma_wait3A_786, %dma_wait3A_787] : memref<2x128x64xf32, #tpu.memory_space<vmem>> -> memref<1x128x64xf32, #tpu.memory_space<vmem>>
        %dma_wait3A_789 = tpu.memref_squeeze %dma_wait3A_788 : memref<1x128x64xf32, #tpu.memory_space<vmem>> -> memref<128x64xf32, #tpu.memory_space<vmem>>
        %dma_wait3A_790 = arith.constant 0 : i32
        %dma_wait3A_791 = tpu.memref_slice %arg6[%sub3A_783, %dma_wait3A_790] : memref<40x128xi32, #tpu.memory_space<vmem>> -> memref<1x128xi32, #tpu.memory_space<vmem>>
        %dma_wait3A_792 = tpu.memref_squeeze %dma_wait3A_791 : memref<1x128xi32, #tpu.memory_space<vmem>> -> memref<128xi32, #tpu.memory_space<vmem>>
        %dma_wait3A_793 = arith.constant 0 : i32
        %dma_wait3A_794 = arith.constant 0 : i32
        %dma_wait3A_795 = tpu.memref_slice %arg10[%dma_wait3A_793, %dma_wait3A_794] : memref<10000x64xf32, #tpu.memory_space<vmem_shared>> -> memref<10000x64xf32, #tpu.memory_space<vmem_shared>>
        %dma_wait3A_796 = tpu.memref_slice %arg11[%dma_wait3A_785] : memref<2x!tpu.dma_semaphore, #tpu.memory_space<semaphore_mem>> -> memref<1x!tpu.dma_semaphore, #tpu.memory_space<semaphore_mem>>
        %dma_wait3A_797 = tpu.memref_squeeze %dma_wait3A_796 : memref<1x!tpu.dma_semaphore, #tpu.memory_space<semaphore_mem>> -> memref<!tpu.dma_semaphore, #tpu.memory_space<semaphore_mem>>
        tpu.wait_indirect_dma semaphore(%dma_wait3A_797 : memref<!tpu.dma_semaphore, #tpu.memory_space<semaphore_mem>>) src(%dma_wait3A_795 : memref<10000x64xf32, #tpu.memory_space<vmem_shared>>) dst(%dma_wait3A_789 : memref<128x64xf32, #tpu.memory_space<vmem>>)
        %sub3A_798 = arith.constant 1 : i32
        %sub3A_799 = arith.subi %add3A_751, %sub3A_798 : i32
        %dma_start3A_800 = arith.constant 0 : i32
        %dma_start3A_801 = arith.constant 0 : i32
        %dma_start3A_802 = arith.constant 0 : i32
        %dma_start3A_803 = arith.constant 0 : i32
        %dma_start3A_804 = tpu.memref_slice %arg8[%dma_start3A_800, %dma_start3A_802, %dma_start3A_803] : memref<2x128x64xf32, #tpu.memory_space<vmem>> -> memref<1x128x64xf32, #tpu.memory_space<vmem>>
        %dma_start3A_805 = tpu.memref_squeeze %dma_start3A_804 : memref<1x128x64xf32, #tpu.memory_space<vmem>> -> memref<128x64xf32, #tpu.memory_space<vmem>>
        %dma_start3A_806 = arith.constant 0 : i32
        %dma_start3A_807 = tpu.memref_slice %arg7[%sub3A_799, %dma_start3A_806] : memref<40x128xi32, #tpu.memory_space<vmem>> -> memref<1x128xi32, #tpu.memory_space<vmem>>
        %dma_start3A_808 = tpu.memref_squeeze %dma_start3A_807 : memref<1x128xi32, #tpu.memory_space<vmem>> -> memref<128xi32, #tpu.memory_space<vmem>>
        %dma_start3A_809 = arith.constant 0 : i32
        %dma_start3A_810 = arith.constant 0 : i32
        %dma_start3A_811 = tpu.memref_slice %arg9[%dma_start3A_809, %dma_start3A_810] : memref<10240x64xf32, #tpu.memory_space<vmem_shared>> -> memref<10240x64xf32, #tpu.memory_space<vmem_shared>>
        %dma_start3A_812 = tpu.memref_slice %arg12[%dma_start3A_801] : memref<2x!tpu.dma_semaphore, #tpu.memory_space<semaphore_mem>> -> memref<1x!tpu.dma_semaphore, #tpu.memory_space<semaphore_mem>>
        %dma_start3A_813 = tpu.memref_squeeze %dma_start3A_812 : memref<1x!tpu.dma_semaphore, #tpu.memory_space<semaphore_mem>> -> memref<!tpu.dma_semaphore, #tpu.memory_space<semaphore_mem>>
        tpu.enqueue_indirect_dma source(%dma_start3A_805 : memref<128x64xf32, #tpu.memory_space<vmem>>) target(%dma_start3A_811 : memref<10240x64xf32, #tpu.memory_space<vmem_shared>>) offsets(%dma_start3A_808 : memref<128xi32, #tpu.memory_space<vmem>>) semaphore(%dma_start3A_813 : memref<!tpu.dma_semaphore, #tpu.memory_space<semaphore_mem>>) {add = true}
      }
      %scan3A_621 = arith.constant 19 : i32
      %dma_wait3A_622 = arith.constant 39 : i32
      %dma_wait3A_623 = arith.constant 1 : i32
      %dma_wait3A_624 = arith.constant 1 : i32
      %dma_wait3A_625 = arith.constant 0 : i32
      %dma_wait3A_626 = arith.constant 0 : i32
      %dma_wait3A_627 = tpu.memref_slice %arg8[%dma_wait3A_623, %dma_wait3A_625, %dma_wait3A_626] : memref<2x128x64xf32, #tpu.memory_space<vmem>> -> memref<1x128x64xf32, #tpu.memory_space<vmem>>
      %dma_wait3A_628 = tpu.memref_squeeze %dma_wait3A_627 : memref<1x128x64xf32, #tpu.memory_space<vmem>> -> memref<128x64xf32, #tpu.memory_space<vmem>>
      %dma_wait3A_629 = arith.constant 0 : i32
      %dma_wait3A_630 = tpu.memref_slice %arg6[%dma_wait3A_622, %dma_wait3A_629] : memref<40x128xi32, #tpu.memory_space<vmem>> -> memref<1x128xi32, #tpu.memory_space<vmem>>
      %dma_wait3A_631 = tpu.memref_squeeze %dma_wait3A_630 : memref<1x128xi32, #tpu.memory_space<vmem>> -> memref<128xi32, #tpu.memory_space<vmem>>
      %dma_wait3A_632 = arith.constant 0 : i32
      %dma_wait3A_633 = arith.constant 0 : i32
      %dma_wait3A_634 = tpu.memref_slice %arg10[%dma_wait3A_632, %dma_wait3A_633] : memref<10000x64xf32, #tpu.memory_space<vmem_shared>> -> memref<10000x64xf32, #tpu.memory_space<vmem_shared>>
      %dma_wait3A_635 = tpu.memref_slice %arg11[%dma_wait3A_624] : memref<2x!tpu.dma_semaphore, #tpu.memory_space<semaphore_mem>> -> memref<1x!tpu.dma_semaphore, #tpu.memory_space<semaphore_mem>>
      %dma_wait3A_636 = tpu.memref_squeeze %dma_wait3A_635 : memref<1x!tpu.dma_semaphore, #tpu.memory_space<semaphore_mem>> -> memref<!tpu.dma_semaphore, #tpu.memory_space<semaphore_mem>>
      tpu.wait_indirect_dma semaphore(%dma_wait3A_636 : memref<!tpu.dma_semaphore, #tpu.memory_space<semaphore_mem>>) src(%dma_wait3A_634 : memref<10000x64xf32, #tpu.memory_space<vmem_shared>>) dst(%dma_wait3A_628 : memref<128x64xf32, #tpu.memory_space<vmem>>)
      %dma_start3A_637 = arith.constant 1 : i32
      %dma_start3A_638 = arith.constant 39 : i32
      %dma_start3A_639 = arith.constant 1 : i32
      %dma_start3A_640 = arith.constant 0 : i32
      %dma_start3A_641 = arith.constant 0 : i32
      %dma_start3A_642 = tpu.memref_slice %arg8[%dma_start3A_637, %dma_start3A_640, %dma_start3A_641] : memref<2x128x64xf32, #tpu.memory_space<vmem>> -> memref<1x128x64xf32, #tpu.memory_space<vmem>>
      %dma_start3A_643 = tpu.memref_squeeze %dma_start3A_642 : memref<1x128x64xf32, #tpu.memory_space<vmem>> -> memref<128x64xf32, #tpu.memory_space<vmem>>
      %dma_start3A_644 = arith.constant 0 : i32
      %dma_start3A_645 = tpu.memref_slice %arg7[%dma_start3A_638, %dma_start3A_644] : memref<40x128xi32, #tpu.memory_space<vmem>> -> memref<1x128xi32, #tpu.memory_space<vmem>>
      %dma_start3A_646 = tpu.memref_squeeze %dma_start3A_645 : memref<1x128xi32, #tpu.memory_space<vmem>> -> memref<128xi32, #tpu.memory_space<vmem>>
      %dma_start3A_647 = arith.constant 0 : i32
      %dma_start3A_648 = arith.constant 0 : i32
      %dma_start3A_649 = tpu.memref_slice %arg9[%dma_start3A_647, %dma_start3A_648] : memref<10240x64xf32, #tpu.memory_space<vmem_shared>> -> memref<10240x64xf32, #tpu.memory_space<vmem_shared>>
      %dma_start3A_650 = tpu.memref_slice %arg12[%dma_start3A_639] : memref<2x!tpu.dma_semaphore, #tpu.memory_space<semaphore_mem>> -> memref<1x!tpu.dma_semaphore, #tpu.memory_space<semaphore_mem>>
      %dma_start3A_651 = tpu.memref_squeeze %dma_start3A_650 : memref<1x!tpu.dma_semaphore, #tpu.memory_space<semaphore_mem>> -> memref<!tpu.dma_semaphore, #tpu.memory_space<semaphore_mem>>
      tpu.enqueue_indirect_dma source(%dma_start3A_643 : memref<128x64xf32, #tpu.memory_space<vmem>>) target(%dma_start3A_649 : memref<10240x64xf32, #tpu.memory_space<vmem_shared>>) offsets(%dma_start3A_646 : memref<128xi32, #tpu.memory_space<vmem>>) semaphore(%dma_start3A_651 : memref<!tpu.dma_semaphore, #tpu.memory_space<semaphore_mem>>) {add = true}
      %dma_wait3A_652 = arith.constant 0 : i32
      %dma_wait3A_653 = arith.constant 38 : i32
      %dma_wait3A_654 = arith.constant 0 : i32
      %dma_wait3A_655 = arith.constant 0 : i32
      %dma_wait3A_656 = arith.constant 0 : i32
      %dma_wait3A_657 = tpu.memref_slice %arg8[%dma_wait3A_652, %dma_wait3A_655, %dma_wait3A_656] : memref<2x128x64xf32, #tpu.memory_space<vmem>> -> memref<1x128x64xf32, #tpu.memory_space<vmem>>
      %dma_wait3A_658 = tpu.memref_squeeze %dma_wait3A_657 : memref<1x128x64xf32, #tpu.memory_space<vmem>> -> memref<128x64xf32, #tpu.memory_space<vmem>>
      %dma_wait3A_659 = arith.constant 0 : i32
      %dma_wait3A_660 = tpu.memref_slice %arg7[%dma_wait3A_653, %dma_wait3A_659] : memref<40x128xi32, #tpu.memory_space<vmem>> -> memref<1x128xi32, #tpu.memory_space<vmem>>
      %dma_wait3A_661 = tpu.memref_squeeze %dma_wait3A_660 : memref<1x128xi32, #tpu.memory_space<vmem>> -> memref<128xi32, #tpu.memory_space<vmem>>
      %dma_wait3A_662 = arith.constant 0 : i32
      %dma_wait3A_663 = arith.constant 0 : i32
      %dma_wait3A_664 = tpu.memref_slice %arg9[%dma_wait3A_662, %dma_wait3A_663] : memref<10240x64xf32, #tpu.memory_space<vmem_shared>> -> memref<10240x64xf32, #tpu.memory_space<vmem_shared>>
      %dma_wait3A_665 = tpu.memref_slice %arg12[%dma_wait3A_654] : memref<2x!tpu.dma_semaphore, #tpu.memory_space<semaphore_mem>> -> memref<1x!tpu.dma_semaphore, #tpu.memory_space<semaphore_mem>>
      %dma_wait3A_666 = tpu.memref_squeeze %dma_wait3A_665 : memref<1x!tpu.dma_semaphore, #tpu.memory_space<semaphore_mem>> -> memref<!tpu.dma_semaphore, #tpu.memory_space<semaphore_mem>>
      tpu.wait_indirect_dma semaphore(%dma_wait3A_666 : memref<!tpu.dma_semaphore, #tpu.memory_space<semaphore_mem>>) src(%dma_wait3A_658 : memref<128x64xf32, #tpu.memory_space<vmem>>) dst(%dma_wait3A_664 : memref<10240x64xf32, #tpu.memory_space<vmem_shared>>)
      %dma_wait3A_667 = arith.constant 1 : i32
      %dma_wait3A_668 = arith.constant 39 : i32
      %dma_wait3A_669 = arith.constant 1 : i32
      %dma_wait3A_670 = arith.constant 0 : i32
      %dma_wait3A_671 = arith.constant 0 : i32
      %dma_wait3A_672 = tpu.memref_slice %arg8[%dma_wait3A_667, %dma_wait3A_670, %dma_wait3A_671] : memref<2x128x64xf32, #tpu.memory_space<vmem>> -> memref<1x128x64xf32, #tpu.memory_space<vmem>>
      %dma_wait3A_673 = tpu.memref_squeeze %dma_wait3A_672 : memref<1x128x64xf32, #tpu.memory_space<vmem>> -> memref<128x64xf32, #tpu.memory_space<vmem>>
      %dma_wait3A_674 = arith.constant 0 : i32
      %dma_wait3A_675 = tpu.memref_slice %arg7[%dma_wait3A_668, %dma_wait3A_674] : memref<40x128xi32, #tpu.memory_space<vmem>> -> memref<1x128xi32, #tpu.memory_space<vmem>>
      %dma_wait3A_676 = tpu.memref_squeeze %dma_wait3A_675 : memref<1x128xi32, #tpu.memory_space<vmem>> -> memref<128xi32, #tpu.memory_space<vmem>>
      %dma_wait3A_677 = arith.constant 0 : i32
      %dma_wait3A_678 = arith.constant 0 : i32
      %dma_wait3A_679 = tpu.memref_slice %arg9[%dma_wait3A_677, %dma_wait3A_678] : memref<10240x64xf32, #tpu.memory_space<vmem_shared>> -> memref<10240x64xf32, #tpu.memory_space<vmem_shared>>
      %dma_wait3A_680 = tpu.memref_slice %arg12[%dma_wait3A_669] : memref<2x!tpu.dma_semaphore, #tpu.memory_space<semaphore_mem>> -> memref<1x!tpu.dma_semaphore, #tpu.memory_space<semaphore_mem>>
      %dma_wait3A_681 = tpu.memref_squeeze %dma_wait3A_680 : memref<1x!tpu.dma_semaphore, #tpu.memory_space<semaphore_mem>> -> memref<!tpu.dma_semaphore, #tpu.memory_space<semaphore_mem>>
      tpu.wait_indirect_dma semaphore(%dma_wait3A_681 : memref<!tpu.dma_semaphore, #tpu.memory_space<semaphore_mem>>) src(%dma_wait3A_673 : memref<128x64xf32, #tpu.memory_space<vmem>>) dst(%dma_wait3A_679 : memref<10240x64xf32, #tpu.memory_space<vmem_shared>>)
    }
    %barrier3A_546 = arith.constant 0 : index
    tpu.barrier barrier_id(%barrier3A_546)
    %mul3A_547 = arith.constant 640 : i32
    %mul3A_548 = arith.muli %arg1, %mul3A_547 : i32
    %mul3A_549 = arith.constant 640 : i32
    %mul3A_550 = arith.muli %arg1, %mul3A_549 : i32
    "tpu.region"() ({
      %run_scoped3A = tpu.sem_alloc : memref<!tpu.dma_semaphore, #tpu.memory_space<semaphore_mem>>
      %dma_start3A = arith.constant 0 : i32
      %dma_start3A_551 = tpu.memref_slice %arg5[%arg0, %mul3A_550, %dma_start3A] : memref<2x10240x64xf32, #tpu.memory_space<hbm>> -> memref<1x640x64xf32, #tpu.memory_space<hbm>>
      %dma_start3A_552 = tpu.memref_squeeze %dma_start3A_551 : memref<1x640x64xf32, #tpu.memory_space<hbm>> -> memref<640x64xf32, #tpu.memory_space<hbm>>
      %dma_start3A_553 = arith.constant 0 : i32
      %dma_start3A_554 = tpu.memref_slice %arg9[%mul3A_548, %dma_start3A_553] : memref<10240x64xf32, #tpu.memory_space<vmem_shared>> -> memref<640x64xf32, #tpu.memory_space<vmem_shared>>
      tpu.enqueue_dma source(%dma_start3A_554 : memref<640x64xf32, #tpu.memory_space<vmem_shared>>) target(%dma_start3A_552 : memref<640x64xf32, #tpu.memory_space<hbm>>) target_semaphore(%run_scoped3A : memref<!tpu.dma_semaphore, #tpu.memory_space<semaphore_mem>>)
      %dma_wait3A = arith.constant 0 : i32
      %dma_wait3A_555 = tpu.memref_slice %arg5[%arg0, %mul3A_550, %dma_wait3A] : memref<2x10240x64xf32, #tpu.memory_space<hbm>> -> memref<1x640x64xf32, #tpu.memory_space<hbm>>
      %dma_wait3A_556 = tpu.memref_squeeze %dma_wait3A_555 : memref<1x640x64xf32, #tpu.memory_space<hbm>> -> memref<640x64xf32, #tpu.memory_space<hbm>>
      %dma_wait3A_557 = arith.constant 0 : i32
      %dma_wait3A_558 = tpu.memref_slice %arg9[%mul3A_548, %dma_wait3A_557] : memref<10240x64xf32, #tpu.memory_space<vmem_shared>> -> memref<640x64xf32, #tpu.memory_space<vmem_shared>>
      tpu.wait_dma2 semaphore(%run_scoped3A : memref<!tpu.dma_semaphore, #tpu.memory_space<semaphore_mem>>) src(%dma_wait3A_558 : memref<640x64xf32, #tpu.memory_space<vmem_shared>>) dst(%dma_wait3A_556 : memref<640x64xf32, #tpu.memory_space<hbm>>)
      tpu.yield
    }) : () -> ()
    return
  }
}

module attributes {stable_mosaic.version = 14 : i64} {
  func.func @_mm1_body(%arg0: i32, %arg1: memref<1000x128xf32, #tpu.memory_space<vmem>>, %arg2: memref<128x128xf32, #tpu.memory_space<vmem>>, %arg3: memref<1000x128xf32, #tpu.memory_space<vmem>>) attributes {dimension_semantics = [#tpu.dimension_semantics<arbitrary>], iteration_bounds = array<i64: 10>, scalar_prefetch = 0 : i64, scratch_operands = 0 : i64, tpu.core_type = #tpu.core_type<tc>, window_params = [{transform_indices = @transform_0, window_bounds = array<i64: 1000, 128>}, {pipeline_mode = #tpu.pipeline_mode<synchronous>, transform_indices = @transform_1, window_bounds = array<i64: 128, 128>}, {transform_indices = @transform_2, window_bounds = array<i64: 1000, 128>}]} {
    %get3A = arith.constant 0 : index
    %get3A_0 = arith.constant 0 : index
    %get3A_1 = vector.load %arg1[%get3A, %get3A_0] : memref<1000x128xf32, #tpu.memory_space<vmem>>, vector<1000x128xf32>
    %get3A_2 = arith.constant 0 : index
    %get3A_3 = arith.constant 0 : index
    %get3A_4 = vector.load %arg2[%get3A_2, %get3A_3] : memref<128x128xf32, #tpu.memory_space<vmem>>, vector<128x128xf32>
    %dot_general3A = arith.constant dense<0.000000e+00> : vector<1000x128xf32>
    %dot_general3A_5 = tpu.matmul %get3A_1, %get3A_4, %dot_general3A {dimension_numbers = #tpu.dot_dimension_numbers<[1], [0], [0], [1], [0, 0, 1, 1], [], []>, transpose_lhs_hint = false} : vector<1000x128xf32>, vector<128x128xf32>, vector<1000x128xf32> -> vector<1000x128xf32>
    %swap3A = arith.constant 0 : index
    %swap3A_6 = arith.constant 0 : index
    %swap3A_7 = vector.load %arg3[%swap3A, %swap3A_6] : memref<1000x128xf32, #tpu.memory_space<vmem>>, vector<1000x128xf32>
    tpu.vector_store %arg3[%swap3A, %swap3A_6], %dot_general3A_5 {strides = array<i32>} : memref<1000x128xf32, #tpu.memory_space<vmem>>, vector<1000x128xf32>,
    return
  }
  func.func @transform_0(%arg0: i32) -> (i32, i32) {
    %c0_i32 = arith.constant 0 : i32
    %c0_i32_0 = arith.constant 0 : i32
    return %arg0, %c0_i32 : i32, i32
  }
  func.func @transform_1(%arg0: i32) -> (i32, i32) {
    %c0_i32 = arith.constant 0 : i32
    %c0_i32_0 = arith.constant 0 : i32
    %c0_i32_1 = arith.constant 0 : i32
    return %c0_i32, %c0_i32_0 : i32, i32
  }
  func.func @transform_2(%arg0: i32) -> (i32, i32) {
    %c0_i32 = arith.constant 0 : i32
    %c0_i32_0 = arith.constant 0 : i32
    return %arg0, %c0_i32 : i32, i32
  }
}

module attributes {stable_mosaic.version = 14 : i64} {
  func.func @_mid_body(%arg0: i32, %arg1: memref<1x1000x128xf32, #tpu.memory_space<vmem>>, %arg2: memref<1x1000x128xf32, #tpu.memory_space<vmem>>, %arg3: memref<128x64xf32, #tpu.memory_space<vmem>>, %arg4: memref<1000x64xf32, #tpu.memory_space<vmem>>) attributes {dimension_semantics = [#tpu.dimension_semantics<arbitrary>], iteration_bounds = array<i64: 10>, scalar_prefetch = 0 : i64, scratch_operands = 0 : i64, tpu.core_type = #tpu.core_type<tc>, window_params = [{transform_indices = @transform_0, window_bounds = array<i64: 1, 1000, 128>}, {transform_indices = @transform_1, window_bounds = array<i64: 1, 1000, 128>}, {pipeline_mode = #tpu.pipeline_mode<synchronous>, transform_indices = @transform_2, window_bounds = array<i64: 128, 64>}, {transform_indices = @transform_3, window_bounds = array<i64: 1000, 64>}]} {
    %get3A = arith.constant 0 : index
    %get3A_0 = arith.constant 0 : index
    %get3A_1 = arith.constant 0 : index
    %get3A_2 = vector.load %arg1[%get3A, %get3A_0, %get3A_1] : memref<1x1000x128xf32, #tpu.memory_space<vmem>>, vector<1x1000x128xf32>
    %get3A_3 = vector.shape_cast %get3A_2 : vector<1x1000x128xf32> to vector<1000x128xf32>
    %get3A_4 = arith.constant 0 : index
    %get3A_5 = arith.constant 0 : index
    %get3A_6 = arith.constant 0 : index
    %get3A_7 = vector.load %arg2[%get3A_4, %get3A_5, %get3A_6] : memref<1x1000x128xf32, #tpu.memory_space<vmem>>, vector<1x1000x128xf32>
    %get3A_8 = vector.shape_cast %get3A_7 : vector<1x1000x128xf32> to vector<1000x128xf32>
    %add3A = arith.addf %get3A_3, %get3A_8 : vector<1000x128xf32>
    %max3A = arith.constant 0.000000e+00 : f32
    %max3A_9 = vector.broadcast %max3A : f32 to vector<1000x128xf32>
    %max3A_10 = arith.maximumf %add3A, %max3A_9 : vector<1000x128xf32>
    %get3A_11 = arith.constant 0 : index
    %get3A_12 = arith.constant 0 : index
    %get3A_13 = vector.load %arg3[%get3A_11, %get3A_12] : memref<128x64xf32, #tpu.memory_space<vmem>>, vector<128x64xf32>
    %dot_general3A = arith.constant dense<0.000000e+00> : vector<1000x64xf32>
    %dot_general3A_14 = tpu.matmul %max3A_10, %get3A_13, %dot_general3A {dimension_numbers = #tpu.dot_dimension_numbers<[1], [0], [0], [1], [0, 0, 1, 1], [], []>, transpose_lhs_hint = false} : vector<1000x128xf32>, vector<128x64xf32>, vector<1000x64xf32> -> vector<1000x64xf32>
    %swap3A = arith.constant 0 : index
    %swap3A_15 = arith.constant 0 : index
    %swap3A_16 = vector.load %arg4[%swap3A, %swap3A_15] : memref<1000x64xf32, #tpu.memory_space<vmem>>, vector<1000x64xf32>
    tpu.vector_store %arg4[%swap3A, %swap3A_15], %dot_general3A_14 {strides = array<i32>} : memref<1000x64xf32, #tpu.memory_space<vmem>>, vector<1000x64xf32>,
    return
  }
  func.func @transform_0(%arg0: i32) -> (i32, i32, i32) {
    %c0_i32 = arith.constant 0 : i32
    %c0_i32_0 = arith.constant 0 : i32
    %c0_i32_1 = arith.constant 0 : i32
    return %c0_i32, %arg0, %c0_i32_0 : i32, i32, i32
  }
  func.func @transform_1(%arg0: i32) -> (i32, i32, i32) {
    %c1_i32 = arith.constant 1 : i32
    %c0_i32 = arith.constant 0 : i32
    %c0_i32_0 = arith.constant 0 : i32
    return %c1_i32, %arg0, %c0_i32 : i32, i32, i32
  }
  func.func @transform_2(%arg0: i32) -> (i32, i32) {
    %c0_i32 = arith.constant 0 : i32
    %c0_i32_0 = arith.constant 0 : i32
    %c0_i32_1 = arith.constant 0 : i32
    return %c0_i32, %c0_i32_0 : i32, i32
  }
  func.func @transform_3(%arg0: i32) -> (i32, i32) {
    %c0_i32 = arith.constant 0 : i32
    %c0_i32_0 = arith.constant 0 : i32
    return %arg0, %c0_i32 : i32, i32
  }
}

module attributes {stable_mosaic.version = 14 : i64} {
  func.func @_final_body(%arg0: i32, %arg1: memref<1x1000x64xf32, #tpu.memory_space<vmem>>, %arg2: memref<1x1000x64xf32, #tpu.memory_space<vmem>>, %arg3: memref<1000x64xf32, #tpu.memory_space<vmem>>) attributes {dimension_semantics = [#tpu.dimension_semantics<arbitrary>], iteration_bounds = array<i64: 10>, scalar_prefetch = 0 : i64, scratch_operands = 0 : i64, tpu.core_type = #tpu.core_type<tc>, window_params = [{transform_indices = @transform_0, window_bounds = array<i64: 1, 1000, 64>}, {transform_indices = @transform_1, window_bounds = array<i64: 1, 1000, 64>}, {transform_indices = @transform_2, window_bounds = array<i64: 1000, 64>}]} {
    %get3A = arith.constant 0 : index
    %get3A_0 = arith.constant 0 : index
    %get3A_1 = arith.constant 0 : index
    %get3A_2 = vector.load %arg1[%get3A, %get3A_0, %get3A_1] : memref<1x1000x64xf32, #tpu.memory_space<vmem>>, vector<1x1000x64xf32>
    %get3A_3 = vector.shape_cast %get3A_2 : vector<1x1000x64xf32> to vector<1000x64xf32>
    %get3A_4 = arith.constant 0 : index
    %get3A_5 = arith.constant 0 : index
    %get3A_6 = arith.constant 0 : index
    %get3A_7 = vector.load %arg2[%get3A_4, %get3A_5, %get3A_6] : memref<1x1000x64xf32, #tpu.memory_space<vmem>>, vector<1x1000x64xf32>
    %get3A_8 = vector.shape_cast %get3A_7 : vector<1x1000x64xf32> to vector<1000x64xf32>
    %add3A = arith.addf %get3A_3, %get3A_8 : vector<1000x64xf32>
    %reduce_max3A = arith.constant dense<0xFF800000> : vector<1000xf32>
    %reduce_max3A_9 = vector.multi_reduction <maximumf>, %add3A, %reduce_max3A [1] : vector<1000x64xf32> to vector<1000xf32>
    %broadcast_in_dim3A = vector.shape_cast %reduce_max3A_9 : vector<1000xf32> to vector<1000x1xf32>
    %sub3A = vector.broadcast %broadcast_in_dim3A : vector<1000x1xf32> to vector<1000x64xf32>
    %sub3A_10 = arith.subf %add3A, %sub3A : vector<1000x64xf32>
    %exp3A = math.exp %sub3A_10 : vector<1000x64xf32>
    %reduce_sum3A = arith.constant dense<0.000000e+00> : vector<1000xf32>
    %reduce_sum3A_11 = vector.multi_reduction <add>, %exp3A, %reduce_sum3A [1] : vector<1000x64xf32> to vector<1000xf32>
    %broadcast_in_dim3A_12 = vector.shape_cast %reduce_sum3A_11 : vector<1000xf32> to vector<1000x1xf32>
    %log3A = math.log %broadcast_in_dim3A_12 : vector<1000x1xf32>
    %add3A_13 = arith.addf %log3A, %broadcast_in_dim3A : vector<1000x1xf32>
    %sub3A_14 = vector.broadcast %add3A_13 : vector<1000x1xf32> to vector<1000x64xf32>
    %sub3A_15 = arith.subf %add3A, %sub3A_14 : vector<1000x64xf32>
    %swap3A = arith.constant 0 : index
    %swap3A_16 = arith.constant 0 : index
    %swap3A_17 = vector.load %arg3[%swap3A, %swap3A_16] : memref<1000x64xf32, #tpu.memory_space<vmem>>, vector<1000x64xf32>
    tpu.vector_store %arg3[%swap3A, %swap3A_16], %sub3A_15 {strides = array<i32>} : memref<1000x64xf32, #tpu.memory_space<vmem>>, vector<1000x64xf32>,
    return
  }
  func.func @transform_0(%arg0: i32) -> (i32, i32, i32) {
    %c0_i32 = arith.constant 0 : i32
    %c0_i32_0 = arith.constant 0 : i32
    %c0_i32_1 = arith.constant 0 : i32
    return %c0_i32, %arg0, %c0_i32_0 : i32, i32, i32
  }
  func.func @transform_1(%arg0: i32) -> (i32, i32, i32) {
    %c1_i32 = arith.constant 1 : i32
    %c0_i32 = arith.constant 0 : i32
    %c0_i32_0 = arith.constant 0 : i32
    return %c1_i32, %arg0, %c0_i32 : i32, i32, i32
  }
  func.func @transform_2(%arg0: i32) -> (i32, i32) {
    %c0_i32 = arith.constant 0 : i32
    %c0_i32_0 = arith.constant 0 : i32
    return %arg0, %c0_i32 : i32, i32
  }
}

</mosaic_0001>

<sc_bundles>
// kernel: spmm_sc_d128.3.cloned.1.call-start
scs
__scs_entry_jumppad:
0x0: {  	(pc) =	sbr.rel $0x88, $3  }
0x1: {  	(tag) =	ssettag $0x0;
	lr =	simm.s32 $0x1  }
0x2: {  	[smem:$0x3F9D] =	sst lr;
	_ =	strace $0xD0000000  }
0x3: {  	_ = 	snop  }
0x4: {  	_ = 	snop  }
0x5: {  	_ = 	snop  }
0x6: {  	_ = 	snop  }
0x7: {  	_ = 	snop  }
__scs_overlays_trampoline_lowered:
0x8: {  	[smem:$0x3FAC] =	sst s0  }
0x9: {  	[smem:$0x3FAD] =	sst s1  }
0xa: {  	[smem:$0x3FAE] =	sst s2  }
0xb: {  	[smem:$0x3FAF] =	sst s3  }
0xc: {  	[smem:$0x3FB0] =	sst s4  }
0xd: {  	[smem:$0x3FB1] =	sst s5  }
0xe: {  	[smem:$0x3FB2] =	sst s6  }
0xf: {  	[smem:$0x3FB3] =	sst s7  }
0x10: {  	[smem:$0x3FB4] =	sst s8  }
0x11: {  	[smem:$0x3FB5] =	sst s9;
	s0 =	simm.s32 @!p0 $0x0  }
0x12: {  	s1 =	sld [smem:$0x3F9B];
	s0 =	simm.s32 @p0 $0x1  }
0x13: {  	[smem:$0x3FB6] =	sst s0;
	s0 =	simm.s32 @!p1 $0x0  }
0x14: {  	s2 =	sld [smem:$0x3F9A];
	s0 =	simm.s32 @p1 $0x1  }
0x15: {  	[smem:$0x3FB7] =	sst s0;
	s0 =	simm.s32 @!p2 $0x0  }
0x16: {  	s3 =	sld [smem:$0x3FDB];
	s0 =	simm.s32 @p2 $0x1  }
0x17: {  	s4 =	simm.s32 $0x1BF5;
	[smem:$0x3FB9] =	sst s0  }
0x18: {  	s0 =	sld [smem:$0x3F9C];
	_ =	swait.ge [sflag:s4], $0x0  }
0x19: {  	s7 =	sld [smem:$0x3F9D]  }
0x1a: {  	s8 =	sadd.s32 $0xFFFFE003, lr  }
0x1b: {  	s9 =	sadd.s32 $0xFFFFFEF7, lr;
	s5 =	simm.s32 $0xFFFFFFFF;
	p2 =	slt.u32 s8, $0xFFFFF086  }
0x1c: {  	p1 =	slt.u32 s9, $0xF7A;
	s5 =	simm.s32 @!p2 $0x0  }
0x1d: {  	s5 =	simm.s32 @p1 $0x1;
	p0 =	seq.s32 s7, s2  }
0x1e: {  	s7 =	smul.u32 @!p0 $0xF7A, s2;
	p2 =	seq.s32 @!p0 s5, $0x0  }
0x1f: {  	s9 =	smul.u32 $0xF7A, s1;
	s8 =	simm.s32 @!p0 $0x1BF5;
	p2 =	por !p2, p0  }
0x20: {  	[sflag:s8] =	ssyncset.s32 @!p0 $0xFFFFF086;
	s6 =	sadd.s32 @!p0 s3, s7;
	s7 =	simm.s32 @!p0 $0x108  }
0x21: {  	s3 =	sadd.s32 s3, s9;
	s6 =	sadd.s32 @!p0 $0x88, s6;
	s7 =	simm.s32 @p2 $0x1082  }
0x22: {  	[simem:s7], [sflag:s8] =	dma.local @!p0 [hbm:s6], $0xF7A  }
0x23: {  	s9 =	sor.u32 $0xD0000000, s2;
	s6 =	simm.s32 $0x108;
	_ =	swait.ge @!p0 [sflag:s8], $0x0  }
0x24: {  	s3 =	sadd.s32 $0x88, s3;
	s6 =	simm.s32 @!p1 $0x1082;
	[sflag:s4] =	ssyncset.s32 $0xFFFFF086  }
0x25: {  	[simem:s6], [sflag:s4] =	dma.local [hbm:s3], $0xF7A  }
0x26: {  	[smem:$0x3F9D] =	sst s1;
	(tag) =	ssettag s2;
	_ =	strace s9  }
0x27: {  	s1 =	sld [smem:$0x3FAD]  }
0x28: {  	s2 =	sld [smem:$0x3FAE]  }
0x29: {  	s4 =	sld [smem:$0x3FB0]  }
0x2a: {  	p0 =	seq.s32 s5, $0x0;
	s5 =	sld [smem:$0x3FB1]  }
0x2b: {  	s6 =	sld [smem:$0x3FB2]  }
0x2c: {  	s7 =	sld [smem:$0x3FB3]  }
0x2d: {  	s3 =	simm.s32 $0x108;
	s8 =	sld [smem:$0x3FB4]  }
0x2e: {  	s3 =	simm.s32 @!p0 $0x1082;
	s9 =	sld [smem:$0x3FB5]  }
0x2f: {  	lr =	sadd.s32 s0, s3;
	s0 =	sld [smem:$0x3FAC]  }
0x30: {  	s3 =	sld [smem:$0x3FAF]  }
0x31: {  	[smem:$0x3FB8] =	sst s10  }
0x32: {  	s10 =	sld [smem:$0x3FB6];
	_ =	sdelay $0x3  }
0x33: {  	p0 =	seq.s32 s10, $0x1;
	s10 =	sld [smem:$0x3FB8];
	_ =	sdelay $0x3  }
0x34: {  	[smem:$0x3FB8] =	sst s10  }
0x35: {  	s10 =	sld [smem:$0x3FB7];
	_ =	sdelay $0x3  }
0x36: {  	p1 =	seq.s32 s10, $0x1;
	s10 =	sld [smem:$0x3FB8];
	_ =	sdelay $0x3  }
0x37: {  	[smem:$0x3FB8] =	sst s10  }
0x38: {  	s10 =	sld [smem:$0x3FB9]  }
0x39: {  	_ = 	snop;
	(pc) =	sbr.ind lr, $3  }
0x3a: {  	_ = 	snop  }
0x3b: {  	_ = 	snop  }
0x3c: {  	p2 =	seq.s32 s10, $0x1;
	s10 =	sld [smem:$0x3FB8]  }
0x3d: {  	_ =	shalt  }
0x3e: {  	_ =	shalt  }
0x3f: {  	_ =	shalt  }
0x40: {  	_ =	shalt  }
0x41: {  	_ =	shalt  }
0x42: {  	_ =	shalt  }
0x43: {  	_ =	shalt  }
0x44: {  	_ =	shalt  }
0x45: {  	_ =	shalt  }
0x46: {  	_ =	shalt  }
0x47: {  	_ =	shalt  }
0x48: {  	_ =	shalt  }
0x49: {  	_ =	shalt  }
0x4a: {  	_ =	shalt  }
0x4b: {  	_ =	shalt  }
0x4c: {  	_ =	shalt  }
0x4d: {  	_ =	shalt  }
0x4e: {  	_ =	shalt  }
0x4f: {  	_ =	shalt  }
0x50: {  	_ =	shalt  }
0x51: {  	_ =	shalt  }
0x52: {  	_ =	shalt  }
0x53: {  	_ =	shalt  }
0x54: {  	_ =	shalt  }
0x55: {  	_ =	shalt  }
0x56: {  	_ =	shalt  }
0x57: {  	_ =	shalt  }
0x58: {  	_ =	shalt  }
0x59: {  	_ =	shalt  }
0x5a: {  	_ =	shalt  }
0x5b: {  	_ =	shalt  }
0x5c: {  	_ =	shalt  }
0x5d: {  	_ =	shalt  }
0x5e: {  	_ =	shalt  }
0x5f: {  	_ =	shalt  }
0x60: {  	_ =	shalt  }
0x61: {  	_ =	shalt  }
0x62: {  	_ =	shalt  }
0x63: {  	_ =	shalt  }
0x64: {  	_ =	shalt  }
0x65: {  	_ =	shalt  }
0x66: {  	_ =	shalt  }
0x67: {  	_ =	shalt  }
0x68: {  	_ =	shalt  }
0x69: {  	_ =	shalt  }
0x6a: {  	_ =	shalt  }
0x6b: {  	_ =	shalt  }
0x6c: {  	_ =	shalt  }
0x6d: {  	_ =	shalt  }
0x6e: {  	_ =	shalt  }
0x6f: {  	_ =	shalt  }
0x70: {  	_ =	shalt  }
0x71: {  	_ =	shalt  }
0x72: {  	_ =	shalt  }
0x73: {  	_ =	shalt  }
0x74: {  	_ =	shalt  }
0x75: {  	_ =	shalt  }
0x76: {  	_ =	shalt  }
0x77: {  	_ =	shalt  }
0x78: {  	_ =	shalt  }
0x79: {  	_ =	shalt  }
0x7a: {  	_ =	shalt  }
0x7b: {  	_ =	shalt  }
0x7c: {  	_ =	shalt  }
0x7d: {  	_ =	shalt  }
0x7e: {  	_ =	shalt  }
0x7f: {  	_ =	shalt  }
0x80: {  	_ =	shalt  }
0x81: {  	_ =	shalt  }
0x82: {  	_ =	shalt  }
0x83: {  	_ =	shalt  }
0x84: {  	_ =	shalt  }
0x85: {  	_ =	shalt  }
0x86: {  	_ =	shalt  }
0x87: {  	_ =	shalt  }
.Lfunc_end0:
.L_simem_size_0:
called_computation_lowered:
.L_overlay_start_0:
0x88: {  	s2 =	sld [smem:$0x3FD9]  }
0x89: {  	s3 =	sld [smem:$0x3FFE];
	_ =	sdelay $0x1  }
0x8a: {  	s1 =	srdreg.scid  }
0x8b: {  	s0 =	sand.u32 $0x1, s1  }
0x8c: {  	s16 =	sshll.u32 s0, $0xA;
	s2 =	sadd.s32 s3, s2  }
0x8d: {  	s2 =	sadd.s32 s2, s16  }
0x8e: {  	[smem:$0x3FC4] =	sst s2  }
0x8f: {  	_ = 	snop  }
0x90: {  	(tm) =	ssettm $0x1  }
0x91: {  	s17 =	sld [smem:$0x3FFB];
	_ =	sdelay $0x3  }
0x92: {  	_ =	strace s17  }
0x93: {  	s2 =	sld [smem:$0x3FFC];
	_ =	sdelay $0x3  }
0x94: {  	_ =	strace s2  }
0x95: {  	s2 =	sld [smem:$0x3FFD];
	_ =	sdelay $0x3  }
0x96: {  	_ =	strace s2  }
0x97: {  	_ =	strace $0x8FFFFFFF  }
0x98: {  	s18 =	sld [smem:$0x3FDB];
	_ =	sdelay $0x1  }
0x99: {  	s19 =	simm.s32 $_scs_section_size  }
0x9a: {  	s4 =	simm.s32 $_size__tile_overlayer_lowered;
	s5 =	simm.s32 $_tile_overlayer_lowered  }
0x9b: {  	s22 =	simm.s32 $0x1BFF;
	s21 =	sshll.u32 s5, $0x1;
	s2 =	sadd.s32 s19, s18  }
0x9c: {  	s6 =	simm.s32 $0x0;
	s20 =	sshll.u32 s4, $0x1;
	s4 =	sadd.s32 s21, s2  }
0x9d: {  	[timem:s6], [sflag:s22] =	dma.local [hbm:s4], s20  }
0x9e: {  	_ =	swait.ge [sflag:s22], s20  }
0x9f: {  	s3 =	ssub.s32 $0x0, s20;
	[sflag:s22] =	ssyncset.done $0x0  }
0xa0: {  	[sflag:s22] =	ssyncadd.s32 s3;
	_ =	sdelay $0x1  }
0xa1: {  	s23 =	simm.s32 $0x1B8B  }
0xa2: {  	_ =	swait.ge [sflag:s23], $0x1  }
0xa3: {  	[sflag:s23] =	ssyncset.done $0x0  }
0xa4: {  	s25 =	simm.s32 $0x1B8E;
	s24 =	sld [smem:$0x3FFE];
	[sflag:s23] =	ssyncadd.s32 $0xFFFFFFFF  }
0xa5: {  	s26 =	simm.s32 $execute0_lowered;
	[smem:$0x3FD2] =	sst s25  }
0xa6: {  	s4 =	sshll.u32 s26, $0x1;
	_ =	strace $0x80000046;
	[dreg:$0x1] =	wrdreg $0xFFFFFFFF  }
0xa7: {  	s28 =	simm.s32 $_size_execute0_lowered;
	s2 =	sadd.s32 s2, s4;
	[dreg:$0x0] =	wrdreg $0x0  }
0xa8: {  	s4 =	sshll.u32 s28, $0x1;
	[dreg:$0x2] =	wrdreg s2  }
0xa9: {  	[dreg:$0x3] =	wrdreg s4  }
0xaa: {  	[dreg:$0x4] =	wrdreg $0xC0  }
0xab: {  	_ =	task [dreg:s6], $0x5FFFF  }
0xac: {  	[dreg:$0x1] =	wrdreg $0xFFFFFFFF  }
0xad: {  	[dreg:$0x0] =	wrdreg $0x60  }
0xae: {  	[dreg:$0x2] =	wrdreg s24  }
0xaf: {  	[dreg:$0x3] =	wrdreg $0xA8000  }
0xb0: {  	[dreg:$0x4] =	wrdreg $0x9  }
0xb1: {  	_ =	task.clear_ibuf [dreg:s6], $0x5FFFF;
	_ =	strace $0x90000046  }
0xb2: {  	s29 =	simm.s32 $0x9;
	_ =	strace $0x80000048  }
0xb3: {  	_ =	swait.ge [sflag:s29], $0x1  }
0xb4: {  	[sflag:s29] =	ssyncadd.s32 $0xFFFFFFFF  }
0xb5: {  	_ =	strace $0x90000048  }
0xb6: {  	_ =	sfence  }
0xb7: {  	s30 =	sld [smem:$0x0];
	_ =	sdelay $0x2  }
0xb8: {  	s31 =	sshll.u32 s1, $0xD;
	s1 =	sshrl.u32 s1, $0x2  }
0xb9: {  	s3 =	sand.u32 $0x4000, s31;
	s1 =	sadd.s32 s1, s30  }
0xba: {  	s0 =	sor.u32 s3, s0;
	s1 =	sshll.u32 s1, $0x11  }
0xbb: {  	s0 =	sor.u32 s1, s0  }
0xbc: {  	s0 =	sadd.s32 $0x8F2B, s0  }
0xbd: {  	[sflag:s0] =	ssyncadd.remote.s32 $0x1  }
0xbe: {  	_ =	sfence.sel $0xFFFF  }
0xbf: {  	[dreg:$0x0] =	wrdreg $0xFFFFFFFF;
	(pc) =	sbr.abs _section_cstart, $3  }
0xc0: {  	[dreg:$0x1] =	wrdreg $0xFFFFFFFF  }
0xc1: {  	_ =	task.clear_ibuf [dreg:s6], $0x2FFFF;
	_ =	strace $0x9FFFFFFF  }
0xc2: {  	(tm) =	ssettm $0x7FFFFFFF  }
0xc3: {  	_ =	shalt  }
tec
execute0_lowered:
.L_overlay_start_1:
0x0: {  	(tag) =	ssettag $0x1  }
0x1: {  	s0 =	rddreg [dreg:$0x0];
	s12 =	stileid.u32  }
0x2: {  	s1 =	rddreg [dreg:$0x1];
	s9 =	smul.u32 $0x14000, s12  }
0x3: {  	s2 =	srdreg.scid;
	s8 =	smul.u32 $0x78, s12  }
0x4: {  	s3 =	simm.s32 $0x0;
	s2 =	sand.u32 $0x1, s2;
	s10 =	smul.u32 $0x28, s12  }
0x5: {  	[smem:$0x7FF] =	sst s3;
	s4 =	sadd.s32 $0x14A00, s0;
	s12 =	smul.u32 $0x50000, s12  }
0x6: {  	s5 =	sadd.s32 $0xAA00, s0;
	s6 =	smul.u32 $0x140000, s2;
	s11 =	ssub.s32 $0x2, s2  }
0x7: {  	_ =	strace $0x80000047;
	p0 =	seq.s32 s2, $0x0;
	s13 =	sshrl.u32 s11, $0x1  }
0x8: {  	s7 =	sadd.s32 s9, s6;
	s6 =	sadd.s32 $0xA00, s0;
	s26 =	ssub.s32 s11, s13  }
0x9: {  	s11 =	sshrl.u32 s12, $0x2;
	s7 =	sshrl.u32 s7, $0x3;
	s13 =	smax.u32 s26, $0x1  }
0xa: {  	s0 =	sadd.s32 s7, s0;
	s7 =	sadd.s32 $0x780, s10;
	[dreg:$0x4] =	wrdreg s13  }
0xb: {  	s7 =	smov.u32 @p0 s8;
	s8 =	sadd.s32 s11, s1;
	s0 =	sadd.s32 $0x3BC00, s0  }
0xc: {  	[dreg:$0x3] =	wrdreg s0;
	s14 =	sadd.s32 $0x800, s8  }
0xd: {  	s15 =	sadd.s32 $0x1000, s8;
	[dreg:$0x5] =	wrdreg s14  }
0xe: {  	s16 =	sadd.s32 $0x1800, s8;
	[dreg:$0x6] =	wrdreg s15  }
0xf: {  	s17 =	sadd.s32 $0x2000, s8;
	[dreg:$0x7] =	wrdreg s16  }
0x10: {  	s18 =	sadd.s32 $0x2800, s8;
	[dreg:$0x8] =	wrdreg s17  }
0x11: {  	s19 =	sadd.s32 $0x3000, s8;
	[dreg:$0x9] =	wrdreg s18  }
0x12: {  	s20 =	sadd.s32 $0x3800, s8;
	[dreg:$0xa] =	wrdreg s19  }
0x13: {  	s21 =	sadd.s32 $0x4000, s8;
	[dreg:$0xb] =	wrdreg s20  }
0x14: {  	s22 =	sadd.s32 $0x4800, s8;
	[dreg:$0xc] =	wrdreg s21  }
0x15: {  	s23 =	sadd.s32 $0x5000, s8;
	[dreg:$0xd] =	wrdreg s22  }
0x16: {  	s24 =	sadd.s32 $0x5800, s8;
	[dreg:$0xe] =	wrdreg s23  }
0x17: {  	s25 =	sadd.s32 $0x6000, s8;
	[dreg:$0xf] =	wrdreg s24  }
0x18: {  	s26 =	sadd.s32 $0x6800, s8;
	[dreg:$0x10] =	wrdreg s25  }
0x19: {  	s12 =	sadd.s32 s9, s1;
	s9 =	sadd.s32 $0x7000, s8;
	[dreg:$0x11] =	wrdreg s26  }
0x1a: {  	s0 =	sshrl.u32 s12, $0x3;
	[dreg:$0x12] =	wrdreg s9  }
0x1b: {  	s10 =	sadd.s32 $0x7800, s8;
	[dreg:$0x13] =	wrdreg s0  }
0x1c: {  	s11 =	sadd.s32 $0x8000, s8;
	[dreg:$0x14] =	wrdreg s10  }
0x1d: {  	s12 =	sadd.s32 $0x8800, s8;
	[dreg:$0x15] =	wrdreg s11  }
0x1e: {  	s13 =	sadd.s32 $0x9000, s8;
	[dreg:$0x16] =	wrdreg s12  }
0x1f: {  	[dreg:$0x17] =	wrdreg s13;
	s14 =	sadd.s32 $0x9800, s8  }
0x20: {  	s15 =	sadd.s32 $0xA000, s8;
	[dreg:$0x18] =	wrdreg s14  }
0x21: {  	s16 =	sadd.s32 $0xA800, s8;
	[dreg:$0x19] =	wrdreg s15  }
0x22: {  	s28 =	simm.s32 $0x2800;
	s17 =	sadd.s32 $0xB000, s8;
	[dreg:$0x1a] =	wrdreg s16  }
0x23: {  	s29 =	simm.s32 $0x5;
	s18 =	sadd.s32 $0xB800, s8;
	[dreg:$0x1b] =	wrdreg s17  }
0x24: {  	s30 =	simm.s32 $0x6;
	s19 =	sadd.s32 $0xC000, s8;
	[dreg:$0x1c] =	wrdreg s18  }
0x25: {  	s31 =	simm.s32 $0x1400;
	s20 =	sadd.s32 $0xC800, s8;
	[dreg:$0x1d] =	wrdreg s19  }
0x26: {  	p0 =	sne.s32 s2, $0x0;
	s21 =	sadd.s32 $0xD000, s8;
	[dreg:$0x1e] =	wrdreg s20  }
0x27: {  	s2 =	simm.s32 $0x6800;
	s22 =	sadd.s32 $0xD800, s8;
	[dreg:$0x1f] =	wrdreg s21  }
0x28: {  	s23 =	sadd.s32 $0xE000, s8;
	s24 =	sadd.s32 $0xE800, s8;
	[smem:$0x7F9] =	sst s22  }
0x29: {  	s25 =	sadd.s32 $0xF000, s8;
	s26 =	sadd.s32 $0xF800, s8;
	[smem:$0x7FA] =	sst s23  }
0x2a: {  	s0 =	simm.s32 $0x80;
	s9 =	simm.s32 $0x1;
	[smem:$0x7FB] =	sst s24  }
0x2b: {  	s10 =	simm.s32 $0x3;
	s11 =	simm.s32 $0x2;
	[smem:$0x7FC] =	sst s25  }
0x2c: {  	s12 =	simm.s32 $0x4;
	s13 =	simm.s32 $0x2780;
	[smem:$0x7FD] =	sst s26  }
0x2d: {  	s19 =	sadd.s32 $0x10000, s8;
	s20 =	sadd.s32 $0x10800, s8;
	s21 =	sadd.s32 $0x11000, s8  }
0x2e: {  	s22 =	sadd.s32 $0x11800, s8;
	s23 =	sadd.s32 $0x12000, s8;
	s24 =	sadd.s32 $0x12800, s8  }
0x2f: {  	v0 =	vimm.f32 $0.0e+00;
	s25 =	sadd.s32 $0x13000, s8;
	s26 =	sadd.s32 $0x13800, s8;
	s14 =	simm.s32 $0x0  }
.LBB2_1:
0x30: {  	[tilespmem:$0x2800] =	vst v0  }
0x31: {  	[tilespmem:$0x2810] =	vst v0  }
0x32: {  	[tilespmem:$0x2820] =	vst v0  }
0x33: {  	[tilespmem:$0x2830] =	vst v0  }
0x34: {  	[tilespmem:$0x2840] =	vst v0  }
0x35: {  	[tilespmem:$0x2850] =	vst v0  }
0x36: {  	[tilespmem:$0x2860] =	vst v0  }
0x37: {  	[tilespmem:$0x2870] =	vst v0  }
0x38: {  	[tilespmem:$0x2880] =	vst v0  }
0x39: {  	[tilespmem:$0x2890] =	vst v0  }
0x3a: {  	[tilespmem:$0x28A0] =	vst v0  }
0x3b: {  	[tilespmem:$0x28B0] =	vst v0  }
0x3c: {  	[tilespmem:$0x28C0] =	vst v0  }
0x3d: {  	[tilespmem:$0x28D0] =	vst v0  }
0x3e: {  	[tilespmem:$0x28E0] =	vst v0  }
0x3f: {  	[tilespmem:$0x28F0] =	vst v0  }
0x40: {  	[tilespmem:$0x2900] =	vst v0  }
0x41: {  	[tilespmem:$0x2910] =	vst v0  }
0x42: {  	[tilespmem:$0x2920] =	vst v0  }
0x43: {  	[tilespmem:$0x2930] =	vst v0  }
0x44: {  	[tilespmem:$0x2940] =	vst v0  }
0x45: {  	[tilespmem:$0x2950] =	vst v0  }
0x46: {  	[tilespmem:$0x2960] =	vst v0  }
0x47: {  	[tilespmem:$0x2970] =	vst v0  }
0x48: {  	[tilespmem:$0x2980] =	vst v0  }
0x49: {  	[tilespmem:$0x2990] =	vst v0  }
0x4a: {  	[tilespmem:$0x29A0] =	vst v0  }
0x4b: {  	[tilespmem:$0x29B0] =	vst v0  }
0x4c: {  	[tilespmem:$0x29C0] =	vst v0  }
0x4d: {  	[tilespmem:$0x29D0] =	vst v0  }
0x4e: {  	[tilespmem:$0x29E0] =	vst v0  }
0x4f: {  	[tilespmem:$0x29F0] =	vst v0  }
0x50: {  	[tilespmem:$0x2A00] =	vst v0  }
0x51: {  	[tilespmem:$0x2A10] =	vst v0  }
0x52: {  	[tilespmem:$0x2A20] =	vst v0  }
0x53: {  	[tilespmem:$0x2A30] =	vst v0  }
0x54: {  	[tilespmem:$0x2A40] =	vst v0  }
0x55: {  	[tilespmem:$0x2A50] =	vst v0  }
0x56: {  	[tilespmem:$0x2A60] =	vst v0  }
0x57: {  	[tilespmem:$0x2A70] =	vst v0  }
0x58: {  	[tilespmem:$0x2A80] =	vst v0  }
0x59: {  	[tilespmem:$0x2A90] =	vst v0  }
0x5a: {  	[tilespmem:$0x2AA0] =	vst v0  }
0x5b: {  	[tilespmem:$0x2AB0] =	vst v0  }
0x5c: {  	[tilespmem:$0x2AC0] =	vst v0  }
0x5d: {  	[tilespmem:$0x2AD0] =	vst v0  }
0x5e: {  	[tilespmem:$0x2AE0] =	vst v0  }
0x5f: {  	[tilespmem:$0x2AF0] =	vst v0  }
0x60: {  	[tilespmem:$0x2B00] =	vst v0  }
0x61: {  	[tilespmem:$0x2B10] =	vst v0  }
0x62: {  	[tilespmem:$0x2B20] =	vst v0  }
0x63: {  	[tilespmem:$0x2B30] =	vst v0  }
0x64: {  	[tilespmem:$0x2B40] =	vst v0  }
0x65: {  	[tilespmem:$0x2B50] =	vst v0  }
0x66: {  	[tilespmem:$0x2B60] =	vst v0  }
0x67: {  	[tilespmem:$0x2B70] =	vst v0  }
0x68: {  	[tilespmem:$0x2B80] =	vst v0  }
0x69: {  	[tilespmem:$0x2B90] =	vst v0  }
0x6a: {  	[tilespmem:$0x2BA0] =	vst v0  }
0x6b: {  	[tilespmem:$0x2BB0] =	vst v0  }
0x6c: {  	[tilespmem:$0x2BC0] =	vst v0  }
0x6d: {  	[tilespmem:$0x2BD0] =	vst v0  }
0x6e: {  	[tilespmem:$0x2BE0] =	vst v0  }
0x6f: {  	[tilespmem:$0x2BF0] =	vst v0  }
0x70: {  	[tilespmem:$0x2C00] =	vst v0  }
0x71: {  	[tilespmem:$0x2C10] =	vst v0  }
0x72: {  	[tilespmem:$0x2C20] =	vst v0  }
0x73: {  	[tilespmem:$0x2C30] =	vst v0  }
0x74: {  	[tilespmem:$0x2C40] =	vst v0  }
0x75: {  	[tilespmem:$0x2C50] =	vst v0  }
0x76: {  	[tilespmem:$0x2C60] =	vst v0  }
0x77: {  	[tilespmem:$0x2C70] =	vst v0  }
0x78: {  	[tilespmem:$0x2C80] =	vst v0  }
0x79: {  	[tilespmem:$0x2C90] =	vst v0  }
0x7a: {  	[tilespmem:$0x2CA0] =	vst v0  }
0x7b: {  	[tilespmem:$0x2CB0] =	vst v0  }
0x7c: {  	[tilespmem:$0x2CC0] =	vst v0  }
0x7d: {  	[tilespmem:$0x2CD0] =	vst v0  }
0x7e: {  	[tilespmem:$0x2CE0] =	vst v0  }
0x7f: {  	[tilespmem:$0x2CF0] =	vst v0  }
0x80: {  	[tilespmem:$0x2D00] =	vst v0  }
0x81: {  	[tilespmem:$0x2D10] =	vst v0  }
0x82: {  	[tilespmem:$0x2D20] =	vst v0  }
0x83: {  	[tilespmem:$0x2D30] =	vst v0  }
0x84: {  	[tilespmem:$0x2D40] =	vst v0  }
0x85: {  	[tilespmem:$0x2D50] =	vst v0  }
0x86: {  	[tilespmem:$0x2D60] =	vst v0  }
0x87: {  	[tilespmem:$0x2D70] =	vst v0  }
0x88: {  	[tilespmem:$0x2D80] =	vst v0  }
0x89: {  	[tilespmem:$0x2D90] =	vst v0  }
0x8a: {  	[tilespmem:$0x2DA0] =	vst v0  }
0x8b: {  	[tilespmem:$0x2DB0] =	vst v0  }
0x8c: {  	[tilespmem:$0x2DC0] =	vst v0  }
0x8d: {  	[tilespmem:$0x2DD0] =	vst v0  }
0x8e: {  	[tilespmem:$0x2DE0] =	vst v0  }
0x8f: {  	[tilespmem:$0x2DF0] =	vst v0  }
0x90: {  	[tilespmem:$0x2E00] =	vst v0  }
0x91: {  	[tilespmem:$0x2E10] =	vst v0  }
0x92: {  	[tilespmem:$0x2E20] =	vst v0  }
0x93: {  	[tilespmem:$0x2E30] =	vst v0  }
0x94: {  	[tilespmem:$0x2E40] =	vst v0  }
0x95: {  	[tilespmem:$0x2E50] =	vst v0  }
0x96: {  	[tilespmem:$0x2E60] =	vst v0  }
0x97: {  	[tilespmem:$0x2E70] =	vst v0  }
0x98: {  	[tilespmem:$0x2E80] =	vst v0  }
0x99: {  	[tilespmem:$0x2E90] =	vst v0  }
0x9a: {  	[tilespmem:$0x2EA0] =	vst v0  }
0x9b: {  	[tilespmem:$0x2EB0] =	vst v0  }
0x9c: {  	[tilespmem:$0x2EC0] =	vst v0  }
0x9d: {  	[tilespmem:$0x2ED0] =	vst v0  }
0x9e: {  	[tilespmem:$0x2EE0] =	vst v0  }
0x9f: {  	[tilespmem:$0x2EF0] =	vst v0  }
0xa0: {  	[tilespmem:$0x2F00] =	vst v0  }
0xa1: {  	[tilespmem:$0x2F10] =	vst v0  }
0xa2: {  	[tilespmem:$0x2F20] =	vst v0  }
0xa3: {  	[tilespmem:$0x2F30] =	vst v0  }
0xa4: {  	[tilespmem:$0x2F40] =	vst v0  }
0xa5: {  	[tilespmem:$0x2F50] =	vst v0  }
0xa6: {  	[tilespmem:$0x2F60] =	vst v0  }
0xa7: {  	[tilespmem:$0x2F70] =	vst v0  }
0xa8: {  	[tilespmem:$0x2F80] =	vst v0  }
0xa9: {  	[tilespmem:$0x2F90] =	vst v0  }
0xaa: {  	[tilespmem:$0x2FA0] =	vst v0  }
0xab: {  	[tilespmem:$0x2FB0] =	vst v0  }
0xac: {  	[tilespmem:$0x2FC0] =	vst v0  }
0xad: {  	[tilespmem:$0x2FD0] =	vst v0  }
0xae: {  	[tilespmem:$0x2FE0] =	vst v0  }
0xaf: {  	[tilespmem:$0x2FF0] =	vst v0;
	s15 =	rddreg [dreg:$0x5]  }
0xb0: {  	[spmem:s8] =	stream.linear.scatter [tilespmem:s28], [sflag:$0x5], $0x800, $0x38;
	[tilespmem:$0x1E800] =	vst v63  }
0xb1: {  	s16 =	rddreg [dreg:$0x6]  }
0xb2: {  	[spmem:s15] =	stream.linear.scatter [tilespmem:s28], [sflag:$0x5], $0x800, $0x38;
	[tilespmem:$0x1E800] =	vst v63  }
0xb3: {  	s17 =	rddreg [dreg:$0x7]  }
0xb4: {  	[spmem:s16] =	stream.linear.scatter [tilespmem:s28], [sflag:$0x5], $0x800, $0x38;
	[tilespmem:$0x1E800] =	vst v63  }
0xb5: {  	s18 =	rddreg [dreg:$0x8]  }
0xb6: {  	[spmem:s17] =	stream.linear.scatter [tilespmem:s28], [sflag:$0x5], $0x800, $0x38;
	[tilespmem:$0x1E800] =	vst v63  }
0xb7: {  	s16 =	rddreg [dreg:$0x9]  }
0xb8: {  	[spmem:s18] =	stream.linear.scatter [tilespmem:s28], [sflag:$0x5], $0x800, $0x38;
	[tilespmem:$0x1E800] =	vst v63  }
0xb9: {  	s17 =	rddreg [dreg:$0xa]  }
0xba: {  	[spmem:s16] =	stream.linear.scatter [tilespmem:s28], [sflag:$0x5], $0x800, $0x38;
	[tilespmem:$0x1E800] =	vst v63  }
0xbb: {  	s18 =	rddreg [dreg:$0xb]  }
0xbc: {  	[spmem:s17] =	stream.linear.scatter [tilespmem:s28], [sflag:$0x5], $0x800, $0x38;
	[tilespmem:$0x1E800] =	vst v63  }
0xbd: {  	s16 =	rddreg [dreg:$0xc]  }
0xbe: {  	[spmem:s18] =	stream.linear.scatter [tilespmem:s28], [sflag:$0x5], $0x800, $0x38;
	[tilespmem:$0x1E800] =	vst v63  }
0xbf: {  	s17 =	rddreg [dreg:$0xd]  }
0xc0: {  	[spmem:s16] =	stream.linear.scatter [tilespmem:s28], [sflag:$0x5], $0x800, $0x38;
	[tilespmem:$0x1E800] =	vst v63  }
0xc1: {  	s18 =	rddreg [dreg:$0xe]  }
0xc2: {  	[spmem:s17] =	stream.linear.scatter [tilespmem:s28], [sflag:$0x5], $0x800, $0x38;
	[tilespmem:$0x1E800] =	vst v63  }
0xc3: {  	s16 =	rddreg [dreg:$0xf]  }
0xc4: {  	[spmem:s18] =	stream.linear.scatter [tilespmem:s28], [sflag:$0x5], $0x800, $0x38;
	[tilespmem:$0x1E800] =	vst v63  }
0xc5: {  	s17 =	rddreg [dreg:$0x10]  }
0xc6: {  	[spmem:s16] =	stream.linear.scatter [tilespmem:s28], [sflag:$0x5], $0x800, $0x38;
	[tilespmem:$0x1E800] =	vst v63  }
0xc7: {  	s18 =	rddreg [dreg:$0x11]  }
0xc8: {  	[spmem:s17] =	stream.linear.scatter [tilespmem:s28], [sflag:$0x5], $0x800, $0x38;
	[tilespmem:$0x1E800] =	vst v63  }
0xc9: {  	s16 =	rddreg [dreg:$0x12]  }
0xca: {  	[spmem:s18] =	stream.linear.scatter [tilespmem:s28], [sflag:$0x5], $0x800, $0x38;
	[tilespmem:$0x1E800] =	vst v63  }
0xcb: {  	s17 =	rddreg [dreg:$0x14]  }
0xcc: {  	[spmem:s16] =	stream.linear.scatter [tilespmem:s28], [sflag:$0x5], $0x800, $0x38;
	[tilespmem:$0x1E800] =	vst v63  }
0xcd: {  	s18 =	rddreg [dreg:$0x15]  }
0xce: {  	[spmem:s17] =	stream.linear.scatter [tilespmem:s28], [sflag:$0x5], $0x800, $0x38;
	[tilespmem:$0x1E800] =	vst v63  }
0xcf: {  	s16 =	rddreg [dreg:$0x16]  }
0xd0: {  	[spmem:s18] =	stream.linear.scatter [tilespmem:s28], [sflag:$0x5], $0x800, $0x38;
	[tilespmem:$0x1E800] =	vst v63  }
0xd1: {  	s17 =	rddreg [dreg:$0x17]  }
0xd2: {  	[spmem:s16] =	stream.linear.scatter [tilespmem:s28], [sflag:$0x5], $0x800, $0x38;
	[tilespmem:$0x1E800] =	vst v63  }
0xd3: {  	s18 =	rddreg [dreg:$0x18]  }
0xd4: {  	[spmem:s17] =	stream.linear.scatter [tilespmem:s28], [sflag:$0x5], $0x800, $0x38;
	[tilespmem:$0x1E800] =	vst v63  }
0xd5: {  	s16 =	rddreg [dreg:$0x19]  }
0xd6: {  	[spmem:s18] =	stream.linear.scatter [tilespmem:s28], [sflag:$0x5], $0x800, $0x38;
	[tilespmem:$0x1E800] =	vst v63  }
0xd7: {  	s17 =	rddreg [dreg:$0x1a]  }
0xd8: {  	[spmem:s16] =	stream.linear.scatter [tilespmem:s28], [sflag:$0x5], $0x800, $0x38;
	[tilespmem:$0x1E800] =	vst v63  }
0xd9: {  	s18 =	rddreg [dreg:$0x1b]  }
0xda: {  	[spmem:s17] =	stream.linear.scatter [tilespmem:s28], [sflag:$0x5], $0x800, $0x38;
	[tilespmem:$0x1E800] =	vst v63  }
0xdb: {  	s16 =	rddreg [dreg:$0x1c]  }
0xdc: {  	[spmem:s18] =	stream.linear.scatter [tilespmem:s28], [sflag:$0x5], $0x800, $0x38;
	[tilespmem:$0x1E800] =	vst v63  }
0xdd: {  	s17 =	rddreg [dreg:$0x1d]  }
0xde: {  	[spmem:s16] =	stream.linear.scatter [tilespmem:s28], [sflag:$0x5], $0x800, $0x38;
	[tilespmem:$0x1E800] =	vst v63  }
0xdf: {  	s18 =	rddreg [dreg:$0x1e]  }
0xe0: {  	[spmem:s17] =	stream.linear.scatter [tilespmem:s28], [sflag:$0x5], $0x800, $0x38;
	[tilespmem:$0x1E800] =	vst v63  }
0xe1: {  	s16 =	rddreg [dreg:$0x1f]  }
0xe2: {  	[spmem:s18] =	stream.linear.scatter [tilespmem:s28], [sflag:$0x5], $0x800, $0x38;
	[tilespmem:$0x1E800] =	vst v63  }
0xe3: {  	s17 =	sld [smem:$0x7F9]  }
0xe4: {  	[spmem:s16] =	stream.linear.scatter [tilespmem:s28], [sflag:$0x5], $0x800, $0x38;
	[tilespmem:$0x1E800] =	vst v63  }
0xe5: {  	s18 =	sld [smem:$0x7FA]  }
0xe6: {  	[spmem:s17] =	stream.linear.scatter [tilespmem:s28], [sflag:$0x5], $0x800, $0x38;
	[tilespmem:$0x1E800] =	vst v63  }
0xe7: {  	s16 =	sld [smem:$0x7FB]  }
0xe8: {  	[spmem:s18] =	stream.linear.scatter [tilespmem:s28], [sflag:$0x5], $0x800, $0x38;
	[tilespmem:$0x1E800] =	vst v63  }
0xe9: {  	s17 =	sld [smem:$0x7FC]  }
0xea: {  	[spmem:s16] =	stream.linear.scatter [tilespmem:s28], [sflag:$0x5], $0x800, $0x38;
	[tilespmem:$0x1E800] =	vst v63  }
0xeb: {  	s18 =	sld [smem:$0x7FD]  }
0xec: {  	[spmem:s17] =	stream.linear.scatter [tilespmem:s28], [sflag:$0x5], $0x800, $0x38;
	[tilespmem:$0x1E800] =	vst v63  }
0xed: {  	_ = 	snop  }
0xee: {  	[spmem:s18] =	stream.linear.scatter [tilespmem:s28], [sflag:$0x5], $0x800, $0x38;
	[tilespmem:$0x1E800] =	vst v63  }
0xef: {  	_ = 	snop  }
0xf0: {  	[spmem:s19] =	stream.linear.scatter [tilespmem:s28], [sflag:$0x5], $0x800, $0x38;
	[tilespmem:$0x1E800] =	vst v63  }
0xf1: {  	_ = 	snop  }
0xf2: {  	[spmem:s20] =	stream.linear.scatter [tilespmem:s28], [sflag:$0x5], $0x800, $0x38;
	[tilespmem:$0x1E800] =	vst v63  }
0xf3: {  	_ = 	snop  }
0xf4: {  	[spmem:s21] =	stream.linear.scatter [tilespmem:s28], [sflag:$0x5], $0x800, $0x38;
	[tilespmem:$0x1E800] =	vst v63  }
0xf5: {  	_ = 	snop  }
0xf6: {  	[spmem:s22] =	stream.linear.scatter [tilespmem:s28], [sflag:$0x5], $0x800, $0x38;
	[tilespmem:$0x1E800] =	vst v63  }
0xf7: {  	_ = 	snop  }
0xf8: {  	[spmem:s23] =	stream.linear.scatter [tilespmem:s28], [sflag:$0x5], $0x800, $0x38;
	[tilespmem:$0x1E800] =	vst v63  }
0xf9: {  	_ = 	snop  }
0xfa: {  	[spmem:s24] =	stream.linear.scatter [tilespmem:s28], [sflag:$0x5], $0x800, $0x38;
	[tilespmem:$0x1E800] =	vst v63  }
0xfb: {  	_ = 	snop  }
0xfc: {  	[spmem:s25] =	stream.linear.scatter [tilespmem:s28], [sflag:$0x5], $0x800, $0x38;
	[tilespmem:$0x1E800] =	vst v63  }
0xfd: {  	_ = 	snop  }
0xfe: {  	[spmem:s26] =	stream.linear.scatter [tilespmem:s28], [sflag:$0x5], $0x800, $0x38;
	[tilespmem:$0x1E800] =	vst v63  }
0xff: {  	_ =	swait.ge [sflag:s29], $0x800  }
0x100: {  	s15 =	simm.s32 $0x27;
	[sflag:s29] =	ssyncset.done $0x0  }
.LBB2_2:
0x101: {  	p1 =	sne.s32 s15, $0x1;
	s15 =	sadd.s32 $0xFFFFFFFF, s15;
	[sflag:s29] =	ssyncadd.s32 $0xFFFFF800  }
.Ltmp0:
0x102: {  	(pc) =	sbr.rel @p1 .LBB2_2-.Ltmp0, $3  }
0x103: {  	_ =	sdelay $0x1  }
0x104: {  	_ =	swait.ge [sflag:s29], $0x800  }
0x105: {  	[sflag:s29] =	ssyncset.done $0x0  }
0x106: {  	[sflag:s29] =	ssyncadd.s32 $0xFFFFF800  }
0x107: {  	s15 =	simm.s32 $0x0;
	[bflag:$0x0] =	sbarrier.arrive $0xFFFF  }
.LBB2_4:
0x108: {  	s16 =	smul.u32 $0x28, s15;
	_ =	sdelay $0x1  }
0x109: {  	s16 =	sadd.s32 s7, s16  }
0x10a: {  	s16 =	sshll.u32 s16, $0x4  }
0x10b: {  	s16 =	sand.u32 $0x1FFFFF80, s16  }
0x10c: {  	s17 =	sadd.s32 s5, s16  }
0x10d: {  	[tilespmem:s3], [sflag:$0x6] =	stream.linear.gather [hbm4b:s17+s3], $0x1400, $0x38;
	[tilespmem:$0x1E800] =	vst v63  }
0x10e: {  	_ =	swait.ge [sflag:s30], $0x1400  }
0x10f: {  	[sflag:s30] =	ssyncset.done $0x0  }
0x110: {  	s16 =	sadd.s32 s6, s16;
	[sflag:s30] =	ssyncadd.s32 $0xFFFFEC00  }
0x111: {  	[tilespmem:s31], [sflag:$0x6] =	stream.linear.gather [hbm4b:s16+s3], $0x1400, $0x38;
	[tilespmem:$0x1E800] =	vst v63  }
0x112: {  	_ =	swait.ge [sflag:s30], $0x1400  }
0x113: {  	[sflag:s30] =	ssyncset.done $0x0  }
0x114: {  	[sflag:s30] =	ssyncadd.s32 $0xFFFFEC00  }
0x115: {  	[tilespmem:s28], [sflag:$0x1] =	stream.indirect.gather [hbm4b:s4+s0], $0x80, s3, s0, $0xb8;
	[tilespmem:$0x1E800] =	vst v63  }
0x116: {  	_ = 	snop  }
0x117: {  	[tilespmem:s2], [sflag:$0x2] =	stream.indirect.gather [hbm4b:s4+s0], $0x80, s0, s0, $0xb8;
	[tilespmem:$0x1E800] =	vst v63  }
0x118: {  	_ =	swait.ge [sflag:s9], $0x4000  }
0x119: {  	[sflag:s9] =	ssyncset.done $0x0  }
0x11a: {  	[sflag:s9] =	ssyncadd.s32 $0xFFFFC000  }
0x11b: {  	[spmem:s1] =	stream.indirect.scatter.add.f32 [tilespmem:s28], [sflag:$0x3], $0x80, s31, s0, $0xb8;
	[tilespmem:$0x1E800] =	vst v63  }
0x11c: {  	_ =	swait.ge [sflag:s10], $0x4000  }
0x11d: {  	[sflag:s10] =	ssyncset.done $0x0  }
0x11e: {  	s18 =	simm.s32 $0x100;
	[sflag:s10] =	ssyncadd.s32 $0xFFFFC000  }
0x11f: {  	[tilespmem:s28], [sflag:$0x1] =	stream.indirect.gather [hbm4b:s4+s0], $0x80, s18, s0, $0xb8;
	[tilespmem:$0x1E800] =	vst v63  }
0x120: {  	_ =	swait.ge [sflag:s11], $0x4000  }
0x121: {  	[sflag:s11] =	ssyncset.done $0x0  }
0x122: {  	s17 =	simm.s32 $0x1480;
	[sflag:s11] =	ssyncadd.s32 $0xFFFFC000  }
0x123: {  	[spmem:s1] =	stream.indirect.scatter.add.f32 [tilespmem:s2], [sflag:$0x4], $0x80, s17, s0, $0xb8;
	[tilespmem:$0x1E800] =	vst v63  }
0x124: {  	_ =	swait.ge [sflag:s12], $0x4000  }
0x125: {  	[sflag:s12] =	ssyncset.done $0x0  }
0x126: {  	s18 =	simm.s32 $0x180;
	[sflag:s12] =	ssyncadd.s32 $0xFFFFC000  }
0x127: {  	[tilespmem:s2], [sflag:$0x2] =	stream.indirect.gather [hbm4b:s4+s0], $0x80, s18, s0, $0xb8;
	[tilespmem:$0x1E800] =	vst v63  }
0x128: {  	_ =	swait.ge [sflag:s9], $0x4000  }
0x129: {  	[sflag:s9] =	ssyncset.done $0x0  }
0x12a: {  	s16 =	simm.s32 $0xFFFFB800;
	s17 =	simm.s32 $0x1500;
	[sflag:s9] =	ssyncadd.s32 $0xFFFFC000  }
.LBB2_5:
0x12b: {  	[spmem:s1] =	stream.indirect.scatter.add.f32 [tilespmem:s28], [sflag:$0x3], $0x80, s17, s0, $0xb8;
	[tilespmem:$0x1E800] =	vst v63  }
0x12c: {  	s17 =	smov.u32 s16  }
0x12d: {  	p1 =	sne.s32 s16, $0xFFFFFC00;
	s16 =	sadd.s32 $0x400, s16;
	_ =	swait.ge [sflag:s10], $0x4000  }
0x12e: {  	s17 =	sshra.s32 s17, $0x2;
	[sflag:s10] =	ssyncset.done $0x0  }
0x12f: {  	s18 =	sadd.s32 $0x1400, s17;
	[sflag:s10] =	ssyncadd.s32 $0xFFFFC000  }
0x130: {  	[tilespmem:s28], [sflag:$0x1] =	stream.indirect.gather [hbm4b:s4+s0], $0x80, s18, s0, $0xb8;
	[tilespmem:$0x1E800] =	vst v63  }
0x131: {  	_ =	swait.ge [sflag:s11], $0x4000  }
0x132: {  	[sflag:s11] =	ssyncset.done $0x0  }
0x133: {  	s18 =	sadd.s32 $0x2780, s17;
	[sflag:s11] =	ssyncadd.s32 $0xFFFFC000  }
0x134: {  	[spmem:s1] =	stream.indirect.scatter.add.f32 [tilespmem:s2], [sflag:$0x4], $0x80, s18, s0, $0xb8;
	[tilespmem:$0x1E800] =	vst v63  }
0x135: {  	_ =	swait.ge [sflag:s12], $0x4000  }
0x136: {  	[sflag:s12] =	ssyncset.done $0x0  }
.Ltmp1:
0x137: {  	s18 =	sadd.s32 $0x1480, s17;
	[sflag:s12] =	ssyncadd.s32 $0xFFFFC000;
	(pc) =	sbr.rel @p1 .LBB2_5-.Ltmp1, $4  }
0x138: {  	[tilespmem:s2], [sflag:$0x2] =	stream.indirect.gather [hbm4b:s4+s0], $0x80, s18, s0, $0xb8;
	[tilespmem:$0x1E800] =	vst v63  }
0x139: {  	_ =	swait.ge [sflag:s9], $0x4000  }
0x13a: {  	[sflag:s9] =	ssyncset.done $0x0  }
0x13b: {  	s17 =	sadd.s32 $0x2800, s17;
	[sflag:s9] =	ssyncadd.s32 $0xFFFFC000  }
0x13c: {  	[spmem:s1] =	stream.indirect.scatter.add.f32 [tilespmem:s28], [sflag:$0x3], $0x80, s17, s0, $0xb8;
	[tilespmem:$0x1E800] =	vst v63  }
0x13d: {  	_ =	swait.ge [sflag:s11], $0x4000  }
0x13e: {  	[sflag:s11] =	ssyncset.done $0x0  }
0x13f: {  	p1 =	slt.u32 @!p0 s15, $0x2;
	[sflag:s11] =	ssyncadd.s32 $0xFFFFC000  }
0x140: {  	[spmem:s1] =	stream.indirect.scatter.add.f32 [tilespmem:s2], [sflag:$0x4], $0x80, s13, s0, $0xb8;
	[tilespmem:$0x1E800] =	vst v63  }
0x141: {  	p1 =	por p0, !p1;
	_ =	swait.ge [sflag:s10], $0x4000  }
.Ltmp2:
0x142: {  	[sflag:s10] =	ssyncset.done $0x0;
	(pc) =	sbr.rel @!p1 .LBB2_4-.Ltmp2, $4  }
0x143: {  	[sflag:s10] =	ssyncadd.s32 $0xFFFFC000  }
0x144: {  	_ =	swait.ge [sflag:s12], $0x4000  }
0x145: {  	[sflag:s12] =	ssyncset.done $0x0  }
0x146: {  	s15 =	sadd.s32 $0x1, s15;
	[sflag:s12] =	ssyncadd.s32 $0xFFFFC000  }
0x147: {  	s15 =	stileid.u32;
	[bflag:$0x0] =	sbarrier.arrive $0xFFFF  }
0x148: {  	s15 =	sshll.u32 s15, $0x6;
	s16 =	rddreg [dreg:$0x3]  }
0x149: {  	s17 =	rddreg [dreg:$0x13];
	s15 =	sor.u32 $0x1C06, s15  }
0x14a: {  	[hbm:s16], [sflag:s15] =	dma.local [spmem:s17], $0x2800  }
0x14b: {  	_ =	swait.ge [sflag:s30], $0x2800  }
0x14c: {  	s14 =	sadd.s32 $0x1, s14;
	s18 =	rddreg [dreg:$0x4]  }
0x14d: {  	p1 =	sne.s32 s14, s18  }
.Ltmp3:
0x14e: {  	_ = 	snop;
	(pc) =	sbr.rel @p1 .LBB2_1-.Ltmp3, $3  }
0x14f: {  	_ =	sdelay $0x1  }
0x150: {  	[sflag:s30] =	ssyncset.done $0x0  }
0x151: {  	[sflag:s30] =	ssyncadd.s32 $0xFFFFD800  }
0x152: {  	_ =	sfence.sel $0x180000  }
0x153: {  	[bflag:$0x0] =	sbarrier.arrive $0xFFFF  }
0x154: {  	_ =	strace $0x90000047  }
0x155: {  	s0 =	stileid.u32;
	[bflag:$0x2] =	sbarrier.arrive $0xFFFF  }
0x156: {  	p0 =	sne.s32 s0, $0x0;
	s0 =	rddreg [dreg:$0x2]  }
0x157: {  	s0 =	sadd.s32 @!p0 $0x100000, s0  }
0x158: {  	[sflag:s0] =	ssyncadd.tile.s32 @!p0 $0x1;
	_ =	shalt  }
.Lfunc_end2:
_tile_overlayer_lowered:
.L_overlay_start_2:
0x159: {  	(tag) =	ssettag $0x2  }
0x15a: {  	s0 =	rddreg [dreg:$0x0];
	s2 =	stileid.u32  }
0x15b: {  	s1 =	rddreg [dreg:$0x1];
	p0 =	sne.s32 s2, $0x0  }
0x15c: {  	s3 =	rddreg [dreg:$0x2];
	[bflag:$0x3] =	sbarrier.arrive $0xFFFF;
	s2 =	simm.s32 @!p0 $0x1C06  }
0x15d: {  	[timem:s3], [sflag:s2] =	dma.local @!p0 [hbm:s0], s1  }
0x15e: {  	s0 =	simm.s32 @!p0 $0x6  }
0x15f: {  	_ =	swait.ge @!p0 [sflag:s0], s1  }
0x160: {  	s1 =	ssub.s32 @!p0 $0x0, s1;
	[sflag:s0] =	ssyncset.done @!p0 $0x0  }
0x161: {  	[sflag:s0] =	ssyncadd.s32 @!p0 s1  }
0x162: {  	[bflag:$0x3] =	sbarrier.arrive $0xFFFF  }
0x163: {  	_ =	shalt  }

// kernel: spmm_sc_d64.3.cloned.1.call-start
scs
__scs_entry_jumppad:
0x0: {  	(pc) =	sbr.rel $0x88, $3  }
0x1: {  	(tag) =	ssettag $0x0;
	lr =	simm.s32 $0x1  }
0x2: {  	[smem:$0x3F9D] =	sst lr;
	_ =	strace $0xD0000000  }
0x3: {  	_ = 	snop  }
0x4: {  	_ = 	snop  }
0x5: {  	_ = 	snop  }
0x6: {  	_ = 	snop  }
0x7: {  	_ = 	snop  }
__scs_overlays_trampoline_lowered:
0x8: {  	[smem:$0x3FAC] =	sst s0  }
0x9: {  	[smem:$0x3FAD] =	sst s1  }
0xa: {  	[smem:$0x3FAE] =	sst s2  }
0xb: {  	[smem:$0x3FAF] =	sst s3  }
0xc: {  	[smem:$0x3FB0] =	sst s4  }
0xd: {  	[smem:$0x3FB1] =	sst s5  }
0xe: {  	[smem:$0x3FB2] =	sst s6  }
0xf: {  	[smem:$0x3FB3] =	sst s7  }
0x10: {  	[smem:$0x3FB4] =	sst s8  }
0x11: {  	[smem:$0x3FB5] =	sst s9;
	s0 =	simm.s32 @!p0 $0x0  }
0x12: {  	s1 =	sld [smem:$0x3F9B];
	s0 =	simm.s32 @p0 $0x1  }
0x13: {  	[smem:$0x3FB6] =	sst s0;
	s0 =	simm.s32 @!p1 $0x0  }
0x14: {  	s2 =	sld [smem:$0x3F9A];
	s0 =	simm.s32 @p1 $0x1  }
0x15: {  	[smem:$0x3FB7] =	sst s0;
	s0 =	simm.s32 @!p2 $0x0  }
0x16: {  	s3 =	sld [smem:$0x3FDB];
	s0 =	simm.s32 @p2 $0x1  }
0x17: {  	s4 =	simm.s32 $0x1BF5;
	[smem:$0x3FB9] =	sst s0  }
0x18: {  	s0 =	sld [smem:$0x3F9C];
	_ =	swait.ge [sflag:s4], $0x0  }
0x19: {  	s7 =	sld [smem:$0x3F9D]  }
0x1a: {  	s8 =	sadd.s32 $0xFFFFE003, lr  }
0x1b: {  	s9 =	sadd.s32 $0xFFFFFEF7, lr;
	s5 =	simm.s32 $0xFFFFFFFF;
	p2 =	slt.u32 s8, $0xFFFFF086  }
0x1c: {  	p1 =	slt.u32 s9, $0xF7A;
	s5 =	simm.s32 @!p2 $0x0  }
0x1d: {  	s5 =	simm.s32 @p1 $0x1;
	p0 =	seq.s32 s7, s2  }
0x1e: {  	s7 =	smul.u32 @!p0 $0xF7A, s2;
	p2 =	seq.s32 @!p0 s5, $0x0  }
0x1f: {  	s9 =	smul.u32 $0xF7A, s1;
	s8 =	simm.s32 @!p0 $0x1BF5;
	p2 =	por !p2, p0  }
0x20: {  	[sflag:s8] =	ssyncset.s32 @!p0 $0xFFFFF086;
	s6 =	sadd.s32 @!p0 s3, s7;
	s7 =	simm.s32 @!p0 $0x108  }
0x21: {  	s3 =	sadd.s32 s3, s9;
	s6 =	sadd.s32 @!p0 $0x88, s6;
	s7 =	simm.s32 @p2 $0x1082  }
0x22: {  	[simem:s7], [sflag:s8] =	dma.local @!p0 [hbm:s6], $0xF7A  }
0x23: {  	s9 =	sor.u32 $0xD0000000, s2;
	s6 =	simm.s32 $0x108;
	_ =	swait.ge @!p0 [sflag:s8], $0x0  }
0x24: {  	s3 =	sadd.s32 $0x88, s3;
	s6 =	simm.s32 @!p1 $0x1082;
	[sflag:s4] =	ssyncset.s32 $0xFFFFF086  }
0x25: {  	[simem:s6], [sflag:s4] =	dma.local [hbm:s3], $0xF7A  }
0x26: {  	[smem:$0x3F9D] =	sst s1;
	(tag) =	ssettag s2;
	_ =	strace s9  }
0x27: {  	s1 =	sld [smem:$0x3FAD]  }
0x28: {  	s2 =	sld [smem:$0x3FAE]  }
0x29: {  	s4 =	sld [smem:$0x3FB0]  }
0x2a: {  	p0 =	seq.s32 s5, $0x0;
	s5 =	sld [smem:$0x3FB1]  }
0x2b: {  	s6 =	sld [smem:$0x3FB2]  }
0x2c: {  	s7 =	sld [smem:$0x3FB3]  }
0x2d: {  	s3 =	simm.s32 $0x108;
	s8 =	sld [smem:$0x3FB4]  }
0x2e: {  	s3 =	simm.s32 @!p0 $0x1082;
	s9 =	sld [smem:$0x3FB5]  }
0x2f: {  	lr =	sadd.s32 s0, s3;
	s0 =	sld [smem:$0x3FAC]  }
0x30: {  	s3 =	sld [smem:$0x3FAF]  }
0x31: {  	[smem:$0x3FB8] =	sst s10  }
0x32: {  	s10 =	sld [smem:$0x3FB6];
	_ =	sdelay $0x3  }
0x33: {  	p0 =	seq.s32 s10, $0x1;
	s10 =	sld [smem:$0x3FB8];
	_ =	sdelay $0x3  }
0x34: {  	[smem:$0x3FB8] =	sst s10  }
0x35: {  	s10 =	sld [smem:$0x3FB7];
	_ =	sdelay $0x3  }
0x36: {  	p1 =	seq.s32 s10, $0x1;
	s10 =	sld [smem:$0x3FB8];
	_ =	sdelay $0x3  }
0x37: {  	[smem:$0x3FB8] =	sst s10  }
0x38: {  	s10 =	sld [smem:$0x3FB9]  }
0x39: {  	_ = 	snop;
	(pc) =	sbr.ind lr, $3  }
0x3a: {  	_ = 	snop  }
0x3b: {  	_ = 	snop  }
0x3c: {  	p2 =	seq.s32 s10, $0x1;
	s10 =	sld [smem:$0x3FB8]  }
0x3d: {  	_ =	shalt  }
0x3e: {  	_ =	shalt  }
0x3f: {  	_ =	shalt  }
0x40: {  	_ =	shalt  }
0x41: {  	_ =	shalt  }
0x42: {  	_ =	shalt  }
0x43: {  	_ =	shalt  }
0x44: {  	_ =	shalt  }
0x45: {  	_ =	shalt  }
0x46: {  	_ =	shalt  }
0x47: {  	_ =	shalt  }
0x48: {  	_ =	shalt  }
0x49: {  	_ =	shalt  }
0x4a: {  	_ =	shalt  }
0x4b: {  	_ =	shalt  }
0x4c: {  	_ =	shalt  }
0x4d: {  	_ =	shalt  }
0x4e: {  	_ =	shalt  }
0x4f: {  	_ =	shalt  }
0x50: {  	_ =	shalt  }
0x51: {  	_ =	shalt  }
0x52: {  	_ =	shalt  }
0x53: {  	_ =	shalt  }
0x54: {  	_ =	shalt  }
0x55: {  	_ =	shalt  }
0x56: {  	_ =	shalt  }
0x57: {  	_ =	shalt  }
0x58: {  	_ =	shalt  }
0x59: {  	_ =	shalt  }
0x5a: {  	_ =	shalt  }
0x5b: {  	_ =	shalt  }
0x5c: {  	_ =	shalt  }
0x5d: {  	_ =	shalt  }
0x5e: {  	_ =	shalt  }
0x5f: {  	_ =	shalt  }
0x60: {  	_ =	shalt  }
0x61: {  	_ =	shalt  }
0x62: {  	_ =	shalt  }
0x63: {  	_ =	shalt  }
0x64: {  	_ =	shalt  }
0x65: {  	_ =	shalt  }
0x66: {  	_ =	shalt  }
0x67: {  	_ =	shalt  }
0x68: {  	_ =	shalt  }
0x69: {  	_ =	shalt  }
0x6a: {  	_ =	shalt  }
0x6b: {  	_ =	shalt  }
0x6c: {  	_ =	shalt  }
0x6d: {  	_ =	shalt  }
0x6e: {  	_ =	shalt  }
0x6f: {  	_ =	shalt  }
0x70: {  	_ =	shalt  }
0x71: {  	_ =	shalt  }
0x72: {  	_ =	shalt  }
0x73: {  	_ =	shalt  }
0x74: {  	_ =	shalt  }
0x75: {  	_ =	shalt  }
0x76: {  	_ =	shalt  }
0x77: {  	_ =	shalt  }
0x78: {  	_ =	shalt  }
0x79: {  	_ =	shalt  }
0x7a: {  	_ =	shalt  }
0x7b: {  	_ =	shalt  }
0x7c: {  	_ =	shalt  }
0x7d: {  	_ =	shalt  }
0x7e: {  	_ =	shalt  }
0x7f: {  	_ =	shalt  }
0x80: {  	_ =	shalt  }
0x81: {  	_ =	shalt  }
0x82: {  	_ =	shalt  }
0x83: {  	_ =	shalt  }
0x84: {  	_ =	shalt  }
0x85: {  	_ =	shalt  }
0x86: {  	_ =	shalt  }
0x87: {  	_ =	shalt  }
.Lfunc_end0:
.L_simem_size_0:
called_computation.1_lowered:
.L_overlay_start_0:
0x88: {  	s2 =	sld [smem:$0x3FD9]  }
0x89: {  	s3 =	sld [smem:$0x3FFE];
	_ =	sdelay $0x1  }
0x8a: {  	s1 =	srdreg.scid  }
0x8b: {  	s0 =	sand.u32 $0x1, s1  }
0x8c: {  	s17 =	sshll.u32 s0, $0xA;
	s2 =	sadd.s32 s3, s2  }
0x8d: {  	s2 =	sadd.s32 s2, s17  }
0x8e: {  	[smem:$0x3FC4] =	sst s2  }
0x8f: {  	_ = 	snop  }
0x90: {  	s2 =	sld [smem:$0x3FD0];
	(tm) =	ssettm $0x1  }
0x91: {  	s18 =	sld [smem:$0x3FFB];
	_ =	sdelay $0x3  }
0x92: {  	_ =	strace s18  }
0x93: {  	s3 =	sld [smem:$0x3FFC];
	_ =	sdelay $0x3  }
0x94: {  	_ =	strace s3  }
0x95: {  	s3 =	sld [smem:$0x3FFD];
	_ =	sdelay $0x3  }
0x96: {  	_ =	strace s3  }
0x97: {  	_ =	strace $0x8FFFFFFF  }
0x98: {  	s19 =	sld [smem:$0x3FDB];
	_ =	sdelay $0x1  }
0x99: {  	s4 =	simm.s32 $_scs_section_size  }
0x9a: {  	s5 =	simm.s32 $_size__tile_overlayer_lowered;
	s6 =	simm.s32 $_tile_overlayer_lowered  }
0x9b: {  	s22 =	simm.s32 $0x1BFF;
	s21 =	sshll.u32 s6, $0x1;
	s3 =	sadd.s32 s4, s19  }
0x9c: {  	s7 =	simm.s32 $0x0;
	s20 =	sshll.u32 s5, $0x1;
	s5 =	sadd.s32 s21, s3  }
0x9d: {  	[timem:s7], [sflag:s22] =	dma.local [hbm:s5], s20  }
0x9e: {  	_ =	swait.ge [sflag:s22], s20  }
0x9f: {  	s4 =	ssub.s32 $0x0, s20;
	[sflag:s22] =	ssyncset.done $0x0  }
0xa0: {  	[sflag:s22] =	ssyncadd.s32 s4;
	_ =	sdelay $0x1  }
0xa1: {  	s23 =	simm.s32 $0x1B8B  }
0xa2: {  	_ =	swait.ge [sflag:s23], $0x1  }
0xa3: {  	[sflag:s23] =	ssyncset.done $0x0  }
0xa4: {  	s25 =	simm.s32 $0x1B8E;
	s24 =	sld [smem:$0x3FFE];
	[sflag:s23] =	ssyncadd.s32 $0xFFFFFFFF  }
0xa5: {  	s26 =	simm.s32 $execute0_lowered;
	[smem:$0x3FD2] =	sst s25  }
0xa6: {  	s5 =	sshll.u32 s26, $0x1;
	_ =	strace $0x80000049;
	[dreg:$0x1] =	wrdreg $0xFFFFFFFF  }
0xa7: {  	s28 =	simm.s32 $_size_execute0_lowered;
	s3 =	sadd.s32 s3, s5;
	[dreg:$0x0] =	wrdreg $0x0  }
0xa8: {  	s5 =	sshll.u32 s28, $0x1;
	[dreg:$0x2] =	wrdreg s3  }
0xa9: {  	[dreg:$0x3] =	wrdreg s5  }
0xaa: {  	[dreg:$0x4] =	wrdreg $0xC0  }
0xab: {  	_ =	task [dreg:s7], $0x5FFFF  }
0xac: {  	[dreg:$0x1] =	wrdreg $0xFFFFFFFF  }
0xad: {  	[dreg:$0x0] =	wrdreg $0x60  }
0xae: {  	[dreg:$0x2] =	wrdreg s2  }
0xaf: {  	[dreg:$0x3] =	wrdreg s24  }
0xb0: {  	[dreg:$0x4] =	wrdreg $0x68000  }
0xb1: {  	[dreg:$0x5] =	wrdreg $0x108000  }
0xb2: {  	[dreg:$0x6] =	wrdreg $0x9  }
0xb3: {  	_ =	task.clear_ibuf [dreg:s7], $0x7FFFF;
	_ =	strace $0x90000049  }
0xb4: {  	s29 =	simm.s32 $0x9;
	_ =	strace $0x8000004B  }
0xb5: {  	_ =	swait.ge [sflag:s29], $0x1  }
0xb6: {  	[sflag:s29] =	ssyncadd.s32 $0xFFFFFFFF  }
0xb7: {  	_ =	strace $0x9000004B  }
0xb8: {  	_ =	sfence  }
0xb9: {  	s30 =	sld [smem:$0x0];
	_ =	sdelay $0x2  }
0xba: {  	s31 =	sshll.u32 s1, $0xD;
	s1 =	sshrl.u32 s1, $0x2  }
0xbb: {  	s3 =	sand.u32 $0x4000, s31;
	s1 =	sadd.s32 s1, s30  }
0xbc: {  	s0 =	sor.u32 s3, s0;
	s1 =	sshll.u32 s1, $0x11  }
0xbd: {  	s0 =	sor.u32 s1, s0  }
0xbe: {  	s0 =	sadd.s32 $0x8F2B, s0  }
0xbf: {  	[sflag:s0] =	ssyncadd.remote.s32 $0x1  }
0xc0: {  	_ =	sfence.sel $0xFFFF  }
0xc1: {  	[dreg:$0x0] =	wrdreg $0xFFFFFFFF;
	(pc) =	sbr.abs _section_cstart, $3  }
0xc2: {  	[dreg:$0x1] =	wrdreg $0xFFFFFFFF  }
0xc3: {  	_ =	task.clear_ibuf [dreg:s7], $0x2FFFF;
	_ =	strace $0x9FFFFFFF  }
0xc4: {  	(tm) =	ssettm $0x7FFFFFFF  }
0xc5: {  	_ =	shalt  }
tec
execute0_lowered:
.L_overlay_start_1:
0x0: {  	(tag) =	ssettag $0x1  }
0x1: {  	s0 =	rddreg [dreg:$0x0]  }
0x2: {  	s3 =	rddreg [dreg:$0x1];
	s15 =	stileid.u32  }
0x3: {  	s1 =	rddreg [dreg:$0x2];
	s11 =	smul.u32 $0xA000, s15  }
0x4: {  	s4 =	srdreg.scid;
	s8 =	smul.u32 $0x78, s15  }
0x5: {  	s2 =	rddreg [dreg:$0x3];
	s9 =	sand.u32 $0x1, s4;
	s12 =	smul.u32 $0x28, s15  }
0x6: {  	s4 =	simm.s32 $0x0;
	s5 =	sadd.s32 $0xAA00, s3;
	s14 =	smul.u32 $0x28000, s15  }
0x7: {  	s6 =	sadd.s32 $0xA00, s3;
	s20 =	smul.u32 $0x9C40, s15;
	s23 =	sshll.u32 s15, $0x6  }
0x8: {  	s7 =	smul.u32 $0xA0000, s9;
	[smem:$0x7FF] =	sst s4;
	s10 =	ssub.s32 $0x2, s9  }
0x9: {  	p0 =	seq.s32 s9, $0x0;
	_ =	strace $0x8000004A;
	s13 =	sshrl.u32 s10, $0x1  }
0xa: {  	s21 =	sshrl.u32 s14, $0x2;
	s22 =	sshrl.u32 s20, $0x3;
	s25 =	sadd.s32 s11, s1  }
0xb: {  	s7 =	sadd.s32 s11, s7;
	s13 =	ssub.s32 s10, s13;
	s0 =	sadd.s32 s0, s22  }
0xc: {  	s10 =	sor.u32 $0x1C06, s23;
	s7 =	sshrl.u32 s7, $0x3;
	[dreg:$0x5] =	wrdreg s0  }
0xd: {  	s26 =	smax.u32 s13, $0x1;
	s0 =	sshrl.u32 s25, $0x3;
	s3 =	sadd.s32 s7, s3  }
0xe: {  	s7 =	sadd.s32 $0x780, s12;
	s12 =	sadd.s32 s20, s2;
	[dreg:$0x7] =	wrdreg s26  }
0xf: {  	[dreg:$0x14] =	wrdreg s0;
	s7 =	smov.u32 @p0 s8;
	s24 =	sadd.s32 $0x14A00, s3  }
0x10: {  	s8 =	sadd.s32 s21, s1;
	s23 =	sshrl.u32 s12, $0x3;
	[dreg:$0x6] =	wrdreg s24  }
0x11: {  	s11 =	sadd.s32 $0x400, s8;
	[dreg:$0x13] =	wrdreg s23  }
0x12: {  	s13 =	sadd.s32 $0x800, s8;
	[dreg:$0x8] =	wrdreg s11  }
0x13: {  	s14 =	sadd.s32 $0xC00, s8;
	[dreg:$0x9] =	wrdreg s13  }
0x14: {  	s15 =	sadd.s32 $0x1000, s8;
	[dreg:$0xa] =	wrdreg s14  }
0x15: {  	s16 =	sadd.s32 $0x1400, s8;
	[dreg:$0xb] =	wrdreg s15  }
0x16: {  	s17 =	sadd.s32 $0x1800, s8;
	[dreg:$0xc] =	wrdreg s16  }
0x17: {  	s18 =	sadd.s32 $0x1C00, s8;
	[dreg:$0xd] =	wrdreg s17  }
0x18: {  	s19 =	sadd.s32 $0x2000, s8;
	[dreg:$0xe] =	wrdreg s18  }
0x19: {  	s20 =	sadd.s32 $0x2400, s8;
	[dreg:$0xf] =	wrdreg s19  }
0x1a: {  	s21 =	sadd.s32 $0x2800, s8;
	[dreg:$0x10] =	wrdreg s20  }
0x1b: {  	s22 =	sadd.s32 $0x2C00, s8;
	[dreg:$0x11] =	wrdreg s21  }
0x1c: {  	s24 =	sadd.s32 $0x3000, s8;
	[dreg:$0x12] =	wrdreg s22  }
0x1d: {  	s25 =	sadd.s32 $0x3400, s8;
	[dreg:$0x15] =	wrdreg s24  }
0x1e: {  	s26 =	sadd.s32 $0x3800, s8;
	[dreg:$0x16] =	wrdreg s25  }
0x1f: {  	s3 =	sadd.s32 $0x3C00, s8;
	[dreg:$0x17] =	wrdreg s26  }
0x20: {  	p0 =	sne.s32 s9, $0x0;
	s9 =	sadd.s32 $0x4000, s8;
	[dreg:$0x18] =	wrdreg s3  }
0x21: {  	s12 =	sadd.s32 $0x4800, s8;
	[dreg:$0x19] =	wrdreg s9  }
0x22: {  	s23 =	sadd.s32 $0x7400, s8;
	[dreg:$0x1b] =	wrdreg s12  }
0x23: {  	s11 =	sadd.s32 $0x4400, s8;
	[smem:$0x7FA] =	sst s23  }
0x24: {  	s13 =	sadd.s32 $0x4C00, s8;
	[dreg:$0x1a] =	wrdreg s11  }
0x25: {  	s14 =	sadd.s32 $0x5000, s8;
	[dreg:$0x1c] =	wrdreg s13  }
0x26: {  	s15 =	sadd.s32 $0x5400, s8;
	[dreg:$0x1d] =	wrdreg s14  }
0x27: {  	s16 =	sadd.s32 $0x5800, s8;
	[dreg:$0x1e] =	wrdreg s15  }
0x28: {  	s17 =	sadd.s32 $0x5C00, s8;
	[dreg:$0x1f] =	wrdreg s16  }
0x29: {  	s0 =	simm.s32 $0x2800;
	s18 =	sadd.s32 $0x6000, s8;
	[smem:$0x7F4] =	sst s17  }
0x2a: {  	s28 =	sadd.s32 $0x9000, s8;
	s19 =	sadd.s32 $0x6400, s8;
	[smem:$0x7F5] =	sst s18  }
0x2b: {  	s29 =	sadd.s32 $0x9400, s8;
	s20 =	sadd.s32 $0x6800, s8;
	[smem:$0x7F6] =	sst s19  }
0x2c: {  	s30 =	sadd.s32 $0x9800, s8;
	s21 =	sadd.s32 $0x6C00, s8;
	[smem:$0x7F7] =	sst s20  }
0x2d: {  	s31 =	sadd.s32 $0x9C00, s8;
	s22 =	sadd.s32 $0x7000, s8;
	[smem:$0x7F8] =	sst s21  }
0x2e: {  	s24 =	sadd.s32 $0x7800, s8;
	s25 =	sadd.s32 $0x7C00, s8;
	[smem:$0x7F9] =	sst s22  }
0x2f: {  	s26 =	sadd.s32 $0x8000, s8;
	s3 =	simm.s32 $0x6;
	[smem:$0x7FB] =	sst s24  }
0x30: {  	s9 =	simm.s32 $0x5;
	s12 =	simm.s32 $0x80;
	[smem:$0x7FC] =	sst s25  }
0x31: {  	[smem:$0x7FD] =	sst s26;
	s24 =	sadd.s32 $0x8400, s8;
	s25 =	sadd.s32 $0x8800, s8  }
0x32: {  	s26 =	sadd.s32 $0x8C00, s8;
	s11 =	simm.s32 $0x1400;
	s13 =	simm.s32 $0x4800  }
0x33: {  	s14 =	simm.s32 $0x1;
	s15 =	simm.s32 $0x3;
	s16 =	simm.s32 $0x2  }
0x34: {  	v0 =	vimm.f32 $0.0e+00;
	s17 =	simm.s32 $0x4;
	s18 =	simm.s32 $0x2780;
	s19 =	simm.s32 $0x0  }
.LBB2_1:
0x35: {  	[tilespmem:$0x2800] =	vst v0  }
0x36: {  	[tilespmem:$0x2810] =	vst v0  }
0x37: {  	[tilespmem:$0x2820] =	vst v0  }
0x38: {  	[tilespmem:$0x2830] =	vst v0  }
0x39: {  	[tilespmem:$0x2840] =	vst v0  }
0x3a: {  	[tilespmem:$0x2850] =	vst v0  }
0x3b: {  	[tilespmem:$0x2860] =	vst v0  }
0x3c: {  	[tilespmem:$0x2870] =	vst v0  }
0x3d: {  	[tilespmem:$0x2880] =	vst v0  }
0x3e: {  	[tilespmem:$0x2890] =	vst v0  }
0x3f: {  	[tilespmem:$0x28A0] =	vst v0  }
0x40: {  	[tilespmem:$0x28B0] =	vst v0  }
0x41: {  	[tilespmem:$0x28C0] =	vst v0  }
0x42: {  	[tilespmem:$0x28D0] =	vst v0  }
0x43: {  	[tilespmem:$0x28E0] =	vst v0  }
0x44: {  	[tilespmem:$0x28F0] =	vst v0  }
0x45: {  	[tilespmem:$0x2900] =	vst v0  }
0x46: {  	[tilespmem:$0x2910] =	vst v0  }
0x47: {  	[tilespmem:$0x2920] =	vst v0  }
0x48: {  	[tilespmem:$0x2930] =	vst v0  }
0x49: {  	[tilespmem:$0x2940] =	vst v0  }
0x4a: {  	[tilespmem:$0x2950] =	vst v0  }
0x4b: {  	[tilespmem:$0x2960] =	vst v0  }
0x4c: {  	[tilespmem:$0x2970] =	vst v0  }
0x4d: {  	[tilespmem:$0x2980] =	vst v0  }
0x4e: {  	[tilespmem:$0x2990] =	vst v0  }
0x4f: {  	[tilespmem:$0x29A0] =	vst v0  }
0x50: {  	[tilespmem:$0x29B0] =	vst v0  }
0x51: {  	[tilespmem:$0x29C0] =	vst v0  }
0x52: {  	[tilespmem:$0x29D0] =	vst v0  }
0x53: {  	[tilespmem:$0x29E0] =	vst v0  }
0x54: {  	[tilespmem:$0x29F0] =	vst v0  }
0x55: {  	[tilespmem:$0x2A00] =	vst v0  }
0x56: {  	[tilespmem:$0x2A10] =	vst v0  }
0x57: {  	[tilespmem:$0x2A20] =	vst v0  }
0x58: {  	[tilespmem:$0x2A30] =	vst v0  }
0x59: {  	[tilespmem:$0x2A40] =	vst v0  }
0x5a: {  	[tilespmem:$0x2A50] =	vst v0  }
0x5b: {  	[tilespmem:$0x2A60] =	vst v0  }
0x5c: {  	[tilespmem:$0x2A70] =	vst v0  }
0x5d: {  	[tilespmem:$0x2A80] =	vst v0  }
0x5e: {  	[tilespmem:$0x2A90] =	vst v0  }
0x5f: {  	[tilespmem:$0x2AA0] =	vst v0  }
0x60: {  	[tilespmem:$0x2AB0] =	vst v0  }
0x61: {  	[tilespmem:$0x2AC0] =	vst v0  }
0x62: {  	[tilespmem:$0x2AD0] =	vst v0  }
0x63: {  	[tilespmem:$0x2AE0] =	vst v0  }
0x64: {  	[tilespmem:$0x2AF0] =	vst v0  }
0x65: {  	[tilespmem:$0x2B00] =	vst v0  }
0x66: {  	[tilespmem:$0x2B10] =	vst v0  }
0x67: {  	[tilespmem:$0x2B20] =	vst v0  }
0x68: {  	[tilespmem:$0x2B30] =	vst v0  }
0x69: {  	[tilespmem:$0x2B40] =	vst v0  }
0x6a: {  	[tilespmem:$0x2B50] =	vst v0  }
0x6b: {  	[tilespmem:$0x2B60] =	vst v0  }
0x6c: {  	[tilespmem:$0x2B70] =	vst v0  }
0x6d: {  	[tilespmem:$0x2B80] =	vst v0  }
0x6e: {  	[tilespmem:$0x2B90] =	vst v0  }
0x6f: {  	[tilespmem:$0x2BA0] =	vst v0  }
0x70: {  	[tilespmem:$0x2BB0] =	vst v0  }
0x71: {  	[tilespmem:$0x2BC0] =	vst v0  }
0x72: {  	[tilespmem:$0x2BD0] =	vst v0  }
0x73: {  	[tilespmem:$0x2BE0] =	vst v0  }
0x74: {  	[tilespmem:$0x2BF0] =	vst v0;
	s20 =	rddreg [dreg:$0x8]  }
0x75: {  	[spmem:s8] =	stream.linear.scatter [tilespmem:s0], [sflag:$0x5], $0x400, $0x38;
	[tilespmem:$0x1A440] =	vst v63  }
0x76: {  	s22 =	rddreg [dreg:$0x9]  }
0x77: {  	[spmem:s20] =	stream.linear.scatter [tilespmem:s0], [sflag:$0x5], $0x400, $0x38;
	[tilespmem:$0x1A440] =	vst v63  }
0x78: {  	s23 =	rddreg [dreg:$0xa]  }
0x79: {  	[spmem:s22] =	stream.linear.scatter [tilespmem:s0], [sflag:$0x5], $0x400, $0x38;
	[tilespmem:$0x1A440] =	vst v63  }
0x7a: {  	s21 =	rddreg [dreg:$0xb]  }
0x7b: {  	[spmem:s23] =	stream.linear.scatter [tilespmem:s0], [sflag:$0x5], $0x400, $0x38;
	[tilespmem:$0x1A440] =	vst v63  }
0x7c: {  	s22 =	rddreg [dreg:$0xc]  }
0x7d: {  	[spmem:s21] =	stream.linear.scatter [tilespmem:s0], [sflag:$0x5], $0x400, $0x38;
	[tilespmem:$0x1A440] =	vst v63  }
0x7e: {  	s23 =	rddreg [dreg:$0xd]  }
0x7f: {  	[spmem:s22] =	stream.linear.scatter [tilespmem:s0], [sflag:$0x5], $0x400, $0x38;
	[tilespmem:$0x1A440] =	vst v63  }
0x80: {  	s21 =	rddreg [dreg:$0xe]  }
0x81: {  	[spmem:s23] =	stream.linear.scatter [tilespmem:s0], [sflag:$0x5], $0x400, $0x38;
	[tilespmem:$0x1A440] =	vst v63  }
0x82: {  	s22 =	rddreg [dreg:$0xf]  }
0x83: {  	[spmem:s21] =	stream.linear.scatter [tilespmem:s0], [sflag:$0x5], $0x400, $0x38;
	[tilespmem:$0x1A440] =	vst v63  }
0x84: {  	s23 =	rddreg [dreg:$0x10]  }
0x85: {  	[spmem:s22] =	stream.linear.scatter [tilespmem:s0], [sflag:$0x5], $0x400, $0x38;
	[tilespmem:$0x1A440] =	vst v63  }
0x86: {  	s21 =	rddreg [dreg:$0x11]  }
0x87: {  	[spmem:s23] =	stream.linear.scatter [tilespmem:s0], [sflag:$0x5], $0x400, $0x38;
	[tilespmem:$0x1A440] =	vst v63  }
0x88: {  	s22 =	rddreg [dreg:$0x12]  }
0x89: {  	[spmem:s21] =	stream.linear.scatter [tilespmem:s0], [sflag:$0x5], $0x400, $0x38;
	[tilespmem:$0x1A440] =	vst v63  }
0x8a: {  	s23 =	rddreg [dreg:$0x15]  }
0x8b: {  	[spmem:s22] =	stream.linear.scatter [tilespmem:s0], [sflag:$0x5], $0x400, $0x38;
	[tilespmem:$0x1A440] =	vst v63  }
0x8c: {  	s21 =	rddreg [dreg:$0x16]  }
0x8d: {  	[spmem:s23] =	stream.linear.scatter [tilespmem:s0], [sflag:$0x5], $0x400, $0x38;
	[tilespmem:$0x1A440] =	vst v63  }
0x8e: {  	s22 =	rddreg [dreg:$0x17]  }
0x8f: {  	[spmem:s21] =	stream.linear.scatter [tilespmem:s0], [sflag:$0x5], $0x400, $0x38;
	[tilespmem:$0x1A440] =	vst v63  }
0x90: {  	s23 =	rddreg [dreg:$0x18]  }
0x91: {  	[spmem:s22] =	stream.linear.scatter [tilespmem:s0], [sflag:$0x5], $0x400, $0x38;
	[tilespmem:$0x1A440] =	vst v63  }
0x92: {  	s21 =	rddreg [dreg:$0x19]  }
0x93: {  	[spmem:s23] =	stream.linear.scatter [tilespmem:s0], [sflag:$0x5], $0x400, $0x38;
	[tilespmem:$0x1A440] =	vst v63  }
0x94: {  	s22 =	rddreg [dreg:$0x1a]  }
0x95: {  	[spmem:s21] =	stream.linear.scatter [tilespmem:s0], [sflag:$0x5], $0x400, $0x38;
	[tilespmem:$0x1A440] =	vst v63  }
0x96: {  	s23 =	rddreg [dreg:$0x1b]  }
0x97: {  	[spmem:s22] =	stream.linear.scatter [tilespmem:s0], [sflag:$0x5], $0x400, $0x38;
	[tilespmem:$0x1A440] =	vst v63  }
0x98: {  	s21 =	rddreg [dreg:$0x1c]  }
0x99: {  	[spmem:s23] =	stream.linear.scatter [tilespmem:s0], [sflag:$0x5], $0x400, $0x38;
	[tilespmem:$0x1A440] =	vst v63  }
0x9a: {  	s22 =	rddreg [dreg:$0x1d]  }
0x9b: {  	[spmem:s21] =	stream.linear.scatter [tilespmem:s0], [sflag:$0x5], $0x400, $0x38;
	[tilespmem:$0x1A440] =	vst v63  }
0x9c: {  	s23 =	rddreg [dreg:$0x1e]  }
0x9d: {  	[spmem:s22] =	stream.linear.scatter [tilespmem:s0], [sflag:$0x5], $0x400, $0x38;
	[tilespmem:$0x1A440] =	vst v63  }
0x9e: {  	s21 =	rddreg [dreg:$0x1f]  }
0x9f: {  	[spmem:s23] =	stream.linear.scatter [tilespmem:s0], [sflag:$0x5], $0x400, $0x38;
	[tilespmem:$0x1A440] =	vst v63  }
0xa0: {  	s22 =	sld [smem:$0x7F4]  }
0xa1: {  	[spmem:s21] =	stream.linear.scatter [tilespmem:s0], [sflag:$0x5], $0x400, $0x38;
	[tilespmem:$0x1A440] =	vst v63  }
0xa2: {  	s23 =	sld [smem:$0x7F5]  }
0xa3: {  	[spmem:s22] =	stream.linear.scatter [tilespmem:s0], [sflag:$0x5], $0x400, $0x38;
	[tilespmem:$0x1A440] =	vst v63  }
0xa4: {  	s21 =	sld [smem:$0x7F6]  }
0xa5: {  	[spmem:s23] =	stream.linear.scatter [tilespmem:s0], [sflag:$0x5], $0x400, $0x38;
	[tilespmem:$0x1A440] =	vst v63  }
0xa6: {  	s22 =	sld [smem:$0x7F7]  }
0xa7: {  	[spmem:s21] =	stream.linear.scatter [tilespmem:s0], [sflag:$0x5], $0x400, $0x38;
	[tilespmem:$0x1A440] =	vst v63  }
0xa8: {  	s23 =	sld [smem:$0x7F8]  }
0xa9: {  	[spmem:s22] =	stream.linear.scatter [tilespmem:s0], [sflag:$0x5], $0x400, $0x38;
	[tilespmem:$0x1A440] =	vst v63  }
0xaa: {  	s21 =	sld [smem:$0x7F9]  }
0xab: {  	[spmem:s23] =	stream.linear.scatter [tilespmem:s0], [sflag:$0x5], $0x400, $0x38;
	[tilespmem:$0x1A440] =	vst v63  }
0xac: {  	s22 =	sld [smem:$0x7FA]  }
0xad: {  	[spmem:s21] =	stream.linear.scatter [tilespmem:s0], [sflag:$0x5], $0x400, $0x38;
	[tilespmem:$0x1A440] =	vst v63  }
0xae: {  	s23 =	sld [smem:$0x7FB]  }
0xaf: {  	[spmem:s22] =	stream.linear.scatter [tilespmem:s0], [sflag:$0x5], $0x400, $0x38;
	[tilespmem:$0x1A440] =	vst v63  }
0xb0: {  	s21 =	sld [smem:$0x7FC]  }
0xb1: {  	[spmem:s23] =	stream.linear.scatter [tilespmem:s0], [sflag:$0x5], $0x400, $0x38;
	[tilespmem:$0x1A440] =	vst v63  }
0xb2: {  	s22 =	sld [smem:$0x7FD]  }
0xb3: {  	[spmem:s21] =	stream.linear.scatter [tilespmem:s0], [sflag:$0x5], $0x400, $0x38;
	[tilespmem:$0x1A440] =	vst v63  }
0xb4: {  	_ = 	snop  }
0xb5: {  	[spmem:s22] =	stream.linear.scatter [tilespmem:s0], [sflag:$0x5], $0x400, $0x38;
	[tilespmem:$0x1A440] =	vst v63  }
0xb6: {  	_ = 	snop  }
0xb7: {  	[spmem:s24] =	stream.linear.scatter [tilespmem:s0], [sflag:$0x5], $0x400, $0x38;
	[tilespmem:$0x1A440] =	vst v63  }
0xb8: {  	_ = 	snop  }
0xb9: {  	[spmem:s25] =	stream.linear.scatter [tilespmem:s0], [sflag:$0x5], $0x400, $0x38;
	[tilespmem:$0x1A440] =	vst v63  }
0xba: {  	_ = 	snop  }
0xbb: {  	[spmem:s26] =	stream.linear.scatter [tilespmem:s0], [sflag:$0x5], $0x400, $0x38;
	[tilespmem:$0x1A440] =	vst v63  }
0xbc: {  	_ = 	snop  }
0xbd: {  	[spmem:s28] =	stream.linear.scatter [tilespmem:s0], [sflag:$0x5], $0x400, $0x38;
	[tilespmem:$0x1A440] =	vst v63  }
0xbe: {  	_ = 	snop  }
0xbf: {  	[spmem:s29] =	stream.linear.scatter [tilespmem:s0], [sflag:$0x5], $0x400, $0x38;
	[tilespmem:$0x1A440] =	vst v63  }
0xc0: {  	s23 =	rddreg [dreg:$0x5]  }
0xc1: {  	[spmem:s30] =	stream.linear.scatter [tilespmem:s0], [sflag:$0x5], $0x400, $0x38;
	[tilespmem:$0x1A440] =	vst v63  }
0xc2: {  	s21 =	rddreg [dreg:$0x13]  }
0xc3: {  	[spmem:s31] =	stream.linear.scatter [tilespmem:s0], [sflag:$0x5], $0x400, $0x38;
	[tilespmem:$0x1A440] =	vst v63  }
0xc4: {  	[spmem:s21], [sflag:s10] =	dma.local [hbm:s23], $0x1388  }
0xc5: {  	_ =	swait.ge [sflag:s3], $0x1388  }
0xc6: {  	[sflag:s3] =	ssyncset.done $0x0  }
0xc7: {  	[sflag:s3] =	ssyncadd.s32 $0xFFFFEC78  }
0xc8: {  	_ =	swait.ge [sflag:s9], $0x400  }
0xc9: {  	s20 =	simm.s32 $0x27;
	[sflag:s9] =	ssyncset.done $0x0  }
.LBB2_2:
0xca: {  	p1 =	sne.s32 s20, $0x1;
	s20 =	sadd.s32 $0xFFFFFFFF, s20;
	[sflag:s9] =	ssyncadd.s32 $0xFFFFFC00  }
.Ltmp0:
0xcb: {  	(pc) =	sbr.rel @p1 .LBB2_2-.Ltmp0, $3  }
0xcc: {  	_ =	sdelay $0x1  }
0xcd: {  	_ =	swait.ge [sflag:s9], $0x400  }
0xce: {  	[sflag:s9] =	ssyncset.done $0x0  }
0xcf: {  	[sflag:s9] =	ssyncadd.s32 $0xFFFFFC00  }
0xd0: {  	s20 =	simm.s32 $0x0;
	[bflag:$0x0] =	sbarrier.arrive $0xFFFF  }
.LBB2_4:
0xd1: {  	s21 =	smul.u32 $0x28, s20;
	_ =	sdelay $0x1  }
0xd2: {  	s21 =	sadd.s32 s7, s21  }
0xd3: {  	s21 =	sshll.u32 s21, $0x4  }
0xd4: {  	s21 =	sand.u32 $0x1FFFFF80, s21  }
0xd5: {  	s22 =	sadd.s32 s5, s21  }
0xd6: {  	[tilespmem:s4], [sflag:$0x6] =	stream.linear.gather [hbm4b:s22+s4], $0x1400, $0x38;
	[tilespmem:$0x1A440] =	vst v63  }
0xd7: {  	_ =	swait.ge [sflag:s3], $0x1400  }
0xd8: {  	[sflag:s3] =	ssyncset.done $0x0  }
0xd9: {  	s21 =	sadd.s32 s6, s21;
	[sflag:s3] =	ssyncadd.s32 $0xFFFFEC00  }
0xda: {  	[tilespmem:s11], [sflag:$0x6] =	stream.linear.gather [hbm4b:s21+s4], $0x1400, $0x38;
	[tilespmem:$0x1A440] =	vst v63  }
0xdb: {  	_ =	swait.ge [sflag:s3], $0x1400  }
0xdc: {  	[sflag:s3] =	ssyncset.done $0x0  }
0xdd: {  	[sflag:s3] =	ssyncadd.s32 $0xFFFFEC00  }
0xde: {  	[tilespmem:s0], [sflag:$0x1] =	stream.indirect.gather [spmem:s2], $0x40, s4, s12, $0xb8;
	[tilespmem:$0x1A440] =	vst v63  }
0xdf: {  	_ = 	snop  }
0xe0: {  	[tilespmem:s13], [sflag:$0x2] =	stream.indirect.gather [spmem:s2], $0x40, s12, s12, $0xb8;
	[tilespmem:$0x1A440] =	vst v63  }
0xe1: {  	_ =	swait.ge [sflag:s14], $0x2000  }
0xe2: {  	[sflag:s14] =	ssyncset.done $0x0  }
0xe3: {  	[sflag:s14] =	ssyncadd.s32 $0xFFFFE000  }
0xe4: {  	[spmem:s1] =	stream.indirect.scatter.add.f32 [tilespmem:s0], [sflag:$0x3], $0x40, s11, s12, $0xb8;
	[tilespmem:$0x1A440] =	vst v63  }
0xe5: {  	_ =	swait.ge [sflag:s15], $0x2000  }
0xe6: {  	[sflag:s15] =	ssyncset.done $0x0  }
0xe7: {  	s23 =	simm.s32 $0x100;
	[sflag:s15] =	ssyncadd.s32 $0xFFFFE000  }
0xe8: {  	[tilespmem:s0], [sflag:$0x1] =	stream.indirect.gather [spmem:s2], $0x40, s23, s12, $0xb8;
	[tilespmem:$0x1A440] =	vst v63  }
0xe9: {  	_ =	swait.ge [sflag:s16], $0x2000  }
0xea: {  	[sflag:s16] =	ssyncset.done $0x0  }
0xeb: {  	s22 =	simm.s32 $0x1480;
	[sflag:s16] =	ssyncadd.s32 $0xFFFFE000  }
0xec: {  	[spmem:s1] =	stream.indirect.scatter.add.f32 [tilespmem:s13], [sflag:$0x4], $0x40, s22, s12, $0xb8;
	[tilespmem:$0x1A440] =	vst v63  }
0xed: {  	_ =	swait.ge [sflag:s17], $0x2000  }
0xee: {  	[sflag:s17] =	ssyncset.done $0x0  }
0xef: {  	s23 =	simm.s32 $0x180;
	[sflag:s17] =	ssyncadd.s32 $0xFFFFE000  }
0xf0: {  	[tilespmem:s13], [sflag:$0x2] =	stream.indirect.gather [spmem:s2], $0x40, s23, s12, $0xb8;
	[tilespmem:$0x1A440] =	vst v63  }
0xf1: {  	_ =	swait.ge [sflag:s14], $0x2000  }
0xf2: {  	[sflag:s14] =	ssyncset.done $0x0  }
0xf3: {  	s21 =	simm.s32 $0xFFFFB800;
	s22 =	simm.s32 $0x1500;
	[sflag:s14] =	ssyncadd.s32 $0xFFFFE000  }
.LBB2_5:
0xf4: {  	[spmem:s1] =	stream.indirect.scatter.add.f32 [tilespmem:s0], [sflag:$0x3], $0x40, s22, s12, $0xb8;
	[tilespmem:$0x1A440] =	vst v63  }
0xf5: {  	s22 =	smov.u32 s21  }
0xf6: {  	p1 =	sne.s32 s21, $0xFFFFFC00;
	s21 =	sadd.s32 $0x400, s21;
	_ =	swait.ge [sflag:s15], $0x2000  }
0xf7: {  	s22 =	sshra.s32 s22, $0x2;
	[sflag:s15] =	ssyncset.done $0x0  }
0xf8: {  	s23 =	sadd.s32 $0x1400, s22;
	[sflag:s15] =	ssyncadd.s32 $0xFFFFE000  }
0xf9: {  	[tilespmem:s0], [sflag:$0x1] =	stream.indirect.gather [spmem:s2], $0x40, s23, s12, $0xb8;
	[tilespmem:$0x1A440] =	vst v63  }
0xfa: {  	_ =	swait.ge [sflag:s16], $0x2000  }
0xfb: {  	[sflag:s16] =	ssyncset.done $0x0  }
0xfc: {  	s23 =	sadd.s32 $0x2780, s22;
	[sflag:s16] =	ssyncadd.s32 $0xFFFFE000  }
0xfd: {  	[spmem:s1] =	stream.indirect.scatter.add.f32 [tilespmem:s13], [sflag:$0x4], $0x40, s23, s12, $0xb8;
	[tilespmem:$0x1A440] =	vst v63  }
0xfe: {  	_ =	swait.ge [sflag:s17], $0x2000  }
0xff: {  	[sflag:s17] =	ssyncset.done $0x0  }
.Ltmp1:
0x100: {  	s23 =	sadd.s32 $0x1480, s22;
	[sflag:s17] =	ssyncadd.s32 $0xFFFFE000;
	(pc) =	sbr.rel @p1 .LBB2_5-.Ltmp1, $4  }
0x101: {  	[tilespmem:s13], [sflag:$0x2] =	stream.indirect.gather [spmem:s2], $0x40, s23, s12, $0xb8;
	[tilespmem:$0x1A440] =	vst v63  }
0x102: {  	_ =	swait.ge [sflag:s14], $0x2000  }
0x103: {  	[sflag:s14] =	ssyncset.done $0x0  }
0x104: {  	s22 =	sadd.s32 $0x2800, s22;
	[sflag:s14] =	ssyncadd.s32 $0xFFFFE000  }
0x105: {  	[spmem:s1] =	stream.indirect.scatter.add.f32 [tilespmem:s0], [sflag:$0x3], $0x40, s22, s12, $0xb8;
	[tilespmem:$0x1A440] =	vst v63  }
0x106: {  	_ =	swait.ge [sflag:s16], $0x2000  }
0x107: {  	[sflag:s16] =	ssyncset.done $0x0  }
0x108: {  	p1 =	slt.u32 @!p0 s20, $0x2;
	[sflag:s16] =	ssyncadd.s32 $0xFFFFE000  }
0x109: {  	[spmem:s1] =	stream.indirect.scatter.add.f32 [tilespmem:s13], [sflag:$0x4], $0x40, s18, s12, $0xb8;
	[tilespmem:$0x1A440] =	vst v63  }
0x10a: {  	p1 =	por p0, !p1;
	_ =	swait.ge [sflag:s15], $0x2000  }
.Ltmp2:
0x10b: {  	[sflag:s15] =	ssyncset.done $0x0;
	(pc) =	sbr.rel @!p1 .LBB2_4-.Ltmp2, $4  }
0x10c: {  	[sflag:s15] =	ssyncadd.s32 $0xFFFFE000  }
0x10d: {  	_ =	swait.ge [sflag:s17], $0x2000  }
0x10e: {  	[sflag:s17] =	ssyncset.done $0x0  }
0x10f: {  	s20 =	sadd.s32 $0x1, s20;
	[sflag:s17] =	ssyncadd.s32 $0xFFFFE000  }
0x110: {  	[bflag:$0x0] =	sbarrier.arrive $0xFFFF  }
0x111: {  	s20 =	rddreg [dreg:$0x6]  }
0x112: {  	s21 =	rddreg [dreg:$0x14]  }
0x113: {  	[hbm:s20], [sflag:s10] =	dma.local [spmem:s21], $0x1400  }
0x114: {  	_ =	swait.ge [sflag:s3], $0x1400  }
0x115: {  	s19 =	sadd.s32 $0x1, s19;
	s23 =	rddreg [dreg:$0x7]  }
0x116: {  	p1 =	sne.s32 s19, s23  }
.Ltmp3:
0x117: {  	_ = 	snop;
	(pc) =	sbr.rel @p1 .LBB2_1-.Ltmp3, $3  }
0x118: {  	_ =	sdelay $0x1  }
0x119: {  	[sflag:s3] =	ssyncset.done $0x0  }
0x11a: {  	[sflag:s3] =	ssyncadd.s32 $0xFFFFEC00  }
0x11b: {  	_ =	sfence.sel $0x180000  }
0x11c: {  	[bflag:$0x0] =	sbarrier.arrive $0xFFFF  }
0x11d: {  	_ =	strace $0x9000004A  }
0x11e: {  	s0 =	stileid.u32;
	[bflag:$0x2] =	sbarrier.arrive $0xFFFF  }
0x11f: {  	p0 =	sne.s32 s0, $0x0;
	s0 =	rddreg [dreg:$0x4]  }
0x120: {  	s0 =	sadd.s32 @!p0 $0x100000, s0  }
0x121: {  	[sflag:s0] =	ssyncadd.tile.s32 @!p0 $0x1;
	_ =	shalt  }
.Lfunc_end2:
_tile_overlayer_lowered:
.L_overlay_start_2:
0x122: {  	(tag) =	ssettag $0x2  }
0x123: {  	s0 =	rddreg [dreg:$0x0];
	s2 =	stileid.u32  }
0x124: {  	s1 =	rddreg [dreg:$0x1];
	p0 =	sne.s32 s2, $0x0  }
0x125: {  	s3 =	rddreg [dreg:$0x2];
	[bflag:$0x3] =	sbarrier.arrive $0xFFFF;
	s2 =	simm.s32 @!p0 $0x1C06  }
0x126: {  	[timem:s3], [sflag:s2] =	dma.local @!p0 [hbm:s0], s1  }
0x127: {  	s0 =	simm.s32 @!p0 $0x6  }
0x128: {  	_ =	swait.ge @!p0 [sflag:s0], s1  }
0x129: {  	s1 =	ssub.s32 @!p0 $0x0, s1;
	[sflag:s0] =	ssyncset.done @!p0 $0x0  }
0x12a: {  	[sflag:s0] =	ssyncadd.s32 @!p0 s1  }
0x12b: {  	[bflag:$0x3] =	sbarrier.arrive $0xFFFF  }
0x12c: {  	_ =	shalt  }

</sc_bundles>
